<compile_context>
chip_gen: v7x
topology: tpu7x:2x2x1
jax: 0.10.2.dev20260603
libtpu: 0.0.44.dev20260713+nightly
codegen_flags: <defaults>
</compile_context>

<pallas_src>
import functools

import jax
import jax.numpy as jnp
from jax import lax
from jax.experimental import pallas as pl
from jax.experimental.pallas import tpu as pltpu
from jax.experimental.pallas import tpu_sc as plsc

B, L = 4096, 200
VOCAB, DIM = 1000000, 64
PDIM = 128
HALF = 100
NCHUNK = (B * L) // HALF
LANES = 16
VECS_PER_ROW = DIM // LANES
NIDX = 8
NROW = 4
PREF = 4


def _sc_embed(seq2d, tablep, pos3d):
    info = plsc.get_sparse_core_info()
    nc, ns = info.num_cores, info.num_subcores
    nw = nc * ns
    chunks_per_w = NCHUNK // nw

    mesh = plsc.VectorSubcoreMesh(core_axis_name="c", subcore_axis_name="s")

    scratch = (
        [pltpu.VMEM((HALF,), jnp.int32)] * NIDX
        + [pltpu.VMEM((HALF, DIM), jnp.float32)] * NROW
        + [pltpu.VMEM((2, HALF, DIM), jnp.float32)]
        + [pltpu.SemaphoreType.DMA] * (NIDX + NROW + NROW)
    )

    @functools.partial(
        pl.kernel,
        mesh=mesh,
        out_type=jax.ShapeDtypeStruct((B, L, PDIM), jnp.float32),
        scratch_types=scratch,
        compiler_params=pltpu.CompilerParams(use_tc_tiling_on_sc=False),
    )
    def k(seq_hbm, table_hbm, pos_hbm, out_hbm, *refs):
        idx_bufs = refs[0:NIDX]
        rows_bufs = refs[NIDX:NIDX + NROW]
        pos_v = refs[NIDX + NROW]
        sems = refs[NIDX + NROW + 1:]
        sem_i = sems[0:NIDX]
        sem_g = sems[NIDX:NIDX + NROW]
        sem_s = sems[NIDX + NROW:]

        wid = lax.axis_index("s") * nc + lax.axis_index("c")
        c0 = wid * chunks_per_w
        last_c = NCHUNK - 1

        pltpu.sync_copy(pos_hbm, pos_v)

        def out_dst(c):
            b = c // 2
            h = lax.rem(c, 2)
            return out_hbm.at[b, pl.ds(h * HALF, HALF), pl.ds(0, DIM)]

        def idx_start(slot, c):
            cc = lax.min(c, last_c)
            pltpu.async_copy(seq_hbm.at[cc], idx_bufs[slot], sem_i[slot])

        def idx_wait(slot):
            pltpu.make_async_copy(
                seq_hbm.at[c0], idx_bufs[slot], sem_i[slot]).wait()

        def gather_start(slot, b):
            pltpu.async_copy(
                table_hbm.at[idx_bufs[slot]], rows_bufs[b], sem_g[b])

        def gather_wait(slot, b):
            pltpu.make_async_copy(
                table_hbm.at[idx_bufs[slot]], rows_bufs[b], sem_g[b]).wait()

        def store_start(b, c):
            pltpu.async_copy(rows_bufs[b], out_dst(c), sem_s[b])

        def store_wait(b):
            pltpu.make_async_copy(
                rows_bufs[b], out_dst(c0), sem_s[b]).wait()

        def add_pos(b, h):
            buf = rows_bufs[b]

            @plsc.parallel_loop(0, HALF, unroll=4)
            def add_row(r):
                for kk in range(VECS_PER_ROW):
                    sl = pl.ds(kk * LANES, LANES)
                    buf[r, sl] = buf[r, sl] + pos_v[h, r, sl]

        for j in range(PREF):
            idx_start(j, c0 + j)
        for j in range(NIDX):
            idx_wait(j)
            if j >= NROW:
                store_wait(j % NROW)
            gather_start(j, j % NROW)
            idx_start((j + PREF) % NIDX, c0 + j + PREF)
            if j >= 1:
                bp = (j - 1) % NROW
                gather_wait((j - 1) % NIDX, bp)
                add_pos(bp, (j - 1) & 1)
                store_start(bp, c0 + j - 1)

        def group(g, carry):
            for j in range(NIDX):
                i = g * NIDX + j
                c = c0 + i
                b = j % NROW
                idx_wait(j)
                store_wait(b)
                gather_start(j, b)
                idx_start((j + PREF) % NIDX, c + PREF)
                bp = (j - 1) % NROW
                gather_wait((j - 1) % NIDX, bp)
                add_pos(bp, (j - 1) & 1)
                store_start(bp, c - 1)
            return carry

        lax.fori_loop(1, chunks_per_w // NIDX, group, 0)

        last_i = chunks_per_w - 1
        bl = last_i % NROW
        gather_wait(last_i % NIDX, bl)
        add_pos(bl, last_i & 1)
        store_start(bl, c0 + last_i)
        for t in range(PREF):
            idx_wait(t)
        for b in range(NROW):
            store_wait(b)

    return k(seq2d, tablep, pos3d)


def kernel(seq, tgt_table, pos_table):
    seq2d = (seq * 2).reshape(NCHUNK, HALF)
    tablep = jnp.concatenate(
        [tgt_table, jnp.zeros((VOCAB, PDIM - DIM), jnp.float32)],
        axis=1).reshape(2 * VOCAB, DIM)
    pos3d = pos_table[:L].reshape(2, HALF, DIM)
    outp = _sc_embed(seq2d, tablep, pos3d)
    return outp[:, :, :DIM]

# --- scband reference (transcript-rebuilt; emitter-appended) ---
"""Pipeline reference for scband-tgt-embedding-78632261255584 (READ-ONLY COPY).

The authoritative reference and input builder live on the scoring server;
editing this copy changes nothing except your own understanding.
"""

import jax, jax.numpy as jnp
import numpy as np

PAD = 0
B, L = 4096, 200
VOCAB, DIM = 1000000, 64
MAX_TGT_LEN = 200

def setup_inputs(seed: int = 0) -> dict:
    key = jax.random.key(seed)
    k1, k2, k3 = jax.random.split(key, 3)
    seq = jax.random.randint(k1, (B, L), 0, VOCAB, dtype=jnp.int64 if jax.config.jax_enable_x64 else jnp.int32).astype(jnp.int32)
    tgt_table = jax.random.normal(k2, (VOCAB, DIM), dtype=jnp.float32)
    # emulate torch padding_idx=PAD: row PAD initialized to zeros
    tgt_table = tgt_table.at[PAD].set(0.0)
    pos_table = jax.random.normal(k3, (MAX_TGT_LEN + 2, DIM), dtype=jnp.float32)
    return {"seq": seq, "tgt_table": tgt_table, "pos_table": pos_table}

def reference(seq, tgt_table, pos_table):
    # word embedding lookup (padding_idx row is zeros by construction)
    word_emb = jnp.take(tgt_table, seq, axis=0)  # [B, L, DIM]
    # positional embedding: step is None -> pos = arange(seq_len)
    seq_len = seq.shape[1]
    pos = jnp.arange(seq_len)
    pos_emb = jnp.take(pos_table, pos, axis=0)[None, :, :]  # [1, L, DIM]
    word_emb = word_emb + pos_emb
    # dropout is identity in eval mode
    return word_emb

if __name__ == "__main__":
    import jax
    _d = setup_inputs()
    print(jax.jit(kernel)(*tuple(_d.values())))

</pallas_src>

<mosaic_0001>
#map = affine_map<(d0, d1) -> (0, 0)>
#map1 = affine_map<(d0, d1) -> (0, 0, 0)>
module attributes {stable_mosaic.version = 14 : i64} {
  func.func @k(%arg0: i32, %arg1: i32, %arg2: memref<8192x100xi32, #tpu.memory_space<hbm>>, %arg3: memref<2000000x64xf32, #tpu.memory_space<hbm>>, %arg4: memref<2x100x64xf32, #tpu.memory_space<hbm>>, %arg5: memref<4096x200x128xf32, #tpu.memory_space<hbm>>, %arg6: memref<100xi32, #tpu.memory_space<vmem>>, %arg7: memref<100xi32, #tpu.memory_space<vmem>>, %arg8: memref<100xi32, #tpu.memory_space<vmem>>, %arg9: memref<100xi32, #tpu.memory_space<vmem>>, %arg10: memref<100xi32, #tpu.memory_space<vmem>>, %arg11: memref<100xi32, #tpu.memory_space<vmem>>, %arg12: memref<100xi32, #tpu.memory_space<vmem>>, %arg13: memref<100xi32, #tpu.memory_space<vmem>>, %arg14: memref<100x64xf32, #tpu.memory_space<vmem>>, %arg15: memref<100x64xf32, #tpu.memory_space<vmem>>, %arg16: memref<100x64xf32, #tpu.memory_space<vmem>>, %arg17: memref<100x64xf32, #tpu.memory_space<vmem>>, %arg18: memref<2x100x64xf32, #tpu.memory_space<vmem>>, %arg19: memref<!tpu.dma_semaphore, #tpu.memory_space<semaphore_mem>>, %arg20: memref<!tpu.dma_semaphore, #tpu.memory_space<semaphore_mem>>, %arg21: memref<!tpu.dma_semaphore, #tpu.memory_space<semaphore_mem>>, %arg22: memref<!tpu.dma_semaphore, #tpu.memory_space<semaphore_mem>>, %arg23: memref<!tpu.dma_semaphore, #tpu.memory_space<semaphore_mem>>, %arg24: memref<!tpu.dma_semaphore, #tpu.memory_space<semaphore_mem>>, %arg25: memref<!tpu.dma_semaphore, #tpu.memory_space<semaphore_mem>>, %arg26: memref<!tpu.dma_semaphore, #tpu.memory_space<semaphore_mem>>, %arg27: memref<!tpu.dma_semaphore, #tpu.memory_space<semaphore_mem>>, %arg28: memref<!tpu.dma_semaphore, #tpu.memory_space<semaphore_mem>>, %arg29: memref<!tpu.dma_semaphore, #tpu.memory_space<semaphore_mem>>, %arg30: memref<!tpu.dma_semaphore, #tpu.memory_space<semaphore_mem>>, %arg31: memref<!tpu.dma_semaphore, #tpu.memory_space<semaphore_mem>>, %arg32: memref<!tpu.dma_semaphore, #tpu.memory_space<semaphore_mem>>, %arg33: memref<!tpu.dma_semaphore, #tpu.memory_space<semaphore_mem>>, %arg34: memref<!tpu.dma_semaphore, #tpu.memory_space<semaphore_mem>>) attributes {dimension_semantics = [#tpu.dimension_semantics<core_parallel>, #tpu.dimension_semantics<subcore_parallel>], iteration_bounds = array<i64: 2, 16>, scalar_prefetch = 0 : i64, scratch_operands = 29 : i64, tpu.core_type = #tpu.core_type<sc_vector_subcore>, window_params = [{transform_indices = #map}, {transform_indices = #map}, {transform_indices = #map1}, {transform_indices = #map1}]} {
    %mul3A = arith.constant 2 : i32
    %mul3A_0 = arith.muli %arg1, %mul3A : i32
    %add3A = arith.addi %mul3A_0, %arg0 : i32
    %mul3A_1 = arith.constant 256 : i32
    %mul3A_2 = arith.muli %add3A, %mul3A_1 : i32
    "tpu.region"() ({
      %run_scoped3A = tpu.sem_alloc : memref<!tpu.dma_semaphore, #tpu.memory_space<semaphore_mem>>
      tpu.enqueue_dma source(%arg4 : memref<2x100x64xf32, #tpu.memory_space<hbm>>) target(%arg18 : memref<2x100x64xf32, #tpu.memory_space<vmem>>) target_semaphore(%run_scoped3A : memref<!tpu.dma_semaphore, #tpu.memory_space<semaphore_mem>>)
      tpu.wait_dma2 semaphore(%run_scoped3A : memref<!tpu.dma_semaphore, #tpu.memory_space<semaphore_mem>>) src(%arg4 : memref<2x100x64xf32, #tpu.memory_space<hbm>>) dst(%arg18 : memref<2x100x64xf32, #tpu.memory_space<vmem>>)
      tpu.yield
    }) : () -> ()
    %add3A_3 = arith.constant 0 : i32
    %add3A_4 = arith.addi %mul3A_2, %add3A_3 : i32
    %min3A = arith.constant 8191 : i32
    %min3A_5 = arith.minsi %add3A_4, %min3A : i32
    %dma_start3A = arith.constant 0 : i32
    %dma_start3A_6 = tpu.memref_slice %arg2[%min3A_5, %dma_start3A] : memref<8192x100xi32, #tpu.memory_space<hbm>> -> memref<1x100xi32, #tpu.memory_space<hbm>>
    %dma_start3A_7 = tpu.memref_squeeze %dma_start3A_6 : memref<1x100xi32, #tpu.memory_space<hbm>> -> memref<100xi32, #tpu.memory_space<hbm>>
    %dma_start3A_8 = arith.constant 0 : i32
    %dma_start3A_9 = tpu.memref_slice %arg2[%min3A_5, %dma_start3A_8] : memref<8192x100xi32, #tpu.memory_space<hbm>> -> memref<1x100xi32, #tpu.memory_space<hbm>>
    %dma_start3A_10 = tpu.memref_squeeze %dma_start3A_9 : memref<1x100xi32, #tpu.memory_space<hbm>> -> memref<100xi32, #tpu.memory_space<hbm>>
    tpu.enqueue_dma source(%dma_start3A_10 : memref<100xi32, #tpu.memory_space<hbm>>) target(%arg6 : memref<100xi32, #tpu.memory_space<vmem>>) target_semaphore(%arg19 : memref<!tpu.dma_semaphore, #tpu.memory_space<semaphore_mem>>)
    %add3A_11 = arith.constant 1 : i32
    %add3A_12 = arith.addi %mul3A_2, %add3A_11 : i32
    %min3A_13 = arith.constant 8191 : i32
    %min3A_14 = arith.minsi %add3A_12, %min3A_13 : i32
    %dma_start3A_15 = arith.constant 0 : i32
    %dma_start3A_16 = tpu.memref_slice %arg2[%min3A_14, %dma_start3A_15] : memref<8192x100xi32, #tpu.memory_space<hbm>> -> memref<1x100xi32, #tpu.memory_space<hbm>>
    %dma_start3A_17 = tpu.memref_squeeze %dma_start3A_16 : memref<1x100xi32, #tpu.memory_space<hbm>> -> memref<100xi32, #tpu.memory_space<hbm>>
    %dma_start3A_18 = arith.constant 0 : i32
    %dma_start3A_19 = tpu.memref_slice %arg2[%min3A_14, %dma_start3A_18] : memref<8192x100xi32, #tpu.memory_space<hbm>> -> memref<1x100xi32, #tpu.memory_space<hbm>>
    %dma_start3A_20 = tpu.memref_squeeze %dma_start3A_19 : memref<1x100xi32, #tpu.memory_space<hbm>> -> memref<100xi32, #tpu.memory_space<hbm>>
    tpu.enqueue_dma source(%dma_start3A_20 : memref<100xi32, #tpu.memory_space<hbm>>) target(%arg7 : memref<100xi32, #tpu.memory_space<vmem>>) target_semaphore(%arg20 : memref<!tpu.dma_semaphore, #tpu.memory_space<semaphore_mem>>)
    %add3A_21 = arith.constant 2 : i32
    %add3A_22 = arith.addi %mul3A_2, %add3A_21 : i32
    %min3A_23 = arith.constant 8191 : i32
    %min3A_24 = arith.minsi %add3A_22, %min3A_23 : i32
    %dma_start3A_25 = arith.constant 0 : i32
    %dma_start3A_26 = tpu.memref_slice %arg2[%min3A_24, %dma_start3A_25] : memref<8192x100xi32, #tpu.memory_space<hbm>> -> memref<1x100xi32, #tpu.memory_space<hbm>>
    %dma_start3A_27 = tpu.memref_squeeze %dma_start3A_26 : memref<1x100xi32, #tpu.memory_space<hbm>> -> memref<100xi32, #tpu.memory_space<hbm>>
    %dma_start3A_28 = arith.constant 0 : i32
    %dma_start3A_29 = tpu.memref_slice %arg2[%min3A_24, %dma_start3A_28] : memref<8192x100xi32, #tpu.memory_space<hbm>> -> memref<1x100xi32, #tpu.memory_space<hbm>>
    %dma_start3A_30 = tpu.memref_squeeze %dma_start3A_29 : memref<1x100xi32, #tpu.memory_space<hbm>> -> memref<100xi32, #tpu.memory_space<hbm>>
    tpu.enqueue_dma source(%dma_start3A_30 : memref<100xi32, #tpu.memory_space<hbm>>) target(%arg8 : memref<100xi32, #tpu.memory_space<vmem>>) target_semaphore(%arg21 : memref<!tpu.dma_semaphore, #tpu.memory_space<semaphore_mem>>)
    %add3A_31 = arith.constant 3 : i32
    %add3A_32 = arith.addi %mul3A_2, %add3A_31 : i32
    %min3A_33 = arith.constant 8191 : i32
    %min3A_34 = arith.minsi %add3A_32, %min3A_33 : i32
    %dma_start3A_35 = arith.constant 0 : i32
    %dma_start3A_36 = tpu.memref_slice %arg2[%min3A_34, %dma_start3A_35] : memref<8192x100xi32, #tpu.memory_space<hbm>> -> memref<1x100xi32, #tpu.memory_space<hbm>>
    %dma_start3A_37 = tpu.memref_squeeze %dma_start3A_36 : memref<1x100xi32, #tpu.memory_space<hbm>> -> memref<100xi32, #tpu.memory_space<hbm>>
    %dma_start3A_38 = arith.constant 0 : i32
    %dma_start3A_39 = tpu.memref_slice %arg2[%min3A_34, %dma_start3A_38] : memref<8192x100xi32, #tpu.memory_space<hbm>> -> memref<1x100xi32, #tpu.memory_space<hbm>>
    %dma_start3A_40 = tpu.memref_squeeze %dma_start3A_39 : memref<1x100xi32, #tpu.memory_space<hbm>> -> memref<100xi32, #tpu.memory_space<hbm>>
    tpu.enqueue_dma source(%dma_start3A_40 : memref<100xi32, #tpu.memory_space<hbm>>) target(%arg9 : memref<100xi32, #tpu.memory_space<vmem>>) target_semaphore(%arg22 : memref<!tpu.dma_semaphore, #tpu.memory_space<semaphore_mem>>)
    %dma_wait3A = arith.constant 0 : i32
    %dma_wait3A_41 = tpu.memref_slice %arg2[%mul3A_2, %dma_wait3A] : memref<8192x100xi32, #tpu.memory_space<hbm>> -> memref<1x100xi32, #tpu.memory_space<hbm>>
    %dma_wait3A_42 = tpu.memref_squeeze %dma_wait3A_41 : memref<1x100xi32, #tpu.memory_space<hbm>> -> memref<100xi32, #tpu.memory_space<hbm>>
    %dma_wait3A_43 = arith.constant 0 : i32
    %dma_wait3A_44 = tpu.memref_slice %arg2[%mul3A_2, %dma_wait3A_43] : memref<8192x100xi32, #tpu.memory_space<hbm>> -> memref<1x100xi32, #tpu.memory_space<hbm>>
    %dma_wait3A_45 = tpu.memref_squeeze %dma_wait3A_44 : memref<1x100xi32, #tpu.memory_space<hbm>> -> memref<100xi32, #tpu.memory_space<hbm>>
    tpu.wait_dma2 semaphore(%arg19 : memref<!tpu.dma_semaphore, #tpu.memory_space<semaphore_mem>>) src(%dma_wait3A_45 : memref<100xi32, #tpu.memory_space<hbm>>) dst(%arg6 : memref<100xi32, #tpu.memory_space<vmem>>)
    %dma_start3A_46 = arith.constant 0 : i32
    %dma_start3A_47 = arith.constant 0 : i32
    %dma_start3A_48 = tpu.memref_slice %arg3[%dma_start3A_46, %dma_start3A_47] : memref<2000000x64xf32, #tpu.memory_space<hbm>> -> memref<2000000x64xf32, #tpu.memory_space<hbm>>
    tpu.enqueue_indirect_dma source(%dma_start3A_48 : memref<2000000x64xf32, #tpu.memory_space<hbm>>) target(%arg14 : memref<100x64xf32, #tpu.memory_space<vmem>>) offsets(%arg6 : memref<100xi32, #tpu.memory_space<vmem>>) semaphore(%arg27 : memref<!tpu.dma_semaphore, #tpu.memory_space<semaphore_mem>>)
    %add3A_49 = arith.constant 0 : i32
    %add3A_50 = arith.addi %mul3A_2, %add3A_49 : i32
    %add3A_51 = arith.constant 4 : i32
    %add3A_52 = arith.addi %add3A_50, %add3A_51 : i32
    %min3A_53 = arith.constant 8191 : i32
    %min3A_54 = arith.minsi %add3A_52, %min3A_53 : i32
    %dma_start3A_55 = arith.constant 0 : i32
    %dma_start3A_56 = tpu.memref_slice %arg2[%min3A_54, %dma_start3A_55] : memref<8192x100xi32, #tpu.memory_space<hbm>> -> memref<1x100xi32, #tpu.memory_space<hbm>>
    %dma_start3A_57 = tpu.memref_squeeze %dma_start3A_56 : memref<1x100xi32, #tpu.memory_space<hbm>> -> memref<100xi32, #tpu.memory_space<hbm>>
    %dma_start3A_58 = arith.constant 0 : i32
    %dma_start3A_59 = tpu.memref_slice %arg2[%min3A_54, %dma_start3A_58] : memref<8192x100xi32, #tpu.memory_space<hbm>> -> memref<1x100xi32, #tpu.memory_space<hbm>>
    %dma_start3A_60 = tpu.memref_squeeze %dma_start3A_59 : memref<1x100xi32, #tpu.memory_space<hbm>> -> memref<100xi32, #tpu.memory_space<hbm>>
    tpu.enqueue_dma source(%dma_start3A_60 : memref<100xi32, #tpu.memory_space<hbm>>) target(%arg10 : memref<100xi32, #tpu.memory_space<vmem>>) target_semaphore(%arg23 : memref<!tpu.dma_semaphore, #tpu.memory_space<semaphore_mem>>)
    %dma_wait3A_61 = arith.constant 0 : i32
    %dma_wait3A_62 = tpu.memref_slice %arg2[%mul3A_2, %dma_wait3A_61] : memref<8192x100xi32, #tpu.memory_space<hbm>> -> memref<1x100xi32, #tpu.memory_space<hbm>>
    %dma_wait3A_63 = tpu.memref_squeeze %dma_wait3A_62 : memref<1x100xi32, #tpu.memory_space<hbm>> -> memref<100xi32, #tpu.memory_space<hbm>>
    %dma_wait3A_64 = arith.constant 0 : i32
    %dma_wait3A_65 = tpu.memref_slice %arg2[%mul3A_2, %dma_wait3A_64] : memref<8192x100xi32, #tpu.memory_space<hbm>> -> memref<1x100xi32, #tpu.memory_space<hbm>>
    %dma_wait3A_66 = tpu.memref_squeeze %dma_wait3A_65 : memref<1x100xi32, #tpu.memory_space<hbm>> -> memref<100xi32, #tpu.memory_space<hbm>>
    tpu.wait_dma2 semaphore(%arg20 : memref<!tpu.dma_semaphore, #tpu.memory_space<semaphore_mem>>) src(%dma_wait3A_66 : memref<100xi32, #tpu.memory_space<hbm>>) dst(%arg7 : memref<100xi32, #tpu.memory_space<vmem>>)
    %dma_start3A_67 = arith.constant 0 : i32
    %dma_start3A_68 = arith.constant 0 : i32
    %dma_start3A_69 = tpu.memref_slice %arg3[%dma_start3A_67, %dma_start3A_68] : memref<2000000x64xf32, #tpu.memory_space<hbm>> -> memref<2000000x64xf32, #tpu.memory_space<hbm>>
    tpu.enqueue_indirect_dma source(%dma_start3A_69 : memref<2000000x64xf32, #tpu.memory_space<hbm>>) target(%arg15 : memref<100x64xf32, #tpu.memory_space<vmem>>) offsets(%arg7 : memref<100xi32, #tpu.memory_space<vmem>>) semaphore(%arg28 : memref<!tpu.dma_semaphore, #tpu.memory_space<semaphore_mem>>)
    %add3A_70 = arith.constant 1 : i32
    %add3A_71 = arith.addi %mul3A_2, %add3A_70 : i32
    %add3A_72 = arith.constant 4 : i32
    %add3A_73 = arith.addi %add3A_71, %add3A_72 : i32
    %min3A_74 = arith.constant 8191 : i32
    %min3A_75 = arith.minsi %add3A_73, %min3A_74 : i32
    %dma_start3A_76 = arith.constant 0 : i32
    %dma_start3A_77 = tpu.memref_slice %arg2[%min3A_75, %dma_start3A_76] : memref<8192x100xi32, #tpu.memory_space<hbm>> -> memref<1x100xi32, #tpu.memory_space<hbm>>
    %dma_start3A_78 = tpu.memref_squeeze %dma_start3A_77 : memref<1x100xi32, #tpu.memory_space<hbm>> -> memref<100xi32, #tpu.memory_space<hbm>>
    %dma_start3A_79 = arith.constant 0 : i32
    %dma_start3A_80 = tpu.memref_slice %arg2[%min3A_75, %dma_start3A_79] : memref<8192x100xi32, #tpu.memory_space<hbm>> -> memref<1x100xi32, #tpu.memory_space<hbm>>
    %dma_start3A_81 = tpu.memref_squeeze %dma_start3A_80 : memref<1x100xi32, #tpu.memory_space<hbm>> -> memref<100xi32, #tpu.memory_space<hbm>>
    tpu.enqueue_dma source(%dma_start3A_81 : memref<100xi32, #tpu.memory_space<hbm>>) target(%arg11 : memref<100xi32, #tpu.memory_space<vmem>>) target_semaphore(%arg24 : memref<!tpu.dma_semaphore, #tpu.memory_space<semaphore_mem>>)
    %dma_wait3A_82 = arith.constant 0 : i32
    %dma_wait3A_83 = arith.constant 0 : i32
    %dma_wait3A_84 = tpu.memref_slice %arg3[%dma_wait3A_82, %dma_wait3A_83] : memref<2000000x64xf32, #tpu.memory_space<hbm>> -> memref<2000000x64xf32, #tpu.memory_space<hbm>>
    tpu.wait_indirect_dma semaphore(%arg27 : memref<!tpu.dma_semaphore, #tpu.memory_space<semaphore_mem>>) src(%dma_wait3A_84 : memref<2000000x64xf32, #tpu.memory_space<hbm>>) dst(%arg14 : memref<100x64xf32, #tpu.memory_space<vmem>>)
    %parallel_loop3A = arith.constant 0 : i32
    %parallel_loop3A_85 = arith.constant 100 : i32
    %parallel_loop3A_86 = arith.constant 1 : i32
    scf.for %parallel_loop3A_850 = %parallel_loop3A to %parallel_loop3A_85 step %parallel_loop3A_86  : i32 {
      %parallel_loop3A_851 = arith.index_cast %parallel_loop3A_850 : i32 to index
      %parallel_loop3A_852 = arith.constant 0 : index
      %parallel_loop3A_853 = tpu.vector_load %arg14[%parallel_loop3A_851, %parallel_loop3A_852] {strides = array<i32>} : memref<100x64xf32, #tpu.memory_space<vmem>>, vector<1x16xf32>,
      %parallel_loop3A_854 = vector.shape_cast %parallel_loop3A_853 : vector<1x16xf32> to vector<16xf32>
      %parallel_loop3A_855 = arith.constant 0 : i32
      %parallel_loop3A_856 = arith.index_cast %parallel_loop3A_855 : i32 to index
      %parallel_loop3A_857 = arith.index_cast %parallel_loop3A_850 : i32 to index
      %parallel_loop3A_858 = arith.constant 0 : index
      %parallel_loop3A_859 = tpu.vector_load %arg18[%parallel_loop3A_856, %parallel_loop3A_857, %parallel_loop3A_858] {strides = array<i32>} : memref<2x100x64xf32, #tpu.memory_space<vmem>>, vector<1x1x16xf32>,
      %parallel_loop3A_860 = vector.shape_cast %parallel_loop3A_859 : vector<1x1x16xf32> to vector<16xf32>
      %parallel_loop3A_861 = arith.addf %parallel_loop3A_854, %parallel_loop3A_860 : vector<16xf32>
      %parallel_loop3A_862 = arith.index_cast %parallel_loop3A_850 : i32 to index
      %parallel_loop3A_863 = arith.constant 0 : index
      %parallel_loop3A_864 = tpu.vector_load %arg14[%parallel_loop3A_862, %parallel_loop3A_863] {strides = array<i32>} : memref<100x64xf32, #tpu.memory_space<vmem>>, vector<1x16xf32>,
      %parallel_loop3A_865 = vector.shape_cast %parallel_loop3A_864 : vector<1x16xf32> to vector<16xf32>
      %parallel_loop3A_866 = vector.shape_cast %parallel_loop3A_861 : vector<16xf32> to vector<1x16xf32>
      tpu.vector_store %arg14[%parallel_loop3A_862, %parallel_loop3A_863], %parallel_loop3A_866 {strides = array<i32>} : memref<100x64xf32, #tpu.memory_space<vmem>>, vector<1x16xf32>,
      %parallel_loop3A_867 = arith.index_cast %parallel_loop3A_850 : i32 to index
      %parallel_loop3A_868 = arith.constant 16 : index
      %parallel_loop3A_869 = tpu.vector_load %arg14[%parallel_loop3A_867, %parallel_loop3A_868] {strides = array<i32>} : memref<100x64xf32, #tpu.memory_space<vmem>>, vector<1x16xf32>,
      %parallel_loop3A_870 = vector.shape_cast %parallel_loop3A_869 : vector<1x16xf32> to vector<16xf32>
      %parallel_loop3A_871 = arith.constant 0 : i32
      %parallel_loop3A_872 = arith.index_cast %parallel_loop3A_871 : i32 to index
      %parallel_loop3A_873 = arith.index_cast %parallel_loop3A_850 : i32 to index
      %parallel_loop3A_874 = arith.constant 16 : index
      %parallel_loop3A_875 = tpu.vector_load %arg18[%parallel_loop3A_872, %parallel_loop3A_873, %parallel_loop3A_874] {strides = array<i32>} : memref<2x100x64xf32, #tpu.memory_space<vmem>>, vector<1x1x16xf32>,
      %parallel_loop3A_876 = vector.shape_cast %parallel_loop3A_875 : vector<1x1x16xf32> to vector<16xf32>
      %parallel_loop3A_877 = arith.addf %parallel_loop3A_870, %parallel_loop3A_876 : vector<16xf32>
      %parallel_loop3A_878 = arith.index_cast %parallel_loop3A_850 : i32 to index
      %parallel_loop3A_879 = arith.constant 16 : index
      %parallel_loop3A_880 = tpu.vector_load %arg14[%parallel_loop3A_878, %parallel_loop3A_879] {strides = array<i32>} : memref<100x64xf32, #tpu.memory_space<vmem>>, vector<1x16xf32>,
      %parallel_loop3A_881 = vector.shape_cast %parallel_loop3A_880 : vector<1x16xf32> to vector<16xf32>
      %parallel_loop3A_882 = vector.shape_cast %parallel_loop3A_877 : vector<16xf32> to vector<1x16xf32>
      tpu.vector_store %arg14[%parallel_loop3A_878, %parallel_loop3A_879], %parallel_loop3A_882 {strides = array<i32>} : memref<100x64xf32, #tpu.memory_space<vmem>>, vector<1x16xf32>,
      %parallel_loop3A_883 = arith.index_cast %parallel_loop3A_850 : i32 to index
      %parallel_loop3A_884 = arith.constant 32 : index
      %parallel_loop3A_885 = tpu.vector_load %arg14[%parallel_loop3A_883, %parallel_loop3A_884] {strides = array<i32>} : memref<100x64xf32, #tpu.memory_space<vmem>>, vector<1x16xf32>,
      %parallel_loop3A_886 = vector.shape_cast %parallel_loop3A_885 : vector<1x16xf32> to vector<16xf32>
      %parallel_loop3A_887 = arith.constant 0 : i32
      %parallel_loop3A_888 = arith.index_cast %parallel_loop3A_887 : i32 to index
      %parallel_loop3A_889 = arith.index_cast %parallel_loop3A_850 : i32 to index
      %parallel_loop3A_890 = arith.constant 32 : index
      %parallel_loop3A_891 = tpu.vector_load %arg18[%parallel_loop3A_888, %parallel_loop3A_889, %parallel_loop3A_890] {strides = array<i32>} : memref<2x100x64xf32, #tpu.memory_space<vmem>>, vector<1x1x16xf32>,
      %parallel_loop3A_892 = vector.shape_cast %parallel_loop3A_891 : vector<1x1x16xf32> to vector<16xf32>
      %parallel_loop3A_893 = arith.addf %parallel_loop3A_886, %parallel_loop3A_892 : vector<16xf32>
      %parallel_loop3A_894 = arith.index_cast %parallel_loop3A_850 : i32 to index
      %parallel_loop3A_895 = arith.constant 32 : index
      %parallel_loop3A_896 = tpu.vector_load %arg14[%parallel_loop3A_894, %parallel_loop3A_895] {strides = array<i32>} : memref<100x64xf32, #tpu.memory_space<vmem>>, vector<1x16xf32>,
      %parallel_loop3A_897 = vector.shape_cast %parallel_loop3A_896 : vector<1x16xf32> to vector<16xf32>
      %parallel_loop3A_898 = vector.shape_cast %parallel_loop3A_893 : vector<16xf32> to vector<1x16xf32>
      tpu.vector_store %arg14[%parallel_loop3A_894, %parallel_loop3A_895], %parallel_loop3A_898 {strides = array<i32>} : memref<100x64xf32, #tpu.memory_space<vmem>>, vector<1x16xf32>,
      %parallel_loop3A_899 = arith.index_cast %parallel_loop3A_850 : i32 to index
      %parallel_loop3A_900 = arith.constant 48 : index
      %parallel_loop3A_901 = tpu.vector_load %arg14[%parallel_loop3A_899, %parallel_loop3A_900] {strides = array<i32>} : memref<100x64xf32, #tpu.memory_space<vmem>>, vector<1x16xf32>,
      %parallel_loop3A_902 = vector.shape_cast %parallel_loop3A_901 : vector<1x16xf32> to vector<16xf32>
      %parallel_loop3A_903 = arith.constant 0 : i32
      %parallel_loop3A_904 = arith.index_cast %parallel_loop3A_903 : i32 to index
      %parallel_loop3A_905 = arith.index_cast %parallel_loop3A_850 : i32 to index
      %parallel_loop3A_906 = arith.constant 48 : index
      %parallel_loop3A_907 = tpu.vector_load %arg18[%parallel_loop3A_904, %parallel_loop3A_905, %parallel_loop3A_906] {strides = array<i32>} : memref<2x100x64xf32, #tpu.memory_space<vmem>>, vector<1x1x16xf32>,
      %parallel_loop3A_908 = vector.shape_cast %parallel_loop3A_907 : vector<1x1x16xf32> to vector<16xf32>
      %parallel_loop3A_909 = arith.addf %parallel_loop3A_902, %parallel_loop3A_908 : vector<16xf32>
      %parallel_loop3A_910 = arith.index_cast %parallel_loop3A_850 : i32 to index
      %parallel_loop3A_911 = arith.constant 48 : index
      %parallel_loop3A_912 = tpu.vector_load %arg14[%parallel_loop3A_910, %parallel_loop3A_911] {strides = array<i32>} : memref<100x64xf32, #tpu.memory_space<vmem>>, vector<1x16xf32>,
      %parallel_loop3A_913 = vector.shape_cast %parallel_loop3A_912 : vector<1x16xf32> to vector<16xf32>
      %parallel_loop3A_914 = vector.shape_cast %parallel_loop3A_909 : vector<16xf32> to vector<1x16xf32>
      tpu.vector_store %arg14[%parallel_loop3A_910, %parallel_loop3A_911], %parallel_loop3A_914 {strides = array<i32>} : memref<100x64xf32, #tpu.memory_space<vmem>>, vector<1x16xf32>,
    } {sc.loop_unroll_factor = 4 : i64, sc.parallel_access}
    %add3A_87 = arith.constant 1 : i32
    %add3A_88 = arith.addi %mul3A_2, %add3A_87 : i32
    %sub3A = arith.constant 1 : i32
    %sub3A_89 = arith.subi %add3A_88, %sub3A : i32
    %jit3A = arith.constant 2 : i32
    %div3A = arith.divsi %sub3A_89, %jit3A : i32
    %sign3A = arith.constant 0 : i32
    %sign3A_90 = arith.cmpi sgt, %sub3A_89, %sign3A : i32
    %sign3A_91 = arith.extui %sign3A_90 : i1 to i32
    %sign3A_92 = arith.constant 0 : i32
    %sign3A_93 = arith.cmpi slt, %sub3A_89, %sign3A_92 : i32
    %sign3A_94 = arith.extui %sign3A_93 : i1 to i32
    %sign3A_95 = arith.subi %sign3A_91, %sign3A_94 : i32
    %sign3A_96 = arith.constant 0 : i32
    %sign3A_97 = arith.cmpi sgt, %jit3A, %sign3A_96 : i32
    %sign3A_98 = arith.extui %sign3A_97 : i1 to i32
    %sign3A_99 = arith.constant 0 : i32
    %sign3A_100 = arith.cmpi slt, %jit3A, %sign3A_99 : i32
    %sign3A_101 = arith.extui %sign3A_100 : i1 to i32
    %sign3A_102 = arith.subi %sign3A_98, %sign3A_101 : i32
    %ne3A = arith.cmpi ne, %sign3A_95, %sign3A_102 : i32
    %rem3A = arith.remsi %sub3A_89, %jit3A : i32
    %ne3A_103 = arith.constant 0 : i32
    %ne3A_104 = arith.cmpi ne, %rem3A, %ne3A_103 : i32
    %and3A = arith.andi %ne3A, %ne3A_104 : i1
    %sub3A_105 = arith.constant 1 : i32
    %sub3A_106 = arith.subi %div3A, %sub3A_105 : i32
    %select_n3A = arith.select %and3A, %sub3A_106, %div3A : i32
    %rem3A_107 = arith.constant 2 : i32
    %rem3A_108 = arith.remsi %sub3A_89, %rem3A_107 : i32
    %mul3A_109 = arith.constant 100 : i32
    %mul3A_110 = arith.muli %rem3A_108, %mul3A_109 : i32
    %dma_start3A_111 = arith.constant 0 : i32
    %dma_start3A_112 = tpu.memref_slice %arg5[%select_n3A, %mul3A_110, %dma_start3A_111] : memref<4096x200x128xf32, #tpu.memory_space<hbm>> -> memref<1x100x64xf32, #tpu.memory_space<hbm>>
    %dma_start3A_113 = tpu.memref_squeeze %dma_start3A_112 : memref<1x100x64xf32, #tpu.memory_space<hbm>> -> memref<100x64xf32, #tpu.memory_space<hbm>>
    %dma_start3A_114 = arith.constant 0 : i32
    %dma_start3A_115 = tpu.memref_slice %arg5[%select_n3A, %mul3A_110, %dma_start3A_114] : memref<4096x200x128xf32, #tpu.memory_space<hbm>> -> memref<1x100x64xf32, #tpu.memory_space<hbm>>
    %dma_start3A_116 = tpu.memref_squeeze %dma_start3A_115 : memref<1x100x64xf32, #tpu.memory_space<hbm>> -> memref<100x64xf32, #tpu.memory_space<hbm>>
    tpu.enqueue_dma source(%arg14 : memref<100x64xf32, #tpu.memory_space<vmem>>) target(%dma_start3A_116 : memref<100x64xf32, #tpu.memory_space<hbm>>) target_semaphore(%arg31 : memref<!tpu.dma_semaphore, #tpu.memory_space<semaphore_mem>>)
    %dma_wait3A_117 = arith.constant 0 : i32
    %dma_wait3A_118 = tpu.memref_slice %arg2[%mul3A_2, %dma_wait3A_117] : memref<8192x100xi32, #tpu.memory_space<hbm>> -> memref<1x100xi32, #tpu.memory_space<hbm>>
    %dma_wait3A_119 = tpu.memref_squeeze %dma_wait3A_118 : memref<1x100xi32, #tpu.memory_space<hbm>> -> memref<100xi32, #tpu.memory_space<hbm>>
    %dma_wait3A_120 = arith.constant 0 : i32
    %dma_wait3A_121 = tpu.memref_slice %arg2[%mul3A_2, %dma_wait3A_120] : memref<8192x100xi32, #tpu.memory_space<hbm>> -> memref<1x100xi32, #tpu.memory_space<hbm>>
    %dma_wait3A_122 = tpu.memref_squeeze %dma_wait3A_121 : memref<1x100xi32, #tpu.memory_space<hbm>> -> memref<100xi32, #tpu.memory_space<hbm>>
    tpu.wait_dma2 semaphore(%arg21 : memref<!tpu.dma_semaphore, #tpu.memory_space<semaphore_mem>>) src(%dma_wait3A_122 : memref<100xi32, #tpu.memory_space<hbm>>) dst(%arg8 : memref<100xi32, #tpu.memory_space<vmem>>)
    %dma_start3A_123 = arith.constant 0 : i32
    %dma_start3A_124 = arith.constant 0 : i32
    %dma_start3A_125 = tpu.memref_slice %arg3[%dma_start3A_123, %dma_start3A_124] : memref<2000000x64xf32, #tpu.memory_space<hbm>> -> memref<2000000x64xf32, #tpu.memory_space<hbm>>
    tpu.enqueue_indirect_dma source(%dma_start3A_125 : memref<2000000x64xf32, #tpu.memory_space<hbm>>) target(%arg16 : memref<100x64xf32, #tpu.memory_space<vmem>>) offsets(%arg8 : memref<100xi32, #tpu.memory_space<vmem>>) semaphore(%arg29 : memref<!tpu.dma_semaphore, #tpu.memory_space<semaphore_mem>>)
    %add3A_126 = arith.constant 2 : i32
    %add3A_127 = arith.addi %mul3A_2, %add3A_126 : i32
    %add3A_128 = arith.constant 4 : i32
    %add3A_129 = arith.addi %add3A_127, %add3A_128 : i32
    %min3A_130 = arith.constant 8191 : i32
    %min3A_131 = arith.minsi %add3A_129, %min3A_130 : i32
    %dma_start3A_132 = arith.constant 0 : i32
    %dma_start3A_133 = tpu.memref_slice %arg2[%min3A_131, %dma_start3A_132] : memref<8192x100xi32, #tpu.memory_space<hbm>> -> memref<1x100xi32, #tpu.memory_space<hbm>>
    %dma_start3A_134 = tpu.memref_squeeze %dma_start3A_133 : memref<1x100xi32, #tpu.memory_space<hbm>> -> memref<100xi32, #tpu.memory_space<hbm>>
    %dma_start3A_135 = arith.constant 0 : i32
    %dma_start3A_136 = tpu.memref_slice %arg2[%min3A_131, %dma_start3A_135] : memref<8192x100xi32, #tpu.memory_space<hbm>> -> memref<1x100xi32, #tpu.memory_space<hbm>>
    %dma_start3A_137 = tpu.memref_squeeze %dma_start3A_136 : memref<1x100xi32, #tpu.memory_space<hbm>> -> memref<100xi32, #tpu.memory_space<hbm>>
    tpu.enqueue_dma source(%dma_start3A_137 : memref<100xi32, #tpu.memory_space<hbm>>) target(%arg12 : memref<100xi32, #tpu.memory_space<vmem>>) target_semaphore(%arg25 : memref<!tpu.dma_semaphore, #tpu.memory_space<semaphore_mem>>)
    %dma_wait3A_138 = arith.constant 0 : i32
    %dma_wait3A_139 = arith.constant 0 : i32
    %dma_wait3A_140 = tpu.memref_slice %arg3[%dma_wait3A_138, %dma_wait3A_139] : memref<2000000x64xf32, #tpu.memory_space<hbm>> -> memref<2000000x64xf32, #tpu.memory_space<hbm>>
    tpu.wait_indirect_dma semaphore(%arg28 : memref<!tpu.dma_semaphore, #tpu.memory_space<semaphore_mem>>) src(%dma_wait3A_140 : memref<2000000x64xf32, #tpu.memory_space<hbm>>) dst(%arg15 : memref<100x64xf32, #tpu.memory_space<vmem>>)
    %parallel_loop3A_141 = arith.constant 0 : i32
    %parallel_loop3A_142 = arith.constant 100 : i32
    %parallel_loop3A_143 = arith.constant 1 : i32
    scf.for %parallel_loop3A_850 = %parallel_loop3A_141 to %parallel_loop3A_142 step %parallel_loop3A_143  : i32 {
      %parallel_loop3A_851 = arith.index_cast %parallel_loop3A_850 : i32 to index
      %parallel_loop3A_852 = arith.constant 0 : index
      %parallel_loop3A_853 = tpu.vector_load %arg15[%parallel_loop3A_851, %parallel_loop3A_852] {strides = array<i32>} : memref<100x64xf32, #tpu.memory_space<vmem>>, vector<1x16xf32>,
      %parallel_loop3A_854 = vector.shape_cast %parallel_loop3A_853 : vector<1x16xf32> to vector<16xf32>
      %parallel_loop3A_855 = arith.constant 1 : i32
      %parallel_loop3A_856 = arith.index_cast %parallel_loop3A_855 : i32 to index
      %parallel_loop3A_857 = arith.index_cast %parallel_loop3A_850 : i32 to index
      %parallel_loop3A_858 = arith.constant 0 : index
      %parallel_loop3A_859 = tpu.vector_load %arg18[%parallel_loop3A_856, %parallel_loop3A_857, %parallel_loop3A_858] {strides = array<i32>} : memref<2x100x64xf32, #tpu.memory_space<vmem>>, vector<1x1x16xf32>,
      %parallel_loop3A_860 = vector.shape_cast %parallel_loop3A_859 : vector<1x1x16xf32> to vector<16xf32>
      %parallel_loop3A_861 = arith.addf %parallel_loop3A_854, %parallel_loop3A_860 : vector<16xf32>
      %parallel_loop3A_862 = arith.index_cast %parallel_loop3A_850 : i32 to index
      %parallel_loop3A_863 = arith.constant 0 : index
      %parallel_loop3A_864 = tpu.vector_load %arg15[%parallel_loop3A_862, %parallel_loop3A_863] {strides = array<i32>} : memref<100x64xf32, #tpu.memory_space<vmem>>, vector<1x16xf32>,
      %parallel_loop3A_865 = vector.shape_cast %parallel_loop3A_864 : vector<1x16xf32> to vector<16xf32>
      %parallel_loop3A_866 = vector.shape_cast %parallel_loop3A_861 : vector<16xf32> to vector<1x16xf32>
      tpu.vector_store %arg15[%parallel_loop3A_862, %parallel_loop3A_863], %parallel_loop3A_866 {strides = array<i32>} : memref<100x64xf32, #tpu.memory_space<vmem>>, vector<1x16xf32>,
      %parallel_loop3A_867 = arith.index_cast %parallel_loop3A_850 : i32 to index
      %parallel_loop3A_868 = arith.constant 16 : index
      %parallel_loop3A_869 = tpu.vector_load %arg15[%parallel_loop3A_867, %parallel_loop3A_868] {strides = array<i32>} : memref<100x64xf32, #tpu.memory_space<vmem>>, vector<1x16xf32>,
      %parallel_loop3A_870 = vector.shape_cast %parallel_loop3A_869 : vector<1x16xf32> to vector<16xf32>
      %parallel_loop3A_871 = arith.constant 1 : i32
      %parallel_loop3A_872 = arith.index_cast %parallel_loop3A_871 : i32 to index
      %parallel_loop3A_873 = arith.index_cast %parallel_loop3A_850 : i32 to index
      %parallel_loop3A_874 = arith.constant 16 : index
      %parallel_loop3A_875 = tpu.vector_load %arg18[%parallel_loop3A_872, %parallel_loop3A_873, %parallel_loop3A_874] {strides = array<i32>} : memref<2x100x64xf32, #tpu.memory_space<vmem>>, vector<1x1x16xf32>,
      %parallel_loop3A_876 = vector.shape_cast %parallel_loop3A_875 : vector<1x1x16xf32> to vector<16xf32>
      %parallel_loop3A_877 = arith.addf %parallel_loop3A_870, %parallel_loop3A_876 : vector<16xf32>
      %parallel_loop3A_878 = arith.index_cast %parallel_loop3A_850 : i32 to index
      %parallel_loop3A_879 = arith.constant 16 : index
      %parallel_loop3A_880 = tpu.vector_load %arg15[%parallel_loop3A_878, %parallel_loop3A_879] {strides = array<i32>} : memref<100x64xf32, #tpu.memory_space<vmem>>, vector<1x16xf32>,
      %parallel_loop3A_881 = vector.shape_cast %parallel_loop3A_880 : vector<1x16xf32> to vector<16xf32>
      %parallel_loop3A_882 = vector.shape_cast %parallel_loop3A_877 : vector<16xf32> to vector<1x16xf32>
      tpu.vector_store %arg15[%parallel_loop3A_878, %parallel_loop3A_879], %parallel_loop3A_882 {strides = array<i32>} : memref<100x64xf32, #tpu.memory_space<vmem>>, vector<1x16xf32>,
      %parallel_loop3A_883 = arith.index_cast %parallel_loop3A_850 : i32 to index
      %parallel_loop3A_884 = arith.constant 32 : index
      %parallel_loop3A_885 = tpu.vector_load %arg15[%parallel_loop3A_883, %parallel_loop3A_884] {strides = array<i32>} : memref<100x64xf32, #tpu.memory_space<vmem>>, vector<1x16xf32>,
      %parallel_loop3A_886 = vector.shape_cast %parallel_loop3A_885 : vector<1x16xf32> to vector<16xf32>
      %parallel_loop3A_887 = arith.constant 1 : i32
      %parallel_loop3A_888 = arith.index_cast %parallel_loop3A_887 : i32 to index
      %parallel_loop3A_889 = arith.index_cast %parallel_loop3A_850 : i32 to index
      %parallel_loop3A_890 = arith.constant 32 : index
      %parallel_loop3A_891 = tpu.vector_load %arg18[%parallel_loop3A_888, %parallel_loop3A_889, %parallel_loop3A_890] {strides = array<i32>} : memref<2x100x64xf32, #tpu.memory_space<vmem>>, vector<1x1x16xf32>,
      %parallel_loop3A_892 = vector.shape_cast %parallel_loop3A_891 : vector<1x1x16xf32> to vector<16xf32>
      %parallel_loop3A_893 = arith.addf %parallel_loop3A_886, %parallel_loop3A_892 : vector<16xf32>
      %parallel_loop3A_894 = arith.index_cast %parallel_loop3A_850 : i32 to index
      %parallel_loop3A_895 = arith.constant 32 : index
      %parallel_loop3A_896 = tpu.vector_load %arg15[%parallel_loop3A_894, %parallel_loop3A_895] {strides = array<i32>} : memref<100x64xf32, #tpu.memory_space<vmem>>, vector<1x16xf32>,
      %parallel_loop3A_897 = vector.shape_cast %parallel_loop3A_896 : vector<1x16xf32> to vector<16xf32>
      %parallel_loop3A_898 = vector.shape_cast %parallel_loop3A_893 : vector<16xf32> to vector<1x16xf32>
      tpu.vector_store %arg15[%parallel_loop3A_894, %parallel_loop3A_895], %parallel_loop3A_898 {strides = array<i32>} : memref<100x64xf32, #tpu.memory_space<vmem>>, vector<1x16xf32>,
      %parallel_loop3A_899 = arith.index_cast %parallel_loop3A_850 : i32 to index
      %parallel_loop3A_900 = arith.constant 48 : index
      %parallel_loop3A_901 = tpu.vector_load %arg15[%parallel_loop3A_899, %parallel_loop3A_900] {strides = array<i32>} : memref<100x64xf32, #tpu.memory_space<vmem>>, vector<1x16xf32>,
      %parallel_loop3A_902 = vector.shape_cast %parallel_loop3A_901 : vector<1x16xf32> to vector<16xf32>
      %parallel_loop3A_903 = arith.constant 1 : i32
      %parallel_loop3A_904 = arith.index_cast %parallel_loop3A_903 : i32 to index
      %parallel_loop3A_905 = arith.index_cast %parallel_loop3A_850 : i32 to index
      %parallel_loop3A_906 = arith.constant 48 : index
      %parallel_loop3A_907 = tpu.vector_load %arg18[%parallel_loop3A_904, %parallel_loop3A_905, %parallel_loop3A_906] {strides = array<i32>} : memref<2x100x64xf32, #tpu.memory_space<vmem>>, vector<1x1x16xf32>,
      %parallel_loop3A_908 = vector.shape_cast %parallel_loop3A_907 : vector<1x1x16xf32> to vector<16xf32>
      %parallel_loop3A_909 = arith.addf %parallel_loop3A_902, %parallel_loop3A_908 : vector<16xf32>
      %parallel_loop3A_910 = arith.index_cast %parallel_loop3A_850 : i32 to index
      %parallel_loop3A_911 = arith.constant 48 : index
      %parallel_loop3A_912 = tpu.vector_load %arg15[%parallel_loop3A_910, %parallel_loop3A_911] {strides = array<i32>} : memref<100x64xf32, #tpu.memory_space<vmem>>, vector<1x16xf32>,
      %parallel_loop3A_913 = vector.shape_cast %parallel_loop3A_912 : vector<1x16xf32> to vector<16xf32>
      %parallel_loop3A_914 = vector.shape_cast %parallel_loop3A_909 : vector<16xf32> to vector<1x16xf32>
      tpu.vector_store %arg15[%parallel_loop3A_910, %parallel_loop3A_911], %parallel_loop3A_914 {strides = array<i32>} : memref<100x64xf32, #tpu.memory_space<vmem>>, vector<1x16xf32>,
    } {sc.loop_unroll_factor = 4 : i64, sc.parallel_access}
    %add3A_144 = arith.constant 2 : i32
    %add3A_145 = arith.addi %mul3A_2, %add3A_144 : i32
    %sub3A_146 = arith.constant 1 : i32
    %sub3A_147 = arith.subi %add3A_145, %sub3A_146 : i32
    %jit3A_148 = arith.constant 2 : i32
    %div3A_149 = arith.divsi %sub3A_147, %jit3A_148 : i32
    %sign3A_150 = arith.constant 0 : i32
    %sign3A_151 = arith.cmpi sgt, %sub3A_147, %sign3A_150 : i32
    %sign3A_152 = arith.extui %sign3A_151 : i1 to i32
    %sign3A_153 = arith.constant 0 : i32
    %sign3A_154 = arith.cmpi slt, %sub3A_147, %sign3A_153 : i32
    %sign3A_155 = arith.extui %sign3A_154 : i1 to i32
    %sign3A_156 = arith.subi %sign3A_152, %sign3A_155 : i32
    %sign3A_157 = arith.constant 0 : i32
    %sign3A_158 = arith.cmpi sgt, %jit3A_148, %sign3A_157 : i32
    %sign3A_159 = arith.extui %sign3A_158 : i1 to i32
    %sign3A_160 = arith.constant 0 : i32
    %sign3A_161 = arith.cmpi slt, %jit3A_148, %sign3A_160 : i32
    %sign3A_162 = arith.extui %sign3A_161 : i1 to i32
    %sign3A_163 = arith.subi %sign3A_159, %sign3A_162 : i32
    %ne3A_164 = arith.cmpi ne, %sign3A_156, %sign3A_163 : i32
    %rem3A_165 = arith.remsi %sub3A_147, %jit3A_148 : i32
    %ne3A_166 = arith.constant 0 : i32
    %ne3A_167 = arith.cmpi ne, %rem3A_165, %ne3A_166 : i32
    %and3A_168 = arith.andi %ne3A_164, %ne3A_167 : i1
    %sub3A_169 = arith.constant 1 : i32
    %sub3A_170 = arith.subi %div3A_149, %sub3A_169 : i32
    %select_n3A_171 = arith.select %and3A_168, %sub3A_170, %div3A_149 : i32
    %rem3A_172 = arith.constant 2 : i32
    %rem3A_173 = arith.remsi %sub3A_147, %rem3A_172 : i32
    %mul3A_174 = arith.constant 100 : i32
    %mul3A_175 = arith.muli %rem3A_173, %mul3A_174 : i32
    %dma_start3A_176 = arith.constant 0 : i32
    %dma_start3A_177 = tpu.memref_slice %arg5[%select_n3A_171, %mul3A_175, %dma_start3A_176] : memref<4096x200x128xf32, #tpu.memory_space<hbm>> -> memref<1x100x64xf32, #tpu.memory_space<hbm>>
    %dma_start3A_178 = tpu.memref_squeeze %dma_start3A_177 : memref<1x100x64xf32, #tpu.memory_space<hbm>> -> memref<100x64xf32, #tpu.memory_space<hbm>>
    %dma_start3A_179 = arith.constant 0 : i32
    %dma_start3A_180 = tpu.memref_slice %arg5[%select_n3A_171, %mul3A_175, %dma_start3A_179] : memref<4096x200x128xf32, #tpu.memory_space<hbm>> -> memref<1x100x64xf32, #tpu.memory_space<hbm>>
    %dma_start3A_181 = tpu.memref_squeeze %dma_start3A_180 : memref<1x100x64xf32, #tpu.memory_space<hbm>> -> memref<100x64xf32, #tpu.memory_space<hbm>>
    tpu.enqueue_dma source(%arg15 : memref<100x64xf32, #tpu.memory_space<vmem>>) target(%dma_start3A_181 : memref<100x64xf32, #tpu.memory_space<hbm>>) target_semaphore(%arg32 : memref<!tpu.dma_semaphore, #tpu.memory_space<semaphore_mem>>)
    %dma_wait3A_182 = arith.constant 0 : i32
    %dma_wait3A_183 = tpu.memref_slice %arg2[%mul3A_2, %dma_wait3A_182] : memref<8192x100xi32, #tpu.memory_space<hbm>> -> memref<1x100xi32, #tpu.memory_space<hbm>>
    %dma_wait3A_184 = tpu.memref_squeeze %dma_wait3A_183 : memref<1x100xi32, #tpu.memory_space<hbm>> -> memref<100xi32, #tpu.memory_space<hbm>>
    %dma_wait3A_185 = arith.constant 0 : i32
    %dma_wait3A_186 = tpu.memref_slice %arg2[%mul3A_2, %dma_wait3A_185] : memref<8192x100xi32, #tpu.memory_space<hbm>> -> memref<1x100xi32, #tpu.memory_space<hbm>>
    %dma_wait3A_187 = tpu.memref_squeeze %dma_wait3A_186 : memref<1x100xi32, #tpu.memory_space<hbm>> -> memref<100xi32, #tpu.memory_space<hbm>>
    tpu.wait_dma2 semaphore(%arg22 : memref<!tpu.dma_semaphore, #tpu.memory_space<semaphore_mem>>) src(%dma_wait3A_187 : memref<100xi32, #tpu.memory_space<hbm>>) dst(%arg9 : memref<100xi32, #tpu.memory_space<vmem>>)
    %dma_start3A_188 = arith.constant 0 : i32
    %dma_start3A_189 = arith.constant 0 : i32
    %dma_start3A_190 = tpu.memref_slice %arg3[%dma_start3A_188, %dma_start3A_189] : memref<2000000x64xf32, #tpu.memory_space<hbm>> -> memref<2000000x64xf32, #tpu.memory_space<hbm>>
    tpu.enqueue_indirect_dma source(%dma_start3A_190 : memref<2000000x64xf32, #tpu.memory_space<hbm>>) target(%arg17 : memref<100x64xf32, #tpu.memory_space<vmem>>) offsets(%arg9 : memref<100xi32, #tpu.memory_space<vmem>>) semaphore(%arg30 : memref<!tpu.dma_semaphore, #tpu.memory_space<semaphore_mem>>)
    %add3A_191 = arith.constant 3 : i32
    %add3A_192 = arith.addi %mul3A_2, %add3A_191 : i32
    %add3A_193 = arith.constant 4 : i32
    %add3A_194 = arith.addi %add3A_192, %add3A_193 : i32
    %min3A_195 = arith.constant 8191 : i32
    %min3A_196 = arith.minsi %add3A_194, %min3A_195 : i32
    %dma_start3A_197 = arith.constant 0 : i32
    %dma_start3A_198 = tpu.memref_slice %arg2[%min3A_196, %dma_start3A_197] : memref<8192x100xi32, #tpu.memory_space<hbm>> -> memref<1x100xi32, #tpu.memory_space<hbm>>
    %dma_start3A_199 = tpu.memref_squeeze %dma_start3A_198 : memref<1x100xi32, #tpu.memory_space<hbm>> -> memref<100xi32, #tpu.memory_space<hbm>>
    %dma_start3A_200 = arith.constant 0 : i32
    %dma_start3A_201 = tpu.memref_slice %arg2[%min3A_196, %dma_start3A_200] : memref<8192x100xi32, #tpu.memory_space<hbm>> -> memref<1x100xi32, #tpu.memory_space<hbm>>
    %dma_start3A_202 = tpu.memref_squeeze %dma_start3A_201 : memref<1x100xi32, #tpu.memory_space<hbm>> -> memref<100xi32, #tpu.memory_space<hbm>>
    tpu.enqueue_dma source(%dma_start3A_202 : memref<100xi32, #tpu.memory_space<hbm>>) target(%arg13 : memref<100xi32, #tpu.memory_space<vmem>>) target_semaphore(%arg26 : memref<!tpu.dma_semaphore, #tpu.memory_space<semaphore_mem>>)
    %dma_wait3A_203 = arith.constant 0 : i32
    %dma_wait3A_204 = arith.constant 0 : i32
    %dma_wait3A_205 = tpu.memref_slice %arg3[%dma_wait3A_203, %dma_wait3A_204] : memref<2000000x64xf32, #tpu.memory_space<hbm>> -> memref<2000000x64xf32, #tpu.memory_space<hbm>>
    tpu.wait_indirect_dma semaphore(%arg29 : memref<!tpu.dma_semaphore, #tpu.memory_space<semaphore_mem>>) src(%dma_wait3A_205 : memref<2000000x64xf32, #tpu.memory_space<hbm>>) dst(%arg16 : memref<100x64xf32, #tpu.memory_space<vmem>>)
    %parallel_loop3A_206 = arith.constant 0 : i32
    %parallel_loop3A_207 = arith.constant 100 : i32
    %parallel_loop3A_208 = arith.constant 1 : i32
    scf.for %parallel_loop3A_850 = %parallel_loop3A_206 to %parallel_loop3A_207 step %parallel_loop3A_208  : i32 {
      %parallel_loop3A_851 = arith.index_cast %parallel_loop3A_850 : i32 to index
      %parallel_loop3A_852 = arith.constant 0 : index
      %parallel_loop3A_853 = tpu.vector_load %arg16[%parallel_loop3A_851, %parallel_loop3A_852] {strides = array<i32>} : memref<100x64xf32, #tpu.memory_space<vmem>>, vector<1x16xf32>,
      %parallel_loop3A_854 = vector.shape_cast %parallel_loop3A_853 : vector<1x16xf32> to vector<16xf32>
      %parallel_loop3A_855 = arith.constant 0 : i32
      %parallel_loop3A_856 = arith.index_cast %parallel_loop3A_855 : i32 to index
      %parallel_loop3A_857 = arith.index_cast %parallel_loop3A_850 : i32 to index
      %parallel_loop3A_858 = arith.constant 0 : index
      %parallel_loop3A_859 = tpu.vector_load %arg18[%parallel_loop3A_856, %parallel_loop3A_857, %parallel_loop3A_858] {strides = array<i32>} : memref<2x100x64xf32, #tpu.memory_space<vmem>>, vector<1x1x16xf32>,
      %parallel_loop3A_860 = vector.shape_cast %parallel_loop3A_859 : vector<1x1x16xf32> to vector<16xf32>
      %parallel_loop3A_861 = arith.addf %parallel_loop3A_854, %parallel_loop3A_860 : vector<16xf32>
      %parallel_loop3A_862 = arith.index_cast %parallel_loop3A_850 : i32 to index
      %parallel_loop3A_863 = arith.constant 0 : index
      %parallel_loop3A_864 = tpu.vector_load %arg16[%parallel_loop3A_862, %parallel_loop3A_863] {strides = array<i32>} : memref<100x64xf32, #tpu.memory_space<vmem>>, vector<1x16xf32>,
      %parallel_loop3A_865 = vector.shape_cast %parallel_loop3A_864 : vector<1x16xf32> to vector<16xf32>
      %parallel_loop3A_866 = vector.shape_cast %parallel_loop3A_861 : vector<16xf32> to vector<1x16xf32>
      tpu.vector_store %arg16[%parallel_loop3A_862, %parallel_loop3A_863], %parallel_loop3A_866 {strides = array<i32>} : memref<100x64xf32, #tpu.memory_space<vmem>>, vector<1x16xf32>,
      %parallel_loop3A_867 = arith.index_cast %parallel_loop3A_850 : i32 to index
      %parallel_loop3A_868 = arith.constant 16 : index
      %parallel_loop3A_869 = tpu.vector_load %arg16[%parallel_loop3A_867, %parallel_loop3A_868] {strides = array<i32>} : memref<100x64xf32, #tpu.memory_space<vmem>>, vector<1x16xf32>,
      %parallel_loop3A_870 = vector.shape_cast %parallel_loop3A_869 : vector<1x16xf32> to vector<16xf32>
      %parallel_loop3A_871 = arith.constant 0 : i32
      %parallel_loop3A_872 = arith.index_cast %parallel_loop3A_871 : i32 to index
      %parallel_loop3A_873 = arith.index_cast %parallel_loop3A_850 : i32 to index
      %parallel_loop3A_874 = arith.constant 16 : index
      %parallel_loop3A_875 = tpu.vector_load %arg18[%parallel_loop3A_872, %parallel_loop3A_873, %parallel_loop3A_874] {strides = array<i32>} : memref<2x100x64xf32, #tpu.memory_space<vmem>>, vector<1x1x16xf32>,
      %parallel_loop3A_876 = vector.shape_cast %parallel_loop3A_875 : vector<1x1x16xf32> to vector<16xf32>
      %parallel_loop3A_877 = arith.addf %parallel_loop3A_870, %parallel_loop3A_876 : vector<16xf32>
      %parallel_loop3A_878 = arith.index_cast %parallel_loop3A_850 : i32 to index
      %parallel_loop3A_879 = arith.constant 16 : index
      %parallel_loop3A_880 = tpu.vector_load %arg16[%parallel_loop3A_878, %parallel_loop3A_879] {strides = array<i32>} : memref<100x64xf32, #tpu.memory_space<vmem>>, vector<1x16xf32>,
      %parallel_loop3A_881 = vector.shape_cast %parallel_loop3A_880 : vector<1x16xf32> to vector<16xf32>
      %parallel_loop3A_882 = vector.shape_cast %parallel_loop3A_877 : vector<16xf32> to vector<1x16xf32>
      tpu.vector_store %arg16[%parallel_loop3A_878, %parallel_loop3A_879], %parallel_loop3A_882 {strides = array<i32>} : memref<100x64xf32, #tpu.memory_space<vmem>>, vector<1x16xf32>,
      %parallel_loop3A_883 = arith.index_cast %parallel_loop3A_850 : i32 to index
      %parallel_loop3A_884 = arith.constant 32 : index
      %parallel_loop3A_885 = tpu.vector_load %arg16[%parallel_loop3A_883, %parallel_loop3A_884] {strides = array<i32>} : memref<100x64xf32, #tpu.memory_space<vmem>>, vector<1x16xf32>,
      %parallel_loop3A_886 = vector.shape_cast %parallel_loop3A_885 : vector<1x16xf32> to vector<16xf32>
      %parallel_loop3A_887 = arith.constant 0 : i32
      %parallel_loop3A_888 = arith.index_cast %parallel_loop3A_887 : i32 to index
      %parallel_loop3A_889 = arith.index_cast %parallel_loop3A_850 : i32 to index
      %parallel_loop3A_890 = arith.constant 32 : index
      %parallel_loop3A_891 = tpu.vector_load %arg18[%parallel_loop3A_888, %parallel_loop3A_889, %parallel_loop3A_890] {strides = array<i32>} : memref<2x100x64xf32, #tpu.memory_space<vmem>>, vector<1x1x16xf32>,
      %parallel_loop3A_892 = vector.shape_cast %parallel_loop3A_891 : vector<1x1x16xf32> to vector<16xf32>
      %parallel_loop3A_893 = arith.addf %parallel_loop3A_886, %parallel_loop3A_892 : vector<16xf32>
      %parallel_loop3A_894 = arith.index_cast %parallel_loop3A_850 : i32 to index
      %parallel_loop3A_895 = arith.constant 32 : index
      %parallel_loop3A_896 = tpu.vector_load %arg16[%parallel_loop3A_894, %parallel_loop3A_895] {strides = array<i32>} : memref<100x64xf32, #tpu.memory_space<vmem>>, vector<1x16xf32>,
      %parallel_loop3A_897 = vector.shape_cast %parallel_loop3A_896 : vector<1x16xf32> to vector<16xf32>
      %parallel_loop3A_898 = vector.shape_cast %parallel_loop3A_893 : vector<16xf32> to vector<1x16xf32>
      tpu.vector_store %arg16[%parallel_loop3A_894, %parallel_loop3A_895], %parallel_loop3A_898 {strides = array<i32>} : memref<100x64xf32, #tpu.memory_space<vmem>>, vector<1x16xf32>,
      %parallel_loop3A_899 = arith.index_cast %parallel_loop3A_850 : i32 to index
      %parallel_loop3A_900 = arith.constant 48 : index
      %parallel_loop3A_901 = tpu.vector_load %arg16[%parallel_loop3A_899, %parallel_loop3A_900] {strides = array<i32>} : memref<100x64xf32, #tpu.memory_space<vmem>>, vector<1x16xf32>,
      %parallel_loop3A_902 = vector.shape_cast %parallel_loop3A_901 : vector<1x16xf32> to vector<16xf32>
      %parallel_loop3A_903 = arith.constant 0 : i32
      %parallel_loop3A_904 = arith.index_cast %parallel_loop3A_903 : i32 to index
      %parallel_loop3A_905 = arith.index_cast %parallel_loop3A_850 : i32 to index
      %parallel_loop3A_906 = arith.constant 48 : index
      %parallel_loop3A_907 = tpu.vector_load %arg18[%parallel_loop3A_904, %parallel_loop3A_905, %parallel_loop3A_906] {strides = array<i32>} : memref<2x100x64xf32, #tpu.memory_space<vmem>>, vector<1x1x16xf32>,
      %parallel_loop3A_908 = vector.shape_cast %parallel_loop3A_907 : vector<1x1x16xf32> to vector<16xf32>
      %parallel_loop3A_909 = arith.addf %parallel_loop3A_902, %parallel_loop3A_908 : vector<16xf32>
      %parallel_loop3A_910 = arith.index_cast %parallel_loop3A_850 : i32 to index
      %parallel_loop3A_911 = arith.constant 48 : index
      %parallel_loop3A_912 = tpu.vector_load %arg16[%parallel_loop3A_910, %parallel_loop3A_911] {strides = array<i32>} : memref<100x64xf32, #tpu.memory_space<vmem>>, vector<1x16xf32>,
      %parallel_loop3A_913 = vector.shape_cast %parallel_loop3A_912 : vector<1x16xf32> to vector<16xf32>
      %parallel_loop3A_914 = vector.shape_cast %parallel_loop3A_909 : vector<16xf32> to vector<1x16xf32>
      tpu.vector_store %arg16[%parallel_loop3A_910, %parallel_loop3A_911], %parallel_loop3A_914 {strides = array<i32>} : memref<100x64xf32, #tpu.memory_space<vmem>>, vector<1x16xf32>,
    } {sc.loop_unroll_factor = 4 : i64, sc.parallel_access}
    %add3A_209 = arith.constant 3 : i32
    %add3A_210 = arith.addi %mul3A_2, %add3A_209 : i32
    %sub3A_211 = arith.constant 1 : i32
    %sub3A_212 = arith.subi %add3A_210, %sub3A_211 : i32
    %jit3A_213 = arith.constant 2 : i32
    %div3A_214 = arith.divsi %sub3A_212, %jit3A_213 : i32
    %sign3A_215 = arith.constant 0 : i32
    %sign3A_216 = arith.cmpi sgt, %sub3A_212, %sign3A_215 : i32
    %sign3A_217 = arith.extui %sign3A_216 : i1 to i32
    %sign3A_218 = arith.constant 0 : i32
    %sign3A_219 = arith.cmpi slt, %sub3A_212, %sign3A_218 : i32
    %sign3A_220 = arith.extui %sign3A_219 : i1 to i32
    %sign3A_221 = arith.subi %sign3A_217, %sign3A_220 : i32
    %sign3A_222 = arith.constant 0 : i32
    %sign3A_223 = arith.cmpi sgt, %jit3A_213, %sign3A_222 : i32
    %sign3A_224 = arith.extui %sign3A_223 : i1 to i32
    %sign3A_225 = arith.constant 0 : i32
    %sign3A_226 = arith.cmpi slt, %jit3A_213, %sign3A_225 : i32
    %sign3A_227 = arith.extui %sign3A_226 : i1 to i32
    %sign3A_228 = arith.subi %sign3A_224, %sign3A_227 : i32
    %ne3A_229 = arith.cmpi ne, %sign3A_221, %sign3A_228 : i32
    %rem3A_230 = arith.remsi %sub3A_212, %jit3A_213 : i32
    %ne3A_231 = arith.constant 0 : i32
    %ne3A_232 = arith.cmpi ne, %rem3A_230, %ne3A_231 : i32
    %and3A_233 = arith.andi %ne3A_229, %ne3A_232 : i1
    %sub3A_234 = arith.constant 1 : i32
    %sub3A_235 = arith.subi %div3A_214, %sub3A_234 : i32
    %select_n3A_236 = arith.select %and3A_233, %sub3A_235, %div3A_214 : i32
    %rem3A_237 = arith.constant 2 : i32
    %rem3A_238 = arith.remsi %sub3A_212, %rem3A_237 : i32
    %mul3A_239 = arith.constant 100 : i32
    %mul3A_240 = arith.muli %rem3A_238, %mul3A_239 : i32
    %dma_start3A_241 = arith.constant 0 : i32
    %dma_start3A_242 = tpu.memref_slice %arg5[%select_n3A_236, %mul3A_240, %dma_start3A_241] : memref<4096x200x128xf32, #tpu.memory_space<hbm>> -> memref<1x100x64xf32, #tpu.memory_space<hbm>>
    %dma_start3A_243 = tpu.memref_squeeze %dma_start3A_242 : memref<1x100x64xf32, #tpu.memory_space<hbm>> -> memref<100x64xf32, #tpu.memory_space<hbm>>
    %dma_start3A_244 = arith.constant 0 : i32
    %dma_start3A_245 = tpu.memref_slice %arg5[%select_n3A_236, %mul3A_240, %dma_start3A_244] : memref<4096x200x128xf32, #tpu.memory_space<hbm>> -> memref<1x100x64xf32, #tpu.memory_space<hbm>>
    %dma_start3A_246 = tpu.memref_squeeze %dma_start3A_245 : memref<1x100x64xf32, #tpu.memory_space<hbm>> -> memref<100x64xf32, #tpu.memory_space<hbm>>
    tpu.enqueue_dma source(%arg16 : memref<100x64xf32, #tpu.memory_space<vmem>>) target(%dma_start3A_246 : memref<100x64xf32, #tpu.memory_space<hbm>>) target_semaphore(%arg33 : memref<!tpu.dma_semaphore, #tpu.memory_space<semaphore_mem>>)
    %dma_wait3A_247 = arith.constant 0 : i32
    %dma_wait3A_248 = tpu.memref_slice %arg2[%mul3A_2, %dma_wait3A_247] : memref<8192x100xi32, #tpu.memory_space<hbm>> -> memref<1x100xi32, #tpu.memory_space<hbm>>
    %dma_wait3A_249 = tpu.memref_squeeze %dma_wait3A_248 : memref<1x100xi32, #tpu.memory_space<hbm>> -> memref<100xi32, #tpu.memory_space<hbm>>
    %dma_wait3A_250 = arith.constant 0 : i32
    %dma_wait3A_251 = tpu.memref_slice %arg2[%mul3A_2, %dma_wait3A_250] : memref<8192x100xi32, #tpu.memory_space<hbm>> -> memref<1x100xi32, #tpu.memory_space<hbm>>
    %dma_wait3A_252 = tpu.memref_squeeze %dma_wait3A_251 : memref<1x100xi32, #tpu.memory_space<hbm>> -> memref<100xi32, #tpu.memory_space<hbm>>
    tpu.wait_dma2 semaphore(%arg23 : memref<!tpu.dma_semaphore, #tpu.memory_space<semaphore_mem>>) src(%dma_wait3A_252 : memref<100xi32, #tpu.memory_space<hbm>>) dst(%arg10 : memref<100xi32, #tpu.memory_space<vmem>>)
    %jit3A_253 = arith.constant 2 : i32
    %div3A_254 = arith.divsi %mul3A_2, %jit3A_253 : i32
    %sign3A_255 = arith.constant 0 : i32
    %sign3A_256 = arith.cmpi sgt, %mul3A_2, %sign3A_255 : i32
    %sign3A_257 = arith.extui %sign3A_256 : i1 to i32
    %sign3A_258 = arith.constant 0 : i32
    %sign3A_259 = arith.cmpi slt, %mul3A_2, %sign3A_258 : i32
    %sign3A_260 = arith.extui %sign3A_259 : i1 to i32
    %sign3A_261 = arith.subi %sign3A_257, %sign3A_260 : i32
    %sign3A_262 = arith.constant 0 : i32
    %sign3A_263 = arith.cmpi sgt, %jit3A_253, %sign3A_262 : i32
    %sign3A_264 = arith.extui %sign3A_263 : i1 to i32
    %sign3A_265 = arith.constant 0 : i32
    %sign3A_266 = arith.cmpi slt, %jit3A_253, %sign3A_265 : i32
    %sign3A_267 = arith.extui %sign3A_266 : i1 to i32
    %sign3A_268 = arith.subi %sign3A_264, %sign3A_267 : i32
    %ne3A_269 = arith.cmpi ne, %sign3A_261, %sign3A_268 : i32
    %rem3A_270 = arith.remsi %mul3A_2, %jit3A_253 : i32
    %ne3A_271 = arith.constant 0 : i32
    %ne3A_272 = arith.cmpi ne, %rem3A_270, %ne3A_271 : i32
    %and3A_273 = arith.andi %ne3A_269, %ne3A_272 : i1
    %sub3A_274 = arith.constant 1 : i32
    %sub3A_275 = arith.subi %div3A_254, %sub3A_274 : i32
    %select_n3A_276 = arith.select %and3A_273, %sub3A_275, %div3A_254 : i32
    %rem3A_277 = arith.constant 2 : i32
    %rem3A_278 = arith.remsi %mul3A_2, %rem3A_277 : i32
    %mul3A_279 = arith.constant 100 : i32
    %mul3A_280 = arith.muli %rem3A_278, %mul3A_279 : i32
    %dma_wait3A_281 = arith.constant 0 : i32
    %dma_wait3A_282 = tpu.memref_slice %arg5[%select_n3A_276, %mul3A_280, %dma_wait3A_281] : memref<4096x200x128xf32, #tpu.memory_space<hbm>> -> memref<1x100x64xf32, #tpu.memory_space<hbm>>
    %dma_wait3A_283 = tpu.memref_squeeze %dma_wait3A_282 : memref<1x100x64xf32, #tpu.memory_space<hbm>> -> memref<100x64xf32, #tpu.memory_space<hbm>>
    %dma_wait3A_284 = arith.constant 0 : i32
    %dma_wait3A_285 = tpu.memref_slice %arg5[%select_n3A_276, %mul3A_280, %dma_wait3A_284] : memref<4096x200x128xf32, #tpu.memory_space<hbm>> -> memref<1x100x64xf32, #tpu.memory_space<hbm>>
    %dma_wait3A_286 = tpu.memref_squeeze %dma_wait3A_285 : memref<1x100x64xf32, #tpu.memory_space<hbm>> -> memref<100x64xf32, #tpu.memory_space<hbm>>
    tpu.wait_dma2 semaphore(%arg31 : memref<!tpu.dma_semaphore, #tpu.memory_space<semaphore_mem>>) src(%arg14 : memref<100x64xf32, #tpu.memory_space<vmem>>) dst(%dma_wait3A_286 : memref<100x64xf32, #tpu.memory_space<hbm>>)
    %dma_start3A_287 = arith.constant 0 : i32
    %dma_start3A_288 = arith.constant 0 : i32
    %dma_start3A_289 = tpu.memref_slice %arg3[%dma_start3A_287, %dma_start3A_288] : memref<2000000x64xf32, #tpu.memory_space<hbm>> -> memref<2000000x64xf32, #tpu.memory_space<hbm>>
    tpu.enqueue_indirect_dma source(%dma_start3A_289 : memref<2000000x64xf32, #tpu.memory_space<hbm>>) target(%arg14 : memref<100x64xf32, #tpu.memory_space<vmem>>) offsets(%arg10 : memref<100xi32, #tpu.memory_space<vmem>>) semaphore(%arg27 : memref<!tpu.dma_semaphore, #tpu.memory_space<semaphore_mem>>)
    %add3A_290 = arith.constant 4 : i32
    %add3A_291 = arith.addi %mul3A_2, %add3A_290 : i32
    %add3A_292 = arith.constant 4 : i32
    %add3A_293 = arith.addi %add3A_291, %add3A_292 : i32
    %min3A_294 = arith.constant 8191 : i32
    %min3A_295 = arith.minsi %add3A_293, %min3A_294 : i32
    %dma_start3A_296 = arith.constant 0 : i32
    %dma_start3A_297 = tpu.memref_slice %arg2[%min3A_295, %dma_start3A_296] : memref<8192x100xi32, #tpu.memory_space<hbm>> -> memref<1x100xi32, #tpu.memory_space<hbm>>
    %dma_start3A_298 = tpu.memref_squeeze %dma_start3A_297 : memref<1x100xi32, #tpu.memory_space<hbm>> -> memref<100xi32, #tpu.memory_space<hbm>>
    %dma_start3A_299 = arith.constant 0 : i32
    %dma_start3A_300 = tpu.memref_slice %arg2[%min3A_295, %dma_start3A_299] : memref<8192x100xi32, #tpu.memory_space<hbm>> -> memref<1x100xi32, #tpu.memory_space<hbm>>
    %dma_start3A_301 = tpu.memref_squeeze %dma_start3A_300 : memref<1x100xi32, #tpu.memory_space<hbm>> -> memref<100xi32, #tpu.memory_space<hbm>>
    tpu.enqueue_dma source(%dma_start3A_301 : memref<100xi32, #tpu.memory_space<hbm>>) target(%arg6 : memref<100xi32, #tpu.memory_space<vmem>>) target_semaphore(%arg19 : memref<!tpu.dma_semaphore, #tpu.memory_space<semaphore_mem>>)
    %dma_wait3A_302 = arith.constant 0 : i32
    %dma_wait3A_303 = arith.constant 0 : i32
    %dma_wait3A_304 = tpu.memref_slice %arg3[%dma_wait3A_302, %dma_wait3A_303] : memref<2000000x64xf32, #tpu.memory_space<hbm>> -> memref<2000000x64xf32, #tpu.memory_space<hbm>>
    tpu.wait_indirect_dma semaphore(%arg30 : memref<!tpu.dma_semaphore, #tpu.memory_space<semaphore_mem>>) src(%dma_wait3A_304 : memref<2000000x64xf32, #tpu.memory_space<hbm>>) dst(%arg17 : memref<100x64xf32, #tpu.memory_space<vmem>>)
    %parallel_loop3A_305 = arith.constant 0 : i32
    %parallel_loop3A_306 = arith.constant 100 : i32
    %parallel_loop3A_307 = arith.constant 1 : i32
    scf.for %parallel_loop3A_850 = %parallel_loop3A_305 to %parallel_loop3A_306 step %parallel_loop3A_307  : i32 {
      %parallel_loop3A_851 = arith.index_cast %parallel_loop3A_850 : i32 to index
      %parallel_loop3A_852 = arith.constant 0 : index
      %parallel_loop3A_853 = tpu.vector_load %arg17[%parallel_loop3A_851, %parallel_loop3A_852] {strides = array<i32>} : memref<100x64xf32, #tpu.memory_space<vmem>>, vector<1x16xf32>,
      %parallel_loop3A_854 = vector.shape_cast %parallel_loop3A_853 : vector<1x16xf32> to vector<16xf32>
      %parallel_loop3A_855 = arith.constant 1 : i32
      %parallel_loop3A_856 = arith.index_cast %parallel_loop3A_855 : i32 to index
      %parallel_loop3A_857 = arith.index_cast %parallel_loop3A_850 : i32 to index
      %parallel_loop3A_858 = arith.constant 0 : index
      %parallel_loop3A_859 = tpu.vector_load %arg18[%parallel_loop3A_856, %parallel_loop3A_857, %parallel_loop3A_858] {strides = array<i32>} : memref<2x100x64xf32, #tpu.memory_space<vmem>>, vector<1x1x16xf32>,
      %parallel_loop3A_860 = vector.shape_cast %parallel_loop3A_859 : vector<1x1x16xf32> to vector<16xf32>
      %parallel_loop3A_861 = arith.addf %parallel_loop3A_854, %parallel_loop3A_860 : vector<16xf32>
      %parallel_loop3A_862 = arith.index_cast %parallel_loop3A_850 : i32 to index
      %parallel_loop3A_863 = arith.constant 0 : index
      %parallel_loop3A_864 = tpu.vector_load %arg17[%parallel_loop3A_862, %parallel_loop3A_863] {strides = array<i32>} : memref<100x64xf32, #tpu.memory_space<vmem>>, vector<1x16xf32>,
      %parallel_loop3A_865 = vector.shape_cast %parallel_loop3A_864 : vector<1x16xf32> to vector<16xf32>
      %parallel_loop3A_866 = vector.shape_cast %parallel_loop3A_861 : vector<16xf32> to vector<1x16xf32>
      tpu.vector_store %arg17[%parallel_loop3A_862, %parallel_loop3A_863], %parallel_loop3A_866 {strides = array<i32>} : memref<100x64xf32, #tpu.memory_space<vmem>>, vector<1x16xf32>,
      %parallel_loop3A_867 = arith.index_cast %parallel_loop3A_850 : i32 to index
      %parallel_loop3A_868 = arith.constant 16 : index
      %parallel_loop3A_869 = tpu.vector_load %arg17[%parallel_loop3A_867, %parallel_loop3A_868] {strides = array<i32>} : memref<100x64xf32, #tpu.memory_space<vmem>>, vector<1x16xf32>,
      %parallel_loop3A_870 = vector.shape_cast %parallel_loop3A_869 : vector<1x16xf32> to vector<16xf32>
      %parallel_loop3A_871 = arith.constant 1 : i32
      %parallel_loop3A_872 = arith.index_cast %parallel_loop3A_871 : i32 to index
      %parallel_loop3A_873 = arith.index_cast %parallel_loop3A_850 : i32 to index
      %parallel_loop3A_874 = arith.constant 16 : index
      %parallel_loop3A_875 = tpu.vector_load %arg18[%parallel_loop3A_872, %parallel_loop3A_873, %parallel_loop3A_874] {strides = array<i32>} : memref<2x100x64xf32, #tpu.memory_space<vmem>>, vector<1x1x16xf32>,
      %parallel_loop3A_876 = vector.shape_cast %parallel_loop3A_875 : vector<1x1x16xf32> to vector<16xf32>
      %parallel_loop3A_877 = arith.addf %parallel_loop3A_870, %parallel_loop3A_876 : vector<16xf32>
      %parallel_loop3A_878 = arith.index_cast %parallel_loop3A_850 : i32 to index
      %parallel_loop3A_879 = arith.constant 16 : index
      %parallel_loop3A_880 = tpu.vector_load %arg17[%parallel_loop3A_878, %parallel_loop3A_879] {strides = array<i32>} : memref<100x64xf32, #tpu.memory_space<vmem>>, vector<1x16xf32>,
      %parallel_loop3A_881 = vector.shape_cast %parallel_loop3A_880 : vector<1x16xf32> to vector<16xf32>
      %parallel_loop3A_882 = vector.shape_cast %parallel_loop3A_877 : vector<16xf32> to vector<1x16xf32>
      tpu.vector_store %arg17[%parallel_loop3A_878, %parallel_loop3A_879], %parallel_loop3A_882 {strides = array<i32>} : memref<100x64xf32, #tpu.memory_space<vmem>>, vector<1x16xf32>,
      %parallel_loop3A_883 = arith.index_cast %parallel_loop3A_850 : i32 to index
      %parallel_loop3A_884 = arith.constant 32 : index
      %parallel_loop3A_885 = tpu.vector_load %arg17[%parallel_loop3A_883, %parallel_loop3A_884] {strides = array<i32>} : memref<100x64xf32, #tpu.memory_space<vmem>>, vector<1x16xf32>,
      %parallel_loop3A_886 = vector.shape_cast %parallel_loop3A_885 : vector<1x16xf32> to vector<16xf32>
      %parallel_loop3A_887 = arith.constant 1 : i32
      %parallel_loop3A_888 = arith.index_cast %parallel_loop3A_887 : i32 to index
      %parallel_loop3A_889 = arith.index_cast %parallel_loop3A_850 : i32 to index
      %parallel_loop3A_890 = arith.constant 32 : index
      %parallel_loop3A_891 = tpu.vector_load %arg18[%parallel_loop3A_888, %parallel_loop3A_889, %parallel_loop3A_890] {strides = array<i32>} : memref<2x100x64xf32, #tpu.memory_space<vmem>>, vector<1x1x16xf32>,
      %parallel_loop3A_892 = vector.shape_cast %parallel_loop3A_891 : vector<1x1x16xf32> to vector<16xf32>
      %parallel_loop3A_893 = arith.addf %parallel_loop3A_886, %parallel_loop3A_892 : vector<16xf32>
      %parallel_loop3A_894 = arith.index_cast %parallel_loop3A_850 : i32 to index
      %parallel_loop3A_895 = arith.constant 32 : index
      %parallel_loop3A_896 = tpu.vector_load %arg17[%parallel_loop3A_894, %parallel_loop3A_895] {strides = array<i32>} : memref<100x64xf32, #tpu.memory_space<vmem>>, vector<1x16xf32>,
      %parallel_loop3A_897 = vector.shape_cast %parallel_loop3A_896 : vector<1x16xf32> to vector<16xf32>
      %parallel_loop3A_898 = vector.shape_cast %parallel_loop3A_893 : vector<16xf32> to vector<1x16xf32>
      tpu.vector_store %arg17[%parallel_loop3A_894, %parallel_loop3A_895], %parallel_loop3A_898 {strides = array<i32>} : memref<100x64xf32, #tpu.memory_space<vmem>>, vector<1x16xf32>,
      %parallel_loop3A_899 = arith.index_cast %parallel_loop3A_850 : i32 to index
      %parallel_loop3A_900 = arith.constant 48 : index
      %parallel_loop3A_901 = tpu.vector_load %arg17[%parallel_loop3A_899, %parallel_loop3A_900] {strides = array<i32>} : memref<100x64xf32, #tpu.memory_space<vmem>>, vector<1x16xf32>,
      %parallel_loop3A_902 = vector.shape_cast %parallel_loop3A_901 : vector<1x16xf32> to vector<16xf32>
      %parallel_loop3A_903 = arith.constant 1 : i32
      %parallel_loop3A_904 = arith.index_cast %parallel_loop3A_903 : i32 to index
      %parallel_loop3A_905 = arith.index_cast %parallel_loop3A_850 : i32 to index
      %parallel_loop3A_906 = arith.constant 48 : index
      %parallel_loop3A_907 = tpu.vector_load %arg18[%parallel_loop3A_904, %parallel_loop3A_905, %parallel_loop3A_906] {strides = array<i32>} : memref<2x100x64xf32, #tpu.memory_space<vmem>>, vector<1x1x16xf32>,
      %parallel_loop3A_908 = vector.shape_cast %parallel_loop3A_907 : vector<1x1x16xf32> to vector<16xf32>
      %parallel_loop3A_909 = arith.addf %parallel_loop3A_902, %parallel_loop3A_908 : vector<16xf32>
      %parallel_loop3A_910 = arith.index_cast %parallel_loop3A_850 : i32 to index
      %parallel_loop3A_911 = arith.constant 48 : index
      %parallel_loop3A_912 = tpu.vector_load %arg17[%parallel_loop3A_910, %parallel_loop3A_911] {strides = array<i32>} : memref<100x64xf32, #tpu.memory_space<vmem>>, vector<1x16xf32>,
      %parallel_loop3A_913 = vector.shape_cast %parallel_loop3A_912 : vector<1x16xf32> to vector<16xf32>
      %parallel_loop3A_914 = vector.shape_cast %parallel_loop3A_909 : vector<16xf32> to vector<1x16xf32>
      tpu.vector_store %arg17[%parallel_loop3A_910, %parallel_loop3A_911], %parallel_loop3A_914 {strides = array<i32>} : memref<100x64xf32, #tpu.memory_space<vmem>>, vector<1x16xf32>,
    } {sc.loop_unroll_factor = 4 : i64, sc.parallel_access}
    %add3A_308 = arith.constant 4 : i32
    %add3A_309 = arith.addi %mul3A_2, %add3A_308 : i32
    %sub3A_310 = arith.constant 1 : i32
    %sub3A_311 = arith.subi %add3A_309, %sub3A_310 : i32
    %jit3A_312 = arith.constant 2 : i32
    %div3A_313 = arith.divsi %sub3A_311, %jit3A_312 : i32
    %sign3A_314 = arith.constant 0 : i32
    %sign3A_315 = arith.cmpi sgt, %sub3A_311, %sign3A_314 : i32
    %sign3A_316 = arith.extui %sign3A_315 : i1 to i32
    %sign3A_317 = arith.constant 0 : i32
    %sign3A_318 = arith.cmpi slt, %sub3A_311, %sign3A_317 : i32
    %sign3A_319 = arith.extui %sign3A_318 : i1 to i32
    %sign3A_320 = arith.subi %sign3A_316, %sign3A_319 : i32
    %sign3A_321 = arith.constant 0 : i32
    %sign3A_322 = arith.cmpi sgt, %jit3A_312, %sign3A_321 : i32
    %sign3A_323 = arith.extui %sign3A_322 : i1 to i32
    %sign3A_324 = arith.constant 0 : i32
    %sign3A_325 = arith.cmpi slt, %jit3A_312, %sign3A_324 : i32
    %sign3A_326 = arith.extui %sign3A_325 : i1 to i32
    %sign3A_327 = arith.subi %sign3A_323, %sign3A_326 : i32
    %ne3A_328 = arith.cmpi ne, %sign3A_320, %sign3A_327 : i32
    %rem3A_329 = arith.remsi %sub3A_311, %jit3A_312 : i32
    %ne3A_330 = arith.constant 0 : i32
    %ne3A_331 = arith.cmpi ne, %rem3A_329, %ne3A_330 : i32
    %and3A_332 = arith.andi %ne3A_328, %ne3A_331 : i1
    %sub3A_333 = arith.constant 1 : i32
    %sub3A_334 = arith.subi %div3A_313, %sub3A_333 : i32
    %select_n3A_335 = arith.select %and3A_332, %sub3A_334, %div3A_313 : i32
    %rem3A_336 = arith.constant 2 : i32
    %rem3A_337 = arith.remsi %sub3A_311, %rem3A_336 : i32
    %mul3A_338 = arith.constant 100 : i32
    %mul3A_339 = arith.muli %rem3A_337, %mul3A_338 : i32
    %dma_start3A_340 = arith.constant 0 : i32
    %dma_start3A_341 = tpu.memref_slice %arg5[%select_n3A_335, %mul3A_339, %dma_start3A_340] : memref<4096x200x128xf32, #tpu.memory_space<hbm>> -> memref<1x100x64xf32, #tpu.memory_space<hbm>>
    %dma_start3A_342 = tpu.memref_squeeze %dma_start3A_341 : memref<1x100x64xf32, #tpu.memory_space<hbm>> -> memref<100x64xf32, #tpu.memory_space<hbm>>
    %dma_start3A_343 = arith.constant 0 : i32
    %dma_start3A_344 = tpu.memref_slice %arg5[%select_n3A_335, %mul3A_339, %dma_start3A_343] : memref<4096x200x128xf32, #tpu.memory_space<hbm>> -> memref<1x100x64xf32, #tpu.memory_space<hbm>>
    %dma_start3A_345 = tpu.memref_squeeze %dma_start3A_344 : memref<1x100x64xf32, #tpu.memory_space<hbm>> -> memref<100x64xf32, #tpu.memory_space<hbm>>
    tpu.enqueue_dma source(%arg17 : memref<100x64xf32, #tpu.memory_space<vmem>>) target(%dma_start3A_345 : memref<100x64xf32, #tpu.memory_space<hbm>>) target_semaphore(%arg34 : memref<!tpu.dma_semaphore, #tpu.memory_space<semaphore_mem>>)
    %dma_wait3A_346 = arith.constant 0 : i32
    %dma_wait3A_347 = tpu.memref_slice %arg2[%mul3A_2, %dma_wait3A_346] : memref<8192x100xi32, #tpu.memory_space<hbm>> -> memref<1x100xi32, #tpu.memory_space<hbm>>
    %dma_wait3A_348 = tpu.memref_squeeze %dma_wait3A_347 : memref<1x100xi32, #tpu.memory_space<hbm>> -> memref<100xi32, #tpu.memory_space<hbm>>
    %dma_wait3A_349 = arith.constant 0 : i32
    %dma_wait3A_350 = tpu.memref_slice %arg2[%mul3A_2, %dma_wait3A_349] : memref<8192x100xi32, #tpu.memory_space<hbm>> -> memref<1x100xi32, #tpu.memory_space<hbm>>
    %dma_wait3A_351 = tpu.memref_squeeze %dma_wait3A_350 : memref<1x100xi32, #tpu.memory_space<hbm>> -> memref<100xi32, #tpu.memory_space<hbm>>
    tpu.wait_dma2 semaphore(%arg24 : memref<!tpu.dma_semaphore, #tpu.memory_space<semaphore_mem>>) src(%dma_wait3A_351 : memref<100xi32, #tpu.memory_space<hbm>>) dst(%arg11 : memref<100xi32, #tpu.memory_space<vmem>>)
    %jit3A_352 = arith.constant 2 : i32
    %div3A_353 = arith.divsi %mul3A_2, %jit3A_352 : i32
    %sign3A_354 = arith.constant 0 : i32
    %sign3A_355 = arith.cmpi sgt, %mul3A_2, %sign3A_354 : i32
    %sign3A_356 = arith.extui %sign3A_355 : i1 to i32
    %sign3A_357 = arith.constant 0 : i32
    %sign3A_358 = arith.cmpi slt, %mul3A_2, %sign3A_357 : i32
    %sign3A_359 = arith.extui %sign3A_358 : i1 to i32
    %sign3A_360 = arith.subi %sign3A_356, %sign3A_359 : i32
    %sign3A_361 = arith.constant 0 : i32
    %sign3A_362 = arith.cmpi sgt, %jit3A_352, %sign3A_361 : i32
    %sign3A_363 = arith.extui %sign3A_362 : i1 to i32
    %sign3A_364 = arith.constant 0 : i32
    %sign3A_365 = arith.cmpi slt, %jit3A_352, %sign3A_364 : i32
    %sign3A_366 = arith.extui %sign3A_365 : i1 to i32
    %sign3A_367 = arith.subi %sign3A_363, %sign3A_366 : i32
    %ne3A_368 = arith.cmpi ne, %sign3A_360, %sign3A_367 : i32
    %rem3A_369 = arith.remsi %mul3A_2, %jit3A_352 : i32
    %ne3A_370 = arith.constant 0 : i32
    %ne3A_371 = arith.cmpi ne, %rem3A_369, %ne3A_370 : i32
    %and3A_372 = arith.andi %ne3A_368, %ne3A_371 : i1
    %sub3A_373 = arith.constant 1 : i32
    %sub3A_374 = arith.subi %div3A_353, %sub3A_373 : i32
    %select_n3A_375 = arith.select %and3A_372, %sub3A_374, %div3A_353 : i32
    %rem3A_376 = arith.constant 2 : i32
    %rem3A_377 = arith.remsi %mul3A_2, %rem3A_376 : i32
    %mul3A_378 = arith.constant 100 : i32
    %mul3A_379 = arith.muli %rem3A_377, %mul3A_378 : i32
    %dma_wait3A_380 = arith.constant 0 : i32
    %dma_wait3A_381 = tpu.memref_slice %arg5[%select_n3A_375, %mul3A_379, %dma_wait3A_380] : memref<4096x200x128xf32, #tpu.memory_space<hbm>> -> memref<1x100x64xf32, #tpu.memory_space<hbm>>
    %dma_wait3A_382 = tpu.memref_squeeze %dma_wait3A_381 : memref<1x100x64xf32, #tpu.memory_space<hbm>> -> memref<100x64xf32, #tpu.memory_space<hbm>>
    %dma_wait3A_383 = arith.constant 0 : i32
    %dma_wait3A_384 = tpu.memref_slice %arg5[%select_n3A_375, %mul3A_379, %dma_wait3A_383] : memref<4096x200x128xf32, #tpu.memory_space<hbm>> -> memref<1x100x64xf32, #tpu.memory_space<hbm>>
    %dma_wait3A_385 = tpu.memref_squeeze %dma_wait3A_384 : memref<1x100x64xf32, #tpu.memory_space<hbm>> -> memref<100x64xf32, #tpu.memory_space<hbm>>
    tpu.wait_dma2 semaphore(%arg32 : memref<!tpu.dma_semaphore, #tpu.memory_space<semaphore_mem>>) src(%arg15 : memref<100x64xf32, #tpu.memory_space<vmem>>) dst(%dma_wait3A_385 : memref<100x64xf32, #tpu.memory_space<hbm>>)
    %dma_start3A_386 = arith.constant 0 : i32
    %dma_start3A_387 = arith.constant 0 : i32
    %dma_start3A_388 = tpu.memref_slice %arg3[%dma_start3A_386, %dma_start3A_387] : memref<2000000x64xf32, #tpu.memory_space<hbm>> -> memref<2000000x64xf32, #tpu.memory_space<hbm>>
    tpu.enqueue_indirect_dma source(%dma_start3A_388 : memref<2000000x64xf32, #tpu.memory_space<hbm>>) target(%arg15 : memref<100x64xf32, #tpu.memory_space<vmem>>) offsets(%arg11 : memref<100xi32, #tpu.memory_space<vmem>>) semaphore(%arg28 : memref<!tpu.dma_semaphore, #tpu.memory_space<semaphore_mem>>)
    %add3A_389 = arith.constant 5 : i32
    %add3A_390 = arith.addi %mul3A_2, %add3A_389 : i32
    %add3A_391 = arith.constant 4 : i32
    %add3A_392 = arith.addi %add3A_390, %add3A_391 : i32
    %min3A_393 = arith.constant 8191 : i32
    %min3A_394 = arith.minsi %add3A_392, %min3A_393 : i32
    %dma_start3A_395 = arith.constant 0 : i32
    %dma_start3A_396 = tpu.memref_slice %arg2[%min3A_394, %dma_start3A_395] : memref<8192x100xi32, #tpu.memory_space<hbm>> -> memref<1x100xi32, #tpu.memory_space<hbm>>
    %dma_start3A_397 = tpu.memref_squeeze %dma_start3A_396 : memref<1x100xi32, #tpu.memory_space<hbm>> -> memref<100xi32, #tpu.memory_space<hbm>>
    %dma_start3A_398 = arith.constant 0 : i32
    %dma_start3A_399 = tpu.memref_slice %arg2[%min3A_394, %dma_start3A_398] : memref<8192x100xi32, #tpu.memory_space<hbm>> -> memref<1x100xi32, #tpu.memory_space<hbm>>
    %dma_start3A_400 = tpu.memref_squeeze %dma_start3A_399 : memref<1x100xi32, #tpu.memory_space<hbm>> -> memref<100xi32, #tpu.memory_space<hbm>>
    tpu.enqueue_dma source(%dma_start3A_400 : memref<100xi32, #tpu.memory_space<hbm>>) target(%arg7 : memref<100xi32, #tpu.memory_space<vmem>>) target_semaphore(%arg20 : memref<!tpu.dma_semaphore, #tpu.memory_space<semaphore_mem>>)
    %dma_wait3A_401 = arith.constant 0 : i32
    %dma_wait3A_402 = arith.constant 0 : i32
    %dma_wait3A_403 = tpu.memref_slice %arg3[%dma_wait3A_401, %dma_wait3A_402] : memref<2000000x64xf32, #tpu.memory_space<hbm>> -> memref<2000000x64xf32, #tpu.memory_space<hbm>>
    tpu.wait_indirect_dma semaphore(%arg27 : memref<!tpu.dma_semaphore, #tpu.memory_space<semaphore_mem>>) src(%dma_wait3A_403 : memref<2000000x64xf32, #tpu.memory_space<hbm>>) dst(%arg14 : memref<100x64xf32, #tpu.memory_space<vmem>>)
    %parallel_loop3A_404 = arith.constant 0 : i32
    %parallel_loop3A_405 = arith.constant 100 : i32
    %parallel_loop3A_406 = arith.constant 1 : i32
    scf.for %parallel_loop3A_850 = %parallel_loop3A_404 to %parallel_loop3A_405 step %parallel_loop3A_406  : i32 {
      %parallel_loop3A_851 = arith.index_cast %parallel_loop3A_850 : i32 to index
      %parallel_loop3A_852 = arith.constant 0 : index
      %parallel_loop3A_853 = tpu.vector_load %arg14[%parallel_loop3A_851, %parallel_loop3A_852] {strides = array<i32>} : memref<100x64xf32, #tpu.memory_space<vmem>>, vector<1x16xf32>,
      %parallel_loop3A_854 = vector.shape_cast %parallel_loop3A_853 : vector<1x16xf32> to vector<16xf32>
      %parallel_loop3A_855 = arith.constant 0 : i32
      %parallel_loop3A_856 = arith.index_cast %parallel_loop3A_855 : i32 to index
      %parallel_loop3A_857 = arith.index_cast %parallel_loop3A_850 : i32 to index
      %parallel_loop3A_858 = arith.constant 0 : index
      %parallel_loop3A_859 = tpu.vector_load %arg18[%parallel_loop3A_856, %parallel_loop3A_857, %parallel_loop3A_858] {strides = array<i32>} : memref<2x100x64xf32, #tpu.memory_space<vmem>>, vector<1x1x16xf32>,
      %parallel_loop3A_860 = vector.shape_cast %parallel_loop3A_859 : vector<1x1x16xf32> to vector<16xf32>
      %parallel_loop3A_861 = arith.addf %parallel_loop3A_854, %parallel_loop3A_860 : vector<16xf32>
      %parallel_loop3A_862 = arith.index_cast %parallel_loop3A_850 : i32 to index
      %parallel_loop3A_863 = arith.constant 0 : index
      %parallel_loop3A_864 = tpu.vector_load %arg14[%parallel_loop3A_862, %parallel_loop3A_863] {strides = array<i32>} : memref<100x64xf32, #tpu.memory_space<vmem>>, vector<1x16xf32>,
      %parallel_loop3A_865 = vector.shape_cast %parallel_loop3A_864 : vector<1x16xf32> to vector<16xf32>
      %parallel_loop3A_866 = vector.shape_cast %parallel_loop3A_861 : vector<16xf32> to vector<1x16xf32>
      tpu.vector_store %arg14[%parallel_loop3A_862, %parallel_loop3A_863], %parallel_loop3A_866 {strides = array<i32>} : memref<100x64xf32, #tpu.memory_space<vmem>>, vector<1x16xf32>,
      %parallel_loop3A_867 = arith.index_cast %parallel_loop3A_850 : i32 to index
      %parallel_loop3A_868 = arith.constant 16 : index
      %parallel_loop3A_869 = tpu.vector_load %arg14[%parallel_loop3A_867, %parallel_loop3A_868] {strides = array<i32>} : memref<100x64xf32, #tpu.memory_space<vmem>>, vector<1x16xf32>,
      %parallel_loop3A_870 = vector.shape_cast %parallel_loop3A_869 : vector<1x16xf32> to vector<16xf32>
      %parallel_loop3A_871 = arith.constant 0 : i32
      %parallel_loop3A_872 = arith.index_cast %parallel_loop3A_871 : i32 to index
      %parallel_loop3A_873 = arith.index_cast %parallel_loop3A_850 : i32 to index
      %parallel_loop3A_874 = arith.constant 16 : index
      %parallel_loop3A_875 = tpu.vector_load %arg18[%parallel_loop3A_872, %parallel_loop3A_873, %parallel_loop3A_874] {strides = array<i32>} : memref<2x100x64xf32, #tpu.memory_space<vmem>>, vector<1x1x16xf32>,
      %parallel_loop3A_876 = vector.shape_cast %parallel_loop3A_875 : vector<1x1x16xf32> to vector<16xf32>
      %parallel_loop3A_877 = arith.addf %parallel_loop3A_870, %parallel_loop3A_876 : vector<16xf32>
      %parallel_loop3A_878 = arith.index_cast %parallel_loop3A_850 : i32 to index
      %parallel_loop3A_879 = arith.constant 16 : index
      %parallel_loop3A_880 = tpu.vector_load %arg14[%parallel_loop3A_878, %parallel_loop3A_879] {strides = array<i32>} : memref<100x64xf32, #tpu.memory_space<vmem>>, vector<1x16xf32>,
      %parallel_loop3A_881 = vector.shape_cast %parallel_loop3A_880 : vector<1x16xf32> to vector<16xf32>
      %parallel_loop3A_882 = vector.shape_cast %parallel_loop3A_877 : vector<16xf32> to vector<1x16xf32>
      tpu.vector_store %arg14[%parallel_loop3A_878, %parallel_loop3A_879], %parallel_loop3A_882 {strides = array<i32>} : memref<100x64xf32, #tpu.memory_space<vmem>>, vector<1x16xf32>,
      %parallel_loop3A_883 = arith.index_cast %parallel_loop3A_850 : i32 to index
      %parallel_loop3A_884 = arith.constant 32 : index
      %parallel_loop3A_885 = tpu.vector_load %arg14[%parallel_loop3A_883, %parallel_loop3A_884] {strides = array<i32>} : memref<100x64xf32, #tpu.memory_space<vmem>>, vector<1x16xf32>,
      %parallel_loop3A_886 = vector.shape_cast %parallel_loop3A_885 : vector<1x16xf32> to vector<16xf32>
      %parallel_loop3A_887 = arith.constant 0 : i32
      %parallel_loop3A_888 = arith.index_cast %parallel_loop3A_887 : i32 to index
      %parallel_loop3A_889 = arith.index_cast %parallel_loop3A_850 : i32 to index
      %parallel_loop3A_890 = arith.constant 32 : index
      %parallel_loop3A_891 = tpu.vector_load %arg18[%parallel_loop3A_888, %parallel_loop3A_889, %parallel_loop3A_890] {strides = array<i32>} : memref<2x100x64xf32, #tpu.memory_space<vmem>>, vector<1x1x16xf32>,
      %parallel_loop3A_892 = vector.shape_cast %parallel_loop3A_891 : vector<1x1x16xf32> to vector<16xf32>
      %parallel_loop3A_893 = arith.addf %parallel_loop3A_886, %parallel_loop3A_892 : vector<16xf32>
      %parallel_loop3A_894 = arith.index_cast %parallel_loop3A_850 : i32 to index
      %parallel_loop3A_895 = arith.constant 32 : index
      %parallel_loop3A_896 = tpu.vector_load %arg14[%parallel_loop3A_894, %parallel_loop3A_895] {strides = array<i32>} : memref<100x64xf32, #tpu.memory_space<vmem>>, vector<1x16xf32>,
      %parallel_loop3A_897 = vector.shape_cast %parallel_loop3A_896 : vector<1x16xf32> to vector<16xf32>
      %parallel_loop3A_898 = vector.shape_cast %parallel_loop3A_893 : vector<16xf32> to vector<1x16xf32>
      tpu.vector_store %arg14[%parallel_loop3A_894, %parallel_loop3A_895], %parallel_loop3A_898 {strides = array<i32>} : memref<100x64xf32, #tpu.memory_space<vmem>>, vector<1x16xf32>,
      %parallel_loop3A_899 = arith.index_cast %parallel_loop3A_850 : i32 to index
      %parallel_loop3A_900 = arith.constant 48 : index
      %parallel_loop3A_901 = tpu.vector_load %arg14[%parallel_loop3A_899, %parallel_loop3A_900] {strides = array<i32>} : memref<100x64xf32, #tpu.memory_space<vmem>>, vector<1x16xf32>,
      %parallel_loop3A_902 = vector.shape_cast %parallel_loop3A_901 : vector<1x16xf32> to vector<16xf32>
      %parallel_loop3A_903 = arith.constant 0 : i32
      %parallel_loop3A_904 = arith.index_cast %parallel_loop3A_903 : i32 to index
      %parallel_loop3A_905 = arith.index_cast %parallel_loop3A_850 : i32 to index
      %parallel_loop3A_906 = arith.constant 48 : index
      %parallel_loop3A_907 = tpu.vector_load %arg18[%parallel_loop3A_904, %parallel_loop3A_905, %parallel_loop3A_906] {strides = array<i32>} : memref<2x100x64xf32, #tpu.memory_space<vmem>>, vector<1x1x16xf32>,
      %parallel_loop3A_908 = vector.shape_cast %parallel_loop3A_907 : vector<1x1x16xf32> to vector<16xf32>
      %parallel_loop3A_909 = arith.addf %parallel_loop3A_902, %parallel_loop3A_908 : vector<16xf32>
      %parallel_loop3A_910 = arith.index_cast %parallel_loop3A_850 : i32 to index
      %parallel_loop3A_911 = arith.constant 48 : index
      %parallel_loop3A_912 = tpu.vector_load %arg14[%parallel_loop3A_910, %parallel_loop3A_911] {strides = array<i32>} : memref<100x64xf32, #tpu.memory_space<vmem>>, vector<1x16xf32>,
      %parallel_loop3A_913 = vector.shape_cast %parallel_loop3A_912 : vector<1x16xf32> to vector<16xf32>
      %parallel_loop3A_914 = vector.shape_cast %parallel_loop3A_909 : vector<16xf32> to vector<1x16xf32>
      tpu.vector_store %arg14[%parallel_loop3A_910, %parallel_loop3A_911], %parallel_loop3A_914 {strides = array<i32>} : memref<100x64xf32, #tpu.memory_space<vmem>>, vector<1x16xf32>,
    } {sc.loop_unroll_factor = 4 : i64, sc.parallel_access}
    %add3A_407 = arith.constant 5 : i32
    %add3A_408 = arith.addi %mul3A_2, %add3A_407 : i32
    %sub3A_409 = arith.constant 1 : i32
    %sub3A_410 = arith.subi %add3A_408, %sub3A_409 : i32
    %jit3A_411 = arith.constant 2 : i32
    %div3A_412 = arith.divsi %sub3A_410, %jit3A_411 : i32
    %sign3A_413 = arith.constant 0 : i32
    %sign3A_414 = arith.cmpi sgt, %sub3A_410, %sign3A_413 : i32
    %sign3A_415 = arith.extui %sign3A_414 : i1 to i32
    %sign3A_416 = arith.constant 0 : i32
    %sign3A_417 = arith.cmpi slt, %sub3A_410, %sign3A_416 : i32
    %sign3A_418 = arith.extui %sign3A_417 : i1 to i32
    %sign3A_419 = arith.subi %sign3A_415, %sign3A_418 : i32
    %sign3A_420 = arith.constant 0 : i32
    %sign3A_421 = arith.cmpi sgt, %jit3A_411, %sign3A_420 : i32
    %sign3A_422 = arith.extui %sign3A_421 : i1 to i32
    %sign3A_423 = arith.constant 0 : i32
    %sign3A_424 = arith.cmpi slt, %jit3A_411, %sign3A_423 : i32
    %sign3A_425 = arith.extui %sign3A_424 : i1 to i32
    %sign3A_426 = arith.subi %sign3A_422, %sign3A_425 : i32
    %ne3A_427 = arith.cmpi ne, %sign3A_419, %sign3A_426 : i32
    %rem3A_428 = arith.remsi %sub3A_410, %jit3A_411 : i32
    %ne3A_429 = arith.constant 0 : i32
    %ne3A_430 = arith.cmpi ne, %rem3A_428, %ne3A_429 : i32
    %and3A_431 = arith.andi %ne3A_427, %ne3A_430 : i1
    %sub3A_432 = arith.constant 1 : i32
    %sub3A_433 = arith.subi %div3A_412, %sub3A_432 : i32
    %select_n3A_434 = arith.select %and3A_431, %sub3A_433, %div3A_412 : i32
    %rem3A_435 = arith.constant 2 : i32
    %rem3A_436 = arith.remsi %sub3A_410, %rem3A_435 : i32
    %mul3A_437 = arith.constant 100 : i32
    %mul3A_438 = arith.muli %rem3A_436, %mul3A_437 : i32
    %dma_start3A_439 = arith.constant 0 : i32
    %dma_start3A_440 = tpu.memref_slice %arg5[%select_n3A_434, %mul3A_438, %dma_start3A_439] : memref<4096x200x128xf32, #tpu.memory_space<hbm>> -> memref<1x100x64xf32, #tpu.memory_space<hbm>>
    %dma_start3A_441 = tpu.memref_squeeze %dma_start3A_440 : memref<1x100x64xf32, #tpu.memory_space<hbm>> -> memref<100x64xf32, #tpu.memory_space<hbm>>
    %dma_start3A_442 = arith.constant 0 : i32
    %dma_start3A_443 = tpu.memref_slice %arg5[%select_n3A_434, %mul3A_438, %dma_start3A_442] : memref<4096x200x128xf32, #tpu.memory_space<hbm>> -> memref<1x100x64xf32, #tpu.memory_space<hbm>>
    %dma_start3A_444 = tpu.memref_squeeze %dma_start3A_443 : memref<1x100x64xf32, #tpu.memory_space<hbm>> -> memref<100x64xf32, #tpu.memory_space<hbm>>
    tpu.enqueue_dma source(%arg14 : memref<100x64xf32, #tpu.memory_space<vmem>>) target(%dma_start3A_444 : memref<100x64xf32, #tpu.memory_space<hbm>>) target_semaphore(%arg31 : memref<!tpu.dma_semaphore, #tpu.memory_space<semaphore_mem>>)
    %dma_wait3A_445 = arith.constant 0 : i32
    %dma_wait3A_446 = tpu.memref_slice %arg2[%mul3A_2, %dma_wait3A_445] : memref<8192x100xi32, #tpu.memory_space<hbm>> -> memref<1x100xi32, #tpu.memory_space<hbm>>
    %dma_wait3A_447 = tpu.memref_squeeze %dma_wait3A_446 : memref<1x100xi32, #tpu.memory_space<hbm>> -> memref<100xi32, #tpu.memory_space<hbm>>
    %dma_wait3A_448 = arith.constant 0 : i32
    %dma_wait3A_449 = tpu.memref_slice %arg2[%mul3A_2, %dma_wait3A_448] : memref<8192x100xi32, #tpu.memory_space<hbm>> -> memref<1x100xi32, #tpu.memory_space<hbm>>
    %dma_wait3A_450 = tpu.memref_squeeze %dma_wait3A_449 : memref<1x100xi32, #tpu.memory_space<hbm>> -> memref<100xi32, #tpu.memory_space<hbm>>
    tpu.wait_dma2 semaphore(%arg25 : memref<!tpu.dma_semaphore, #tpu.memory_space<semaphore_mem>>) src(%dma_wait3A_450 : memref<100xi32, #tpu.memory_space<hbm>>) dst(%arg12 : memref<100xi32, #tpu.memory_space<vmem>>)
    %jit3A_451 = arith.constant 2 : i32
    %div3A_452 = arith.divsi %mul3A_2, %jit3A_451 : i32
    %sign3A_453 = arith.constant 0 : i32
    %sign3A_454 = arith.cmpi sgt, %mul3A_2, %sign3A_453 : i32
    %sign3A_455 = arith.extui %sign3A_454 : i1 to i32
    %sign3A_456 = arith.constant 0 : i32
    %sign3A_457 = arith.cmpi slt, %mul3A_2, %sign3A_456 : i32
    %sign3A_458 = arith.extui %sign3A_457 : i1 to i32
    %sign3A_459 = arith.subi %sign3A_455, %sign3A_458 : i32
    %sign3A_460 = arith.constant 0 : i32
    %sign3A_461 = arith.cmpi sgt, %jit3A_451, %sign3A_460 : i32
    %sign3A_462 = arith.extui %sign3A_461 : i1 to i32
    %sign3A_463 = arith.constant 0 : i32
    %sign3A_464 = arith.cmpi slt, %jit3A_451, %sign3A_463 : i32
    %sign3A_465 = arith.extui %sign3A_464 : i1 to i32
    %sign3A_466 = arith.subi %sign3A_462, %sign3A_465 : i32
    %ne3A_467 = arith.cmpi ne, %sign3A_459, %sign3A_466 : i32
    %rem3A_468 = arith.remsi %mul3A_2, %jit3A_451 : i32
    %ne3A_469 = arith.constant 0 : i32
    %ne3A_470 = arith.cmpi ne, %rem3A_468, %ne3A_469 : i32
    %and3A_471 = arith.andi %ne3A_467, %ne3A_470 : i1
    %sub3A_472 = arith.constant 1 : i32
    %sub3A_473 = arith.subi %div3A_452, %sub3A_472 : i32
    %select_n3A_474 = arith.select %and3A_471, %sub3A_473, %div3A_452 : i32
    %rem3A_475 = arith.constant 2 : i32
    %rem3A_476 = arith.remsi %mul3A_2, %rem3A_475 : i32
    %mul3A_477 = arith.constant 100 : i32
    %mul3A_478 = arith.muli %rem3A_476, %mul3A_477 : i32
    %dma_wait3A_479 = arith.constant 0 : i32
    %dma_wait3A_480 = tpu.memref_slice %arg5[%select_n3A_474, %mul3A_478, %dma_wait3A_479] : memref<4096x200x128xf32, #tpu.memory_space<hbm>> -> memref<1x100x64xf32, #tpu.memory_space<hbm>>
    %dma_wait3A_481 = tpu.memref_squeeze %dma_wait3A_480 : memref<1x100x64xf32, #tpu.memory_space<hbm>> -> memref<100x64xf32, #tpu.memory_space<hbm>>
    %dma_wait3A_482 = arith.constant 0 : i32
    %dma_wait3A_483 = tpu.memref_slice %arg5[%select_n3A_474, %mul3A_478, %dma_wait3A_482] : memref<4096x200x128xf32, #tpu.memory_space<hbm>> -> memref<1x100x64xf32, #tpu.memory_space<hbm>>
    %dma_wait3A_484 = tpu.memref_squeeze %dma_wait3A_483 : memref<1x100x64xf32, #tpu.memory_space<hbm>> -> memref<100x64xf32, #tpu.memory_space<hbm>>
    tpu.wait_dma2 semaphore(%arg33 : memref<!tpu.dma_semaphore, #tpu.memory_space<semaphore_mem>>) src(%arg16 : memref<100x64xf32, #tpu.memory_space<vmem>>) dst(%dma_wait3A_484 : memref<100x64xf32, #tpu.memory_space<hbm>>)
    %dma_start3A_485 = arith.constant 0 : i32
    %dma_start3A_486 = arith.constant 0 : i32
    %dma_start3A_487 = tpu.memref_slice %arg3[%dma_start3A_485, %dma_start3A_486] : memref<2000000x64xf32, #tpu.memory_space<hbm>> -> memref<2000000x64xf32, #tpu.memory_space<hbm>>
    tpu.enqueue_indirect_dma source(%dma_start3A_487 : memref<2000000x64xf32, #tpu.memory_space<hbm>>) target(%arg16 : memref<100x64xf32, #tpu.memory_space<vmem>>) offsets(%arg12 : memref<100xi32, #tpu.memory_space<vmem>>) semaphore(%arg29 : memref<!tpu.dma_semaphore, #tpu.memory_space<semaphore_mem>>)
    %add3A_488 = arith.constant 6 : i32
    %add3A_489 = arith.addi %mul3A_2, %add3A_488 : i32
    %add3A_490 = arith.constant 4 : i32
    %add3A_491 = arith.addi %add3A_489, %add3A_490 : i32
    %min3A_492 = arith.constant 8191 : i32
    %min3A_493 = arith.minsi %add3A_491, %min3A_492 : i32
    %dma_start3A_494 = arith.constant 0 : i32
    %dma_start3A_495 = tpu.memref_slice %arg2[%min3A_493, %dma_start3A_494] : memref<8192x100xi32, #tpu.memory_space<hbm>> -> memref<1x100xi32, #tpu.memory_space<hbm>>
    %dma_start3A_496 = tpu.memref_squeeze %dma_start3A_495 : memref<1x100xi32, #tpu.memory_space<hbm>> -> memref<100xi32, #tpu.memory_space<hbm>>
    %dma_start3A_497 = arith.constant 0 : i32
    %dma_start3A_498 = tpu.memref_slice %arg2[%min3A_493, %dma_start3A_497] : memref<8192x100xi32, #tpu.memory_space<hbm>> -> memref<1x100xi32, #tpu.memory_space<hbm>>
    %dma_start3A_499 = tpu.memref_squeeze %dma_start3A_498 : memref<1x100xi32, #tpu.memory_space<hbm>> -> memref<100xi32, #tpu.memory_space<hbm>>
    tpu.enqueue_dma source(%dma_start3A_499 : memref<100xi32, #tpu.memory_space<hbm>>) target(%arg8 : memref<100xi32, #tpu.memory_space<vmem>>) target_semaphore(%arg21 : memref<!tpu.dma_semaphore, #tpu.memory_space<semaphore_mem>>)
    %dma_wait3A_500 = arith.constant 0 : i32
    %dma_wait3A_501 = arith.constant 0 : i32
    %dma_wait3A_502 = tpu.memref_slice %arg3[%dma_wait3A_500, %dma_wait3A_501] : memref<2000000x64xf32, #tpu.memory_space<hbm>> -> memref<2000000x64xf32, #tpu.memory_space<hbm>>
    tpu.wait_indirect_dma semaphore(%arg28 : memref<!tpu.dma_semaphore, #tpu.memory_space<semaphore_mem>>) src(%dma_wait3A_502 : memref<2000000x64xf32, #tpu.memory_space<hbm>>) dst(%arg15 : memref<100x64xf32, #tpu.memory_space<vmem>>)
    %parallel_loop3A_503 = arith.constant 0 : i32
    %parallel_loop3A_504 = arith.constant 100 : i32
    %parallel_loop3A_505 = arith.constant 1 : i32
    scf.for %parallel_loop3A_850 = %parallel_loop3A_503 to %parallel_loop3A_504 step %parallel_loop3A_505  : i32 {
      %parallel_loop3A_851 = arith.index_cast %parallel_loop3A_850 : i32 to index
      %parallel_loop3A_852 = arith.constant 0 : index
      %parallel_loop3A_853 = tpu.vector_load %arg15[%parallel_loop3A_851, %parallel_loop3A_852] {strides = array<i32>} : memref<100x64xf32, #tpu.memory_space<vmem>>, vector<1x16xf32>,
      %parallel_loop3A_854 = vector.shape_cast %parallel_loop3A_853 : vector<1x16xf32> to vector<16xf32>
      %parallel_loop3A_855 = arith.constant 1 : i32
      %parallel_loop3A_856 = arith.index_cast %parallel_loop3A_855 : i32 to index
      %parallel_loop3A_857 = arith.index_cast %parallel_loop3A_850 : i32 to index
      %parallel_loop3A_858 = arith.constant 0 : index
      %parallel_loop3A_859 = tpu.vector_load %arg18[%parallel_loop3A_856, %parallel_loop3A_857, %parallel_loop3A_858] {strides = array<i32>} : memref<2x100x64xf32, #tpu.memory_space<vmem>>, vector<1x1x16xf32>,
      %parallel_loop3A_860 = vector.shape_cast %parallel_loop3A_859 : vector<1x1x16xf32> to vector<16xf32>
      %parallel_loop3A_861 = arith.addf %parallel_loop3A_854, %parallel_loop3A_860 : vector<16xf32>
      %parallel_loop3A_862 = arith.index_cast %parallel_loop3A_850 : i32 to index
      %parallel_loop3A_863 = arith.constant 0 : index
      %parallel_loop3A_864 = tpu.vector_load %arg15[%parallel_loop3A_862, %parallel_loop3A_863] {strides = array<i32>} : memref<100x64xf32, #tpu.memory_space<vmem>>, vector<1x16xf32>,
      %parallel_loop3A_865 = vector.shape_cast %parallel_loop3A_864 : vector<1x16xf32> to vector<16xf32>
      %parallel_loop3A_866 = vector.shape_cast %parallel_loop3A_861 : vector<16xf32> to vector<1x16xf32>
      tpu.vector_store %arg15[%parallel_loop3A_862, %parallel_loop3A_863], %parallel_loop3A_866 {strides = array<i32>} : memref<100x64xf32, #tpu.memory_space<vmem>>, vector<1x16xf32>,
      %parallel_loop3A_867 = arith.index_cast %parallel_loop3A_850 : i32 to index
      %parallel_loop3A_868 = arith.constant 16 : index
      %parallel_loop3A_869 = tpu.vector_load %arg15[%parallel_loop3A_867, %parallel_loop3A_868] {strides = array<i32>} : memref<100x64xf32, #tpu.memory_space<vmem>>, vector<1x16xf32>,
      %parallel_loop3A_870 = vector.shape_cast %parallel_loop3A_869 : vector<1x16xf32> to vector<16xf32>
      %parallel_loop3A_871 = arith.constant 1 : i32
      %parallel_loop3A_872 = arith.index_cast %parallel_loop3A_871 : i32 to index
      %parallel_loop3A_873 = arith.index_cast %parallel_loop3A_850 : i32 to index
      %parallel_loop3A_874 = arith.constant 16 : index
      %parallel_loop3A_875 = tpu.vector_load %arg18[%parallel_loop3A_872, %parallel_loop3A_873, %parallel_loop3A_874] {strides = array<i32>} : memref<2x100x64xf32, #tpu.memory_space<vmem>>, vector<1x1x16xf32>,
      %parallel_loop3A_876 = vector.shape_cast %parallel_loop3A_875 : vector<1x1x16xf32> to vector<16xf32>
      %parallel_loop3A_877 = arith.addf %parallel_loop3A_870, %parallel_loop3A_876 : vector<16xf32>
      %parallel_loop3A_878 = arith.index_cast %parallel_loop3A_850 : i32 to index
      %parallel_loop3A_879 = arith.constant 16 : index
      %parallel_loop3A_880 = tpu.vector_load %arg15[%parallel_loop3A_878, %parallel_loop3A_879] {strides = array<i32>} : memref<100x64xf32, #tpu.memory_space<vmem>>, vector<1x16xf32>,
      %parallel_loop3A_881 = vector.shape_cast %parallel_loop3A_880 : vector<1x16xf32> to vector<16xf32>
      %parallel_loop3A_882 = vector.shape_cast %parallel_loop3A_877 : vector<16xf32> to vector<1x16xf32>
      tpu.vector_store %arg15[%parallel_loop3A_878, %parallel_loop3A_879], %parallel_loop3A_882 {strides = array<i32>} : memref<100x64xf32, #tpu.memory_space<vmem>>, vector<1x16xf32>,
      %parallel_loop3A_883 = arith.index_cast %parallel_loop3A_850 : i32 to index
      %parallel_loop3A_884 = arith.constant 32 : index
      %parallel_loop3A_885 = tpu.vector_load %arg15[%parallel_loop3A_883, %parallel_loop3A_884] {strides = array<i32>} : memref<100x64xf32, #tpu.memory_space<vmem>>, vector<1x16xf32>,
      %parallel_loop3A_886 = vector.shape_cast %parallel_loop3A_885 : vector<1x16xf32> to vector<16xf32>
      %parallel_loop3A_887 = arith.constant 1 : i32
      %parallel_loop3A_888 = arith.index_cast %parallel_loop3A_887 : i32 to index
      %parallel_loop3A_889 = arith.index_cast %parallel_loop3A_850 : i32 to index
      %parallel_loop3A_890 = arith.constant 32 : index
      %parallel_loop3A_891 = tpu.vector_load %arg18[%parallel_loop3A_888, %parallel_loop3A_889, %parallel_loop3A_890] {strides = array<i32>} : memref<2x100x64xf32, #tpu.memory_space<vmem>>, vector<1x1x16xf32>,
      %parallel_loop3A_892 = vector.shape_cast %parallel_loop3A_891 : vector<1x1x16xf32> to vector<16xf32>
      %parallel_loop3A_893 = arith.addf %parallel_loop3A_886, %parallel_loop3A_892 : vector<16xf32>
      %parallel_loop3A_894 = arith.index_cast %parallel_loop3A_850 : i32 to index
      %parallel_loop3A_895 = arith.constant 32 : index
      %parallel_loop3A_896 = tpu.vector_load %arg15[%parallel_loop3A_894, %parallel_loop3A_895] {strides = array<i32>} : memref<100x64xf32, #tpu.memory_space<vmem>>, vector<1x16xf32>,
      %parallel_loop3A_897 = vector.shape_cast %parallel_loop3A_896 : vector<1x16xf32> to vector<16xf32>
      %parallel_loop3A_898 = vector.shape_cast %parallel_loop3A_893 : vector<16xf32> to vector<1x16xf32>
      tpu.vector_store %arg15[%parallel_loop3A_894, %parallel_loop3A_895], %parallel_loop3A_898 {strides = array<i32>} : memref<100x64xf32, #tpu.memory_space<vmem>>, vector<1x16xf32>,
      %parallel_loop3A_899 = arith.index_cast %parallel_loop3A_850 : i32 to index
      %parallel_loop3A_900 = arith.constant 48 : index
      %parallel_loop3A_901 = tpu.vector_load %arg15[%parallel_loop3A_899, %parallel_loop3A_900] {strides = array<i32>} : memref<100x64xf32, #tpu.memory_space<vmem>>, vector<1x16xf32>,
      %parallel_loop3A_902 = vector.shape_cast %parallel_loop3A_901 : vector<1x16xf32> to vector<16xf32>
      %parallel_loop3A_903 = arith.constant 1 : i32
      %parallel_loop3A_904 = arith.index_cast %parallel_loop3A_903 : i32 to index
      %parallel_loop3A_905 = arith.index_cast %parallel_loop3A_850 : i32 to index
      %parallel_loop3A_906 = arith.constant 48 : index
      %parallel_loop3A_907 = tpu.vector_load %arg18[%parallel_loop3A_904, %parallel_loop3A_905, %parallel_loop3A_906] {strides = array<i32>} : memref<2x100x64xf32, #tpu.memory_space<vmem>>, vector<1x1x16xf32>,
      %parallel_loop3A_908 = vector.shape_cast %parallel_loop3A_907 : vector<1x1x16xf32> to vector<16xf32>
      %parallel_loop3A_909 = arith.addf %parallel_loop3A_902, %parallel_loop3A_908 : vector<16xf32>
      %parallel_loop3A_910 = arith.index_cast %parallel_loop3A_850 : i32 to index
      %parallel_loop3A_911 = arith.constant 48 : index
      %parallel_loop3A_912 = tpu.vector_load %arg15[%parallel_loop3A_910, %parallel_loop3A_911] {strides = array<i32>} : memref<100x64xf32, #tpu.memory_space<vmem>>, vector<1x16xf32>,
      %parallel_loop3A_913 = vector.shape_cast %parallel_loop3A_912 : vector<1x16xf32> to vector<16xf32>
      %parallel_loop3A_914 = vector.shape_cast %parallel_loop3A_909 : vector<16xf32> to vector<1x16xf32>
      tpu.vector_store %arg15[%parallel_loop3A_910, %parallel_loop3A_911], %parallel_loop3A_914 {strides = array<i32>} : memref<100x64xf32, #tpu.memory_space<vmem>>, vector<1x16xf32>,
    } {sc.loop_unroll_factor = 4 : i64, sc.parallel_access}
    %add3A_506 = arith.constant 6 : i32
    %add3A_507 = arith.addi %mul3A_2, %add3A_506 : i32
    %sub3A_508 = arith.constant 1 : i32
    %sub3A_509 = arith.subi %add3A_507, %sub3A_508 : i32
    %jit3A_510 = arith.constant 2 : i32
    %div3A_511 = arith.divsi %sub3A_509, %jit3A_510 : i32
    %sign3A_512 = arith.constant 0 : i32
    %sign3A_513 = arith.cmpi sgt, %sub3A_509, %sign3A_512 : i32
    %sign3A_514 = arith.extui %sign3A_513 : i1 to i32
    %sign3A_515 = arith.constant 0 : i32
    %sign3A_516 = arith.cmpi slt, %sub3A_509, %sign3A_515 : i32
    %sign3A_517 = arith.extui %sign3A_516 : i1 to i32
    %sign3A_518 = arith.subi %sign3A_514, %sign3A_517 : i32
    %sign3A_519 = arith.constant 0 : i32
    %sign3A_520 = arith.cmpi sgt, %jit3A_510, %sign3A_519 : i32
    %sign3A_521 = arith.extui %sign3A_520 : i1 to i32
    %sign3A_522 = arith.constant 0 : i32
    %sign3A_523 = arith.cmpi slt, %jit3A_510, %sign3A_522 : i32
    %sign3A_524 = arith.extui %sign3A_523 : i1 to i32
    %sign3A_525 = arith.subi %sign3A_521, %sign3A_524 : i32
    %ne3A_526 = arith.cmpi ne, %sign3A_518, %sign3A_525 : i32
    %rem3A_527 = arith.remsi %sub3A_509, %jit3A_510 : i32
    %ne3A_528 = arith.constant 0 : i32
    %ne3A_529 = arith.cmpi ne, %rem3A_527, %ne3A_528 : i32
    %and3A_530 = arith.andi %ne3A_526, %ne3A_529 : i1
    %sub3A_531 = arith.constant 1 : i32
    %sub3A_532 = arith.subi %div3A_511, %sub3A_531 : i32
    %select_n3A_533 = arith.select %and3A_530, %sub3A_532, %div3A_511 : i32
    %rem3A_534 = arith.constant 2 : i32
    %rem3A_535 = arith.remsi %sub3A_509, %rem3A_534 : i32
    %mul3A_536 = arith.constant 100 : i32
    %mul3A_537 = arith.muli %rem3A_535, %mul3A_536 : i32
    %dma_start3A_538 = arith.constant 0 : i32
    %dma_start3A_539 = tpu.memref_slice %arg5[%select_n3A_533, %mul3A_537, %dma_start3A_538] : memref<4096x200x128xf32, #tpu.memory_space<hbm>> -> memref<1x100x64xf32, #tpu.memory_space<hbm>>
    %dma_start3A_540 = tpu.memref_squeeze %dma_start3A_539 : memref<1x100x64xf32, #tpu.memory_space<hbm>> -> memref<100x64xf32, #tpu.memory_space<hbm>>
    %dma_start3A_541 = arith.constant 0 : i32
    %dma_start3A_542 = tpu.memref_slice %arg5[%select_n3A_533, %mul3A_537, %dma_start3A_541] : memref<4096x200x128xf32, #tpu.memory_space<hbm>> -> memref<1x100x64xf32, #tpu.memory_space<hbm>>
    %dma_start3A_543 = tpu.memref_squeeze %dma_start3A_542 : memref<1x100x64xf32, #tpu.memory_space<hbm>> -> memref<100x64xf32, #tpu.memory_space<hbm>>
    tpu.enqueue_dma source(%arg15 : memref<100x64xf32, #tpu.memory_space<vmem>>) target(%dma_start3A_543 : memref<100x64xf32, #tpu.memory_space<hbm>>) target_semaphore(%arg32 : memref<!tpu.dma_semaphore, #tpu.memory_space<semaphore_mem>>)
    %dma_wait3A_544 = arith.constant 0 : i32
    %dma_wait3A_545 = tpu.memref_slice %arg2[%mul3A_2, %dma_wait3A_544] : memref<8192x100xi32, #tpu.memory_space<hbm>> -> memref<1x100xi32, #tpu.memory_space<hbm>>
    %dma_wait3A_546 = tpu.memref_squeeze %dma_wait3A_545 : memref<1x100xi32, #tpu.memory_space<hbm>> -> memref<100xi32, #tpu.memory_space<hbm>>
    %dma_wait3A_547 = arith.constant 0 : i32
    %dma_wait3A_548 = tpu.memref_slice %arg2[%mul3A_2, %dma_wait3A_547] : memref<8192x100xi32, #tpu.memory_space<hbm>> -> memref<1x100xi32, #tpu.memory_space<hbm>>
    %dma_wait3A_549 = tpu.memref_squeeze %dma_wait3A_548 : memref<1x100xi32, #tpu.memory_space<hbm>> -> memref<100xi32, #tpu.memory_space<hbm>>
    tpu.wait_dma2 semaphore(%arg26 : memref<!tpu.dma_semaphore, #tpu.memory_space<semaphore_mem>>) src(%dma_wait3A_549 : memref<100xi32, #tpu.memory_space<hbm>>) dst(%arg13 : memref<100xi32, #tpu.memory_space<vmem>>)
    %jit3A_550 = arith.constant 2 : i32
    %div3A_551 = arith.divsi %mul3A_2, %jit3A_550 : i32
    %sign3A_552 = arith.constant 0 : i32
    %sign3A_553 = arith.cmpi sgt, %mul3A_2, %sign3A_552 : i32
    %sign3A_554 = arith.extui %sign3A_553 : i1 to i32
    %sign3A_555 = arith.constant 0 : i32
    %sign3A_556 = arith.cmpi slt, %mul3A_2, %sign3A_555 : i32
    %sign3A_557 = arith.extui %sign3A_556 : i1 to i32
    %sign3A_558 = arith.subi %sign3A_554, %sign3A_557 : i32
    %sign3A_559 = arith.constant 0 : i32
    %sign3A_560 = arith.cmpi sgt, %jit3A_550, %sign3A_559 : i32
    %sign3A_561 = arith.extui %sign3A_560 : i1 to i32
    %sign3A_562 = arith.constant 0 : i32
    %sign3A_563 = arith.cmpi slt, %jit3A_550, %sign3A_562 : i32
    %sign3A_564 = arith.extui %sign3A_563 : i1 to i32
    %sign3A_565 = arith.subi %sign3A_561, %sign3A_564 : i32
    %ne3A_566 = arith.cmpi ne, %sign3A_558, %sign3A_565 : i32
    %rem3A_567 = arith.remsi %mul3A_2, %jit3A_550 : i32
    %ne3A_568 = arith.constant 0 : i32
    %ne3A_569 = arith.cmpi ne, %rem3A_567, %ne3A_568 : i32
    %and3A_570 = arith.andi %ne3A_566, %ne3A_569 : i1
    %sub3A_571 = arith.constant 1 : i32
    %sub3A_572 = arith.subi %div3A_551, %sub3A_571 : i32
    %select_n3A_573 = arith.select %and3A_570, %sub3A_572, %div3A_551 : i32
    %rem3A_574 = arith.constant 2 : i32
    %rem3A_575 = arith.remsi %mul3A_2, %rem3A_574 : i32
    %mul3A_576 = arith.constant 100 : i32
    %mul3A_577 = arith.muli %rem3A_575, %mul3A_576 : i32
    %dma_wait3A_578 = arith.constant 0 : i32
    %dma_wait3A_579 = tpu.memref_slice %arg5[%select_n3A_573, %mul3A_577, %dma_wait3A_578] : memref<4096x200x128xf32, #tpu.memory_space<hbm>> -> memref<1x100x64xf32, #tpu.memory_space<hbm>>
    %dma_wait3A_580 = tpu.memref_squeeze %dma_wait3A_579 : memref<1x100x64xf32, #tpu.memory_space<hbm>> -> memref<100x64xf32, #tpu.memory_space<hbm>>
    %dma_wait3A_581 = arith.constant 0 : i32
    %dma_wait3A_582 = tpu.memref_slice %arg5[%select_n3A_573, %mul3A_577, %dma_wait3A_581] : memref<4096x200x128xf32, #tpu.memory_space<hbm>> -> memref<1x100x64xf32, #tpu.memory_space<hbm>>
    %dma_wait3A_583 = tpu.memref_squeeze %dma_wait3A_582 : memref<1x100x64xf32, #tpu.memory_space<hbm>> -> memref<100x64xf32, #tpu.memory_space<hbm>>
    tpu.wait_dma2 semaphore(%arg34 : memref<!tpu.dma_semaphore, #tpu.memory_space<semaphore_mem>>) src(%arg17 : memref<100x64xf32, #tpu.memory_space<vmem>>) dst(%dma_wait3A_583 : memref<100x64xf32, #tpu.memory_space<hbm>>)
    %dma_start3A_584 = arith.constant 0 : i32
    %dma_start3A_585 = arith.constant 0 : i32
    %dma_start3A_586 = tpu.memref_slice %arg3[%dma_start3A_584, %dma_start3A_585] : memref<2000000x64xf32, #tpu.memory_space<hbm>> -> memref<2000000x64xf32, #tpu.memory_space<hbm>>
    tpu.enqueue_indirect_dma source(%dma_start3A_586 : memref<2000000x64xf32, #tpu.memory_space<hbm>>) target(%arg17 : memref<100x64xf32, #tpu.memory_space<vmem>>) offsets(%arg13 : memref<100xi32, #tpu.memory_space<vmem>>) semaphore(%arg30 : memref<!tpu.dma_semaphore, #tpu.memory_space<semaphore_mem>>)
    %add3A_587 = arith.constant 7 : i32
    %add3A_588 = arith.addi %mul3A_2, %add3A_587 : i32
    %add3A_589 = arith.constant 4 : i32
    %add3A_590 = arith.addi %add3A_588, %add3A_589 : i32
    %min3A_591 = arith.constant 8191 : i32
    %min3A_592 = arith.minsi %add3A_590, %min3A_591 : i32
    %dma_start3A_593 = arith.constant 0 : i32
    %dma_start3A_594 = tpu.memref_slice %arg2[%min3A_592, %dma_start3A_593] : memref<8192x100xi32, #tpu.memory_space<hbm>> -> memref<1x100xi32, #tpu.memory_space<hbm>>
    %dma_start3A_595 = tpu.memref_squeeze %dma_start3A_594 : memref<1x100xi32, #tpu.memory_space<hbm>> -> memref<100xi32, #tpu.memory_space<hbm>>
    %dma_start3A_596 = arith.constant 0 : i32
    %dma_start3A_597 = tpu.memref_slice %arg2[%min3A_592, %dma_start3A_596] : memref<8192x100xi32, #tpu.memory_space<hbm>> -> memref<1x100xi32, #tpu.memory_space<hbm>>
    %dma_start3A_598 = tpu.memref_squeeze %dma_start3A_597 : memref<1x100xi32, #tpu.memory_space<hbm>> -> memref<100xi32, #tpu.memory_space<hbm>>
    tpu.enqueue_dma source(%dma_start3A_598 : memref<100xi32, #tpu.memory_space<hbm>>) target(%arg9 : memref<100xi32, #tpu.memory_space<vmem>>) target_semaphore(%arg22 : memref<!tpu.dma_semaphore, #tpu.memory_space<semaphore_mem>>)
    %dma_wait3A_599 = arith.constant 0 : i32
    %dma_wait3A_600 = arith.constant 0 : i32
    %dma_wait3A_601 = tpu.memref_slice %arg3[%dma_wait3A_599, %dma_wait3A_600] : memref<2000000x64xf32, #tpu.memory_space<hbm>> -> memref<2000000x64xf32, #tpu.memory_space<hbm>>
    tpu.wait_indirect_dma semaphore(%arg29 : memref<!tpu.dma_semaphore, #tpu.memory_space<semaphore_mem>>) src(%dma_wait3A_601 : memref<2000000x64xf32, #tpu.memory_space<hbm>>) dst(%arg16 : memref<100x64xf32, #tpu.memory_space<vmem>>)
    %parallel_loop3A_602 = arith.constant 0 : i32
    %parallel_loop3A_603 = arith.constant 100 : i32
    %parallel_loop3A_604 = arith.constant 1 : i32
    scf.for %parallel_loop3A_850 = %parallel_loop3A_602 to %parallel_loop3A_603 step %parallel_loop3A_604  : i32 {
      %parallel_loop3A_851 = arith.index_cast %parallel_loop3A_850 : i32 to index
      %parallel_loop3A_852 = arith.constant 0 : index
      %parallel_loop3A_853 = tpu.vector_load %arg16[%parallel_loop3A_851, %parallel_loop3A_852] {strides = array<i32>} : memref<100x64xf32, #tpu.memory_space<vmem>>, vector<1x16xf32>,
      %parallel_loop3A_854 = vector.shape_cast %parallel_loop3A_853 : vector<1x16xf32> to vector<16xf32>
      %parallel_loop3A_855 = arith.constant 0 : i32
      %parallel_loop3A_856 = arith.index_cast %parallel_loop3A_855 : i32 to index
      %parallel_loop3A_857 = arith.index_cast %parallel_loop3A_850 : i32 to index
      %parallel_loop3A_858 = arith.constant 0 : index
      %parallel_loop3A_859 = tpu.vector_load %arg18[%parallel_loop3A_856, %parallel_loop3A_857, %parallel_loop3A_858] {strides = array<i32>} : memref<2x100x64xf32, #tpu.memory_space<vmem>>, vector<1x1x16xf32>,
      %parallel_loop3A_860 = vector.shape_cast %parallel_loop3A_859 : vector<1x1x16xf32> to vector<16xf32>
      %parallel_loop3A_861 = arith.addf %parallel_loop3A_854, %parallel_loop3A_860 : vector<16xf32>
      %parallel_loop3A_862 = arith.index_cast %parallel_loop3A_850 : i32 to index
      %parallel_loop3A_863 = arith.constant 0 : index
      %parallel_loop3A_864 = tpu.vector_load %arg16[%parallel_loop3A_862, %parallel_loop3A_863] {strides = array<i32>} : memref<100x64xf32, #tpu.memory_space<vmem>>, vector<1x16xf32>,
      %parallel_loop3A_865 = vector.shape_cast %parallel_loop3A_864 : vector<1x16xf32> to vector<16xf32>
      %parallel_loop3A_866 = vector.shape_cast %parallel_loop3A_861 : vector<16xf32> to vector<1x16xf32>
      tpu.vector_store %arg16[%parallel_loop3A_862, %parallel_loop3A_863], %parallel_loop3A_866 {strides = array<i32>} : memref<100x64xf32, #tpu.memory_space<vmem>>, vector<1x16xf32>,
      %parallel_loop3A_867 = arith.index_cast %parallel_loop3A_850 : i32 to index
      %parallel_loop3A_868 = arith.constant 16 : index
      %parallel_loop3A_869 = tpu.vector_load %arg16[%parallel_loop3A_867, %parallel_loop3A_868] {strides = array<i32>} : memref<100x64xf32, #tpu.memory_space<vmem>>, vector<1x16xf32>,
      %parallel_loop3A_870 = vector.shape_cast %parallel_loop3A_869 : vector<1x16xf32> to vector<16xf32>
      %parallel_loop3A_871 = arith.constant 0 : i32
      %parallel_loop3A_872 = arith.index_cast %parallel_loop3A_871 : i32 to index
      %parallel_loop3A_873 = arith.index_cast %parallel_loop3A_850 : i32 to index
      %parallel_loop3A_874 = arith.constant 16 : index
      %parallel_loop3A_875 = tpu.vector_load %arg18[%parallel_loop3A_872, %parallel_loop3A_873, %parallel_loop3A_874] {strides = array<i32>} : memref<2x100x64xf32, #tpu.memory_space<vmem>>, vector<1x1x16xf32>,
      %parallel_loop3A_876 = vector.shape_cast %parallel_loop3A_875 : vector<1x1x16xf32> to vector<16xf32>
      %parallel_loop3A_877 = arith.addf %parallel_loop3A_870, %parallel_loop3A_876 : vector<16xf32>
      %parallel_loop3A_878 = arith.index_cast %parallel_loop3A_850 : i32 to index
      %parallel_loop3A_879 = arith.constant 16 : index
      %parallel_loop3A_880 = tpu.vector_load %arg16[%parallel_loop3A_878, %parallel_loop3A_879] {strides = array<i32>} : memref<100x64xf32, #tpu.memory_space<vmem>>, vector<1x16xf32>,
      %parallel_loop3A_881 = vector.shape_cast %parallel_loop3A_880 : vector<1x16xf32> to vector<16xf32>
      %parallel_loop3A_882 = vector.shape_cast %parallel_loop3A_877 : vector<16xf32> to vector<1x16xf32>
      tpu.vector_store %arg16[%parallel_loop3A_878, %parallel_loop3A_879], %parallel_loop3A_882 {strides = array<i32>} : memref<100x64xf32, #tpu.memory_space<vmem>>, vector<1x16xf32>,
      %parallel_loop3A_883 = arith.index_cast %parallel_loop3A_850 : i32 to index
      %parallel_loop3A_884 = arith.constant 32 : index
      %parallel_loop3A_885 = tpu.vector_load %arg16[%parallel_loop3A_883, %parallel_loop3A_884] {strides = array<i32>} : memref<100x64xf32, #tpu.memory_space<vmem>>, vector<1x16xf32>,
      %parallel_loop3A_886 = vector.shape_cast %parallel_loop3A_885 : vector<1x16xf32> to vector<16xf32>
      %parallel_loop3A_887 = arith.constant 0 : i32
      %parallel_loop3A_888 = arith.index_cast %parallel_loop3A_887 : i32 to index
      %parallel_loop3A_889 = arith.index_cast %parallel_loop3A_850 : i32 to index
      %parallel_loop3A_890 = arith.constant 32 : index
      %parallel_loop3A_891 = tpu.vector_load %arg18[%parallel_loop3A_888, %parallel_loop3A_889, %parallel_loop3A_890] {strides = array<i32>} : memref<2x100x64xf32, #tpu.memory_space<vmem>>, vector<1x1x16xf32>,
      %parallel_loop3A_892 = vector.shape_cast %parallel_loop3A_891 : vector<1x1x16xf32> to vector<16xf32>
      %parallel_loop3A_893 = arith.addf %parallel_loop3A_886, %parallel_loop3A_892 : vector<16xf32>
      %parallel_loop3A_894 = arith.index_cast %parallel_loop3A_850 : i32 to index
      %parallel_loop3A_895 = arith.constant 32 : index
      %parallel_loop3A_896 = tpu.vector_load %arg16[%parallel_loop3A_894, %parallel_loop3A_895] {strides = array<i32>} : memref<100x64xf32, #tpu.memory_space<vmem>>, vector<1x16xf32>,
      %parallel_loop3A_897 = vector.shape_cast %parallel_loop3A_896 : vector<1x16xf32> to vector<16xf32>
      %parallel_loop3A_898 = vector.shape_cast %parallel_loop3A_893 : vector<16xf32> to vector<1x16xf32>
      tpu.vector_store %arg16[%parallel_loop3A_894, %parallel_loop3A_895], %parallel_loop3A_898 {strides = array<i32>} : memref<100x64xf32, #tpu.memory_space<vmem>>, vector<1x16xf32>,
      %parallel_loop3A_899 = arith.index_cast %parallel_loop3A_850 : i32 to index
      %parallel_loop3A_900 = arith.constant 48 : index
      %parallel_loop3A_901 = tpu.vector_load %arg16[%parallel_loop3A_899, %parallel_loop3A_900] {strides = array<i32>} : memref<100x64xf32, #tpu.memory_space<vmem>>, vector<1x16xf32>,
      %parallel_loop3A_902 = vector.shape_cast %parallel_loop3A_901 : vector<1x16xf32> to vector<16xf32>
      %parallel_loop3A_903 = arith.constant 0 : i32
      %parallel_loop3A_904 = arith.index_cast %parallel_loop3A_903 : i32 to index
      %parallel_loop3A_905 = arith.index_cast %parallel_loop3A_850 : i32 to index
      %parallel_loop3A_906 = arith.constant 48 : index
      %parallel_loop3A_907 = tpu.vector_load %arg18[%parallel_loop3A_904, %parallel_loop3A_905, %parallel_loop3A_906] {strides = array<i32>} : memref<2x100x64xf32, #tpu.memory_space<vmem>>, vector<1x1x16xf32>,
      %parallel_loop3A_908 = vector.shape_cast %parallel_loop3A_907 : vector<1x1x16xf32> to vector<16xf32>
      %parallel_loop3A_909 = arith.addf %parallel_loop3A_902, %parallel_loop3A_908 : vector<16xf32>
      %parallel_loop3A_910 = arith.index_cast %parallel_loop3A_850 : i32 to index
      %parallel_loop3A_911 = arith.constant 48 : index
      %parallel_loop3A_912 = tpu.vector_load %arg16[%parallel_loop3A_910, %parallel_loop3A_911] {strides = array<i32>} : memref<100x64xf32, #tpu.memory_space<vmem>>, vector<1x16xf32>,
      %parallel_loop3A_913 = vector.shape_cast %parallel_loop3A_912 : vector<1x16xf32> to vector<16xf32>
      %parallel_loop3A_914 = vector.shape_cast %parallel_loop3A_909 : vector<16xf32> to vector<1x16xf32>
      tpu.vector_store %arg16[%parallel_loop3A_910, %parallel_loop3A_911], %parallel_loop3A_914 {strides = array<i32>} : memref<100x64xf32, #tpu.memory_space<vmem>>, vector<1x16xf32>,
    } {sc.loop_unroll_factor = 4 : i64, sc.parallel_access}
    %add3A_605 = arith.constant 7 : i32
    %add3A_606 = arith.addi %mul3A_2, %add3A_605 : i32
    %sub3A_607 = arith.constant 1 : i32
    %sub3A_608 = arith.subi %add3A_606, %sub3A_607 : i32
    %jit3A_609 = arith.constant 2 : i32
    %div3A_610 = arith.divsi %sub3A_608, %jit3A_609 : i32
    %sign3A_611 = arith.constant 0 : i32
    %sign3A_612 = arith.cmpi sgt, %sub3A_608, %sign3A_611 : i32
    %sign3A_613 = arith.extui %sign3A_612 : i1 to i32
    %sign3A_614 = arith.constant 0 : i32
    %sign3A_615 = arith.cmpi slt, %sub3A_608, %sign3A_614 : i32
    %sign3A_616 = arith.extui %sign3A_615 : i1 to i32
    %sign3A_617 = arith.subi %sign3A_613, %sign3A_616 : i32
    %sign3A_618 = arith.constant 0 : i32
    %sign3A_619 = arith.cmpi sgt, %jit3A_609, %sign3A_618 : i32
    %sign3A_620 = arith.extui %sign3A_619 : i1 to i32
    %sign3A_621 = arith.constant 0 : i32
    %sign3A_622 = arith.cmpi slt, %jit3A_609, %sign3A_621 : i32
    %sign3A_623 = arith.extui %sign3A_622 : i1 to i32
    %sign3A_624 = arith.subi %sign3A_620, %sign3A_623 : i32
    %ne3A_625 = arith.cmpi ne, %sign3A_617, %sign3A_624 : i32
    %rem3A_626 = arith.remsi %sub3A_608, %jit3A_609 : i32
    %ne3A_627 = arith.constant 0 : i32
    %ne3A_628 = arith.cmpi ne, %rem3A_626, %ne3A_627 : i32
    %and3A_629 = arith.andi %ne3A_625, %ne3A_628 : i1
    %sub3A_630 = arith.constant 1 : i32
    %sub3A_631 = arith.subi %div3A_610, %sub3A_630 : i32
    %select_n3A_632 = arith.select %and3A_629, %sub3A_631, %div3A_610 : i32
    %rem3A_633 = arith.constant 2 : i32
    %rem3A_634 = arith.remsi %sub3A_608, %rem3A_633 : i32
    %mul3A_635 = arith.constant 100 : i32
    %mul3A_636 = arith.muli %rem3A_634, %mul3A_635 : i32
    %dma_start3A_637 = arith.constant 0 : i32
    %dma_start3A_638 = tpu.memref_slice %arg5[%select_n3A_632, %mul3A_636, %dma_start3A_637] : memref<4096x200x128xf32, #tpu.memory_space<hbm>> -> memref<1x100x64xf32, #tpu.memory_space<hbm>>
    %dma_start3A_639 = tpu.memref_squeeze %dma_start3A_638 : memref<1x100x64xf32, #tpu.memory_space<hbm>> -> memref<100x64xf32, #tpu.memory_space<hbm>>
    %dma_start3A_640 = arith.constant 0 : i32
    %dma_start3A_641 = tpu.memref_slice %arg5[%select_n3A_632, %mul3A_636, %dma_start3A_640] : memref<4096x200x128xf32, #tpu.memory_space<hbm>> -> memref<1x100x64xf32, #tpu.memory_space<hbm>>
    %dma_start3A_642 = tpu.memref_squeeze %dma_start3A_641 : memref<1x100x64xf32, #tpu.memory_space<hbm>> -> memref<100x64xf32, #tpu.memory_space<hbm>>
    tpu.enqueue_dma source(%arg16 : memref<100x64xf32, #tpu.memory_space<vmem>>) target(%dma_start3A_642 : memref<100x64xf32, #tpu.memory_space<hbm>>) target_semaphore(%arg33 : memref<!tpu.dma_semaphore, #tpu.memory_space<semaphore_mem>>)
    %scan3A = arith.constant 0 : i32
    %scan3A_643 = arith.constant 1 : i32
    %scan3A_644 = arith.constant 31 : i32
    %scan3A_645 = arith.addi %scan3A_643, %scan3A_644 : i32
    %scan3A_646 = arith.constant 1 : i32
    scf.for %scan3A_850 = %scan3A_643 to %scan3A_645 step %scan3A_646  : i32 {
      %mul3A_851 = arith.constant 8 : i32
      %mul3A_852 = arith.muli %scan3A_850, %mul3A_851 : i32
      %add3A_853 = arith.constant 0 : i32
      %add3A_854 = arith.addi %mul3A_852, %add3A_853 : i32
      %add3A_855 = arith.addi %mul3A_2, %add3A_854 : i32
      %dma_wait3A_856 = arith.constant 0 : i32
      %dma_wait3A_857 = tpu.memref_slice %arg2[%mul3A_2, %dma_wait3A_856] : memref<8192x100xi32, #tpu.memory_space<hbm>> -> memref<1x100xi32, #tpu.memory_space<hbm>>
      %dma_wait3A_858 = tpu.memref_squeeze %dma_wait3A_857 : memref<1x100xi32, #tpu.memory_space<hbm>> -> memref<100xi32, #tpu.memory_space<hbm>>
      %dma_wait3A_859 = arith.constant 0 : i32
      %dma_wait3A_860 = tpu.memref_slice %arg2[%mul3A_2, %dma_wait3A_859] : memref<8192x100xi32, #tpu.memory_space<hbm>> -> memref<1x100xi32, #tpu.memory_space<hbm>>
      %dma_wait3A_861 = tpu.memref_squeeze %dma_wait3A_860 : memref<1x100xi32, #tpu.memory_space<hbm>> -> memref<100xi32, #tpu.memory_space<hbm>>
      tpu.wait_dma2 semaphore(%arg19 : memref<!tpu.dma_semaphore, #tpu.memory_space<semaphore_mem>>) src(%dma_wait3A_861 : memref<100xi32, #tpu.memory_space<hbm>>) dst(%arg6 : memref<100xi32, #tpu.memory_space<vmem>>)
      %jit3A_862 = arith.constant 2 : i32
      %div3A_863 = arith.divsi %mul3A_2, %jit3A_862 : i32
      %sign3A_864 = arith.constant 0 : i32
      %sign3A_865 = arith.cmpi sgt, %mul3A_2, %sign3A_864 : i32
      %sign3A_866 = arith.extui %sign3A_865 : i1 to i32
      %sign3A_867 = arith.constant 0 : i32
      %sign3A_868 = arith.cmpi slt, %mul3A_2, %sign3A_867 : i32
      %sign3A_869 = arith.extui %sign3A_868 : i1 to i32
      %sign3A_870 = arith.subi %sign3A_866, %sign3A_869 : i32
      %sign3A_871 = arith.constant 0 : i32
      %sign3A_872 = arith.cmpi sgt, %jit3A_862, %sign3A_871 : i32
      %sign3A_873 = arith.extui %sign3A_872 : i1 to i32
      %sign3A_874 = arith.constant 0 : i32
      %sign3A_875 = arith.cmpi slt, %jit3A_862, %sign3A_874 : i32
      %sign3A_876 = arith.extui %sign3A_875 : i1 to i32
      %sign3A_877 = arith.subi %sign3A_873, %sign3A_876 : i32
      %ne3A_878 = arith.cmpi ne, %sign3A_870, %sign3A_877 : i32
      %rem3A_879 = arith.remsi %mul3A_2, %jit3A_862 : i32
      %ne3A_880 = arith.constant 0 : i32
      %ne3A_881 = arith.cmpi ne, %rem3A_879, %ne3A_880 : i32
      %and3A_882 = arith.andi %ne3A_878, %ne3A_881 : i1
      %sub3A_883 = arith.constant 1 : i32
      %sub3A_884 = arith.subi %div3A_863, %sub3A_883 : i32
      %select_n3A_885 = arith.select %and3A_882, %sub3A_884, %div3A_863 : i32
      %rem3A_886 = arith.constant 2 : i32
      %rem3A_887 = arith.remsi %mul3A_2, %rem3A_886 : i32
      %mul3A_888 = arith.constant 100 : i32
      %mul3A_889 = arith.muli %rem3A_887, %mul3A_888 : i32
      %dma_wait3A_890 = arith.constant 0 : i32
      %dma_wait3A_891 = tpu.memref_slice %arg5[%select_n3A_885, %mul3A_889, %dma_wait3A_890] : memref<4096x200x128xf32, #tpu.memory_space<hbm>> -> memref<1x100x64xf32, #tpu.memory_space<hbm>>
      %dma_wait3A_892 = tpu.memref_squeeze %dma_wait3A_891 : memref<1x100x64xf32, #tpu.memory_space<hbm>> -> memref<100x64xf32, #tpu.memory_space<hbm>>
      %dma_wait3A_893 = arith.constant 0 : i32
      %dma_wait3A_894 = tpu.memref_slice %arg5[%select_n3A_885, %mul3A_889, %dma_wait3A_893] : memref<4096x200x128xf32, #tpu.memory_space<hbm>> -> memref<1x100x64xf32, #tpu.memory_space<hbm>>
      %dma_wait3A_895 = tpu.memref_squeeze %dma_wait3A_894 : memref<1x100x64xf32, #tpu.memory_space<hbm>> -> memref<100x64xf32, #tpu.memory_space<hbm>>
      tpu.wait_dma2 semaphore(%arg31 : memref<!tpu.dma_semaphore, #tpu.memory_space<semaphore_mem>>) src(%arg14 : memref<100x64xf32, #tpu.memory_space<vmem>>) dst(%dma_wait3A_895 : memref<100x64xf32, #tpu.memory_space<hbm>>)
      %dma_start3A_896 = arith.constant 0 : i32
      %dma_start3A_897 = arith.constant 0 : i32
      %dma_start3A_898 = tpu.memref_slice %arg3[%dma_start3A_896, %dma_start3A_897] : memref<2000000x64xf32, #tpu.memory_space<hbm>> -> memref<2000000x64xf32, #tpu.memory_space<hbm>>
      tpu.enqueue_indirect_dma source(%dma_start3A_898 : memref<2000000x64xf32, #tpu.memory_space<hbm>>) target(%arg14 : memref<100x64xf32, #tpu.memory_space<vmem>>) offsets(%arg6 : memref<100xi32, #tpu.memory_space<vmem>>) semaphore(%arg27 : memref<!tpu.dma_semaphore, #tpu.memory_space<semaphore_mem>>)
      %add3A_899 = arith.constant 4 : i32
      %add3A_900 = arith.addi %add3A_855, %add3A_899 : i32
      %min3A_901 = arith.constant 8191 : i32
      %min3A_902 = arith.minsi %add3A_900, %min3A_901 : i32
      %dma_start3A_903 = arith.constant 0 : i32
      %dma_start3A_904 = tpu.memref_slice %arg2[%min3A_902, %dma_start3A_903] : memref<8192x100xi32, #tpu.memory_space<hbm>> -> memref<1x100xi32, #tpu.memory_space<hbm>>
      %dma_start3A_905 = tpu.memref_squeeze %dma_start3A_904 : memref<1x100xi32, #tpu.memory_space<hbm>> -> memref<100xi32, #tpu.memory_space<hbm>>
      %dma_start3A_906 = arith.constant 0 : i32
      %dma_start3A_907 = tpu.memref_slice %arg2[%min3A_902, %dma_start3A_906] : memref<8192x100xi32, #tpu.memory_space<hbm>> -> memref<1x100xi32, #tpu.memory_space<hbm>>
      %dma_start3A_908 = tpu.memref_squeeze %dma_start3A_907 : memref<1x100xi32, #tpu.memory_space<hbm>> -> memref<100xi32, #tpu.memory_space<hbm>>
      tpu.enqueue_dma source(%dma_start3A_908 : memref<100xi32, #tpu.memory_space<hbm>>) target(%arg10 : memref<100xi32, #tpu.memory_space<vmem>>) target_semaphore(%arg23 : memref<!tpu.dma_semaphore, #tpu.memory_space<semaphore_mem>>)
      %dma_wait3A_909 = arith.constant 0 : i32
      %dma_wait3A_910 = arith.constant 0 : i32
      %dma_wait3A_911 = tpu.memref_slice %arg3[%dma_wait3A_909, %dma_wait3A_910] : memref<2000000x64xf32, #tpu.memory_space<hbm>> -> memref<2000000x64xf32, #tpu.memory_space<hbm>>
      tpu.wait_indirect_dma semaphore(%arg30 : memref<!tpu.dma_semaphore, #tpu.memory_space<semaphore_mem>>) src(%dma_wait3A_911 : memref<2000000x64xf32, #tpu.memory_space<hbm>>) dst(%arg17 : memref<100x64xf32, #tpu.memory_space<vmem>>)
      %parallel_loop3A_912 = arith.constant 0 : i32
      %parallel_loop3A_913 = arith.constant 100 : i32
      %parallel_loop3A_914 = arith.constant 1 : i32
      scf.for %parallel_loop3A_1651 = %parallel_loop3A_912 to %parallel_loop3A_913 step %parallel_loop3A_914  : i32 {
        %parallel_loop3A_1652 = arith.index_cast %parallel_loop3A_1651 : i32 to index
        %parallel_loop3A_1653 = arith.constant 0 : index
        %parallel_loop3A_1654 = tpu.vector_load %arg17[%parallel_loop3A_1652, %parallel_loop3A_1653] {strides = array<i32>} : memref<100x64xf32, #tpu.memory_space<vmem>>, vector<1x16xf32>,
        %parallel_loop3A_1655 = vector.shape_cast %parallel_loop3A_1654 : vector<1x16xf32> to vector<16xf32>
        %parallel_loop3A_1656 = arith.constant 1 : i32
        %parallel_loop3A_1657 = arith.index_cast %parallel_loop3A_1656 : i32 to index
        %parallel_loop3A_1658 = arith.index_cast %parallel_loop3A_1651 : i32 to index
        %parallel_loop3A_1659 = arith.constant 0 : index
        %parallel_loop3A_1660 = tpu.vector_load %arg18[%parallel_loop3A_1657, %parallel_loop3A_1658, %parallel_loop3A_1659] {strides = array<i32>} : memref<2x100x64xf32, #tpu.memory_space<vmem>>, vector<1x1x16xf32>,
        %parallel_loop3A_1661 = vector.shape_cast %parallel_loop3A_1660 : vector<1x1x16xf32> to vector<16xf32>
        %parallel_loop3A_1662 = arith.addf %parallel_loop3A_1655, %parallel_loop3A_1661 : vector<16xf32>
        %parallel_loop3A_1663 = arith.index_cast %parallel_loop3A_1651 : i32 to index
        %parallel_loop3A_1664 = arith.constant 0 : index
        %parallel_loop3A_1665 = tpu.vector_load %arg17[%parallel_loop3A_1663, %parallel_loop3A_1664] {strides = array<i32>} : memref<100x64xf32, #tpu.memory_space<vmem>>, vector<1x16xf32>,
        %parallel_loop3A_1666 = vector.shape_cast %parallel_loop3A_1665 : vector<1x16xf32> to vector<16xf32>
        %parallel_loop3A_1667 = vector.shape_cast %parallel_loop3A_1662 : vector<16xf32> to vector<1x16xf32>
        tpu.vector_store %arg17[%parallel_loop3A_1663, %parallel_loop3A_1664], %parallel_loop3A_1667 {strides = array<i32>} : memref<100x64xf32, #tpu.memory_space<vmem>>, vector<1x16xf32>,
        %parallel_loop3A_1668 = arith.index_cast %parallel_loop3A_1651 : i32 to index
        %parallel_loop3A_1669 = arith.constant 16 : index
        %parallel_loop3A_1670 = tpu.vector_load %arg17[%parallel_loop3A_1668, %parallel_loop3A_1669] {strides = array<i32>} : memref<100x64xf32, #tpu.memory_space<vmem>>, vector<1x16xf32>,
        %parallel_loop3A_1671 = vector.shape_cast %parallel_loop3A_1670 : vector<1x16xf32> to vector<16xf32>
        %parallel_loop3A_1672 = arith.constant 1 : i32
        %parallel_loop3A_1673 = arith.index_cast %parallel_loop3A_1672 : i32 to index
        %parallel_loop3A_1674 = arith.index_cast %parallel_loop3A_1651 : i32 to index
        %parallel_loop3A_1675 = arith.constant 16 : index
        %parallel_loop3A_1676 = tpu.vector_load %arg18[%parallel_loop3A_1673, %parallel_loop3A_1674, %parallel_loop3A_1675] {strides = array<i32>} : memref<2x100x64xf32, #tpu.memory_space<vmem>>, vector<1x1x16xf32>,
        %parallel_loop3A_1677 = vector.shape_cast %parallel_loop3A_1676 : vector<1x1x16xf32> to vector<16xf32>
        %parallel_loop3A_1678 = arith.addf %parallel_loop3A_1671, %parallel_loop3A_1677 : vector<16xf32>
        %parallel_loop3A_1679 = arith.index_cast %parallel_loop3A_1651 : i32 to index
        %parallel_loop3A_1680 = arith.constant 16 : index
        %parallel_loop3A_1681 = tpu.vector_load %arg17[%parallel_loop3A_1679, %parallel_loop3A_1680] {strides = array<i32>} : memref<100x64xf32, #tpu.memory_space<vmem>>, vector<1x16xf32>,
        %parallel_loop3A_1682 = vector.shape_cast %parallel_loop3A_1681 : vector<1x16xf32> to vector<16xf32>
        %parallel_loop3A_1683 = vector.shape_cast %parallel_loop3A_1678 : vector<16xf32> to vector<1x16xf32>
        tpu.vector_store %arg17[%parallel_loop3A_1679, %parallel_loop3A_1680], %parallel_loop3A_1683 {strides = array<i32>} : memref<100x64xf32, #tpu.memory_space<vmem>>, vector<1x16xf32>,
        %parallel_loop3A_1684 = arith.index_cast %parallel_loop3A_1651 : i32 to index
        %parallel_loop3A_1685 = arith.constant 32 : index
        %parallel_loop3A_1686 = tpu.vector_load %arg17[%parallel_loop3A_1684, %parallel_loop3A_1685] {strides = array<i32>} : memref<100x64xf32, #tpu.memory_space<vmem>>, vector<1x16xf32>,
        %parallel_loop3A_1687 = vector.shape_cast %parallel_loop3A_1686 : vector<1x16xf32> to vector<16xf32>
        %parallel_loop3A_1688 = arith.constant 1 : i32
        %parallel_loop3A_1689 = arith.index_cast %parallel_loop3A_1688 : i32 to index
        %parallel_loop3A_1690 = arith.index_cast %parallel_loop3A_1651 : i32 to index
        %parallel_loop3A_1691 = arith.constant 32 : index
        %parallel_loop3A_1692 = tpu.vector_load %arg18[%parallel_loop3A_1689, %parallel_loop3A_1690, %parallel_loop3A_1691] {strides = array<i32>} : memref<2x100x64xf32, #tpu.memory_space<vmem>>, vector<1x1x16xf32>,
        %parallel_loop3A_1693 = vector.shape_cast %parallel_loop3A_1692 : vector<1x1x16xf32> to vector<16xf32>
        %parallel_loop3A_1694 = arith.addf %parallel_loop3A_1687, %parallel_loop3A_1693 : vector<16xf32>
        %parallel_loop3A_1695 = arith.index_cast %parallel_loop3A_1651 : i32 to index
        %parallel_loop3A_1696 = arith.constant 32 : index
        %parallel_loop3A_1697 = tpu.vector_load %arg17[%parallel_loop3A_1695, %parallel_loop3A_1696] {strides = array<i32>} : memref<100x64xf32, #tpu.memory_space<vmem>>, vector<1x16xf32>,
        %parallel_loop3A_1698 = vector.shape_cast %parallel_loop3A_1697 : vector<1x16xf32> to vector<16xf32>
        %parallel_loop3A_1699 = vector.shape_cast %parallel_loop3A_1694 : vector<16xf32> to vector<1x16xf32>
        tpu.vector_store %arg17[%parallel_loop3A_1695, %parallel_loop3A_1696], %parallel_loop3A_1699 {strides = array<i32>} : memref<100x64xf32, #tpu.memory_space<vmem>>, vector<1x16xf32>,
        %parallel_loop3A_1700 = arith.index_cast %parallel_loop3A_1651 : i32 to index
        %parallel_loop3A_1701 = arith.constant 48 : index
        %parallel_loop3A_1702 = tpu.vector_load %arg17[%parallel_loop3A_1700, %parallel_loop3A_1701] {strides = array<i32>} : memref<100x64xf32, #tpu.memory_space<vmem>>, vector<1x16xf32>,
        %parallel_loop3A_1703 = vector.shape_cast %parallel_loop3A_1702 : vector<1x16xf32> to vector<16xf32>
        %parallel_loop3A_1704 = arith.constant 1 : i32
        %parallel_loop3A_1705 = arith.index_cast %parallel_loop3A_1704 : i32 to index
        %parallel_loop3A_1706 = arith.index_cast %parallel_loop3A_1651 : i32 to index
        %parallel_loop3A_1707 = arith.constant 48 : index
        %parallel_loop3A_1708 = tpu.vector_load %arg18[%parallel_loop3A_1705, %parallel_loop3A_1706, %parallel_loop3A_1707] {strides = array<i32>} : memref<2x100x64xf32, #tpu.memory_space<vmem>>, vector<1x1x16xf32>,
        %parallel_loop3A_1709 = vector.shape_cast %parallel_loop3A_1708 : vector<1x1x16xf32> to vector<16xf32>
        %parallel_loop3A_1710 = arith.addf %parallel_loop3A_1703, %parallel_loop3A_1709 : vector<16xf32>
        %parallel_loop3A_1711 = arith.index_cast %parallel_loop3A_1651 : i32 to index
        %parallel_loop3A_1712 = arith.constant 48 : index
        %parallel_loop3A_1713 = tpu.vector_load %arg17[%parallel_loop3A_1711, %parallel_loop3A_1712] {strides = array<i32>} : memref<100x64xf32, #tpu.memory_space<vmem>>, vector<1x16xf32>,
        %parallel_loop3A_1714 = vector.shape_cast %parallel_loop3A_1713 : vector<1x16xf32> to vector<16xf32>
        %parallel_loop3A_1715 = vector.shape_cast %parallel_loop3A_1710 : vector<16xf32> to vector<1x16xf32>
        tpu.vector_store %arg17[%parallel_loop3A_1711, %parallel_loop3A_1712], %parallel_loop3A_1715 {strides = array<i32>} : memref<100x64xf32, #tpu.memory_space<vmem>>, vector<1x16xf32>,
      } {sc.loop_unroll_factor = 4 : i64, sc.parallel_access}
      %sub3A_915 = arith.constant 1 : i32
      %sub3A_916 = arith.subi %add3A_855, %sub3A_915 : i32
      %jit3A_917 = arith.constant 2 : i32
      %div3A_918 = arith.divsi %sub3A_916, %jit3A_917 : i32
      %sign3A_919 = arith.constant 0 : i32
      %sign3A_920 = arith.cmpi sgt, %sub3A_916, %sign3A_919 : i32
      %sign3A_921 = arith.extui %sign3A_920 : i1 to i32
      %sign3A_922 = arith.constant 0 : i32
      %sign3A_923 = arith.cmpi slt, %sub3A_916, %sign3A_922 : i32
      %sign3A_924 = arith.extui %sign3A_923 : i1 to i32
      %sign3A_925 = arith.subi %sign3A_921, %sign3A_924 : i32
      %sign3A_926 = arith.constant 0 : i32
      %sign3A_927 = arith.cmpi sgt, %jit3A_917, %sign3A_926 : i32
      %sign3A_928 = arith.extui %sign3A_927 : i1 to i32
      %sign3A_929 = arith.constant 0 : i32
      %sign3A_930 = arith.cmpi slt, %jit3A_917, %sign3A_929 : i32
      %sign3A_931 = arith.extui %sign3A_930 : i1 to i32
      %sign3A_932 = arith.subi %sign3A_928, %sign3A_931 : i32
      %ne3A_933 = arith.cmpi ne, %sign3A_925, %sign3A_932 : i32
      %rem3A_934 = arith.remsi %sub3A_916, %jit3A_917 : i32
      %ne3A_935 = arith.constant 0 : i32
      %ne3A_936 = arith.cmpi ne, %rem3A_934, %ne3A_935 : i32
      %and3A_937 = arith.andi %ne3A_933, %ne3A_936 : i1
      %sub3A_938 = arith.constant 1 : i32
      %sub3A_939 = arith.subi %div3A_918, %sub3A_938 : i32
      %select_n3A_940 = arith.select %and3A_937, %sub3A_939, %div3A_918 : i32
      %rem3A_941 = arith.constant 2 : i32
      %rem3A_942 = arith.remsi %sub3A_916, %rem3A_941 : i32
      %mul3A_943 = arith.constant 100 : i32
      %mul3A_944 = arith.muli %rem3A_942, %mul3A_943 : i32
      %dma_start3A_945 = arith.constant 0 : i32
      %dma_start3A_946 = tpu.memref_slice %arg5[%select_n3A_940, %mul3A_944, %dma_start3A_945] : memref<4096x200x128xf32, #tpu.memory_space<hbm>> -> memref<1x100x64xf32, #tpu.memory_space<hbm>>
      %dma_start3A_947 = tpu.memref_squeeze %dma_start3A_946 : memref<1x100x64xf32, #tpu.memory_space<hbm>> -> memref<100x64xf32, #tpu.memory_space<hbm>>
      %dma_start3A_948 = arith.constant 0 : i32
      %dma_start3A_949 = tpu.memref_slice %arg5[%select_n3A_940, %mul3A_944, %dma_start3A_948] : memref<4096x200x128xf32, #tpu.memory_space<hbm>> -> memref<1x100x64xf32, #tpu.memory_space<hbm>>
      %dma_start3A_950 = tpu.memref_squeeze %dma_start3A_949 : memref<1x100x64xf32, #tpu.memory_space<hbm>> -> memref<100x64xf32, #tpu.memory_space<hbm>>
      tpu.enqueue_dma source(%arg17 : memref<100x64xf32, #tpu.memory_space<vmem>>) target(%dma_start3A_950 : memref<100x64xf32, #tpu.memory_space<hbm>>) target_semaphore(%arg34 : memref<!tpu.dma_semaphore, #tpu.memory_space<semaphore_mem>>)
      %mul3A_951 = arith.constant 8 : i32
      %mul3A_952 = arith.muli %scan3A_850, %mul3A_951 : i32
      %add3A_953 = arith.constant 1 : i32
      %add3A_954 = arith.addi %mul3A_952, %add3A_953 : i32
      %add3A_955 = arith.addi %mul3A_2, %add3A_954 : i32
      %dma_wait3A_956 = arith.constant 0 : i32
      %dma_wait3A_957 = tpu.memref_slice %arg2[%mul3A_2, %dma_wait3A_956] : memref<8192x100xi32, #tpu.memory_space<hbm>> -> memref<1x100xi32, #tpu.memory_space<hbm>>
      %dma_wait3A_958 = tpu.memref_squeeze %dma_wait3A_957 : memref<1x100xi32, #tpu.memory_space<hbm>> -> memref<100xi32, #tpu.memory_space<hbm>>
      %dma_wait3A_959 = arith.constant 0 : i32
      %dma_wait3A_960 = tpu.memref_slice %arg2[%mul3A_2, %dma_wait3A_959] : memref<8192x100xi32, #tpu.memory_space<hbm>> -> memref<1x100xi32, #tpu.memory_space<hbm>>
      %dma_wait3A_961 = tpu.memref_squeeze %dma_wait3A_960 : memref<1x100xi32, #tpu.memory_space<hbm>> -> memref<100xi32, #tpu.memory_space<hbm>>
      tpu.wait_dma2 semaphore(%arg20 : memref<!tpu.dma_semaphore, #tpu.memory_space<semaphore_mem>>) src(%dma_wait3A_961 : memref<100xi32, #tpu.memory_space<hbm>>) dst(%arg7 : memref<100xi32, #tpu.memory_space<vmem>>)
      %jit3A_962 = arith.constant 2 : i32
      %div3A_963 = arith.divsi %mul3A_2, %jit3A_962 : i32
      %sign3A_964 = arith.constant 0 : i32
      %sign3A_965 = arith.cmpi sgt, %mul3A_2, %sign3A_964 : i32
      %sign3A_966 = arith.extui %sign3A_965 : i1 to i32
      %sign3A_967 = arith.constant 0 : i32
      %sign3A_968 = arith.cmpi slt, %mul3A_2, %sign3A_967 : i32
      %sign3A_969 = arith.extui %sign3A_968 : i1 to i32
      %sign3A_970 = arith.subi %sign3A_966, %sign3A_969 : i32
      %sign3A_971 = arith.constant 0 : i32
      %sign3A_972 = arith.cmpi sgt, %jit3A_962, %sign3A_971 : i32
      %sign3A_973 = arith.extui %sign3A_972 : i1 to i32
      %sign3A_974 = arith.constant 0 : i32
      %sign3A_975 = arith.cmpi slt, %jit3A_962, %sign3A_974 : i32
      %sign3A_976 = arith.extui %sign3A_975 : i1 to i32
      %sign3A_977 = arith.subi %sign3A_973, %sign3A_976 : i32
      %ne3A_978 = arith.cmpi ne, %sign3A_970, %sign3A_977 : i32
      %rem3A_979 = arith.remsi %mul3A_2, %jit3A_962 : i32
      %ne3A_980 = arith.constant 0 : i32
      %ne3A_981 = arith.cmpi ne, %rem3A_979, %ne3A_980 : i32
      %and3A_982 = arith.andi %ne3A_978, %ne3A_981 : i1
      %sub3A_983 = arith.constant 1 : i32
      %sub3A_984 = arith.subi %div3A_963, %sub3A_983 : i32
      %select_n3A_985 = arith.select %and3A_982, %sub3A_984, %div3A_963 : i32
      %rem3A_986 = arith.constant 2 : i32
      %rem3A_987 = arith.remsi %mul3A_2, %rem3A_986 : i32
      %mul3A_988 = arith.constant 100 : i32
      %mul3A_989 = arith.muli %rem3A_987, %mul3A_988 : i32
      %dma_wait3A_990 = arith.constant 0 : i32
      %dma_wait3A_991 = tpu.memref_slice %arg5[%select_n3A_985, %mul3A_989, %dma_wait3A_990] : memref<4096x200x128xf32, #tpu.memory_space<hbm>> -> memref<1x100x64xf32, #tpu.memory_space<hbm>>
      %dma_wait3A_992 = tpu.memref_squeeze %dma_wait3A_991 : memref<1x100x64xf32, #tpu.memory_space<hbm>> -> memref<100x64xf32, #tpu.memory_space<hbm>>
      %dma_wait3A_993 = arith.constant 0 : i32
      %dma_wait3A_994 = tpu.memref_slice %arg5[%select_n3A_985, %mul3A_989, %dma_wait3A_993] : memref<4096x200x128xf32, #tpu.memory_space<hbm>> -> memref<1x100x64xf32, #tpu.memory_space<hbm>>
      %dma_wait3A_995 = tpu.memref_squeeze %dma_wait3A_994 : memref<1x100x64xf32, #tpu.memory_space<hbm>> -> memref<100x64xf32, #tpu.memory_space<hbm>>
      tpu.wait_dma2 semaphore(%arg32 : memref<!tpu.dma_semaphore, #tpu.memory_space<semaphore_mem>>) src(%arg15 : memref<100x64xf32, #tpu.memory_space<vmem>>) dst(%dma_wait3A_995 : memref<100x64xf32, #tpu.memory_space<hbm>>)
      %dma_start3A_996 = arith.constant 0 : i32
      %dma_start3A_997 = arith.constant 0 : i32
      %dma_start3A_998 = tpu.memref_slice %arg3[%dma_start3A_996, %dma_start3A_997] : memref<2000000x64xf32, #tpu.memory_space<hbm>> -> memref<2000000x64xf32, #tpu.memory_space<hbm>>
      tpu.enqueue_indirect_dma source(%dma_start3A_998 : memref<2000000x64xf32, #tpu.memory_space<hbm>>) target(%arg15 : memref<100x64xf32, #tpu.memory_space<vmem>>) offsets(%arg7 : memref<100xi32, #tpu.memory_space<vmem>>) semaphore(%arg28 : memref<!tpu.dma_semaphore, #tpu.memory_space<semaphore_mem>>)
      %add3A_999 = arith.constant 4 : i32
      %add3A_1000 = arith.addi %add3A_955, %add3A_999 : i32
      %min3A_1001 = arith.constant 8191 : i32
      %min3A_1002 = arith.minsi %add3A_1000, %min3A_1001 : i32
      %dma_start3A_1003 = arith.constant 0 : i32
      %dma_start3A_1004 = tpu.memref_slice %arg2[%min3A_1002, %dma_start3A_1003] : memref<8192x100xi32, #tpu.memory_space<hbm>> -> memref<1x100xi32, #tpu.memory_space<hbm>>
      %dma_start3A_1005 = tpu.memref_squeeze %dma_start3A_1004 : memref<1x100xi32, #tpu.memory_space<hbm>> -> memref<100xi32, #tpu.memory_space<hbm>>
      %dma_start3A_1006 = arith.constant 0 : i32
      %dma_start3A_1007 = tpu.memref_slice %arg2[%min3A_1002, %dma_start3A_1006] : memref<8192x100xi32, #tpu.memory_space<hbm>> -> memref<1x100xi32, #tpu.memory_space<hbm>>
      %dma_start3A_1008 = tpu.memref_squeeze %dma_start3A_1007 : memref<1x100xi32, #tpu.memory_space<hbm>> -> memref<100xi32, #tpu.memory_space<hbm>>
      tpu.enqueue_dma source(%dma_start3A_1008 : memref<100xi32, #tpu.memory_space<hbm>>) target(%arg11 : memref<100xi32, #tpu.memory_space<vmem>>) target_semaphore(%arg24 : memref<!tpu.dma_semaphore, #tpu.memory_space<semaphore_mem>>)
      %dma_wait3A_1009 = arith.constant 0 : i32
      %dma_wait3A_1010 = arith.constant 0 : i32
      %dma_wait3A_1011 = tpu.memref_slice %arg3[%dma_wait3A_1009, %dma_wait3A_1010] : memref<2000000x64xf32, #tpu.memory_space<hbm>> -> memref<2000000x64xf32, #tpu.memory_space<hbm>>
      tpu.wait_indirect_dma semaphore(%arg27 : memref<!tpu.dma_semaphore, #tpu.memory_space<semaphore_mem>>) src(%dma_wait3A_1011 : memref<2000000x64xf32, #tpu.memory_space<hbm>>) dst(%arg14 : memref<100x64xf32, #tpu.memory_space<vmem>>)
      %parallel_loop3A_1012 = arith.constant 0 : i32
      %parallel_loop3A_1013 = arith.constant 100 : i32
      %parallel_loop3A_1014 = arith.constant 1 : i32
      scf.for %parallel_loop3A_1651 = %parallel_loop3A_1012 to %parallel_loop3A_1013 step %parallel_loop3A_1014  : i32 {
        %parallel_loop3A_1652 = arith.index_cast %parallel_loop3A_1651 : i32 to index
        %parallel_loop3A_1653 = arith.constant 0 : index
        %parallel_loop3A_1654 = tpu.vector_load %arg14[%parallel_loop3A_1652, %parallel_loop3A_1653] {strides = array<i32>} : memref<100x64xf32, #tpu.memory_space<vmem>>, vector<1x16xf32>,
        %parallel_loop3A_1655 = vector.shape_cast %parallel_loop3A_1654 : vector<1x16xf32> to vector<16xf32>
        %parallel_loop3A_1656 = arith.constant 0 : i32
        %parallel_loop3A_1657 = arith.index_cast %parallel_loop3A_1656 : i32 to index
        %parallel_loop3A_1658 = arith.index_cast %parallel_loop3A_1651 : i32 to index
        %parallel_loop3A_1659 = arith.constant 0 : index
        %parallel_loop3A_1660 = tpu.vector_load %arg18[%parallel_loop3A_1657, %parallel_loop3A_1658, %parallel_loop3A_1659] {strides = array<i32>} : memref<2x100x64xf32, #tpu.memory_space<vmem>>, vector<1x1x16xf32>,
        %parallel_loop3A_1661 = vector.shape_cast %parallel_loop3A_1660 : vector<1x1x16xf32> to vector<16xf32>
        %parallel_loop3A_1662 = arith.addf %parallel_loop3A_1655, %parallel_loop3A_1661 : vector<16xf32>
        %parallel_loop3A_1663 = arith.index_cast %parallel_loop3A_1651 : i32 to index
        %parallel_loop3A_1664 = arith.constant 0 : index
        %parallel_loop3A_1665 = tpu.vector_load %arg14[%parallel_loop3A_1663, %parallel_loop3A_1664] {strides = array<i32>} : memref<100x64xf32, #tpu.memory_space<vmem>>, vector<1x16xf32>,
        %parallel_loop3A_1666 = vector.shape_cast %parallel_loop3A_1665 : vector<1x16xf32> to vector<16xf32>
        %parallel_loop3A_1667 = vector.shape_cast %parallel_loop3A_1662 : vector<16xf32> to vector<1x16xf32>
        tpu.vector_store %arg14[%parallel_loop3A_1663, %parallel_loop3A_1664], %parallel_loop3A_1667 {strides = array<i32>} : memref<100x64xf32, #tpu.memory_space<vmem>>, vector<1x16xf32>,
        %parallel_loop3A_1668 = arith.index_cast %parallel_loop3A_1651 : i32 to index
        %parallel_loop3A_1669 = arith.constant 16 : index
        %parallel_loop3A_1670 = tpu.vector_load %arg14[%parallel_loop3A_1668, %parallel_loop3A_1669] {strides = array<i32>} : memref<100x64xf32, #tpu.memory_space<vmem>>, vector<1x16xf32>,
        %parallel_loop3A_1671 = vector.shape_cast %parallel_loop3A_1670 : vector<1x16xf32> to vector<16xf32>
        %parallel_loop3A_1672 = arith.constant 0 : i32
        %parallel_loop3A_1673 = arith.index_cast %parallel_loop3A_1672 : i32 to index
        %parallel_loop3A_1674 = arith.index_cast %parallel_loop3A_1651 : i32 to index
        %parallel_loop3A_1675 = arith.constant 16 : index
        %parallel_loop3A_1676 = tpu.vector_load %arg18[%parallel_loop3A_1673, %parallel_loop3A_1674, %parallel_loop3A_1675] {strides = array<i32>} : memref<2x100x64xf32, #tpu.memory_space<vmem>>, vector<1x1x16xf32>,
        %parallel_loop3A_1677 = vector.shape_cast %parallel_loop3A_1676 : vector<1x1x16xf32> to vector<16xf32>
        %parallel_loop3A_1678 = arith.addf %parallel_loop3A_1671, %parallel_loop3A_1677 : vector<16xf32>
        %parallel_loop3A_1679 = arith.index_cast %parallel_loop3A_1651 : i32 to index
        %parallel_loop3A_1680 = arith.constant 16 : index
        %parallel_loop3A_1681 = tpu.vector_load %arg14[%parallel_loop3A_1679, %parallel_loop3A_1680] {strides = array<i32>} : memref<100x64xf32, #tpu.memory_space<vmem>>, vector<1x16xf32>,
        %parallel_loop3A_1682 = vector.shape_cast %parallel_loop3A_1681 : vector<1x16xf32> to vector<16xf32>
        %parallel_loop3A_1683 = vector.shape_cast %parallel_loop3A_1678 : vector<16xf32> to vector<1x16xf32>
        tpu.vector_store %arg14[%parallel_loop3A_1679, %parallel_loop3A_1680], %parallel_loop3A_1683 {strides = array<i32>} : memref<100x64xf32, #tpu.memory_space<vmem>>, vector<1x16xf32>,
        %parallel_loop3A_1684 = arith.index_cast %parallel_loop3A_1651 : i32 to index
        %parallel_loop3A_1685 = arith.constant 32 : index
        %parallel_loop3A_1686 = tpu.vector_load %arg14[%parallel_loop3A_1684, %parallel_loop3A_1685] {strides = array<i32>} : memref<100x64xf32, #tpu.memory_space<vmem>>, vector<1x16xf32>,
        %parallel_loop3A_1687 = vector.shape_cast %parallel_loop3A_1686 : vector<1x16xf32> to vector<16xf32>
        %parallel_loop3A_1688 = arith.constant 0 : i32
        %parallel_loop3A_1689 = arith.index_cast %parallel_loop3A_1688 : i32 to index
        %parallel_loop3A_1690 = arith.index_cast %parallel_loop3A_1651 : i32 to index
        %parallel_loop3A_1691 = arith.constant 32 : index
        %parallel_loop3A_1692 = tpu.vector_load %arg18[%parallel_loop3A_1689, %parallel_loop3A_1690, %parallel_loop3A_1691] {strides = array<i32>} : memref<2x100x64xf32, #tpu.memory_space<vmem>>, vector<1x1x16xf32>,
        %parallel_loop3A_1693 = vector.shape_cast %parallel_loop3A_1692 : vector<1x1x16xf32> to vector<16xf32>
        %parallel_loop3A_1694 = arith.addf %parallel_loop3A_1687, %parallel_loop3A_1693 : vector<16xf32>
        %parallel_loop3A_1695 = arith.index_cast %parallel_loop3A_1651 : i32 to index
        %parallel_loop3A_1696 = arith.constant 32 : index
        %parallel_loop3A_1697 = tpu.vector_load %arg14[%parallel_loop3A_1695, %parallel_loop3A_1696] {strides = array<i32>} : memref<100x64xf32, #tpu.memory_space<vmem>>, vector<1x16xf32>,
        %parallel_loop3A_1698 = vector.shape_cast %parallel_loop3A_1697 : vector<1x16xf32> to vector<16xf32>
        %parallel_loop3A_1699 = vector.shape_cast %parallel_loop3A_1694 : vector<16xf32> to vector<1x16xf32>
        tpu.vector_store %arg14[%parallel_loop3A_1695, %parallel_loop3A_1696], %parallel_loop3A_1699 {strides = array<i32>} : memref<100x64xf32, #tpu.memory_space<vmem>>, vector<1x16xf32>,
        %parallel_loop3A_1700 = arith.index_cast %parallel_loop3A_1651 : i32 to index
        %parallel_loop3A_1701 = arith.constant 48 : index
        %parallel_loop3A_1702 = tpu.vector_load %arg14[%parallel_loop3A_1700, %parallel_loop3A_1701] {strides = array<i32>} : memref<100x64xf32, #tpu.memory_space<vmem>>, vector<1x16xf32>,
        %parallel_loop3A_1703 = vector.shape_cast %parallel_loop3A_1702 : vector<1x16xf32> to vector<16xf32>
        %parallel_loop3A_1704 = arith.constant 0 : i32
        %parallel_loop3A_1705 = arith.index_cast %parallel_loop3A_1704 : i32 to index
        %parallel_loop3A_1706 = arith.index_cast %parallel_loop3A_1651 : i32 to index
        %parallel_loop3A_1707 = arith.constant 48 : index
        %parallel_loop3A_1708 = tpu.vector_load %arg18[%parallel_loop3A_1705, %parallel_loop3A_1706, %parallel_loop3A_1707] {strides = array<i32>} : memref<2x100x64xf32, #tpu.memory_space<vmem>>, vector<1x1x16xf32>,
        %parallel_loop3A_1709 = vector.shape_cast %parallel_loop3A_1708 : vector<1x1x16xf32> to vector<16xf32>
        %parallel_loop3A_1710 = arith.addf %parallel_loop3A_1703, %parallel_loop3A_1709 : vector<16xf32>
        %parallel_loop3A_1711 = arith.index_cast %parallel_loop3A_1651 : i32 to index
        %parallel_loop3A_1712 = arith.constant 48 : index
        %parallel_loop3A_1713 = tpu.vector_load %arg14[%parallel_loop3A_1711, %parallel_loop3A_1712] {strides = array<i32>} : memref<100x64xf32, #tpu.memory_space<vmem>>, vector<1x16xf32>,
        %parallel_loop3A_1714 = vector.shape_cast %parallel_loop3A_1713 : vector<1x16xf32> to vector<16xf32>
        %parallel_loop3A_1715 = vector.shape_cast %parallel_loop3A_1710 : vector<16xf32> to vector<1x16xf32>
        tpu.vector_store %arg14[%parallel_loop3A_1711, %parallel_loop3A_1712], %parallel_loop3A_1715 {strides = array<i32>} : memref<100x64xf32, #tpu.memory_space<vmem>>, vector<1x16xf32>,
      } {sc.loop_unroll_factor = 4 : i64, sc.parallel_access}
      %sub3A_1015 = arith.constant 1 : i32
      %sub3A_1016 = arith.subi %add3A_955, %sub3A_1015 : i32
      %jit3A_1017 = arith.constant 2 : i32
      %div3A_1018 = arith.divsi %sub3A_1016, %jit3A_1017 : i32
      %sign3A_1019 = arith.constant 0 : i32
      %sign3A_1020 = arith.cmpi sgt, %sub3A_1016, %sign3A_1019 : i32
      %sign3A_1021 = arith.extui %sign3A_1020 : i1 to i32
      %sign3A_1022 = arith.constant 0 : i32
      %sign3A_1023 = arith.cmpi slt, %sub3A_1016, %sign3A_1022 : i32
      %sign3A_1024 = arith.extui %sign3A_1023 : i1 to i32
      %sign3A_1025 = arith.subi %sign3A_1021, %sign3A_1024 : i32
      %sign3A_1026 = arith.constant 0 : i32
      %sign3A_1027 = arith.cmpi sgt, %jit3A_1017, %sign3A_1026 : i32
      %sign3A_1028 = arith.extui %sign3A_1027 : i1 to i32
      %sign3A_1029 = arith.constant 0 : i32
      %sign3A_1030 = arith.cmpi slt, %jit3A_1017, %sign3A_1029 : i32
      %sign3A_1031 = arith.extui %sign3A_1030 : i1 to i32
      %sign3A_1032 = arith.subi %sign3A_1028, %sign3A_1031 : i32
      %ne3A_1033 = arith.cmpi ne, %sign3A_1025, %sign3A_1032 : i32
      %rem3A_1034 = arith.remsi %sub3A_1016, %jit3A_1017 : i32
      %ne3A_1035 = arith.constant 0 : i32
      %ne3A_1036 = arith.cmpi ne, %rem3A_1034, %ne3A_1035 : i32
      %and3A_1037 = arith.andi %ne3A_1033, %ne3A_1036 : i1
      %sub3A_1038 = arith.constant 1 : i32
      %sub3A_1039 = arith.subi %div3A_1018, %sub3A_1038 : i32
      %select_n3A_1040 = arith.select %and3A_1037, %sub3A_1039, %div3A_1018 : i32
      %rem3A_1041 = arith.constant 2 : i32
      %rem3A_1042 = arith.remsi %sub3A_1016, %rem3A_1041 : i32
      %mul3A_1043 = arith.constant 100 : i32
      %mul3A_1044 = arith.muli %rem3A_1042, %mul3A_1043 : i32
      %dma_start3A_1045 = arith.constant 0 : i32
      %dma_start3A_1046 = tpu.memref_slice %arg5[%select_n3A_1040, %mul3A_1044, %dma_start3A_1045] : memref<4096x200x128xf32, #tpu.memory_space<hbm>> -> memref<1x100x64xf32, #tpu.memory_space<hbm>>
      %dma_start3A_1047 = tpu.memref_squeeze %dma_start3A_1046 : memref<1x100x64xf32, #tpu.memory_space<hbm>> -> memref<100x64xf32, #tpu.memory_space<hbm>>
      %dma_start3A_1048 = arith.constant 0 : i32
      %dma_start3A_1049 = tpu.memref_slice %arg5[%select_n3A_1040, %mul3A_1044, %dma_start3A_1048] : memref<4096x200x128xf32, #tpu.memory_space<hbm>> -> memref<1x100x64xf32, #tpu.memory_space<hbm>>
      %dma_start3A_1050 = tpu.memref_squeeze %dma_start3A_1049 : memref<1x100x64xf32, #tpu.memory_space<hbm>> -> memref<100x64xf32, #tpu.memory_space<hbm>>
      tpu.enqueue_dma source(%arg14 : memref<100x64xf32, #tpu.memory_space<vmem>>) target(%dma_start3A_1050 : memref<100x64xf32, #tpu.memory_space<hbm>>) target_semaphore(%arg31 : memref<!tpu.dma_semaphore, #tpu.memory_space<semaphore_mem>>)
      %mul3A_1051 = arith.constant 8 : i32
      %mul3A_1052 = arith.muli %scan3A_850, %mul3A_1051 : i32
      %add3A_1053 = arith.constant 2 : i32
      %add3A_1054 = arith.addi %mul3A_1052, %add3A_1053 : i32
      %add3A_1055 = arith.addi %mul3A_2, %add3A_1054 : i32
      %dma_wait3A_1056 = arith.constant 0 : i32
      %dma_wait3A_1057 = tpu.memref_slice %arg2[%mul3A_2, %dma_wait3A_1056] : memref<8192x100xi32, #tpu.memory_space<hbm>> -> memref<1x100xi32, #tpu.memory_space<hbm>>
      %dma_wait3A_1058 = tpu.memref_squeeze %dma_wait3A_1057 : memref<1x100xi32, #tpu.memory_space<hbm>> -> memref<100xi32, #tpu.memory_space<hbm>>
      %dma_wait3A_1059 = arith.constant 0 : i32
      %dma_wait3A_1060 = tpu.memref_slice %arg2[%mul3A_2, %dma_wait3A_1059] : memref<8192x100xi32, #tpu.memory_space<hbm>> -> memref<1x100xi32, #tpu.memory_space<hbm>>
      %dma_wait3A_1061 = tpu.memref_squeeze %dma_wait3A_1060 : memref<1x100xi32, #tpu.memory_space<hbm>> -> memref<100xi32, #tpu.memory_space<hbm>>
      tpu.wait_dma2 semaphore(%arg21 : memref<!tpu.dma_semaphore, #tpu.memory_space<semaphore_mem>>) src(%dma_wait3A_1061 : memref<100xi32, #tpu.memory_space<hbm>>) dst(%arg8 : memref<100xi32, #tpu.memory_space<vmem>>)
      %jit3A_1062 = arith.constant 2 : i32
      %div3A_1063 = arith.divsi %mul3A_2, %jit3A_1062 : i32
      %sign3A_1064 = arith.constant 0 : i32
      %sign3A_1065 = arith.cmpi sgt, %mul3A_2, %sign3A_1064 : i32
      %sign3A_1066 = arith.extui %sign3A_1065 : i1 to i32
      %sign3A_1067 = arith.constant 0 : i32
      %sign3A_1068 = arith.cmpi slt, %mul3A_2, %sign3A_1067 : i32
      %sign3A_1069 = arith.extui %sign3A_1068 : i1 to i32
      %sign3A_1070 = arith.subi %sign3A_1066, %sign3A_1069 : i32
      %sign3A_1071 = arith.constant 0 : i32
      %sign3A_1072 = arith.cmpi sgt, %jit3A_1062, %sign3A_1071 : i32
      %sign3A_1073 = arith.extui %sign3A_1072 : i1 to i32
      %sign3A_1074 = arith.constant 0 : i32
      %sign3A_1075 = arith.cmpi slt, %jit3A_1062, %sign3A_1074 : i32
      %sign3A_1076 = arith.extui %sign3A_1075 : i1 to i32
      %sign3A_1077 = arith.subi %sign3A_1073, %sign3A_1076 : i32
      %ne3A_1078 = arith.cmpi ne, %sign3A_1070, %sign3A_1077 : i32
      %rem3A_1079 = arith.remsi %mul3A_2, %jit3A_1062 : i32
      %ne3A_1080 = arith.constant 0 : i32
      %ne3A_1081 = arith.cmpi ne, %rem3A_1079, %ne3A_1080 : i32
      %and3A_1082 = arith.andi %ne3A_1078, %ne3A_1081 : i1
      %sub3A_1083 = arith.constant 1 : i32
      %sub3A_1084 = arith.subi %div3A_1063, %sub3A_1083 : i32
      %select_n3A_1085 = arith.select %and3A_1082, %sub3A_1084, %div3A_1063 : i32
      %rem3A_1086 = arith.constant 2 : i32
      %rem3A_1087 = arith.remsi %mul3A_2, %rem3A_1086 : i32
      %mul3A_1088 = arith.constant 100 : i32
      %mul3A_1089 = arith.muli %rem3A_1087, %mul3A_1088 : i32
      %dma_wait3A_1090 = arith.constant 0 : i32
      %dma_wait3A_1091 = tpu.memref_slice %arg5[%select_n3A_1085, %mul3A_1089, %dma_wait3A_1090] : memref<4096x200x128xf32, #tpu.memory_space<hbm>> -> memref<1x100x64xf32, #tpu.memory_space<hbm>>
      %dma_wait3A_1092 = tpu.memref_squeeze %dma_wait3A_1091 : memref<1x100x64xf32, #tpu.memory_space<hbm>> -> memref<100x64xf32, #tpu.memory_space<hbm>>
      %dma_wait3A_1093 = arith.constant 0 : i32
      %dma_wait3A_1094 = tpu.memref_slice %arg5[%select_n3A_1085, %mul3A_1089, %dma_wait3A_1093] : memref<4096x200x128xf32, #tpu.memory_space<hbm>> -> memref<1x100x64xf32, #tpu.memory_space<hbm>>
      %dma_wait3A_1095 = tpu.memref_squeeze %dma_wait3A_1094 : memref<1x100x64xf32, #tpu.memory_space<hbm>> -> memref<100x64xf32, #tpu.memory_space<hbm>>
      tpu.wait_dma2 semaphore(%arg33 : memref<!tpu.dma_semaphore, #tpu.memory_space<semaphore_mem>>) src(%arg16 : memref<100x64xf32, #tpu.memory_space<vmem>>) dst(%dma_wait3A_1095 : memref<100x64xf32, #tpu.memory_space<hbm>>)
      %dma_start3A_1096 = arith.constant 0 : i32
      %dma_start3A_1097 = arith.constant 0 : i32
      %dma_start3A_1098 = tpu.memref_slice %arg3[%dma_start3A_1096, %dma_start3A_1097] : memref<2000000x64xf32, #tpu.memory_space<hbm>> -> memref<2000000x64xf32, #tpu.memory_space<hbm>>
      tpu.enqueue_indirect_dma source(%dma_start3A_1098 : memref<2000000x64xf32, #tpu.memory_space<hbm>>) target(%arg16 : memref<100x64xf32, #tpu.memory_space<vmem>>) offsets(%arg8 : memref<100xi32, #tpu.memory_space<vmem>>) semaphore(%arg29 : memref<!tpu.dma_semaphore, #tpu.memory_space<semaphore_mem>>)
      %add3A_1099 = arith.constant 4 : i32
      %add3A_1100 = arith.addi %add3A_1055, %add3A_1099 : i32
      %min3A_1101 = arith.constant 8191 : i32
      %min3A_1102 = arith.minsi %add3A_1100, %min3A_1101 : i32
      %dma_start3A_1103 = arith.constant 0 : i32
      %dma_start3A_1104 = tpu.memref_slice %arg2[%min3A_1102, %dma_start3A_1103] : memref<8192x100xi32, #tpu.memory_space<hbm>> -> memref<1x100xi32, #tpu.memory_space<hbm>>
      %dma_start3A_1105 = tpu.memref_squeeze %dma_start3A_1104 : memref<1x100xi32, #tpu.memory_space<hbm>> -> memref<100xi32, #tpu.memory_space<hbm>>
      %dma_start3A_1106 = arith.constant 0 : i32
      %dma_start3A_1107 = tpu.memref_slice %arg2[%min3A_1102, %dma_start3A_1106] : memref<8192x100xi32, #tpu.memory_space<hbm>> -> memref<1x100xi32, #tpu.memory_space<hbm>>
      %dma_start3A_1108 = tpu.memref_squeeze %dma_start3A_1107 : memref<1x100xi32, #tpu.memory_space<hbm>> -> memref<100xi32, #tpu.memory_space<hbm>>
      tpu.enqueue_dma source(%dma_start3A_1108 : memref<100xi32, #tpu.memory_space<hbm>>) target(%arg12 : memref<100xi32, #tpu.memory_space<vmem>>) target_semaphore(%arg25 : memref<!tpu.dma_semaphore, #tpu.memory_space<semaphore_mem>>)
      %dma_wait3A_1109 = arith.constant 0 : i32
      %dma_wait3A_1110 = arith.constant 0 : i32
      %dma_wait3A_1111 = tpu.memref_slice %arg3[%dma_wait3A_1109, %dma_wait3A_1110] : memref<2000000x64xf32, #tpu.memory_space<hbm>> -> memref<2000000x64xf32, #tpu.memory_space<hbm>>
      tpu.wait_indirect_dma semaphore(%arg28 : memref<!tpu.dma_semaphore, #tpu.memory_space<semaphore_mem>>) src(%dma_wait3A_1111 : memref<2000000x64xf32, #tpu.memory_space<hbm>>) dst(%arg15 : memref<100x64xf32, #tpu.memory_space<vmem>>)
      %parallel_loop3A_1112 = arith.constant 0 : i32
      %parallel_loop3A_1113 = arith.constant 100 : i32
      %parallel_loop3A_1114 = arith.constant 1 : i32
      scf.for %parallel_loop3A_1651 = %parallel_loop3A_1112 to %parallel_loop3A_1113 step %parallel_loop3A_1114  : i32 {
        %parallel_loop3A_1652 = arith.index_cast %parallel_loop3A_1651 : i32 to index
        %parallel_loop3A_1653 = arith.constant 0 : index
        %parallel_loop3A_1654 = tpu.vector_load %arg15[%parallel_loop3A_1652, %parallel_loop3A_1653] {strides = array<i32>} : memref<100x64xf32, #tpu.memory_space<vmem>>, vector<1x16xf32>,
        %parallel_loop3A_1655 = vector.shape_cast %parallel_loop3A_1654 : vector<1x16xf32> to vector<16xf32>
        %parallel_loop3A_1656 = arith.constant 1 : i32
        %parallel_loop3A_1657 = arith.index_cast %parallel_loop3A_1656 : i32 to index
        %parallel_loop3A_1658 = arith.index_cast %parallel_loop3A_1651 : i32 to index
        %parallel_loop3A_1659 = arith.constant 0 : index
        %parallel_loop3A_1660 = tpu.vector_load %arg18[%parallel_loop3A_1657, %parallel_loop3A_1658, %parallel_loop3A_1659] {strides = array<i32>} : memref<2x100x64xf32, #tpu.memory_space<vmem>>, vector<1x1x16xf32>,
        %parallel_loop3A_1661 = vector.shape_cast %parallel_loop3A_1660 : vector<1x1x16xf32> to vector<16xf32>
        %parallel_loop3A_1662 = arith.addf %parallel_loop3A_1655, %parallel_loop3A_1661 : vector<16xf32>
        %parallel_loop3A_1663 = arith.index_cast %parallel_loop3A_1651 : i32 to index
        %parallel_loop3A_1664 = arith.constant 0 : index
        %parallel_loop3A_1665 = tpu.vector_load %arg15[%parallel_loop3A_1663, %parallel_loop3A_1664] {strides = array<i32>} : memref<100x64xf32, #tpu.memory_space<vmem>>, vector<1x16xf32>,
        %parallel_loop3A_1666 = vector.shape_cast %parallel_loop3A_1665 : vector<1x16xf32> to vector<16xf32>
        %parallel_loop3A_1667 = vector.shape_cast %parallel_loop3A_1662 : vector<16xf32> to vector<1x16xf32>
        tpu.vector_store %arg15[%parallel_loop3A_1663, %parallel_loop3A_1664], %parallel_loop3A_1667 {strides = array<i32>} : memref<100x64xf32, #tpu.memory_space<vmem>>, vector<1x16xf32>,
        %parallel_loop3A_1668 = arith.index_cast %parallel_loop3A_1651 : i32 to index
        %parallel_loop3A_1669 = arith.constant 16 : index
        %parallel_loop3A_1670 = tpu.vector_load %arg15[%parallel_loop3A_1668, %parallel_loop3A_1669] {strides = array<i32>} : memref<100x64xf32, #tpu.memory_space<vmem>>, vector<1x16xf32>,
        %parallel_loop3A_1671 = vector.shape_cast %parallel_loop3A_1670 : vector<1x16xf32> to vector<16xf32>
        %parallel_loop3A_1672 = arith.constant 1 : i32
        %parallel_loop3A_1673 = arith.index_cast %parallel_loop3A_1672 : i32 to index
        %parallel_loop3A_1674 = arith.index_cast %parallel_loop3A_1651 : i32 to index
        %parallel_loop3A_1675 = arith.constant 16 : index
        %parallel_loop3A_1676 = tpu.vector_load %arg18[%parallel_loop3A_1673, %parallel_loop3A_1674, %parallel_loop3A_1675] {strides = array<i32>} : memref<2x100x64xf32, #tpu.memory_space<vmem>>, vector<1x1x16xf32>,
        %parallel_loop3A_1677 = vector.shape_cast %parallel_loop3A_1676 : vector<1x1x16xf32> to vector<16xf32>
        %parallel_loop3A_1678 = arith.addf %parallel_loop3A_1671, %parallel_loop3A_1677 : vector<16xf32>
        %parallel_loop3A_1679 = arith.index_cast %parallel_loop3A_1651 : i32 to index
        %parallel_loop3A_1680 = arith.constant 16 : index
        %parallel_loop3A_1681 = tpu.vector_load %arg15[%parallel_loop3A_1679, %parallel_loop3A_1680] {strides = array<i32>} : memref<100x64xf32, #tpu.memory_space<vmem>>, vector<1x16xf32>,
        %parallel_loop3A_1682 = vector.shape_cast %parallel_loop3A_1681 : vector<1x16xf32> to vector<16xf32>
        %parallel_loop3A_1683 = vector.shape_cast %parallel_loop3A_1678 : vector<16xf32> to vector<1x16xf32>
        tpu.vector_store %arg15[%parallel_loop3A_1679, %parallel_loop3A_1680], %parallel_loop3A_1683 {strides = array<i32>} : memref<100x64xf32, #tpu.memory_space<vmem>>, vector<1x16xf32>,
        %parallel_loop3A_1684 = arith.index_cast %parallel_loop3A_1651 : i32 to index
        %parallel_loop3A_1685 = arith.constant 32 : index
        %parallel_loop3A_1686 = tpu.vector_load %arg15[%parallel_loop3A_1684, %parallel_loop3A_1685] {strides = array<i32>} : memref<100x64xf32, #tpu.memory_space<vmem>>, vector<1x16xf32>,
        %parallel_loop3A_1687 = vector.shape_cast %parallel_loop3A_1686 : vector<1x16xf32> to vector<16xf32>
        %parallel_loop3A_1688 = arith.constant 1 : i32
        %parallel_loop3A_1689 = arith.index_cast %parallel_loop3A_1688 : i32 to index
        %parallel_loop3A_1690 = arith.index_cast %parallel_loop3A_1651 : i32 to index
        %parallel_loop3A_1691 = arith.constant 32 : index
        %parallel_loop3A_1692 = tpu.vector_load %arg18[%parallel_loop3A_1689, %parallel_loop3A_1690, %parallel_loop3A_1691] {strides = array<i32>} : memref<2x100x64xf32, #tpu.memory_space<vmem>>, vector<1x1x16xf32>,
        %parallel_loop3A_1693 = vector.shape_cast %parallel_loop3A_1692 : vector<1x1x16xf32> to vector<16xf32>
        %parallel_loop3A_1694 = arith.addf %parallel_loop3A_1687, %parallel_loop3A_1693 : vector<16xf32>
        %parallel_loop3A_1695 = arith.index_cast %parallel_loop3A_1651 : i32 to index
        %parallel_loop3A_1696 = arith.constant 32 : index
        %parallel_loop3A_1697 = tpu.vector_load %arg15[%parallel_loop3A_1695, %parallel_loop3A_1696] {strides = array<i32>} : memref<100x64xf32, #tpu.memory_space<vmem>>, vector<1x16xf32>,
        %parallel_loop3A_1698 = vector.shape_cast %parallel_loop3A_1697 : vector<1x16xf32> to vector<16xf32>
        %parallel_loop3A_1699 = vector.shape_cast %parallel_loop3A_1694 : vector<16xf32> to vector<1x16xf32>
        tpu.vector_store %arg15[%parallel_loop3A_1695, %parallel_loop3A_1696], %parallel_loop3A_1699 {strides = array<i32>} : memref<100x64xf32, #tpu.memory_space<vmem>>, vector<1x16xf32>,
        %parallel_loop3A_1700 = arith.index_cast %parallel_loop3A_1651 : i32 to index
        %parallel_loop3A_1701 = arith.constant 48 : index
        %parallel_loop3A_1702 = tpu.vector_load %arg15[%parallel_loop3A_1700, %parallel_loop3A_1701] {strides = array<i32>} : memref<100x64xf32, #tpu.memory_space<vmem>>, vector<1x16xf32>,
        %parallel_loop3A_1703 = vector.shape_cast %parallel_loop3A_1702 : vector<1x16xf32> to vector<16xf32>
        %parallel_loop3A_1704 = arith.constant 1 : i32
        %parallel_loop3A_1705 = arith.index_cast %parallel_loop3A_1704 : i32 to index
        %parallel_loop3A_1706 = arith.index_cast %parallel_loop3A_1651 : i32 to index
        %parallel_loop3A_1707 = arith.constant 48 : index
        %parallel_loop3A_1708 = tpu.vector_load %arg18[%parallel_loop3A_1705, %parallel_loop3A_1706, %parallel_loop3A_1707] {strides = array<i32>} : memref<2x100x64xf32, #tpu.memory_space<vmem>>, vector<1x1x16xf32>,
        %parallel_loop3A_1709 = vector.shape_cast %parallel_loop3A_1708 : vector<1x1x16xf32> to vector<16xf32>
        %parallel_loop3A_1710 = arith.addf %parallel_loop3A_1703, %parallel_loop3A_1709 : vector<16xf32>
        %parallel_loop3A_1711 = arith.index_cast %parallel_loop3A_1651 : i32 to index
        %parallel_loop3A_1712 = arith.constant 48 : index
        %parallel_loop3A_1713 = tpu.vector_load %arg15[%parallel_loop3A_1711, %parallel_loop3A_1712] {strides = array<i32>} : memref<100x64xf32, #tpu.memory_space<vmem>>, vector<1x16xf32>,
        %parallel_loop3A_1714 = vector.shape_cast %parallel_loop3A_1713 : vector<1x16xf32> to vector<16xf32>
        %parallel_loop3A_1715 = vector.shape_cast %parallel_loop3A_1710 : vector<16xf32> to vector<1x16xf32>
        tpu.vector_store %arg15[%parallel_loop3A_1711, %parallel_loop3A_1712], %parallel_loop3A_1715 {strides = array<i32>} : memref<100x64xf32, #tpu.memory_space<vmem>>, vector<1x16xf32>,
      } {sc.loop_unroll_factor = 4 : i64, sc.parallel_access}
      %sub3A_1115 = arith.constant 1 : i32
      %sub3A_1116 = arith.subi %add3A_1055, %sub3A_1115 : i32
      %jit3A_1117 = arith.constant 2 : i32
      %div3A_1118 = arith.divsi %sub3A_1116, %jit3A_1117 : i32
      %sign3A_1119 = arith.constant 0 : i32
      %sign3A_1120 = arith.cmpi sgt, %sub3A_1116, %sign3A_1119 : i32
      %sign3A_1121 = arith.extui %sign3A_1120 : i1 to i32
      %sign3A_1122 = arith.constant 0 : i32
      %sign3A_1123 = arith.cmpi slt, %sub3A_1116, %sign3A_1122 : i32
      %sign3A_1124 = arith.extui %sign3A_1123 : i1 to i32
      %sign3A_1125 = arith.subi %sign3A_1121, %sign3A_1124 : i32
      %sign3A_1126 = arith.constant 0 : i32
      %sign3A_1127 = arith.cmpi sgt, %jit3A_1117, %sign3A_1126 : i32
      %sign3A_1128 = arith.extui %sign3A_1127 : i1 to i32
      %sign3A_1129 = arith.constant 0 : i32
      %sign3A_1130 = arith.cmpi slt, %jit3A_1117, %sign3A_1129 : i32
      %sign3A_1131 = arith.extui %sign3A_1130 : i1 to i32
      %sign3A_1132 = arith.subi %sign3A_1128, %sign3A_1131 : i32
      %ne3A_1133 = arith.cmpi ne, %sign3A_1125, %sign3A_1132 : i32
      %rem3A_1134 = arith.remsi %sub3A_1116, %jit3A_1117 : i32
      %ne3A_1135 = arith.constant 0 : i32
      %ne3A_1136 = arith.cmpi ne, %rem3A_1134, %ne3A_1135 : i32
      %and3A_1137 = arith.andi %ne3A_1133, %ne3A_1136 : i1
      %sub3A_1138 = arith.constant 1 : i32
      %sub3A_1139 = arith.subi %div3A_1118, %sub3A_1138 : i32
      %select_n3A_1140 = arith.select %and3A_1137, %sub3A_1139, %div3A_1118 : i32
      %rem3A_1141 = arith.constant 2 : i32
      %rem3A_1142 = arith.remsi %sub3A_1116, %rem3A_1141 : i32
      %mul3A_1143 = arith.constant 100 : i32
      %mul3A_1144 = arith.muli %rem3A_1142, %mul3A_1143 : i32
      %dma_start3A_1145 = arith.constant 0 : i32
      %dma_start3A_1146 = tpu.memref_slice %arg5[%select_n3A_1140, %mul3A_1144, %dma_start3A_1145] : memref<4096x200x128xf32, #tpu.memory_space<hbm>> -> memref<1x100x64xf32, #tpu.memory_space<hbm>>
      %dma_start3A_1147 = tpu.memref_squeeze %dma_start3A_1146 : memref<1x100x64xf32, #tpu.memory_space<hbm>> -> memref<100x64xf32, #tpu.memory_space<hbm>>
      %dma_start3A_1148 = arith.constant 0 : i32
      %dma_start3A_1149 = tpu.memref_slice %arg5[%select_n3A_1140, %mul3A_1144, %dma_start3A_1148] : memref<4096x200x128xf32, #tpu.memory_space<hbm>> -> memref<1x100x64xf32, #tpu.memory_space<hbm>>
      %dma_start3A_1150 = tpu.memref_squeeze %dma_start3A_1149 : memref<1x100x64xf32, #tpu.memory_space<hbm>> -> memref<100x64xf32, #tpu.memory_space<hbm>>
      tpu.enqueue_dma source(%arg15 : memref<100x64xf32, #tpu.memory_space<vmem>>) target(%dma_start3A_1150 : memref<100x64xf32, #tpu.memory_space<hbm>>) target_semaphore(%arg32 : memref<!tpu.dma_semaphore, #tpu.memory_space<semaphore_mem>>)
      %mul3A_1151 = arith.constant 8 : i32
      %mul3A_1152 = arith.muli %scan3A_850, %mul3A_1151 : i32
      %add3A_1153 = arith.constant 3 : i32
      %add3A_1154 = arith.addi %mul3A_1152, %add3A_1153 : i32
      %add3A_1155 = arith.addi %mul3A_2, %add3A_1154 : i32
      %dma_wait3A_1156 = arith.constant 0 : i32
      %dma_wait3A_1157 = tpu.memref_slice %arg2[%mul3A_2, %dma_wait3A_1156] : memref<8192x100xi32, #tpu.memory_space<hbm>> -> memref<1x100xi32, #tpu.memory_space<hbm>>
      %dma_wait3A_1158 = tpu.memref_squeeze %dma_wait3A_1157 : memref<1x100xi32, #tpu.memory_space<hbm>> -> memref<100xi32, #tpu.memory_space<hbm>>
      %dma_wait3A_1159 = arith.constant 0 : i32
      %dma_wait3A_1160 = tpu.memref_slice %arg2[%mul3A_2, %dma_wait3A_1159] : memref<8192x100xi32, #tpu.memory_space<hbm>> -> memref<1x100xi32, #tpu.memory_space<hbm>>
      %dma_wait3A_1161 = tpu.memref_squeeze %dma_wait3A_1160 : memref<1x100xi32, #tpu.memory_space<hbm>> -> memref<100xi32, #tpu.memory_space<hbm>>
      tpu.wait_dma2 semaphore(%arg22 : memref<!tpu.dma_semaphore, #tpu.memory_space<semaphore_mem>>) src(%dma_wait3A_1161 : memref<100xi32, #tpu.memory_space<hbm>>) dst(%arg9 : memref<100xi32, #tpu.memory_space<vmem>>)
      %jit3A_1162 = arith.constant 2 : i32
      %div3A_1163 = arith.divsi %mul3A_2, %jit3A_1162 : i32
      %sign3A_1164 = arith.constant 0 : i32
      %sign3A_1165 = arith.cmpi sgt, %mul3A_2, %sign3A_1164 : i32
      %sign3A_1166 = arith.extui %sign3A_1165 : i1 to i32
      %sign3A_1167 = arith.constant 0 : i32
      %sign3A_1168 = arith.cmpi slt, %mul3A_2, %sign3A_1167 : i32
      %sign3A_1169 = arith.extui %sign3A_1168 : i1 to i32
      %sign3A_1170 = arith.subi %sign3A_1166, %sign3A_1169 : i32
      %sign3A_1171 = arith.constant 0 : i32
      %sign3A_1172 = arith.cmpi sgt, %jit3A_1162, %sign3A_1171 : i32
      %sign3A_1173 = arith.extui %sign3A_1172 : i1 to i32
      %sign3A_1174 = arith.constant 0 : i32
      %sign3A_1175 = arith.cmpi slt, %jit3A_1162, %sign3A_1174 : i32
      %sign3A_1176 = arith.extui %sign3A_1175 : i1 to i32
      %sign3A_1177 = arith.subi %sign3A_1173, %sign3A_1176 : i32
      %ne3A_1178 = arith.cmpi ne, %sign3A_1170, %sign3A_1177 : i32
      %rem3A_1179 = arith.remsi %mul3A_2, %jit3A_1162 : i32
      %ne3A_1180 = arith.constant 0 : i32
      %ne3A_1181 = arith.cmpi ne, %rem3A_1179, %ne3A_1180 : i32
      %and3A_1182 = arith.andi %ne3A_1178, %ne3A_1181 : i1
      %sub3A_1183 = arith.constant 1 : i32
      %sub3A_1184 = arith.subi %div3A_1163, %sub3A_1183 : i32
      %select_n3A_1185 = arith.select %and3A_1182, %sub3A_1184, %div3A_1163 : i32
      %rem3A_1186 = arith.constant 2 : i32
      %rem3A_1187 = arith.remsi %mul3A_2, %rem3A_1186 : i32
      %mul3A_1188 = arith.constant 100 : i32
      %mul3A_1189 = arith.muli %rem3A_1187, %mul3A_1188 : i32
      %dma_wait3A_1190 = arith.constant 0 : i32
      %dma_wait3A_1191 = tpu.memref_slice %arg5[%select_n3A_1185, %mul3A_1189, %dma_wait3A_1190] : memref<4096x200x128xf32, #tpu.memory_space<hbm>> -> memref<1x100x64xf32, #tpu.memory_space<hbm>>
      %dma_wait3A_1192 = tpu.memref_squeeze %dma_wait3A_1191 : memref<1x100x64xf32, #tpu.memory_space<hbm>> -> memref<100x64xf32, #tpu.memory_space<hbm>>
      %dma_wait3A_1193 = arith.constant 0 : i32
      %dma_wait3A_1194 = tpu.memref_slice %arg5[%select_n3A_1185, %mul3A_1189, %dma_wait3A_1193] : memref<4096x200x128xf32, #tpu.memory_space<hbm>> -> memref<1x100x64xf32, #tpu.memory_space<hbm>>
      %dma_wait3A_1195 = tpu.memref_squeeze %dma_wait3A_1194 : memref<1x100x64xf32, #tpu.memory_space<hbm>> -> memref<100x64xf32, #tpu.memory_space<hbm>>
      tpu.wait_dma2 semaphore(%arg34 : memref<!tpu.dma_semaphore, #tpu.memory_space<semaphore_mem>>) src(%arg17 : memref<100x64xf32, #tpu.memory_space<vmem>>) dst(%dma_wait3A_1195 : memref<100x64xf32, #tpu.memory_space<hbm>>)
      %dma_start3A_1196 = arith.constant 0 : i32
      %dma_start3A_1197 = arith.constant 0 : i32
      %dma_start3A_1198 = tpu.memref_slice %arg3[%dma_start3A_1196, %dma_start3A_1197] : memref<2000000x64xf32, #tpu.memory_space<hbm>> -> memref<2000000x64xf32, #tpu.memory_space<hbm>>
      tpu.enqueue_indirect_dma source(%dma_start3A_1198 : memref<2000000x64xf32, #tpu.memory_space<hbm>>) target(%arg17 : memref<100x64xf32, #tpu.memory_space<vmem>>) offsets(%arg9 : memref<100xi32, #tpu.memory_space<vmem>>) semaphore(%arg30 : memref<!tpu.dma_semaphore, #tpu.memory_space<semaphore_mem>>)
      %add3A_1199 = arith.constant 4 : i32
      %add3A_1200 = arith.addi %add3A_1155, %add3A_1199 : i32
      %min3A_1201 = arith.constant 8191 : i32
      %min3A_1202 = arith.minsi %add3A_1200, %min3A_1201 : i32
      %dma_start3A_1203 = arith.constant 0 : i32
      %dma_start3A_1204 = tpu.memref_slice %arg2[%min3A_1202, %dma_start3A_1203] : memref<8192x100xi32, #tpu.memory_space<hbm>> -> memref<1x100xi32, #tpu.memory_space<hbm>>
      %dma_start3A_1205 = tpu.memref_squeeze %dma_start3A_1204 : memref<1x100xi32, #tpu.memory_space<hbm>> -> memref<100xi32, #tpu.memory_space<hbm>>
      %dma_start3A_1206 = arith.constant 0 : i32
      %dma_start3A_1207 = tpu.memref_slice %arg2[%min3A_1202, %dma_start3A_1206] : memref<8192x100xi32, #tpu.memory_space<hbm>> -> memref<1x100xi32, #tpu.memory_space<hbm>>
      %dma_start3A_1208 = tpu.memref_squeeze %dma_start3A_1207 : memref<1x100xi32, #tpu.memory_space<hbm>> -> memref<100xi32, #tpu.memory_space<hbm>>
      tpu.enqueue_dma source(%dma_start3A_1208 : memref<100xi32, #tpu.memory_space<hbm>>) target(%arg13 : memref<100xi32, #tpu.memory_space<vmem>>) target_semaphore(%arg26 : memref<!tpu.dma_semaphore, #tpu.memory_space<semaphore_mem>>)
      %dma_wait3A_1209 = arith.constant 0 : i32
      %dma_wait3A_1210 = arith.constant 0 : i32
      %dma_wait3A_1211 = tpu.memref_slice %arg3[%dma_wait3A_1209, %dma_wait3A_1210] : memref<2000000x64xf32, #tpu.memory_space<hbm>> -> memref<2000000x64xf32, #tpu.memory_space<hbm>>
      tpu.wait_indirect_dma semaphore(%arg29 : memref<!tpu.dma_semaphore, #tpu.memory_space<semaphore_mem>>) src(%dma_wait3A_1211 : memref<2000000x64xf32, #tpu.memory_space<hbm>>) dst(%arg16 : memref<100x64xf32, #tpu.memory_space<vmem>>)
      %parallel_loop3A_1212 = arith.constant 0 : i32
      %parallel_loop3A_1213 = arith.constant 100 : i32
      %parallel_loop3A_1214 = arith.constant 1 : i32
      scf.for %parallel_loop3A_1651 = %parallel_loop3A_1212 to %parallel_loop3A_1213 step %parallel_loop3A_1214  : i32 {
        %parallel_loop3A_1652 = arith.index_cast %parallel_loop3A_1651 : i32 to index
        %parallel_loop3A_1653 = arith.constant 0 : index
        %parallel_loop3A_1654 = tpu.vector_load %arg16[%parallel_loop3A_1652, %parallel_loop3A_1653] {strides = array<i32>} : memref<100x64xf32, #tpu.memory_space<vmem>>, vector<1x16xf32>,
        %parallel_loop3A_1655 = vector.shape_cast %parallel_loop3A_1654 : vector<1x16xf32> to vector<16xf32>
        %parallel_loop3A_1656 = arith.constant 0 : i32
        %parallel_loop3A_1657 = arith.index_cast %parallel_loop3A_1656 : i32 to index
        %parallel_loop3A_1658 = arith.index_cast %parallel_loop3A_1651 : i32 to index
        %parallel_loop3A_1659 = arith.constant 0 : index
        %parallel_loop3A_1660 = tpu.vector_load %arg18[%parallel_loop3A_1657, %parallel_loop3A_1658, %parallel_loop3A_1659] {strides = array<i32>} : memref<2x100x64xf32, #tpu.memory_space<vmem>>, vector<1x1x16xf32>,
        %parallel_loop3A_1661 = vector.shape_cast %parallel_loop3A_1660 : vector<1x1x16xf32> to vector<16xf32>
        %parallel_loop3A_1662 = arith.addf %parallel_loop3A_1655, %parallel_loop3A_1661 : vector<16xf32>
        %parallel_loop3A_1663 = arith.index_cast %parallel_loop3A_1651 : i32 to index
        %parallel_loop3A_1664 = arith.constant 0 : index
        %parallel_loop3A_1665 = tpu.vector_load %arg16[%parallel_loop3A_1663, %parallel_loop3A_1664] {strides = array<i32>} : memref<100x64xf32, #tpu.memory_space<vmem>>, vector<1x16xf32>,
        %parallel_loop3A_1666 = vector.shape_cast %parallel_loop3A_1665 : vector<1x16xf32> to vector<16xf32>
        %parallel_loop3A_1667 = vector.shape_cast %parallel_loop3A_1662 : vector<16xf32> to vector<1x16xf32>
        tpu.vector_store %arg16[%parallel_loop3A_1663, %parallel_loop3A_1664], %parallel_loop3A_1667 {strides = array<i32>} : memref<100x64xf32, #tpu.memory_space<vmem>>, vector<1x16xf32>,
        %parallel_loop3A_1668 = arith.index_cast %parallel_loop3A_1651 : i32 to index
        %parallel_loop3A_1669 = arith.constant 16 : index
        %parallel_loop3A_1670 = tpu.vector_load %arg16[%parallel_loop3A_1668, %parallel_loop3A_1669] {strides = array<i32>} : memref<100x64xf32, #tpu.memory_space<vmem>>, vector<1x16xf32>,
        %parallel_loop3A_1671 = vector.shape_cast %parallel_loop3A_1670 : vector<1x16xf32> to vector<16xf32>
        %parallel_loop3A_1672 = arith.constant 0 : i32
        %parallel_loop3A_1673 = arith.index_cast %parallel_loop3A_1672 : i32 to index
        %parallel_loop3A_1674 = arith.index_cast %parallel_loop3A_1651 : i32 to index
        %parallel_loop3A_1675 = arith.constant 16 : index
        %parallel_loop3A_1676 = tpu.vector_load %arg18[%parallel_loop3A_1673, %parallel_loop3A_1674, %parallel_loop3A_1675] {strides = array<i32>} : memref<2x100x64xf32, #tpu.memory_space<vmem>>, vector<1x1x16xf32>,
        %parallel_loop3A_1677 = vector.shape_cast %parallel_loop3A_1676 : vector<1x1x16xf32> to vector<16xf32>
        %parallel_loop3A_1678 = arith.addf %parallel_loop3A_1671, %parallel_loop3A_1677 : vector<16xf32>
        %parallel_loop3A_1679 = arith.index_cast %parallel_loop3A_1651 : i32 to index
        %parallel_loop3A_1680 = arith.constant 16 : index
        %parallel_loop3A_1681 = tpu.vector_load %arg16[%parallel_loop3A_1679, %parallel_loop3A_1680] {strides = array<i32>} : memref<100x64xf32, #tpu.memory_space<vmem>>, vector<1x16xf32>,
        %parallel_loop3A_1682 = vector.shape_cast %parallel_loop3A_1681 : vector<1x16xf32> to vector<16xf32>
        %parallel_loop3A_1683 = vector.shape_cast %parallel_loop3A_1678 : vector<16xf32> to vector<1x16xf32>
        tpu.vector_store %arg16[%parallel_loop3A_1679, %parallel_loop3A_1680], %parallel_loop3A_1683 {strides = array<i32>} : memref<100x64xf32, #tpu.memory_space<vmem>>, vector<1x16xf32>,
        %parallel_loop3A_1684 = arith.index_cast %parallel_loop3A_1651 : i32 to index
        %parallel_loop3A_1685 = arith.constant 32 : index
        %parallel_loop3A_1686 = tpu.vector_load %arg16[%parallel_loop3A_1684, %parallel_loop3A_1685] {strides = array<i32>} : memref<100x64xf32, #tpu.memory_space<vmem>>, vector<1x16xf32>,
        %parallel_loop3A_1687 = vector.shape_cast %parallel_loop3A_1686 : vector<1x16xf32> to vector<16xf32>
        %parallel_loop3A_1688 = arith.constant 0 : i32
        %parallel_loop3A_1689 = arith.index_cast %parallel_loop3A_1688 : i32 to index
        %parallel_loop3A_1690 = arith.index_cast %parallel_loop3A_1651 : i32 to index
        %parallel_loop3A_1691 = arith.constant 32 : index
        %parallel_loop3A_1692 = tpu.vector_load %arg18[%parallel_loop3A_1689, %parallel_loop3A_1690, %parallel_loop3A_1691] {strides = array<i32>} : memref<2x100x64xf32, #tpu.memory_space<vmem>>, vector<1x1x16xf32>,
        %parallel_loop3A_1693 = vector.shape_cast %parallel_loop3A_1692 : vector<1x1x16xf32> to vector<16xf32>
        %parallel_loop3A_1694 = arith.addf %parallel_loop3A_1687, %parallel_loop3A_1693 : vector<16xf32>
        %parallel_loop3A_1695 = arith.index_cast %parallel_loop3A_1651 : i32 to index
        %parallel_loop3A_1696 = arith.constant 32 : index
        %parallel_loop3A_1697 = tpu.vector_load %arg16[%parallel_loop3A_1695, %parallel_loop3A_1696] {strides = array<i32>} : memref<100x64xf32, #tpu.memory_space<vmem>>, vector<1x16xf32>,
        %parallel_loop3A_1698 = vector.shape_cast %parallel_loop3A_1697 : vector<1x16xf32> to vector<16xf32>
        %parallel_loop3A_1699 = vector.shape_cast %parallel_loop3A_1694 : vector<16xf32> to vector<1x16xf32>
        tpu.vector_store %arg16[%parallel_loop3A_1695, %parallel_loop3A_1696], %parallel_loop3A_1699 {strides = array<i32>} : memref<100x64xf32, #tpu.memory_space<vmem>>, vector<1x16xf32>,
        %parallel_loop3A_1700 = arith.index_cast %parallel_loop3A_1651 : i32 to index
        %parallel_loop3A_1701 = arith.constant 48 : index
        %parallel_loop3A_1702 = tpu.vector_load %arg16[%parallel_loop3A_1700, %parallel_loop3A_1701] {strides = array<i32>} : memref<100x64xf32, #tpu.memory_space<vmem>>, vector<1x16xf32>,
        %parallel_loop3A_1703 = vector.shape_cast %parallel_loop3A_1702 : vector<1x16xf32> to vector<16xf32>
        %parallel_loop3A_1704 = arith.constant 0 : i32
        %parallel_loop3A_1705 = arith.index_cast %parallel_loop3A_1704 : i32 to index
        %parallel_loop3A_1706 = arith.index_cast %parallel_loop3A_1651 : i32 to index
        %parallel_loop3A_1707 = arith.constant 48 : index
        %parallel_loop3A_1708 = tpu.vector_load %arg18[%parallel_loop3A_1705, %parallel_loop3A_1706, %parallel_loop3A_1707] {strides = array<i32>} : memref<2x100x64xf32, #tpu.memory_space<vmem>>, vector<1x1x16xf32>,
        %parallel_loop3A_1709 = vector.shape_cast %parallel_loop3A_1708 : vector<1x1x16xf32> to vector<16xf32>
        %parallel_loop3A_1710 = arith.addf %parallel_loop3A_1703, %parallel_loop3A_1709 : vector<16xf32>
        %parallel_loop3A_1711 = arith.index_cast %parallel_loop3A_1651 : i32 to index
        %parallel_loop3A_1712 = arith.constant 48 : index
        %parallel_loop3A_1713 = tpu.vector_load %arg16[%parallel_loop3A_1711, %parallel_loop3A_1712] {strides = array<i32>} : memref<100x64xf32, #tpu.memory_space<vmem>>, vector<1x16xf32>,
        %parallel_loop3A_1714 = vector.shape_cast %parallel_loop3A_1713 : vector<1x16xf32> to vector<16xf32>
        %parallel_loop3A_1715 = vector.shape_cast %parallel_loop3A_1710 : vector<16xf32> to vector<1x16xf32>
        tpu.vector_store %arg16[%parallel_loop3A_1711, %parallel_loop3A_1712], %parallel_loop3A_1715 {strides = array<i32>} : memref<100x64xf32, #tpu.memory_space<vmem>>, vector<1x16xf32>,
      } {sc.loop_unroll_factor = 4 : i64, sc.parallel_access}
      %sub3A_1215 = arith.constant 1 : i32
      %sub3A_1216 = arith.subi %add3A_1155, %sub3A_1215 : i32
      %jit3A_1217 = arith.constant 2 : i32
      %div3A_1218 = arith.divsi %sub3A_1216, %jit3A_1217 : i32
      %sign3A_1219 = arith.constant 0 : i32
      %sign3A_1220 = arith.cmpi sgt, %sub3A_1216, %sign3A_1219 : i32
      %sign3A_1221 = arith.extui %sign3A_1220 : i1 to i32
      %sign3A_1222 = arith.constant 0 : i32
      %sign3A_1223 = arith.cmpi slt, %sub3A_1216, %sign3A_1222 : i32
      %sign3A_1224 = arith.extui %sign3A_1223 : i1 to i32
      %sign3A_1225 = arith.subi %sign3A_1221, %sign3A_1224 : i32
      %sign3A_1226 = arith.constant 0 : i32
      %sign3A_1227 = arith.cmpi sgt, %jit3A_1217, %sign3A_1226 : i32
      %sign3A_1228 = arith.extui %sign3A_1227 : i1 to i32
      %sign3A_1229 = arith.constant 0 : i32
      %sign3A_1230 = arith.cmpi slt, %jit3A_1217, %sign3A_1229 : i32
      %sign3A_1231 = arith.extui %sign3A_1230 : i1 to i32
      %sign3A_1232 = arith.subi %sign3A_1228, %sign3A_1231 : i32
      %ne3A_1233 = arith.cmpi ne, %sign3A_1225, %sign3A_1232 : i32
      %rem3A_1234 = arith.remsi %sub3A_1216, %jit3A_1217 : i32
      %ne3A_1235 = arith.constant 0 : i32
      %ne3A_1236 = arith.cmpi ne, %rem3A_1234, %ne3A_1235 : i32
      %and3A_1237 = arith.andi %ne3A_1233, %ne3A_1236 : i1
      %sub3A_1238 = arith.constant 1 : i32
      %sub3A_1239 = arith.subi %div3A_1218, %sub3A_1238 : i32
      %select_n3A_1240 = arith.select %and3A_1237, %sub3A_1239, %div3A_1218 : i32
      %rem3A_1241 = arith.constant 2 : i32
      %rem3A_1242 = arith.remsi %sub3A_1216, %rem3A_1241 : i32
      %mul3A_1243 = arith.constant 100 : i32
      %mul3A_1244 = arith.muli %rem3A_1242, %mul3A_1243 : i32
      %dma_start3A_1245 = arith.constant 0 : i32
      %dma_start3A_1246 = tpu.memref_slice %arg5[%select_n3A_1240, %mul3A_1244, %dma_start3A_1245] : memref<4096x200x128xf32, #tpu.memory_space<hbm>> -> memref<1x100x64xf32, #tpu.memory_space<hbm>>
      %dma_start3A_1247 = tpu.memref_squeeze %dma_start3A_1246 : memref<1x100x64xf32, #tpu.memory_space<hbm>> -> memref<100x64xf32, #tpu.memory_space<hbm>>
      %dma_start3A_1248 = arith.constant 0 : i32
      %dma_start3A_1249 = tpu.memref_slice %arg5[%select_n3A_1240, %mul3A_1244, %dma_start3A_1248] : memref<4096x200x128xf32, #tpu.memory_space<hbm>> -> memref<1x100x64xf32, #tpu.memory_space<hbm>>
      %dma_start3A_1250 = tpu.memref_squeeze %dma_start3A_1249 : memref<1x100x64xf32, #tpu.memory_space<hbm>> -> memref<100x64xf32, #tpu.memory_space<hbm>>
      tpu.enqueue_dma source(%arg16 : memref<100x64xf32, #tpu.memory_space<vmem>>) target(%dma_start3A_1250 : memref<100x64xf32, #tpu.memory_space<hbm>>) target_semaphore(%arg33 : memref<!tpu.dma_semaphore, #tpu.memory_space<semaphore_mem>>)
      %mul3A_1251 = arith.constant 8 : i32
      %mul3A_1252 = arith.muli %scan3A_850, %mul3A_1251 : i32
      %add3A_1253 = arith.constant 4 : i32
      %add3A_1254 = arith.addi %mul3A_1252, %add3A_1253 : i32
      %add3A_1255 = arith.addi %mul3A_2, %add3A_1254 : i32
      %dma_wait3A_1256 = arith.constant 0 : i32
      %dma_wait3A_1257 = tpu.memref_slice %arg2[%mul3A_2, %dma_wait3A_1256] : memref<8192x100xi32, #tpu.memory_space<hbm>> -> memref<1x100xi32, #tpu.memory_space<hbm>>
      %dma_wait3A_1258 = tpu.memref_squeeze %dma_wait3A_1257 : memref<1x100xi32, #tpu.memory_space<hbm>> -> memref<100xi32, #tpu.memory_space<hbm>>
      %dma_wait3A_1259 = arith.constant 0 : i32
      %dma_wait3A_1260 = tpu.memref_slice %arg2[%mul3A_2, %dma_wait3A_1259] : memref<8192x100xi32, #tpu.memory_space<hbm>> -> memref<1x100xi32, #tpu.memory_space<hbm>>
      %dma_wait3A_1261 = tpu.memref_squeeze %dma_wait3A_1260 : memref<1x100xi32, #tpu.memory_space<hbm>> -> memref<100xi32, #tpu.memory_space<hbm>>
      tpu.wait_dma2 semaphore(%arg23 : memref<!tpu.dma_semaphore, #tpu.memory_space<semaphore_mem>>) src(%dma_wait3A_1261 : memref<100xi32, #tpu.memory_space<hbm>>) dst(%arg10 : memref<100xi32, #tpu.memory_space<vmem>>)
      %jit3A_1262 = arith.constant 2 : i32
      %div3A_1263 = arith.divsi %mul3A_2, %jit3A_1262 : i32
      %sign3A_1264 = arith.constant 0 : i32
      %sign3A_1265 = arith.cmpi sgt, %mul3A_2, %sign3A_1264 : i32
      %sign3A_1266 = arith.extui %sign3A_1265 : i1 to i32
      %sign3A_1267 = arith.constant 0 : i32
      %sign3A_1268 = arith.cmpi slt, %mul3A_2, %sign3A_1267 : i32
      %sign3A_1269 = arith.extui %sign3A_1268 : i1 to i32
      %sign3A_1270 = arith.subi %sign3A_1266, %sign3A_1269 : i32
      %sign3A_1271 = arith.constant 0 : i32
      %sign3A_1272 = arith.cmpi sgt, %jit3A_1262, %sign3A_1271 : i32
      %sign3A_1273 = arith.extui %sign3A_1272 : i1 to i32
      %sign3A_1274 = arith.constant 0 : i32
      %sign3A_1275 = arith.cmpi slt, %jit3A_1262, %sign3A_1274 : i32
      %sign3A_1276 = arith.extui %sign3A_1275 : i1 to i32
      %sign3A_1277 = arith.subi %sign3A_1273, %sign3A_1276 : i32
      %ne3A_1278 = arith.cmpi ne, %sign3A_1270, %sign3A_1277 : i32
      %rem3A_1279 = arith.remsi %mul3A_2, %jit3A_1262 : i32
      %ne3A_1280 = arith.constant 0 : i32
      %ne3A_1281 = arith.cmpi ne, %rem3A_1279, %ne3A_1280 : i32
      %and3A_1282 = arith.andi %ne3A_1278, %ne3A_1281 : i1
      %sub3A_1283 = arith.constant 1 : i32
      %sub3A_1284 = arith.subi %div3A_1263, %sub3A_1283 : i32
      %select_n3A_1285 = arith.select %and3A_1282, %sub3A_1284, %div3A_1263 : i32
      %rem3A_1286 = arith.constant 2 : i32
      %rem3A_1287 = arith.remsi %mul3A_2, %rem3A_1286 : i32
      %mul3A_1288 = arith.constant 100 : i32
      %mul3A_1289 = arith.muli %rem3A_1287, %mul3A_1288 : i32
      %dma_wait3A_1290 = arith.constant 0 : i32
      %dma_wait3A_1291 = tpu.memref_slice %arg5[%select_n3A_1285, %mul3A_1289, %dma_wait3A_1290] : memref<4096x200x128xf32, #tpu.memory_space<hbm>> -> memref<1x100x64xf32, #tpu.memory_space<hbm>>
      %dma_wait3A_1292 = tpu.memref_squeeze %dma_wait3A_1291 : memref<1x100x64xf32, #tpu.memory_space<hbm>> -> memref<100x64xf32, #tpu.memory_space<hbm>>
      %dma_wait3A_1293 = arith.constant 0 : i32
      %dma_wait3A_1294 = tpu.memref_slice %arg5[%select_n3A_1285, %mul3A_1289, %dma_wait3A_1293] : memref<4096x200x128xf32, #tpu.memory_space<hbm>> -> memref<1x100x64xf32, #tpu.memory_space<hbm>>
      %dma_wait3A_1295 = tpu.memref_squeeze %dma_wait3A_1294 : memref<1x100x64xf32, #tpu.memory_space<hbm>> -> memref<100x64xf32, #tpu.memory_space<hbm>>
      tpu.wait_dma2 semaphore(%arg31 : memref<!tpu.dma_semaphore, #tpu.memory_space<semaphore_mem>>) src(%arg14 : memref<100x64xf32, #tpu.memory_space<vmem>>) dst(%dma_wait3A_1295 : memref<100x64xf32, #tpu.memory_space<hbm>>)
      %dma_start3A_1296 = arith.constant 0 : i32
      %dma_start3A_1297 = arith.constant 0 : i32
      %dma_start3A_1298 = tpu.memref_slice %arg3[%dma_start3A_1296, %dma_start3A_1297] : memref<2000000x64xf32, #tpu.memory_space<hbm>> -> memref<2000000x64xf32, #tpu.memory_space<hbm>>
      tpu.enqueue_indirect_dma source(%dma_start3A_1298 : memref<2000000x64xf32, #tpu.memory_space<hbm>>) target(%arg14 : memref<100x64xf32, #tpu.memory_space<vmem>>) offsets(%arg10 : memref<100xi32, #tpu.memory_space<vmem>>) semaphore(%arg27 : memref<!tpu.dma_semaphore, #tpu.memory_space<semaphore_mem>>)
      %add3A_1299 = arith.constant 4 : i32
      %add3A_1300 = arith.addi %add3A_1255, %add3A_1299 : i32
      %min3A_1301 = arith.constant 8191 : i32
      %min3A_1302 = arith.minsi %add3A_1300, %min3A_1301 : i32
      %dma_start3A_1303 = arith.constant 0 : i32
      %dma_start3A_1304 = tpu.memref_slice %arg2[%min3A_1302, %dma_start3A_1303] : memref<8192x100xi32, #tpu.memory_space<hbm>> -> memref<1x100xi32, #tpu.memory_space<hbm>>
      %dma_start3A_1305 = tpu.memref_squeeze %dma_start3A_1304 : memref<1x100xi32, #tpu.memory_space<hbm>> -> memref<100xi32, #tpu.memory_space<hbm>>
      %dma_start3A_1306 = arith.constant 0 : i32
      %dma_start3A_1307 = tpu.memref_slice %arg2[%min3A_1302, %dma_start3A_1306] : memref<8192x100xi32, #tpu.memory_space<hbm>> -> memref<1x100xi32, #tpu.memory_space<hbm>>
      %dma_start3A_1308 = tpu.memref_squeeze %dma_start3A_1307 : memref<1x100xi32, #tpu.memory_space<hbm>> -> memref<100xi32, #tpu.memory_space<hbm>>
      tpu.enqueue_dma source(%dma_start3A_1308 : memref<100xi32, #tpu.memory_space<hbm>>) target(%arg6 : memref<100xi32, #tpu.memory_space<vmem>>) target_semaphore(%arg19 : memref<!tpu.dma_semaphore, #tpu.memory_space<semaphore_mem>>)
      %dma_wait3A_1309 = arith.constant 0 : i32
      %dma_wait3A_1310 = arith.constant 0 : i32
      %dma_wait3A_1311 = tpu.memref_slice %arg3[%dma_wait3A_1309, %dma_wait3A_1310] : memref<2000000x64xf32, #tpu.memory_space<hbm>> -> memref<2000000x64xf32, #tpu.memory_space<hbm>>
      tpu.wait_indirect_dma semaphore(%arg30 : memref<!tpu.dma_semaphore, #tpu.memory_space<semaphore_mem>>) src(%dma_wait3A_1311 : memref<2000000x64xf32, #tpu.memory_space<hbm>>) dst(%arg17 : memref<100x64xf32, #tpu.memory_space<vmem>>)
      %parallel_loop3A_1312 = arith.constant 0 : i32
      %parallel_loop3A_1313 = arith.constant 100 : i32
      %parallel_loop3A_1314 = arith.constant 1 : i32
      scf.for %parallel_loop3A_1651 = %parallel_loop3A_1312 to %parallel_loop3A_1313 step %parallel_loop3A_1314  : i32 {
        %parallel_loop3A_1652 = arith.index_cast %parallel_loop3A_1651 : i32 to index
        %parallel_loop3A_1653 = arith.constant 0 : index
        %parallel_loop3A_1654 = tpu.vector_load %arg17[%parallel_loop3A_1652, %parallel_loop3A_1653] {strides = array<i32>} : memref<100x64xf32, #tpu.memory_space<vmem>>, vector<1x16xf32>,
        %parallel_loop3A_1655 = vector.shape_cast %parallel_loop3A_1654 : vector<1x16xf32> to vector<16xf32>
        %parallel_loop3A_1656 = arith.constant 1 : i32
        %parallel_loop3A_1657 = arith.index_cast %parallel_loop3A_1656 : i32 to index
        %parallel_loop3A_1658 = arith.index_cast %parallel_loop3A_1651 : i32 to index
        %parallel_loop3A_1659 = arith.constant 0 : index
        %parallel_loop3A_1660 = tpu.vector_load %arg18[%parallel_loop3A_1657, %parallel_loop3A_1658, %parallel_loop3A_1659] {strides = array<i32>} : memref<2x100x64xf32, #tpu.memory_space<vmem>>, vector<1x1x16xf32>,
        %parallel_loop3A_1661 = vector.shape_cast %parallel_loop3A_1660 : vector<1x1x16xf32> to vector<16xf32>
        %parallel_loop3A_1662 = arith.addf %parallel_loop3A_1655, %parallel_loop3A_1661 : vector<16xf32>
        %parallel_loop3A_1663 = arith.index_cast %parallel_loop3A_1651 : i32 to index
        %parallel_loop3A_1664 = arith.constant 0 : index
        %parallel_loop3A_1665 = tpu.vector_load %arg17[%parallel_loop3A_1663, %parallel_loop3A_1664] {strides = array<i32>} : memref<100x64xf32, #tpu.memory_space<vmem>>, vector<1x16xf32>,
        %parallel_loop3A_1666 = vector.shape_cast %parallel_loop3A_1665 : vector<1x16xf32> to vector<16xf32>
        %parallel_loop3A_1667 = vector.shape_cast %parallel_loop3A_1662 : vector<16xf32> to vector<1x16xf32>
        tpu.vector_store %arg17[%parallel_loop3A_1663, %parallel_loop3A_1664], %parallel_loop3A_1667 {strides = array<i32>} : memref<100x64xf32, #tpu.memory_space<vmem>>, vector<1x16xf32>,
        %parallel_loop3A_1668 = arith.index_cast %parallel_loop3A_1651 : i32 to index
        %parallel_loop3A_1669 = arith.constant 16 : index
        %parallel_loop3A_1670 = tpu.vector_load %arg17[%parallel_loop3A_1668, %parallel_loop3A_1669] {strides = array<i32>} : memref<100x64xf32, #tpu.memory_space<vmem>>, vector<1x16xf32>,
        %parallel_loop3A_1671 = vector.shape_cast %parallel_loop3A_1670 : vector<1x16xf32> to vector<16xf32>
        %parallel_loop3A_1672 = arith.constant 1 : i32
        %parallel_loop3A_1673 = arith.index_cast %parallel_loop3A_1672 : i32 to index
        %parallel_loop3A_1674 = arith.index_cast %parallel_loop3A_1651 : i32 to index
        %parallel_loop3A_1675 = arith.constant 16 : index
        %parallel_loop3A_1676 = tpu.vector_load %arg18[%parallel_loop3A_1673, %parallel_loop3A_1674, %parallel_loop3A_1675] {strides = array<i32>} : memref<2x100x64xf32, #tpu.memory_space<vmem>>, vector<1x1x16xf32>,
        %parallel_loop3A_1677 = vector.shape_cast %parallel_loop3A_1676 : vector<1x1x16xf32> to vector<16xf32>
        %parallel_loop3A_1678 = arith.addf %parallel_loop3A_1671, %parallel_loop3A_1677 : vector<16xf32>
        %parallel_loop3A_1679 = arith.index_cast %parallel_loop3A_1651 : i32 to index
        %parallel_loop3A_1680 = arith.constant 16 : index
        %parallel_loop3A_1681 = tpu.vector_load %arg17[%parallel_loop3A_1679, %parallel_loop3A_1680] {strides = array<i32>} : memref<100x64xf32, #tpu.memory_space<vmem>>, vector<1x16xf32>,
        %parallel_loop3A_1682 = vector.shape_cast %parallel_loop3A_1681 : vector<1x16xf32> to vector<16xf32>
        %parallel_loop3A_1683 = vector.shape_cast %parallel_loop3A_1678 : vector<16xf32> to vector<1x16xf32>
        tpu.vector_store %arg17[%parallel_loop3A_1679, %parallel_loop3A_1680], %parallel_loop3A_1683 {strides = array<i32>} : memref<100x64xf32, #tpu.memory_space<vmem>>, vector<1x16xf32>,
        %parallel_loop3A_1684 = arith.index_cast %parallel_loop3A_1651 : i32 to index
        %parallel_loop3A_1685 = arith.constant 32 : index
        %parallel_loop3A_1686 = tpu.vector_load %arg17[%parallel_loop3A_1684, %parallel_loop3A_1685] {strides = array<i32>} : memref<100x64xf32, #tpu.memory_space<vmem>>, vector<1x16xf32>,
        %parallel_loop3A_1687 = vector.shape_cast %parallel_loop3A_1686 : vector<1x16xf32> to vector<16xf32>
        %parallel_loop3A_1688 = arith.constant 1 : i32
        %parallel_loop3A_1689 = arith.index_cast %parallel_loop3A_1688 : i32 to index
        %parallel_loop3A_1690 = arith.index_cast %parallel_loop3A_1651 : i32 to index
        %parallel_loop3A_1691 = arith.constant 32 : index
        %parallel_loop3A_1692 = tpu.vector_load %arg18[%parallel_loop3A_1689, %parallel_loop3A_1690, %parallel_loop3A_1691] {strides = array<i32>} : memref<2x100x64xf32, #tpu.memory_space<vmem>>, vector<1x1x16xf32>,
        %parallel_loop3A_1693 = vector.shape_cast %parallel_loop3A_1692 : vector<1x1x16xf32> to vector<16xf32>
        %parallel_loop3A_1694 = arith.addf %parallel_loop3A_1687, %parallel_loop3A_1693 : vector<16xf32>
        %parallel_loop3A_1695 = arith.index_cast %parallel_loop3A_1651 : i32 to index
        %parallel_loop3A_1696 = arith.constant 32 : index
        %parallel_loop3A_1697 = tpu.vector_load %arg17[%parallel_loop3A_1695, %parallel_loop3A_1696] {strides = array<i32>} : memref<100x64xf32, #tpu.memory_space<vmem>>, vector<1x16xf32>,
        %parallel_loop3A_1698 = vector.shape_cast %parallel_loop3A_1697 : vector<1x16xf32> to vector<16xf32>
        %parallel_loop3A_1699 = vector.shape_cast %parallel_loop3A_1694 : vector<16xf32> to vector<1x16xf32>
        tpu.vector_store %arg17[%parallel_loop3A_1695, %parallel_loop3A_1696], %parallel_loop3A_1699 {strides = array<i32>} : memref<100x64xf32, #tpu.memory_space<vmem>>, vector<1x16xf32>,
        %parallel_loop3A_1700 = arith.index_cast %parallel_loop3A_1651 : i32 to index
        %parallel_loop3A_1701 = arith.constant 48 : index
        %parallel_loop3A_1702 = tpu.vector_load %arg17[%parallel_loop3A_1700, %parallel_loop3A_1701] {strides = array<i32>} : memref<100x64xf32, #tpu.memory_space<vmem>>, vector<1x16xf32>,
        %parallel_loop3A_1703 = vector.shape_cast %parallel_loop3A_1702 : vector<1x16xf32> to vector<16xf32>
        %parallel_loop3A_1704 = arith.constant 1 : i32
        %parallel_loop3A_1705 = arith.index_cast %parallel_loop3A_1704 : i32 to index
        %parallel_loop3A_1706 = arith.index_cast %parallel_loop3A_1651 : i32 to index
        %parallel_loop3A_1707 = arith.constant 48 : index
        %parallel_loop3A_1708 = tpu.vector_load %arg18[%parallel_loop3A_1705, %parallel_loop3A_1706, %parallel_loop3A_1707] {strides = array<i32>} : memref<2x100x64xf32, #tpu.memory_space<vmem>>, vector<1x1x16xf32>,
        %parallel_loop3A_1709 = vector.shape_cast %parallel_loop3A_1708 : vector<1x1x16xf32> to vector<16xf32>
        %parallel_loop3A_1710 = arith.addf %parallel_loop3A_1703, %parallel_loop3A_1709 : vector<16xf32>
        %parallel_loop3A_1711 = arith.index_cast %parallel_loop3A_1651 : i32 to index
        %parallel_loop3A_1712 = arith.constant 48 : index
        %parallel_loop3A_1713 = tpu.vector_load %arg17[%parallel_loop3A_1711, %parallel_loop3A_1712] {strides = array<i32>} : memref<100x64xf32, #tpu.memory_space<vmem>>, vector<1x16xf32>,
        %parallel_loop3A_1714 = vector.shape_cast %parallel_loop3A_1713 : vector<1x16xf32> to vector<16xf32>
        %parallel_loop3A_1715 = vector.shape_cast %parallel_loop3A_1710 : vector<16xf32> to vector<1x16xf32>
        tpu.vector_store %arg17[%parallel_loop3A_1711, %parallel_loop3A_1712], %parallel_loop3A_1715 {strides = array<i32>} : memref<100x64xf32, #tpu.memory_space<vmem>>, vector<1x16xf32>,
      } {sc.loop_unroll_factor = 4 : i64, sc.parallel_access}
      %sub3A_1315 = arith.constant 1 : i32
      %sub3A_1316 = arith.subi %add3A_1255, %sub3A_1315 : i32
      %jit3A_1317 = arith.constant 2 : i32
      %div3A_1318 = arith.divsi %sub3A_1316, %jit3A_1317 : i32
      %sign3A_1319 = arith.constant 0 : i32
      %sign3A_1320 = arith.cmpi sgt, %sub3A_1316, %sign3A_1319 : i32
      %sign3A_1321 = arith.extui %sign3A_1320 : i1 to i32
      %sign3A_1322 = arith.constant 0 : i32
      %sign3A_1323 = arith.cmpi slt, %sub3A_1316, %sign3A_1322 : i32
      %sign3A_1324 = arith.extui %sign3A_1323 : i1 to i32
      %sign3A_1325 = arith.subi %sign3A_1321, %sign3A_1324 : i32
      %sign3A_1326 = arith.constant 0 : i32
      %sign3A_1327 = arith.cmpi sgt, %jit3A_1317, %sign3A_1326 : i32
      %sign3A_1328 = arith.extui %sign3A_1327 : i1 to i32
      %sign3A_1329 = arith.constant 0 : i32
      %sign3A_1330 = arith.cmpi slt, %jit3A_1317, %sign3A_1329 : i32
      %sign3A_1331 = arith.extui %sign3A_1330 : i1 to i32
      %sign3A_1332 = arith.subi %sign3A_1328, %sign3A_1331 : i32
      %ne3A_1333 = arith.cmpi ne, %sign3A_1325, %sign3A_1332 : i32
      %rem3A_1334 = arith.remsi %sub3A_1316, %jit3A_1317 : i32
      %ne3A_1335 = arith.constant 0 : i32
      %ne3A_1336 = arith.cmpi ne, %rem3A_1334, %ne3A_1335 : i32
      %and3A_1337 = arith.andi %ne3A_1333, %ne3A_1336 : i1
      %sub3A_1338 = arith.constant 1 : i32
      %sub3A_1339 = arith.subi %div3A_1318, %sub3A_1338 : i32
      %select_n3A_1340 = arith.select %and3A_1337, %sub3A_1339, %div3A_1318 : i32
      %rem3A_1341 = arith.constant 2 : i32
      %rem3A_1342 = arith.remsi %sub3A_1316, %rem3A_1341 : i32
      %mul3A_1343 = arith.constant 100 : i32
      %mul3A_1344 = arith.muli %rem3A_1342, %mul3A_1343 : i32
      %dma_start3A_1345 = arith.constant 0 : i32
      %dma_start3A_1346 = tpu.memref_slice %arg5[%select_n3A_1340, %mul3A_1344, %dma_start3A_1345] : memref<4096x200x128xf32, #tpu.memory_space<hbm>> -> memref<1x100x64xf32, #tpu.memory_space<hbm>>
      %dma_start3A_1347 = tpu.memref_squeeze %dma_start3A_1346 : memref<1x100x64xf32, #tpu.memory_space<hbm>> -> memref<100x64xf32, #tpu.memory_space<hbm>>
      %dma_start3A_1348 = arith.constant 0 : i32
      %dma_start3A_1349 = tpu.memref_slice %arg5[%select_n3A_1340, %mul3A_1344, %dma_start3A_1348] : memref<4096x200x128xf32, #tpu.memory_space<hbm>> -> memref<1x100x64xf32, #tpu.memory_space<hbm>>
      %dma_start3A_1350 = tpu.memref_squeeze %dma_start3A_1349 : memref<1x100x64xf32, #tpu.memory_space<hbm>> -> memref<100x64xf32, #tpu.memory_space<hbm>>
      tpu.enqueue_dma source(%arg17 : memref<100x64xf32, #tpu.memory_space<vmem>>) target(%dma_start3A_1350 : memref<100x64xf32, #tpu.memory_space<hbm>>) target_semaphore(%arg34 : memref<!tpu.dma_semaphore, #tpu.memory_space<semaphore_mem>>)
      %mul3A_1351 = arith.constant 8 : i32
      %mul3A_1352 = arith.muli %scan3A_850, %mul3A_1351 : i32
      %add3A_1353 = arith.constant 5 : i32
      %add3A_1354 = arith.addi %mul3A_1352, %add3A_1353 : i32
      %add3A_1355 = arith.addi %mul3A_2, %add3A_1354 : i32
      %dma_wait3A_1356 = arith.constant 0 : i32
      %dma_wait3A_1357 = tpu.memref_slice %arg2[%mul3A_2, %dma_wait3A_1356] : memref<8192x100xi32, #tpu.memory_space<hbm>> -> memref<1x100xi32, #tpu.memory_space<hbm>>
      %dma_wait3A_1358 = tpu.memref_squeeze %dma_wait3A_1357 : memref<1x100xi32, #tpu.memory_space<hbm>> -> memref<100xi32, #tpu.memory_space<hbm>>
      %dma_wait3A_1359 = arith.constant 0 : i32
      %dma_wait3A_1360 = tpu.memref_slice %arg2[%mul3A_2, %dma_wait3A_1359] : memref<8192x100xi32, #tpu.memory_space<hbm>> -> memref<1x100xi32, #tpu.memory_space<hbm>>
      %dma_wait3A_1361 = tpu.memref_squeeze %dma_wait3A_1360 : memref<1x100xi32, #tpu.memory_space<hbm>> -> memref<100xi32, #tpu.memory_space<hbm>>
      tpu.wait_dma2 semaphore(%arg24 : memref<!tpu.dma_semaphore, #tpu.memory_space<semaphore_mem>>) src(%dma_wait3A_1361 : memref<100xi32, #tpu.memory_space<hbm>>) dst(%arg11 : memref<100xi32, #tpu.memory_space<vmem>>)
      %jit3A_1362 = arith.constant 2 : i32
      %div3A_1363 = arith.divsi %mul3A_2, %jit3A_1362 : i32
      %sign3A_1364 = arith.constant 0 : i32
      %sign3A_1365 = arith.cmpi sgt, %mul3A_2, %sign3A_1364 : i32
      %sign3A_1366 = arith.extui %sign3A_1365 : i1 to i32
      %sign3A_1367 = arith.constant 0 : i32
      %sign3A_1368 = arith.cmpi slt, %mul3A_2, %sign3A_1367 : i32
      %sign3A_1369 = arith.extui %sign3A_1368 : i1 to i32
      %sign3A_1370 = arith.subi %sign3A_1366, %sign3A_1369 : i32
      %sign3A_1371 = arith.constant 0 : i32
      %sign3A_1372 = arith.cmpi sgt, %jit3A_1362, %sign3A_1371 : i32
      %sign3A_1373 = arith.extui %sign3A_1372 : i1 to i32
      %sign3A_1374 = arith.constant 0 : i32
      %sign3A_1375 = arith.cmpi slt, %jit3A_1362, %sign3A_1374 : i32
      %sign3A_1376 = arith.extui %sign3A_1375 : i1 to i32
      %sign3A_1377 = arith.subi %sign3A_1373, %sign3A_1376 : i32
      %ne3A_1378 = arith.cmpi ne, %sign3A_1370, %sign3A_1377 : i32
      %rem3A_1379 = arith.remsi %mul3A_2, %jit3A_1362 : i32
      %ne3A_1380 = arith.constant 0 : i32
      %ne3A_1381 = arith.cmpi ne, %rem3A_1379, %ne3A_1380 : i32
      %and3A_1382 = arith.andi %ne3A_1378, %ne3A_1381 : i1
      %sub3A_1383 = arith.constant 1 : i32
      %sub3A_1384 = arith.subi %div3A_1363, %sub3A_1383 : i32
      %select_n3A_1385 = arith.select %and3A_1382, %sub3A_1384, %div3A_1363 : i32
      %rem3A_1386 = arith.constant 2 : i32
      %rem3A_1387 = arith.remsi %mul3A_2, %rem3A_1386 : i32
      %mul3A_1388 = arith.constant 100 : i32
      %mul3A_1389 = arith.muli %rem3A_1387, %mul3A_1388 : i32
      %dma_wait3A_1390 = arith.constant 0 : i32
      %dma_wait3A_1391 = tpu.memref_slice %arg5[%select_n3A_1385, %mul3A_1389, %dma_wait3A_1390] : memref<4096x200x128xf32, #tpu.memory_space<hbm>> -> memref<1x100x64xf32, #tpu.memory_space<hbm>>
      %dma_wait3A_1392 = tpu.memref_squeeze %dma_wait3A_1391 : memref<1x100x64xf32, #tpu.memory_space<hbm>> -> memref<100x64xf32, #tpu.memory_space<hbm>>
      %dma_wait3A_1393 = arith.constant 0 : i32
      %dma_wait3A_1394 = tpu.memref_slice %arg5[%select_n3A_1385, %mul3A_1389, %dma_wait3A_1393] : memref<4096x200x128xf32, #tpu.memory_space<hbm>> -> memref<1x100x64xf32, #tpu.memory_space<hbm>>
      %dma_wait3A_1395 = tpu.memref_squeeze %dma_wait3A_1394 : memref<1x100x64xf32, #tpu.memory_space<hbm>> -> memref<100x64xf32, #tpu.memory_space<hbm>>
      tpu.wait_dma2 semaphore(%arg32 : memref<!tpu.dma_semaphore, #tpu.memory_space<semaphore_mem>>) src(%arg15 : memref<100x64xf32, #tpu.memory_space<vmem>>) dst(%dma_wait3A_1395 : memref<100x64xf32, #tpu.memory_space<hbm>>)
      %dma_start3A_1396 = arith.constant 0 : i32
      %dma_start3A_1397 = arith.constant 0 : i32
      %dma_start3A_1398 = tpu.memref_slice %arg3[%dma_start3A_1396, %dma_start3A_1397] : memref<2000000x64xf32, #tpu.memory_space<hbm>> -> memref<2000000x64xf32, #tpu.memory_space<hbm>>
      tpu.enqueue_indirect_dma source(%dma_start3A_1398 : memref<2000000x64xf32, #tpu.memory_space<hbm>>) target(%arg15 : memref<100x64xf32, #tpu.memory_space<vmem>>) offsets(%arg11 : memref<100xi32, #tpu.memory_space<vmem>>) semaphore(%arg28 : memref<!tpu.dma_semaphore, #tpu.memory_space<semaphore_mem>>)
      %add3A_1399 = arith.constant 4 : i32
      %add3A_1400 = arith.addi %add3A_1355, %add3A_1399 : i32
      %min3A_1401 = arith.constant 8191 : i32
      %min3A_1402 = arith.minsi %add3A_1400, %min3A_1401 : i32
      %dma_start3A_1403 = arith.constant 0 : i32
      %dma_start3A_1404 = tpu.memref_slice %arg2[%min3A_1402, %dma_start3A_1403] : memref<8192x100xi32, #tpu.memory_space<hbm>> -> memref<1x100xi32, #tpu.memory_space<hbm>>
      %dma_start3A_1405 = tpu.memref_squeeze %dma_start3A_1404 : memref<1x100xi32, #tpu.memory_space<hbm>> -> memref<100xi32, #tpu.memory_space<hbm>>
      %dma_start3A_1406 = arith.constant 0 : i32
      %dma_start3A_1407 = tpu.memref_slice %arg2[%min3A_1402, %dma_start3A_1406] : memref<8192x100xi32, #tpu.memory_space<hbm>> -> memref<1x100xi32, #tpu.memory_space<hbm>>
      %dma_start3A_1408 = tpu.memref_squeeze %dma_start3A_1407 : memref<1x100xi32, #tpu.memory_space<hbm>> -> memref<100xi32, #tpu.memory_space<hbm>>
      tpu.enqueue_dma source(%dma_start3A_1408 : memref<100xi32, #tpu.memory_space<hbm>>) target(%arg7 : memref<100xi32, #tpu.memory_space<vmem>>) target_semaphore(%arg20 : memref<!tpu.dma_semaphore, #tpu.memory_space<semaphore_mem>>)
      %dma_wait3A_1409 = arith.constant 0 : i32
      %dma_wait3A_1410 = arith.constant 0 : i32
      %dma_wait3A_1411 = tpu.memref_slice %arg3[%dma_wait3A_1409, %dma_wait3A_1410] : memref<2000000x64xf32, #tpu.memory_space<hbm>> -> memref<2000000x64xf32, #tpu.memory_space<hbm>>
      tpu.wait_indirect_dma semaphore(%arg27 : memref<!tpu.dma_semaphore, #tpu.memory_space<semaphore_mem>>) src(%dma_wait3A_1411 : memref<2000000x64xf32, #tpu.memory_space<hbm>>) dst(%arg14 : memref<100x64xf32, #tpu.memory_space<vmem>>)
      %parallel_loop3A_1412 = arith.constant 0 : i32
      %parallel_loop3A_1413 = arith.constant 100 : i32
      %parallel_loop3A_1414 = arith.constant 1 : i32
      scf.for %parallel_loop3A_1651 = %parallel_loop3A_1412 to %parallel_loop3A_1413 step %parallel_loop3A_1414  : i32 {
        %parallel_loop3A_1652 = arith.index_cast %parallel_loop3A_1651 : i32 to index
        %parallel_loop3A_1653 = arith.constant 0 : index
        %parallel_loop3A_1654 = tpu.vector_load %arg14[%parallel_loop3A_1652, %parallel_loop3A_1653] {strides = array<i32>} : memref<100x64xf32, #tpu.memory_space<vmem>>, vector<1x16xf32>,
        %parallel_loop3A_1655 = vector.shape_cast %parallel_loop3A_1654 : vector<1x16xf32> to vector<16xf32>
        %parallel_loop3A_1656 = arith.constant 0 : i32
        %parallel_loop3A_1657 = arith.index_cast %parallel_loop3A_1656 : i32 to index
        %parallel_loop3A_1658 = arith.index_cast %parallel_loop3A_1651 : i32 to index
        %parallel_loop3A_1659 = arith.constant 0 : index
        %parallel_loop3A_1660 = tpu.vector_load %arg18[%parallel_loop3A_1657, %parallel_loop3A_1658, %parallel_loop3A_1659] {strides = array<i32>} : memref<2x100x64xf32, #tpu.memory_space<vmem>>, vector<1x1x16xf32>,
        %parallel_loop3A_1661 = vector.shape_cast %parallel_loop3A_1660 : vector<1x1x16xf32> to vector<16xf32>
        %parallel_loop3A_1662 = arith.addf %parallel_loop3A_1655, %parallel_loop3A_1661 : vector<16xf32>
        %parallel_loop3A_1663 = arith.index_cast %parallel_loop3A_1651 : i32 to index
        %parallel_loop3A_1664 = arith.constant 0 : index
        %parallel_loop3A_1665 = tpu.vector_load %arg14[%parallel_loop3A_1663, %parallel_loop3A_1664] {strides = array<i32>} : memref<100x64xf32, #tpu.memory_space<vmem>>, vector<1x16xf32>,
        %parallel_loop3A_1666 = vector.shape_cast %parallel_loop3A_1665 : vector<1x16xf32> to vector<16xf32>
        %parallel_loop3A_1667 = vector.shape_cast %parallel_loop3A_1662 : vector<16xf32> to vector<1x16xf32>
        tpu.vector_store %arg14[%parallel_loop3A_1663, %parallel_loop3A_1664], %parallel_loop3A_1667 {strides = array<i32>} : memref<100x64xf32, #tpu.memory_space<vmem>>, vector<1x16xf32>,
        %parallel_loop3A_1668 = arith.index_cast %parallel_loop3A_1651 : i32 to index
        %parallel_loop3A_1669 = arith.constant 16 : index
        %parallel_loop3A_1670 = tpu.vector_load %arg14[%parallel_loop3A_1668, %parallel_loop3A_1669] {strides = array<i32>} : memref<100x64xf32, #tpu.memory_space<vmem>>, vector<1x16xf32>,
        %parallel_loop3A_1671 = vector.shape_cast %parallel_loop3A_1670 : vector<1x16xf32> to vector<16xf32>
        %parallel_loop3A_1672 = arith.constant 0 : i32
        %parallel_loop3A_1673 = arith.index_cast %parallel_loop3A_1672 : i32 to index
        %parallel_loop3A_1674 = arith.index_cast %parallel_loop3A_1651 : i32 to index
        %parallel_loop3A_1675 = arith.constant 16 : index
        %parallel_loop3A_1676 = tpu.vector_load %arg18[%parallel_loop3A_1673, %parallel_loop3A_1674, %parallel_loop3A_1675] {strides = array<i32>} : memref<2x100x64xf32, #tpu.memory_space<vmem>>, vector<1x1x16xf32>,
        %parallel_loop3A_1677 = vector.shape_cast %parallel_loop3A_1676 : vector<1x1x16xf32> to vector<16xf32>
        %parallel_loop3A_1678 = arith.addf %parallel_loop3A_1671, %parallel_loop3A_1677 : vector<16xf32>
        %parallel_loop3A_1679 = arith.index_cast %parallel_loop3A_1651 : i32 to index
        %parallel_loop3A_1680 = arith.constant 16 : index
        %parallel_loop3A_1681 = tpu.vector_load %arg14[%parallel_loop3A_1679, %parallel_loop3A_1680] {strides = array<i32>} : memref<100x64xf32, #tpu.memory_space<vmem>>, vector<1x16xf32>,
        %parallel_loop3A_1682 = vector.shape_cast %parallel_loop3A_1681 : vector<1x16xf32> to vector<16xf32>
        %parallel_loop3A_1683 = vector.shape_cast %parallel_loop3A_1678 : vector<16xf32> to vector<1x16xf32>
        tpu.vector_store %arg14[%parallel_loop3A_1679, %parallel_loop3A_1680], %parallel_loop3A_1683 {strides = array<i32>} : memref<100x64xf32, #tpu.memory_space<vmem>>, vector<1x16xf32>,
        %parallel_loop3A_1684 = arith.index_cast %parallel_loop3A_1651 : i32 to index
        %parallel_loop3A_1685 = arith.constant 32 : index
        %parallel_loop3A_1686 = tpu.vector_load %arg14[%parallel_loop3A_1684, %parallel_loop3A_1685] {strides = array<i32>} : memref<100x64xf32, #tpu.memory_space<vmem>>, vector<1x16xf32>,
        %parallel_loop3A_1687 = vector.shape_cast %parallel_loop3A_1686 : vector<1x16xf32> to vector<16xf32>
        %parallel_loop3A_1688 = arith.constant 0 : i32
        %parallel_loop3A_1689 = arith.index_cast %parallel_loop3A_1688 : i32 to index
        %parallel_loop3A_1690 = arith.index_cast %parallel_loop3A_1651 : i32 to index
        %parallel_loop3A_1691 = arith.constant 32 : index
        %parallel_loop3A_1692 = tpu.vector_load %arg18[%parallel_loop3A_1689, %parallel_loop3A_1690, %parallel_loop3A_1691] {strides = array<i32>} : memref<2x100x64xf32, #tpu.memory_space<vmem>>, vector<1x1x16xf32>,
        %parallel_loop3A_1693 = vector.shape_cast %parallel_loop3A_1692 : vector<1x1x16xf32> to vector<16xf32>
        %parallel_loop3A_1694 = arith.addf %parallel_loop3A_1687, %parallel_loop3A_1693 : vector<16xf32>
        %parallel_loop3A_1695 = arith.index_cast %parallel_loop3A_1651 : i32 to index
        %parallel_loop3A_1696 = arith.constant 32 : index
        %parallel_loop3A_1697 = tpu.vector_load %arg14[%parallel_loop3A_1695, %parallel_loop3A_1696] {strides = array<i32>} : memref<100x64xf32, #tpu.memory_space<vmem>>, vector<1x16xf32>,
        %parallel_loop3A_1698 = vector.shape_cast %parallel_loop3A_1697 : vector<1x16xf32> to vector<16xf32>
        %parallel_loop3A_1699 = vector.shape_cast %parallel_loop3A_1694 : vector<16xf32> to vector<1x16xf32>
        tpu.vector_store %arg14[%parallel_loop3A_1695, %parallel_loop3A_1696], %parallel_loop3A_1699 {strides = array<i32>} : memref<100x64xf32, #tpu.memory_space<vmem>>, vector<1x16xf32>,
        %parallel_loop3A_1700 = arith.index_cast %parallel_loop3A_1651 : i32 to index
        %parallel_loop3A_1701 = arith.constant 48 : index
        %parallel_loop3A_1702 = tpu.vector_load %arg14[%parallel_loop3A_1700, %parallel_loop3A_1701] {strides = array<i32>} : memref<100x64xf32, #tpu.memory_space<vmem>>, vector<1x16xf32>,
        %parallel_loop3A_1703 = vector.shape_cast %parallel_loop3A_1702 : vector<1x16xf32> to vector<16xf32>
        %parallel_loop3A_1704 = arith.constant 0 : i32
        %parallel_loop3A_1705 = arith.index_cast %parallel_loop3A_1704 : i32 to index
        %parallel_loop3A_1706 = arith.index_cast %parallel_loop3A_1651 : i32 to index
        %parallel_loop3A_1707 = arith.constant 48 : index
        %parallel_loop3A_1708 = tpu.vector_load %arg18[%parallel_loop3A_1705, %parallel_loop3A_1706, %parallel_loop3A_1707] {strides = array<i32>} : memref<2x100x64xf32, #tpu.memory_space<vmem>>, vector<1x1x16xf32>,
        %parallel_loop3A_1709 = vector.shape_cast %parallel_loop3A_1708 : vector<1x1x16xf32> to vector<16xf32>
        %parallel_loop3A_1710 = arith.addf %parallel_loop3A_1703, %parallel_loop3A_1709 : vector<16xf32>
        %parallel_loop3A_1711 = arith.index_cast %parallel_loop3A_1651 : i32 to index
        %parallel_loop3A_1712 = arith.constant 48 : index
        %parallel_loop3A_1713 = tpu.vector_load %arg14[%parallel_loop3A_1711, %parallel_loop3A_1712] {strides = array<i32>} : memref<100x64xf32, #tpu.memory_space<vmem>>, vector<1x16xf32>,
        %parallel_loop3A_1714 = vector.shape_cast %parallel_loop3A_1713 : vector<1x16xf32> to vector<16xf32>
        %parallel_loop3A_1715 = vector.shape_cast %parallel_loop3A_1710 : vector<16xf32> to vector<1x16xf32>
        tpu.vector_store %arg14[%parallel_loop3A_1711, %parallel_loop3A_1712], %parallel_loop3A_1715 {strides = array<i32>} : memref<100x64xf32, #tpu.memory_space<vmem>>, vector<1x16xf32>,
      } {sc.loop_unroll_factor = 4 : i64, sc.parallel_access}
      %sub3A_1415 = arith.constant 1 : i32
      %sub3A_1416 = arith.subi %add3A_1355, %sub3A_1415 : i32
      %jit3A_1417 = arith.constant 2 : i32
      %div3A_1418 = arith.divsi %sub3A_1416, %jit3A_1417 : i32
      %sign3A_1419 = arith.constant 0 : i32
      %sign3A_1420 = arith.cmpi sgt, %sub3A_1416, %sign3A_1419 : i32
      %sign3A_1421 = arith.extui %sign3A_1420 : i1 to i32
      %sign3A_1422 = arith.constant 0 : i32
      %sign3A_1423 = arith.cmpi slt, %sub3A_1416, %sign3A_1422 : i32
      %sign3A_1424 = arith.extui %sign3A_1423 : i1 to i32
      %sign3A_1425 = arith.subi %sign3A_1421, %sign3A_1424 : i32
      %sign3A_1426 = arith.constant 0 : i32
      %sign3A_1427 = arith.cmpi sgt, %jit3A_1417, %sign3A_1426 : i32
      %sign3A_1428 = arith.extui %sign3A_1427 : i1 to i32
      %sign3A_1429 = arith.constant 0 : i32
      %sign3A_1430 = arith.cmpi slt, %jit3A_1417, %sign3A_1429 : i32
      %sign3A_1431 = arith.extui %sign3A_1430 : i1 to i32
      %sign3A_1432 = arith.subi %sign3A_1428, %sign3A_1431 : i32
      %ne3A_1433 = arith.cmpi ne, %sign3A_1425, %sign3A_1432 : i32
      %rem3A_1434 = arith.remsi %sub3A_1416, %jit3A_1417 : i32
      %ne3A_1435 = arith.constant 0 : i32
      %ne3A_1436 = arith.cmpi ne, %rem3A_1434, %ne3A_1435 : i32
      %and3A_1437 = arith.andi %ne3A_1433, %ne3A_1436 : i1
      %sub3A_1438 = arith.constant 1 : i32
      %sub3A_1439 = arith.subi %div3A_1418, %sub3A_1438 : i32
      %select_n3A_1440 = arith.select %and3A_1437, %sub3A_1439, %div3A_1418 : i32
      %rem3A_1441 = arith.constant 2 : i32
      %rem3A_1442 = arith.remsi %sub3A_1416, %rem3A_1441 : i32
      %mul3A_1443 = arith.constant 100 : i32
      %mul3A_1444 = arith.muli %rem3A_1442, %mul3A_1443 : i32
      %dma_start3A_1445 = arith.constant 0 : i32
      %dma_start3A_1446 = tpu.memref_slice %arg5[%select_n3A_1440, %mul3A_1444, %dma_start3A_1445] : memref<4096x200x128xf32, #tpu.memory_space<hbm>> -> memref<1x100x64xf32, #tpu.memory_space<hbm>>
      %dma_start3A_1447 = tpu.memref_squeeze %dma_start3A_1446 : memref<1x100x64xf32, #tpu.memory_space<hbm>> -> memref<100x64xf32, #tpu.memory_space<hbm>>
      %dma_start3A_1448 = arith.constant 0 : i32
      %dma_start3A_1449 = tpu.memref_slice %arg5[%select_n3A_1440, %mul3A_1444, %dma_start3A_1448] : memref<4096x200x128xf32, #tpu.memory_space<hbm>> -> memref<1x100x64xf32, #tpu.memory_space<hbm>>
      %dma_start3A_1450 = tpu.memref_squeeze %dma_start3A_1449 : memref<1x100x64xf32, #tpu.memory_space<hbm>> -> memref<100x64xf32, #tpu.memory_space<hbm>>
      tpu.enqueue_dma source(%arg14 : memref<100x64xf32, #tpu.memory_space<vmem>>) target(%dma_start3A_1450 : memref<100x64xf32, #tpu.memory_space<hbm>>) target_semaphore(%arg31 : memref<!tpu.dma_semaphore, #tpu.memory_space<semaphore_mem>>)
      %mul3A_1451 = arith.constant 8 : i32
      %mul3A_1452 = arith.muli %scan3A_850, %mul3A_1451 : i32
      %add3A_1453 = arith.constant 6 : i32
      %add3A_1454 = arith.addi %mul3A_1452, %add3A_1453 : i32
      %add3A_1455 = arith.addi %mul3A_2, %add3A_1454 : i32
      %dma_wait3A_1456 = arith.constant 0 : i32
      %dma_wait3A_1457 = tpu.memref_slice %arg2[%mul3A_2, %dma_wait3A_1456] : memref<8192x100xi32, #tpu.memory_space<hbm>> -> memref<1x100xi32, #tpu.memory_space<hbm>>
      %dma_wait3A_1458 = tpu.memref_squeeze %dma_wait3A_1457 : memref<1x100xi32, #tpu.memory_space<hbm>> -> memref<100xi32, #tpu.memory_space<hbm>>
      %dma_wait3A_1459 = arith.constant 0 : i32
      %dma_wait3A_1460 = tpu.memref_slice %arg2[%mul3A_2, %dma_wait3A_1459] : memref<8192x100xi32, #tpu.memory_space<hbm>> -> memref<1x100xi32, #tpu.memory_space<hbm>>
      %dma_wait3A_1461 = tpu.memref_squeeze %dma_wait3A_1460 : memref<1x100xi32, #tpu.memory_space<hbm>> -> memref<100xi32, #tpu.memory_space<hbm>>
      tpu.wait_dma2 semaphore(%arg25 : memref<!tpu.dma_semaphore, #tpu.memory_space<semaphore_mem>>) src(%dma_wait3A_1461 : memref<100xi32, #tpu.memory_space<hbm>>) dst(%arg12 : memref<100xi32, #tpu.memory_space<vmem>>)
      %jit3A_1462 = arith.constant 2 : i32
      %div3A_1463 = arith.divsi %mul3A_2, %jit3A_1462 : i32
      %sign3A_1464 = arith.constant 0 : i32
      %sign3A_1465 = arith.cmpi sgt, %mul3A_2, %sign3A_1464 : i32
      %sign3A_1466 = arith.extui %sign3A_1465 : i1 to i32
      %sign3A_1467 = arith.constant 0 : i32
      %sign3A_1468 = arith.cmpi slt, %mul3A_2, %sign3A_1467 : i32
      %sign3A_1469 = arith.extui %sign3A_1468 : i1 to i32
      %sign3A_1470 = arith.subi %sign3A_1466, %sign3A_1469 : i32
      %sign3A_1471 = arith.constant 0 : i32
      %sign3A_1472 = arith.cmpi sgt, %jit3A_1462, %sign3A_1471 : i32
      %sign3A_1473 = arith.extui %sign3A_1472 : i1 to i32
      %sign3A_1474 = arith.constant 0 : i32
      %sign3A_1475 = arith.cmpi slt, %jit3A_1462, %sign3A_1474 : i32
      %sign3A_1476 = arith.extui %sign3A_1475 : i1 to i32
      %sign3A_1477 = arith.subi %sign3A_1473, %sign3A_1476 : i32
      %ne3A_1478 = arith.cmpi ne, %sign3A_1470, %sign3A_1477 : i32
      %rem3A_1479 = arith.remsi %mul3A_2, %jit3A_1462 : i32
      %ne3A_1480 = arith.constant 0 : i32
      %ne3A_1481 = arith.cmpi ne, %rem3A_1479, %ne3A_1480 : i32
      %and3A_1482 = arith.andi %ne3A_1478, %ne3A_1481 : i1
      %sub3A_1483 = arith.constant 1 : i32
      %sub3A_1484 = arith.subi %div3A_1463, %sub3A_1483 : i32
      %select_n3A_1485 = arith.select %and3A_1482, %sub3A_1484, %div3A_1463 : i32
      %rem3A_1486 = arith.constant 2 : i32
      %rem3A_1487 = arith.remsi %mul3A_2, %rem3A_1486 : i32
      %mul3A_1488 = arith.constant 100 : i32
      %mul3A_1489 = arith.muli %rem3A_1487, %mul3A_1488 : i32
      %dma_wait3A_1490 = arith.constant 0 : i32
      %dma_wait3A_1491 = tpu.memref_slice %arg5[%select_n3A_1485, %mul3A_1489, %dma_wait3A_1490] : memref<4096x200x128xf32, #tpu.memory_space<hbm>> -> memref<1x100x64xf32, #tpu.memory_space<hbm>>
      %dma_wait3A_1492 = tpu.memref_squeeze %dma_wait3A_1491 : memref<1x100x64xf32, #tpu.memory_space<hbm>> -> memref<100x64xf32, #tpu.memory_space<hbm>>
      %dma_wait3A_1493 = arith.constant 0 : i32
      %dma_wait3A_1494 = tpu.memref_slice %arg5[%select_n3A_1485, %mul3A_1489, %dma_wait3A_1493] : memref<4096x200x128xf32, #tpu.memory_space<hbm>> -> memref<1x100x64xf32, #tpu.memory_space<hbm>>
      %dma_wait3A_1495 = tpu.memref_squeeze %dma_wait3A_1494 : memref<1x100x64xf32, #tpu.memory_space<hbm>> -> memref<100x64xf32, #tpu.memory_space<hbm>>
      tpu.wait_dma2 semaphore(%arg33 : memref<!tpu.dma_semaphore, #tpu.memory_space<semaphore_mem>>) src(%arg16 : memref<100x64xf32, #tpu.memory_space<vmem>>) dst(%dma_wait3A_1495 : memref<100x64xf32, #tpu.memory_space<hbm>>)
      %dma_start3A_1496 = arith.constant 0 : i32
      %dma_start3A_1497 = arith.constant 0 : i32
      %dma_start3A_1498 = tpu.memref_slice %arg3[%dma_start3A_1496, %dma_start3A_1497] : memref<2000000x64xf32, #tpu.memory_space<hbm>> -> memref<2000000x64xf32, #tpu.memory_space<hbm>>
      tpu.enqueue_indirect_dma source(%dma_start3A_1498 : memref<2000000x64xf32, #tpu.memory_space<hbm>>) target(%arg16 : memref<100x64xf32, #tpu.memory_space<vmem>>) offsets(%arg12 : memref<100xi32, #tpu.memory_space<vmem>>) semaphore(%arg29 : memref<!tpu.dma_semaphore, #tpu.memory_space<semaphore_mem>>)
      %add3A_1499 = arith.constant 4 : i32
      %add3A_1500 = arith.addi %add3A_1455, %add3A_1499 : i32
      %min3A_1501 = arith.constant 8191 : i32
      %min3A_1502 = arith.minsi %add3A_1500, %min3A_1501 : i32
      %dma_start3A_1503 = arith.constant 0 : i32
      %dma_start3A_1504 = tpu.memref_slice %arg2[%min3A_1502, %dma_start3A_1503] : memref<8192x100xi32, #tpu.memory_space<hbm>> -> memref<1x100xi32, #tpu.memory_space<hbm>>
      %dma_start3A_1505 = tpu.memref_squeeze %dma_start3A_1504 : memref<1x100xi32, #tpu.memory_space<hbm>> -> memref<100xi32, #tpu.memory_space<hbm>>
      %dma_start3A_1506 = arith.constant 0 : i32
      %dma_start3A_1507 = tpu.memref_slice %arg2[%min3A_1502, %dma_start3A_1506] : memref<8192x100xi32, #tpu.memory_space<hbm>> -> memref<1x100xi32, #tpu.memory_space<hbm>>
      %dma_start3A_1508 = tpu.memref_squeeze %dma_start3A_1507 : memref<1x100xi32, #tpu.memory_space<hbm>> -> memref<100xi32, #tpu.memory_space<hbm>>
      tpu.enqueue_dma source(%dma_start3A_1508 : memref<100xi32, #tpu.memory_space<hbm>>) target(%arg8 : memref<100xi32, #tpu.memory_space<vmem>>) target_semaphore(%arg21 : memref<!tpu.dma_semaphore, #tpu.memory_space<semaphore_mem>>)
      %dma_wait3A_1509 = arith.constant 0 : i32
      %dma_wait3A_1510 = arith.constant 0 : i32
      %dma_wait3A_1511 = tpu.memref_slice %arg3[%dma_wait3A_1509, %dma_wait3A_1510] : memref<2000000x64xf32, #tpu.memory_space<hbm>> -> memref<2000000x64xf32, #tpu.memory_space<hbm>>
      tpu.wait_indirect_dma semaphore(%arg28 : memref<!tpu.dma_semaphore, #tpu.memory_space<semaphore_mem>>) src(%dma_wait3A_1511 : memref<2000000x64xf32, #tpu.memory_space<hbm>>) dst(%arg15 : memref<100x64xf32, #tpu.memory_space<vmem>>)
      %parallel_loop3A_1512 = arith.constant 0 : i32
      %parallel_loop3A_1513 = arith.constant 100 : i32
      %parallel_loop3A_1514 = arith.constant 1 : i32
      scf.for %parallel_loop3A_1651 = %parallel_loop3A_1512 to %parallel_loop3A_1513 step %parallel_loop3A_1514  : i32 {
        %parallel_loop3A_1652 = arith.index_cast %parallel_loop3A_1651 : i32 to index
        %parallel_loop3A_1653 = arith.constant 0 : index
        %parallel_loop3A_1654 = tpu.vector_load %arg15[%parallel_loop3A_1652, %parallel_loop3A_1653] {strides = array<i32>} : memref<100x64xf32, #tpu.memory_space<vmem>>, vector<1x16xf32>,
        %parallel_loop3A_1655 = vector.shape_cast %parallel_loop3A_1654 : vector<1x16xf32> to vector<16xf32>
        %parallel_loop3A_1656 = arith.constant 1 : i32
        %parallel_loop3A_1657 = arith.index_cast %parallel_loop3A_1656 : i32 to index
        %parallel_loop3A_1658 = arith.index_cast %parallel_loop3A_1651 : i32 to index
        %parallel_loop3A_1659 = arith.constant 0 : index
        %parallel_loop3A_1660 = tpu.vector_load %arg18[%parallel_loop3A_1657, %parallel_loop3A_1658, %parallel_loop3A_1659] {strides = array<i32>} : memref<2x100x64xf32, #tpu.memory_space<vmem>>, vector<1x1x16xf32>,
        %parallel_loop3A_1661 = vector.shape_cast %parallel_loop3A_1660 : vector<1x1x16xf32> to vector<16xf32>
        %parallel_loop3A_1662 = arith.addf %parallel_loop3A_1655, %parallel_loop3A_1661 : vector<16xf32>
        %parallel_loop3A_1663 = arith.index_cast %parallel_loop3A_1651 : i32 to index
        %parallel_loop3A_1664 = arith.constant 0 : index
        %parallel_loop3A_1665 = tpu.vector_load %arg15[%parallel_loop3A_1663, %parallel_loop3A_1664] {strides = array<i32>} : memref<100x64xf32, #tpu.memory_space<vmem>>, vector<1x16xf32>,
        %parallel_loop3A_1666 = vector.shape_cast %parallel_loop3A_1665 : vector<1x16xf32> to vector<16xf32>
        %parallel_loop3A_1667 = vector.shape_cast %parallel_loop3A_1662 : vector<16xf32> to vector<1x16xf32>
        tpu.vector_store %arg15[%parallel_loop3A_1663, %parallel_loop3A_1664], %parallel_loop3A_1667 {strides = array<i32>} : memref<100x64xf32, #tpu.memory_space<vmem>>, vector<1x16xf32>,
        %parallel_loop3A_1668 = arith.index_cast %parallel_loop3A_1651 : i32 to index
        %parallel_loop3A_1669 = arith.constant 16 : index
        %parallel_loop3A_1670 = tpu.vector_load %arg15[%parallel_loop3A_1668, %parallel_loop3A_1669] {strides = array<i32>} : memref<100x64xf32, #tpu.memory_space<vmem>>, vector<1x16xf32>,
        %parallel_loop3A_1671 = vector.shape_cast %parallel_loop3A_1670 : vector<1x16xf32> to vector<16xf32>
        %parallel_loop3A_1672 = arith.constant 1 : i32
        %parallel_loop3A_1673 = arith.index_cast %parallel_loop3A_1672 : i32 to index
        %parallel_loop3A_1674 = arith.index_cast %parallel_loop3A_1651 : i32 to index
        %parallel_loop3A_1675 = arith.constant 16 : index
        %parallel_loop3A_1676 = tpu.vector_load %arg18[%parallel_loop3A_1673, %parallel_loop3A_1674, %parallel_loop3A_1675] {strides = array<i32>} : memref<2x100x64xf32, #tpu.memory_space<vmem>>, vector<1x1x16xf32>,
        %parallel_loop3A_1677 = vector.shape_cast %parallel_loop3A_1676 : vector<1x1x16xf32> to vector<16xf32>
        %parallel_loop3A_1678 = arith.addf %parallel_loop3A_1671, %parallel_loop3A_1677 : vector<16xf32>
        %parallel_loop3A_1679 = arith.index_cast %parallel_loop3A_1651 : i32 to index
        %parallel_loop3A_1680 = arith.constant 16 : index
        %parallel_loop3A_1681 = tpu.vector_load %arg15[%parallel_loop3A_1679, %parallel_loop3A_1680] {strides = array<i32>} : memref<100x64xf32, #tpu.memory_space<vmem>>, vector<1x16xf32>,
        %parallel_loop3A_1682 = vector.shape_cast %parallel_loop3A_1681 : vector<1x16xf32> to vector<16xf32>
        %parallel_loop3A_1683 = vector.shape_cast %parallel_loop3A_1678 : vector<16xf32> to vector<1x16xf32>
        tpu.vector_store %arg15[%parallel_loop3A_1679, %parallel_loop3A_1680], %parallel_loop3A_1683 {strides = array<i32>} : memref<100x64xf32, #tpu.memory_space<vmem>>, vector<1x16xf32>,
        %parallel_loop3A_1684 = arith.index_cast %parallel_loop3A_1651 : i32 to index
        %parallel_loop3A_1685 = arith.constant 32 : index
        %parallel_loop3A_1686 = tpu.vector_load %arg15[%parallel_loop3A_1684, %parallel_loop3A_1685] {strides = array<i32>} : memref<100x64xf32, #tpu.memory_space<vmem>>, vector<1x16xf32>,
        %parallel_loop3A_1687 = vector.shape_cast %parallel_loop3A_1686 : vector<1x16xf32> to vector<16xf32>
        %parallel_loop3A_1688 = arith.constant 1 : i32
        %parallel_loop3A_1689 = arith.index_cast %parallel_loop3A_1688 : i32 to index
        %parallel_loop3A_1690 = arith.index_cast %parallel_loop3A_1651 : i32 to index
        %parallel_loop3A_1691 = arith.constant 32 : index
        %parallel_loop3A_1692 = tpu.vector_load %arg18[%parallel_loop3A_1689, %parallel_loop3A_1690, %parallel_loop3A_1691] {strides = array<i32>} : memref<2x100x64xf32, #tpu.memory_space<vmem>>, vector<1x1x16xf32>,
        %parallel_loop3A_1693 = vector.shape_cast %parallel_loop3A_1692 : vector<1x1x16xf32> to vector<16xf32>
        %parallel_loop3A_1694 = arith.addf %parallel_loop3A_1687, %parallel_loop3A_1693 : vector<16xf32>
        %parallel_loop3A_1695 = arith.index_cast %parallel_loop3A_1651 : i32 to index
        %parallel_loop3A_1696 = arith.constant 32 : index
        %parallel_loop3A_1697 = tpu.vector_load %arg15[%parallel_loop3A_1695, %parallel_loop3A_1696] {strides = array<i32>} : memref<100x64xf32, #tpu.memory_space<vmem>>, vector<1x16xf32>,
        %parallel_loop3A_1698 = vector.shape_cast %parallel_loop3A_1697 : vector<1x16xf32> to vector<16xf32>
        %parallel_loop3A_1699 = vector.shape_cast %parallel_loop3A_1694 : vector<16xf32> to vector<1x16xf32>
        tpu.vector_store %arg15[%parallel_loop3A_1695, %parallel_loop3A_1696], %parallel_loop3A_1699 {strides = array<i32>} : memref<100x64xf32, #tpu.memory_space<vmem>>, vector<1x16xf32>,
        %parallel_loop3A_1700 = arith.index_cast %parallel_loop3A_1651 : i32 to index
        %parallel_loop3A_1701 = arith.constant 48 : index
        %parallel_loop3A_1702 = tpu.vector_load %arg15[%parallel_loop3A_1700, %parallel_loop3A_1701] {strides = array<i32>} : memref<100x64xf32, #tpu.memory_space<vmem>>, vector<1x16xf32>,
        %parallel_loop3A_1703 = vector.shape_cast %parallel_loop3A_1702 : vector<1x16xf32> to vector<16xf32>
        %parallel_loop3A_1704 = arith.constant 1 : i32
        %parallel_loop3A_1705 = arith.index_cast %parallel_loop3A_1704 : i32 to index
        %parallel_loop3A_1706 = arith.index_cast %parallel_loop3A_1651 : i32 to index
        %parallel_loop3A_1707 = arith.constant 48 : index
        %parallel_loop3A_1708 = tpu.vector_load %arg18[%parallel_loop3A_1705, %parallel_loop3A_1706, %parallel_loop3A_1707] {strides = array<i32>} : memref<2x100x64xf32, #tpu.memory_space<vmem>>, vector<1x1x16xf32>,
        %parallel_loop3A_1709 = vector.shape_cast %parallel_loop3A_1708 : vector<1x1x16xf32> to vector<16xf32>
        %parallel_loop3A_1710 = arith.addf %parallel_loop3A_1703, %parallel_loop3A_1709 : vector<16xf32>
        %parallel_loop3A_1711 = arith.index_cast %parallel_loop3A_1651 : i32 to index
        %parallel_loop3A_1712 = arith.constant 48 : index
        %parallel_loop3A_1713 = tpu.vector_load %arg15[%parallel_loop3A_1711, %parallel_loop3A_1712] {strides = array<i32>} : memref<100x64xf32, #tpu.memory_space<vmem>>, vector<1x16xf32>,
        %parallel_loop3A_1714 = vector.shape_cast %parallel_loop3A_1713 : vector<1x16xf32> to vector<16xf32>
        %parallel_loop3A_1715 = vector.shape_cast %parallel_loop3A_1710 : vector<16xf32> to vector<1x16xf32>
        tpu.vector_store %arg15[%parallel_loop3A_1711, %parallel_loop3A_1712], %parallel_loop3A_1715 {strides = array<i32>} : memref<100x64xf32, #tpu.memory_space<vmem>>, vector<1x16xf32>,
      } {sc.loop_unroll_factor = 4 : i64, sc.parallel_access}
      %sub3A_1515 = arith.constant 1 : i32
      %sub3A_1516 = arith.subi %add3A_1455, %sub3A_1515 : i32
      %jit3A_1517 = arith.constant 2 : i32
      %div3A_1518 = arith.divsi %sub3A_1516, %jit3A_1517 : i32
      %sign3A_1519 = arith.constant 0 : i32
      %sign3A_1520 = arith.cmpi sgt, %sub3A_1516, %sign3A_1519 : i32
      %sign3A_1521 = arith.extui %sign3A_1520 : i1 to i32
      %sign3A_1522 = arith.constant 0 : i32
      %sign3A_1523 = arith.cmpi slt, %sub3A_1516, %sign3A_1522 : i32
      %sign3A_1524 = arith.extui %sign3A_1523 : i1 to i32
      %sign3A_1525 = arith.subi %sign3A_1521, %sign3A_1524 : i32
      %sign3A_1526 = arith.constant 0 : i32
      %sign3A_1527 = arith.cmpi sgt, %jit3A_1517, %sign3A_1526 : i32
      %sign3A_1528 = arith.extui %sign3A_1527 : i1 to i32
      %sign3A_1529 = arith.constant 0 : i32
      %sign3A_1530 = arith.cmpi slt, %jit3A_1517, %sign3A_1529 : i32
      %sign3A_1531 = arith.extui %sign3A_1530 : i1 to i32
      %sign3A_1532 = arith.subi %sign3A_1528, %sign3A_1531 : i32
      %ne3A_1533 = arith.cmpi ne, %sign3A_1525, %sign3A_1532 : i32
      %rem3A_1534 = arith.remsi %sub3A_1516, %jit3A_1517 : i32
      %ne3A_1535 = arith.constant 0 : i32
      %ne3A_1536 = arith.cmpi ne, %rem3A_1534, %ne3A_1535 : i32
      %and3A_1537 = arith.andi %ne3A_1533, %ne3A_1536 : i1
      %sub3A_1538 = arith.constant 1 : i32
      %sub3A_1539 = arith.subi %div3A_1518, %sub3A_1538 : i32
      %select_n3A_1540 = arith.select %and3A_1537, %sub3A_1539, %div3A_1518 : i32
      %rem3A_1541 = arith.constant 2 : i32
      %rem3A_1542 = arith.remsi %sub3A_1516, %rem3A_1541 : i32
      %mul3A_1543 = arith.constant 100 : i32
      %mul3A_1544 = arith.muli %rem3A_1542, %mul3A_1543 : i32
      %dma_start3A_1545 = arith.constant 0 : i32
      %dma_start3A_1546 = tpu.memref_slice %arg5[%select_n3A_1540, %mul3A_1544, %dma_start3A_1545] : memref<4096x200x128xf32, #tpu.memory_space<hbm>> -> memref<1x100x64xf32, #tpu.memory_space<hbm>>
      %dma_start3A_1547 = tpu.memref_squeeze %dma_start3A_1546 : memref<1x100x64xf32, #tpu.memory_space<hbm>> -> memref<100x64xf32, #tpu.memory_space<hbm>>
      %dma_start3A_1548 = arith.constant 0 : i32
      %dma_start3A_1549 = tpu.memref_slice %arg5[%select_n3A_1540, %mul3A_1544, %dma_start3A_1548] : memref<4096x200x128xf32, #tpu.memory_space<hbm>> -> memref<1x100x64xf32, #tpu.memory_space<hbm>>
      %dma_start3A_1550 = tpu.memref_squeeze %dma_start3A_1549 : memref<1x100x64xf32, #tpu.memory_space<hbm>> -> memref<100x64xf32, #tpu.memory_space<hbm>>
      tpu.enqueue_dma source(%arg15 : memref<100x64xf32, #tpu.memory_space<vmem>>) target(%dma_start3A_1550 : memref<100x64xf32, #tpu.memory_space<hbm>>) target_semaphore(%arg32 : memref<!tpu.dma_semaphore, #tpu.memory_space<semaphore_mem>>)
      %mul3A_1551 = arith.constant 8 : i32
      %mul3A_1552 = arith.muli %scan3A_850, %mul3A_1551 : i32
      %add3A_1553 = arith.constant 7 : i32
      %add3A_1554 = arith.addi %mul3A_1552, %add3A_1553 : i32
      %add3A_1555 = arith.addi %mul3A_2, %add3A_1554 : i32
      %dma_wait3A_1556 = arith.constant 0 : i32
      %dma_wait3A_1557 = tpu.memref_slice %arg2[%mul3A_2, %dma_wait3A_1556] : memref<8192x100xi32, #tpu.memory_space<hbm>> -> memref<1x100xi32, #tpu.memory_space<hbm>>
      %dma_wait3A_1558 = tpu.memref_squeeze %dma_wait3A_1557 : memref<1x100xi32, #tpu.memory_space<hbm>> -> memref<100xi32, #tpu.memory_space<hbm>>
      %dma_wait3A_1559 = arith.constant 0 : i32
      %dma_wait3A_1560 = tpu.memref_slice %arg2[%mul3A_2, %dma_wait3A_1559] : memref<8192x100xi32, #tpu.memory_space<hbm>> -> memref<1x100xi32, #tpu.memory_space<hbm>>
      %dma_wait3A_1561 = tpu.memref_squeeze %dma_wait3A_1560 : memref<1x100xi32, #tpu.memory_space<hbm>> -> memref<100xi32, #tpu.memory_space<hbm>>
      tpu.wait_dma2 semaphore(%arg26 : memref<!tpu.dma_semaphore, #tpu.memory_space<semaphore_mem>>) src(%dma_wait3A_1561 : memref<100xi32, #tpu.memory_space<hbm>>) dst(%arg13 : memref<100xi32, #tpu.memory_space<vmem>>)
      %jit3A_1562 = arith.constant 2 : i32
      %div3A_1563 = arith.divsi %mul3A_2, %jit3A_1562 : i32
      %sign3A_1564 = arith.constant 0 : i32
      %sign3A_1565 = arith.cmpi sgt, %mul3A_2, %sign3A_1564 : i32
      %sign3A_1566 = arith.extui %sign3A_1565 : i1 to i32
      %sign3A_1567 = arith.constant 0 : i32
      %sign3A_1568 = arith.cmpi slt, %mul3A_2, %sign3A_1567 : i32
      %sign3A_1569 = arith.extui %sign3A_1568 : i1 to i32
      %sign3A_1570 = arith.subi %sign3A_1566, %sign3A_1569 : i32
      %sign3A_1571 = arith.constant 0 : i32
      %sign3A_1572 = arith.cmpi sgt, %jit3A_1562, %sign3A_1571 : i32
      %sign3A_1573 = arith.extui %sign3A_1572 : i1 to i32
      %sign3A_1574 = arith.constant 0 : i32
      %sign3A_1575 = arith.cmpi slt, %jit3A_1562, %sign3A_1574 : i32
      %sign3A_1576 = arith.extui %sign3A_1575 : i1 to i32
      %sign3A_1577 = arith.subi %sign3A_1573, %sign3A_1576 : i32
      %ne3A_1578 = arith.cmpi ne, %sign3A_1570, %sign3A_1577 : i32
      %rem3A_1579 = arith.remsi %mul3A_2, %jit3A_1562 : i32
      %ne3A_1580 = arith.constant 0 : i32
      %ne3A_1581 = arith.cmpi ne, %rem3A_1579, %ne3A_1580 : i32
      %and3A_1582 = arith.andi %ne3A_1578, %ne3A_1581 : i1
      %sub3A_1583 = arith.constant 1 : i32
      %sub3A_1584 = arith.subi %div3A_1563, %sub3A_1583 : i32
      %select_n3A_1585 = arith.select %and3A_1582, %sub3A_1584, %div3A_1563 : i32
      %rem3A_1586 = arith.constant 2 : i32
      %rem3A_1587 = arith.remsi %mul3A_2, %rem3A_1586 : i32
      %mul3A_1588 = arith.constant 100 : i32
      %mul3A_1589 = arith.muli %rem3A_1587, %mul3A_1588 : i32
      %dma_wait3A_1590 = arith.constant 0 : i32
      %dma_wait3A_1591 = tpu.memref_slice %arg5[%select_n3A_1585, %mul3A_1589, %dma_wait3A_1590] : memref<4096x200x128xf32, #tpu.memory_space<hbm>> -> memref<1x100x64xf32, #tpu.memory_space<hbm>>
      %dma_wait3A_1592 = tpu.memref_squeeze %dma_wait3A_1591 : memref<1x100x64xf32, #tpu.memory_space<hbm>> -> memref<100x64xf32, #tpu.memory_space<hbm>>
      %dma_wait3A_1593 = arith.constant 0 : i32
      %dma_wait3A_1594 = tpu.memref_slice %arg5[%select_n3A_1585, %mul3A_1589, %dma_wait3A_1593] : memref<4096x200x128xf32, #tpu.memory_space<hbm>> -> memref<1x100x64xf32, #tpu.memory_space<hbm>>
      %dma_wait3A_1595 = tpu.memref_squeeze %dma_wait3A_1594 : memref<1x100x64xf32, #tpu.memory_space<hbm>> -> memref<100x64xf32, #tpu.memory_space<hbm>>
      tpu.wait_dma2 semaphore(%arg34 : memref<!tpu.dma_semaphore, #tpu.memory_space<semaphore_mem>>) src(%arg17 : memref<100x64xf32, #tpu.memory_space<vmem>>) dst(%dma_wait3A_1595 : memref<100x64xf32, #tpu.memory_space<hbm>>)
      %dma_start3A_1596 = arith.constant 0 : i32
      %dma_start3A_1597 = arith.constant 0 : i32
      %dma_start3A_1598 = tpu.memref_slice %arg3[%dma_start3A_1596, %dma_start3A_1597] : memref<2000000x64xf32, #tpu.memory_space<hbm>> -> memref<2000000x64xf32, #tpu.memory_space<hbm>>
      tpu.enqueue_indirect_dma source(%dma_start3A_1598 : memref<2000000x64xf32, #tpu.memory_space<hbm>>) target(%arg17 : memref<100x64xf32, #tpu.memory_space<vmem>>) offsets(%arg13 : memref<100xi32, #tpu.memory_space<vmem>>) semaphore(%arg30 : memref<!tpu.dma_semaphore, #tpu.memory_space<semaphore_mem>>)
      %add3A_1599 = arith.constant 4 : i32
      %add3A_1600 = arith.addi %add3A_1555, %add3A_1599 : i32
      %min3A_1601 = arith.constant 8191 : i32
      %min3A_1602 = arith.minsi %add3A_1600, %min3A_1601 : i32
      %dma_start3A_1603 = arith.constant 0 : i32
      %dma_start3A_1604 = tpu.memref_slice %arg2[%min3A_1602, %dma_start3A_1603] : memref<8192x100xi32, #tpu.memory_space<hbm>> -> memref<1x100xi32, #tpu.memory_space<hbm>>
      %dma_start3A_1605 = tpu.memref_squeeze %dma_start3A_1604 : memref<1x100xi32, #tpu.memory_space<hbm>> -> memref<100xi32, #tpu.memory_space<hbm>>
      %dma_start3A_1606 = arith.constant 0 : i32
      %dma_start3A_1607 = tpu.memref_slice %arg2[%min3A_1602, %dma_start3A_1606] : memref<8192x100xi32, #tpu.memory_space<hbm>> -> memref<1x100xi32, #tpu.memory_space<hbm>>
      %dma_start3A_1608 = tpu.memref_squeeze %dma_start3A_1607 : memref<1x100xi32, #tpu.memory_space<hbm>> -> memref<100xi32, #tpu.memory_space<hbm>>
      tpu.enqueue_dma source(%dma_start3A_1608 : memref<100xi32, #tpu.memory_space<hbm>>) target(%arg9 : memref<100xi32, #tpu.memory_space<vmem>>) target_semaphore(%arg22 : memref<!tpu.dma_semaphore, #tpu.memory_space<semaphore_mem>>)
      %dma_wait3A_1609 = arith.constant 0 : i32
      %dma_wait3A_1610 = arith.constant 0 : i32
      %dma_wait3A_1611 = tpu.memref_slice %arg3[%dma_wait3A_1609, %dma_wait3A_1610] : memref<2000000x64xf32, #tpu.memory_space<hbm>> -> memref<2000000x64xf32, #tpu.memory_space<hbm>>
      tpu.wait_indirect_dma semaphore(%arg29 : memref<!tpu.dma_semaphore, #tpu.memory_space<semaphore_mem>>) src(%dma_wait3A_1611 : memref<2000000x64xf32, #tpu.memory_space<hbm>>) dst(%arg16 : memref<100x64xf32, #tpu.memory_space<vmem>>)
      %parallel_loop3A_1612 = arith.constant 0 : i32
      %parallel_loop3A_1613 = arith.constant 100 : i32
      %parallel_loop3A_1614 = arith.constant 1 : i32
      scf.for %parallel_loop3A_1651 = %parallel_loop3A_1612 to %parallel_loop3A_1613 step %parallel_loop3A_1614  : i32 {
        %parallel_loop3A_1652 = arith.index_cast %parallel_loop3A_1651 : i32 to index
        %parallel_loop3A_1653 = arith.constant 0 : index
        %parallel_loop3A_1654 = tpu.vector_load %arg16[%parallel_loop3A_1652, %parallel_loop3A_1653] {strides = array<i32>} : memref<100x64xf32, #tpu.memory_space<vmem>>, vector<1x16xf32>,
        %parallel_loop3A_1655 = vector.shape_cast %parallel_loop3A_1654 : vector<1x16xf32> to vector<16xf32>
        %parallel_loop3A_1656 = arith.constant 0 : i32
        %parallel_loop3A_1657 = arith.index_cast %parallel_loop3A_1656 : i32 to index
        %parallel_loop3A_1658 = arith.index_cast %parallel_loop3A_1651 : i32 to index
        %parallel_loop3A_1659 = arith.constant 0 : index
        %parallel_loop3A_1660 = tpu.vector_load %arg18[%parallel_loop3A_1657, %parallel_loop3A_1658, %parallel_loop3A_1659] {strides = array<i32>} : memref<2x100x64xf32, #tpu.memory_space<vmem>>, vector<1x1x16xf32>,
        %parallel_loop3A_1661 = vector.shape_cast %parallel_loop3A_1660 : vector<1x1x16xf32> to vector<16xf32>
        %parallel_loop3A_1662 = arith.addf %parallel_loop3A_1655, %parallel_loop3A_1661 : vector<16xf32>
        %parallel_loop3A_1663 = arith.index_cast %parallel_loop3A_1651 : i32 to index
        %parallel_loop3A_1664 = arith.constant 0 : index
        %parallel_loop3A_1665 = tpu.vector_load %arg16[%parallel_loop3A_1663, %parallel_loop3A_1664] {strides = array<i32>} : memref<100x64xf32, #tpu.memory_space<vmem>>, vector<1x16xf32>,
        %parallel_loop3A_1666 = vector.shape_cast %parallel_loop3A_1665 : vector<1x16xf32> to vector<16xf32>
        %parallel_loop3A_1667 = vector.shape_cast %parallel_loop3A_1662 : vector<16xf32> to vector<1x16xf32>
        tpu.vector_store %arg16[%parallel_loop3A_1663, %parallel_loop3A_1664], %parallel_loop3A_1667 {strides = array<i32>} : memref<100x64xf32, #tpu.memory_space<vmem>>, vector<1x16xf32>,
        %parallel_loop3A_1668 = arith.index_cast %parallel_loop3A_1651 : i32 to index
        %parallel_loop3A_1669 = arith.constant 16 : index
        %parallel_loop3A_1670 = tpu.vector_load %arg16[%parallel_loop3A_1668, %parallel_loop3A_1669] {strides = array<i32>} : memref<100x64xf32, #tpu.memory_space<vmem>>, vector<1x16xf32>,
        %parallel_loop3A_1671 = vector.shape_cast %parallel_loop3A_1670 : vector<1x16xf32> to vector<16xf32>
        %parallel_loop3A_1672 = arith.constant 0 : i32
        %parallel_loop3A_1673 = arith.index_cast %parallel_loop3A_1672 : i32 to index
        %parallel_loop3A_1674 = arith.index_cast %parallel_loop3A_1651 : i32 to index
        %parallel_loop3A_1675 = arith.constant 16 : index
        %parallel_loop3A_1676 = tpu.vector_load %arg18[%parallel_loop3A_1673, %parallel_loop3A_1674, %parallel_loop3A_1675] {strides = array<i32>} : memref<2x100x64xf32, #tpu.memory_space<vmem>>, vector<1x1x16xf32>,
        %parallel_loop3A_1677 = vector.shape_cast %parallel_loop3A_1676 : vector<1x1x16xf32> to vector<16xf32>
        %parallel_loop3A_1678 = arith.addf %parallel_loop3A_1671, %parallel_loop3A_1677 : vector<16xf32>
        %parallel_loop3A_1679 = arith.index_cast %parallel_loop3A_1651 : i32 to index
        %parallel_loop3A_1680 = arith.constant 16 : index
        %parallel_loop3A_1681 = tpu.vector_load %arg16[%parallel_loop3A_1679, %parallel_loop3A_1680] {strides = array<i32>} : memref<100x64xf32, #tpu.memory_space<vmem>>, vector<1x16xf32>,
        %parallel_loop3A_1682 = vector.shape_cast %parallel_loop3A_1681 : vector<1x16xf32> to vector<16xf32>
        %parallel_loop3A_1683 = vector.shape_cast %parallel_loop3A_1678 : vector<16xf32> to vector<1x16xf32>
        tpu.vector_store %arg16[%parallel_loop3A_1679, %parallel_loop3A_1680], %parallel_loop3A_1683 {strides = array<i32>} : memref<100x64xf32, #tpu.memory_space<vmem>>, vector<1x16xf32>,
        %parallel_loop3A_1684 = arith.index_cast %parallel_loop3A_1651 : i32 to index
        %parallel_loop3A_1685 = arith.constant 32 : index
        %parallel_loop3A_1686 = tpu.vector_load %arg16[%parallel_loop3A_1684, %parallel_loop3A_1685] {strides = array<i32>} : memref<100x64xf32, #tpu.memory_space<vmem>>, vector<1x16xf32>,
        %parallel_loop3A_1687 = vector.shape_cast %parallel_loop3A_1686 : vector<1x16xf32> to vector<16xf32>
        %parallel_loop3A_1688 = arith.constant 0 : i32
        %parallel_loop3A_1689 = arith.index_cast %parallel_loop3A_1688 : i32 to index
        %parallel_loop3A_1690 = arith.index_cast %parallel_loop3A_1651 : i32 to index
        %parallel_loop3A_1691 = arith.constant 32 : index
        %parallel_loop3A_1692 = tpu.vector_load %arg18[%parallel_loop3A_1689, %parallel_loop3A_1690, %parallel_loop3A_1691] {strides = array<i32>} : memref<2x100x64xf32, #tpu.memory_space<vmem>>, vector<1x1x16xf32>,
        %parallel_loop3A_1693 = vector.shape_cast %parallel_loop3A_1692 : vector<1x1x16xf32> to vector<16xf32>
        %parallel_loop3A_1694 = arith.addf %parallel_loop3A_1687, %parallel_loop3A_1693 : vector<16xf32>
        %parallel_loop3A_1695 = arith.index_cast %parallel_loop3A_1651 : i32 to index
        %parallel_loop3A_1696 = arith.constant 32 : index
        %parallel_loop3A_1697 = tpu.vector_load %arg16[%parallel_loop3A_1695, %parallel_loop3A_1696] {strides = array<i32>} : memref<100x64xf32, #tpu.memory_space<vmem>>, vector<1x16xf32>,
        %parallel_loop3A_1698 = vector.shape_cast %parallel_loop3A_1697 : vector<1x16xf32> to vector<16xf32>
        %parallel_loop3A_1699 = vector.shape_cast %parallel_loop3A_1694 : vector<16xf32> to vector<1x16xf32>
        tpu.vector_store %arg16[%parallel_loop3A_1695, %parallel_loop3A_1696], %parallel_loop3A_1699 {strides = array<i32>} : memref<100x64xf32, #tpu.memory_space<vmem>>, vector<1x16xf32>,
        %parallel_loop3A_1700 = arith.index_cast %parallel_loop3A_1651 : i32 to index
        %parallel_loop3A_1701 = arith.constant 48 : index
        %parallel_loop3A_1702 = tpu.vector_load %arg16[%parallel_loop3A_1700, %parallel_loop3A_1701] {strides = array<i32>} : memref<100x64xf32, #tpu.memory_space<vmem>>, vector<1x16xf32>,
        %parallel_loop3A_1703 = vector.shape_cast %parallel_loop3A_1702 : vector<1x16xf32> to vector<16xf32>
        %parallel_loop3A_1704 = arith.constant 0 : i32
        %parallel_loop3A_1705 = arith.index_cast %parallel_loop3A_1704 : i32 to index
        %parallel_loop3A_1706 = arith.index_cast %parallel_loop3A_1651 : i32 to index
        %parallel_loop3A_1707 = arith.constant 48 : index
        %parallel_loop3A_1708 = tpu.vector_load %arg18[%parallel_loop3A_1705, %parallel_loop3A_1706, %parallel_loop3A_1707] {strides = array<i32>} : memref<2x100x64xf32, #tpu.memory_space<vmem>>, vector<1x1x16xf32>,
        %parallel_loop3A_1709 = vector.shape_cast %parallel_loop3A_1708 : vector<1x1x16xf32> to vector<16xf32>
        %parallel_loop3A_1710 = arith.addf %parallel_loop3A_1703, %parallel_loop3A_1709 : vector<16xf32>
        %parallel_loop3A_1711 = arith.index_cast %parallel_loop3A_1651 : i32 to index
        %parallel_loop3A_1712 = arith.constant 48 : index
        %parallel_loop3A_1713 = tpu.vector_load %arg16[%parallel_loop3A_1711, %parallel_loop3A_1712] {strides = array<i32>} : memref<100x64xf32, #tpu.memory_space<vmem>>, vector<1x16xf32>,
        %parallel_loop3A_1714 = vector.shape_cast %parallel_loop3A_1713 : vector<1x16xf32> to vector<16xf32>
        %parallel_loop3A_1715 = vector.shape_cast %parallel_loop3A_1710 : vector<16xf32> to vector<1x16xf32>
        tpu.vector_store %arg16[%parallel_loop3A_1711, %parallel_loop3A_1712], %parallel_loop3A_1715 {strides = array<i32>} : memref<100x64xf32, #tpu.memory_space<vmem>>, vector<1x16xf32>,
      } {sc.loop_unroll_factor = 4 : i64, sc.parallel_access}
      %sub3A_1615 = arith.constant 1 : i32
      %sub3A_1616 = arith.subi %add3A_1555, %sub3A_1615 : i32
      %jit3A_1617 = arith.constant 2 : i32
      %div3A_1618 = arith.divsi %sub3A_1616, %jit3A_1617 : i32
      %sign3A_1619 = arith.constant 0 : i32
      %sign3A_1620 = arith.cmpi sgt, %sub3A_1616, %sign3A_1619 : i32
      %sign3A_1621 = arith.extui %sign3A_1620 : i1 to i32
      %sign3A_1622 = arith.constant 0 : i32
      %sign3A_1623 = arith.cmpi slt, %sub3A_1616, %sign3A_1622 : i32
      %sign3A_1624 = arith.extui %sign3A_1623 : i1 to i32
      %sign3A_1625 = arith.subi %sign3A_1621, %sign3A_1624 : i32
      %sign3A_1626 = arith.constant 0 : i32
      %sign3A_1627 = arith.cmpi sgt, %jit3A_1617, %sign3A_1626 : i32
      %sign3A_1628 = arith.extui %sign3A_1627 : i1 to i32
      %sign3A_1629 = arith.constant 0 : i32
      %sign3A_1630 = arith.cmpi slt, %jit3A_1617, %sign3A_1629 : i32
      %sign3A_1631 = arith.extui %sign3A_1630 : i1 to i32
      %sign3A_1632 = arith.subi %sign3A_1628, %sign3A_1631 : i32
      %ne3A_1633 = arith.cmpi ne, %sign3A_1625, %sign3A_1632 : i32
      %rem3A_1634 = arith.remsi %sub3A_1616, %jit3A_1617 : i32
      %ne3A_1635 = arith.constant 0 : i32
      %ne3A_1636 = arith.cmpi ne, %rem3A_1634, %ne3A_1635 : i32
      %and3A_1637 = arith.andi %ne3A_1633, %ne3A_1636 : i1
      %sub3A_1638 = arith.constant 1 : i32
      %sub3A_1639 = arith.subi %div3A_1618, %sub3A_1638 : i32
      %select_n3A_1640 = arith.select %and3A_1637, %sub3A_1639, %div3A_1618 : i32
      %rem3A_1641 = arith.constant 2 : i32
      %rem3A_1642 = arith.remsi %sub3A_1616, %rem3A_1641 : i32
      %mul3A_1643 = arith.constant 100 : i32
      %mul3A_1644 = arith.muli %rem3A_1642, %mul3A_1643 : i32
      %dma_start3A_1645 = arith.constant 0 : i32
      %dma_start3A_1646 = tpu.memref_slice %arg5[%select_n3A_1640, %mul3A_1644, %dma_start3A_1645] : memref<4096x200x128xf32, #tpu.memory_space<hbm>> -> memref<1x100x64xf32, #tpu.memory_space<hbm>>
      %dma_start3A_1647 = tpu.memref_squeeze %dma_start3A_1646 : memref<1x100x64xf32, #tpu.memory_space<hbm>> -> memref<100x64xf32, #tpu.memory_space<hbm>>
      %dma_start3A_1648 = arith.constant 0 : i32
      %dma_start3A_1649 = tpu.memref_slice %arg5[%select_n3A_1640, %mul3A_1644, %dma_start3A_1648] : memref<4096x200x128xf32, #tpu.memory_space<hbm>> -> memref<1x100x64xf32, #tpu.memory_space<hbm>>
      %dma_start3A_1650 = tpu.memref_squeeze %dma_start3A_1649 : memref<1x100x64xf32, #tpu.memory_space<hbm>> -> memref<100x64xf32, #tpu.memory_space<hbm>>
      tpu.enqueue_dma source(%arg16 : memref<100x64xf32, #tpu.memory_space<vmem>>) target(%dma_start3A_1650 : memref<100x64xf32, #tpu.memory_space<hbm>>) target_semaphore(%arg33 : memref<!tpu.dma_semaphore, #tpu.memory_space<semaphore_mem>>)
    }
    %scan3A_647 = arith.constant 31 : i32
    %dma_wait3A_648 = arith.constant 0 : i32
    %dma_wait3A_649 = arith.constant 0 : i32
    %dma_wait3A_650 = tpu.memref_slice %arg3[%dma_wait3A_648, %dma_wait3A_649] : memref<2000000x64xf32, #tpu.memory_space<hbm>> -> memref<2000000x64xf32, #tpu.memory_space<hbm>>
    tpu.wait_indirect_dma semaphore(%arg30 : memref<!tpu.dma_semaphore, #tpu.memory_space<semaphore_mem>>) src(%dma_wait3A_650 : memref<2000000x64xf32, #tpu.memory_space<hbm>>) dst(%arg17 : memref<100x64xf32, #tpu.memory_space<vmem>>)
    %parallel_loop3A_651 = arith.constant 0 : i32
    %parallel_loop3A_652 = arith.constant 100 : i32
    %parallel_loop3A_653 = arith.constant 1 : i32
    scf.for %parallel_loop3A_850 = %parallel_loop3A_651 to %parallel_loop3A_652 step %parallel_loop3A_653  : i32 {
      %parallel_loop3A_851 = arith.index_cast %parallel_loop3A_850 : i32 to index
      %parallel_loop3A_852 = arith.constant 0 : index
      %parallel_loop3A_853 = tpu.vector_load %arg17[%parallel_loop3A_851, %parallel_loop3A_852] {strides = array<i32>} : memref<100x64xf32, #tpu.memory_space<vmem>>, vector<1x16xf32>,
      %parallel_loop3A_854 = vector.shape_cast %parallel_loop3A_853 : vector<1x16xf32> to vector<16xf32>
      %parallel_loop3A_855 = arith.constant 1 : i32
      %parallel_loop3A_856 = arith.index_cast %parallel_loop3A_855 : i32 to index
      %parallel_loop3A_857 = arith.index_cast %parallel_loop3A_850 : i32 to index
      %parallel_loop3A_858 = arith.constant 0 : index
      %parallel_loop3A_859 = tpu.vector_load %arg18[%parallel_loop3A_856, %parallel_loop3A_857, %parallel_loop3A_858] {strides = array<i32>} : memref<2x100x64xf32, #tpu.memory_space<vmem>>, vector<1x1x16xf32>,
      %parallel_loop3A_860 = vector.shape_cast %parallel_loop3A_859 : vector<1x1x16xf32> to vector<16xf32>
      %parallel_loop3A_861 = arith.addf %parallel_loop3A_854, %parallel_loop3A_860 : vector<16xf32>
      %parallel_loop3A_862 = arith.index_cast %parallel_loop3A_850 : i32 to index
      %parallel_loop3A_863 = arith.constant 0 : index
      %parallel_loop3A_864 = tpu.vector_load %arg17[%parallel_loop3A_862, %parallel_loop3A_863] {strides = array<i32>} : memref<100x64xf32, #tpu.memory_space<vmem>>, vector<1x16xf32>,
      %parallel_loop3A_865 = vector.shape_cast %parallel_loop3A_864 : vector<1x16xf32> to vector<16xf32>
      %parallel_loop3A_866 = vector.shape_cast %parallel_loop3A_861 : vector<16xf32> to vector<1x16xf32>
      tpu.vector_store %arg17[%parallel_loop3A_862, %parallel_loop3A_863], %parallel_loop3A_866 {strides = array<i32>} : memref<100x64xf32, #tpu.memory_space<vmem>>, vector<1x16xf32>,
      %parallel_loop3A_867 = arith.index_cast %parallel_loop3A_850 : i32 to index
      %parallel_loop3A_868 = arith.constant 16 : index
      %parallel_loop3A_869 = tpu.vector_load %arg17[%parallel_loop3A_867, %parallel_loop3A_868] {strides = array<i32>} : memref<100x64xf32, #tpu.memory_space<vmem>>, vector<1x16xf32>,
      %parallel_loop3A_870 = vector.shape_cast %parallel_loop3A_869 : vector<1x16xf32> to vector<16xf32>
      %parallel_loop3A_871 = arith.constant 1 : i32
      %parallel_loop3A_872 = arith.index_cast %parallel_loop3A_871 : i32 to index
      %parallel_loop3A_873 = arith.index_cast %parallel_loop3A_850 : i32 to index
      %parallel_loop3A_874 = arith.constant 16 : index
      %parallel_loop3A_875 = tpu.vector_load %arg18[%parallel_loop3A_872, %parallel_loop3A_873, %parallel_loop3A_874] {strides = array<i32>} : memref<2x100x64xf32, #tpu.memory_space<vmem>>, vector<1x1x16xf32>,
      %parallel_loop3A_876 = vector.shape_cast %parallel_loop3A_875 : vector<1x1x16xf32> to vector<16xf32>
      %parallel_loop3A_877 = arith.addf %parallel_loop3A_870, %parallel_loop3A_876 : vector<16xf32>
      %parallel_loop3A_878 = arith.index_cast %parallel_loop3A_850 : i32 to index
      %parallel_loop3A_879 = arith.constant 16 : index
      %parallel_loop3A_880 = tpu.vector_load %arg17[%parallel_loop3A_878, %parallel_loop3A_879] {strides = array<i32>} : memref<100x64xf32, #tpu.memory_space<vmem>>, vector<1x16xf32>,
      %parallel_loop3A_881 = vector.shape_cast %parallel_loop3A_880 : vector<1x16xf32> to vector<16xf32>
      %parallel_loop3A_882 = vector.shape_cast %parallel_loop3A_877 : vector<16xf32> to vector<1x16xf32>
      tpu.vector_store %arg17[%parallel_loop3A_878, %parallel_loop3A_879], %parallel_loop3A_882 {strides = array<i32>} : memref<100x64xf32, #tpu.memory_space<vmem>>, vector<1x16xf32>,
      %parallel_loop3A_883 = arith.index_cast %parallel_loop3A_850 : i32 to index
      %parallel_loop3A_884 = arith.constant 32 : index
      %parallel_loop3A_885 = tpu.vector_load %arg17[%parallel_loop3A_883, %parallel_loop3A_884] {strides = array<i32>} : memref<100x64xf32, #tpu.memory_space<vmem>>, vector<1x16xf32>,
      %parallel_loop3A_886 = vector.shape_cast %parallel_loop3A_885 : vector<1x16xf32> to vector<16xf32>
      %parallel_loop3A_887 = arith.constant 1 : i32
      %parallel_loop3A_888 = arith.index_cast %parallel_loop3A_887 : i32 to index
      %parallel_loop3A_889 = arith.index_cast %parallel_loop3A_850 : i32 to index
      %parallel_loop3A_890 = arith.constant 32 : index
      %parallel_loop3A_891 = tpu.vector_load %arg18[%parallel_loop3A_888, %parallel_loop3A_889, %parallel_loop3A_890] {strides = array<i32>} : memref<2x100x64xf32, #tpu.memory_space<vmem>>, vector<1x1x16xf32>,
      %parallel_loop3A_892 = vector.shape_cast %parallel_loop3A_891 : vector<1x1x16xf32> to vector<16xf32>
      %parallel_loop3A_893 = arith.addf %parallel_loop3A_886, %parallel_loop3A_892 : vector<16xf32>
      %parallel_loop3A_894 = arith.index_cast %parallel_loop3A_850 : i32 to index
      %parallel_loop3A_895 = arith.constant 32 : index
      %parallel_loop3A_896 = tpu.vector_load %arg17[%parallel_loop3A_894, %parallel_loop3A_895] {strides = array<i32>} : memref<100x64xf32, #tpu.memory_space<vmem>>, vector<1x16xf32>,
      %parallel_loop3A_897 = vector.shape_cast %parallel_loop3A_896 : vector<1x16xf32> to vector<16xf32>
      %parallel_loop3A_898 = vector.shape_cast %parallel_loop3A_893 : vector<16xf32> to vector<1x16xf32>
      tpu.vector_store %arg17[%parallel_loop3A_894, %parallel_loop3A_895], %parallel_loop3A_898 {strides = array<i32>} : memref<100x64xf32, #tpu.memory_space<vmem>>, vector<1x16xf32>,
      %parallel_loop3A_899 = arith.index_cast %parallel_loop3A_850 : i32 to index
      %parallel_loop3A_900 = arith.constant 48 : index
      %parallel_loop3A_901 = tpu.vector_load %arg17[%parallel_loop3A_899, %parallel_loop3A_900] {strides = array<i32>} : memref<100x64xf32, #tpu.memory_space<vmem>>, vector<1x16xf32>,
      %parallel_loop3A_902 = vector.shape_cast %parallel_loop3A_901 : vector<1x16xf32> to vector<16xf32>
      %parallel_loop3A_903 = arith.constant 1 : i32
      %parallel_loop3A_904 = arith.index_cast %parallel_loop3A_903 : i32 to index
      %parallel_loop3A_905 = arith.index_cast %parallel_loop3A_850 : i32 to index
      %parallel_loop3A_906 = arith.constant 48 : index
      %parallel_loop3A_907 = tpu.vector_load %arg18[%parallel_loop3A_904, %parallel_loop3A_905, %parallel_loop3A_906] {strides = array<i32>} : memref<2x100x64xf32, #tpu.memory_space<vmem>>, vector<1x1x16xf32>,
      %parallel_loop3A_908 = vector.shape_cast %parallel_loop3A_907 : vector<1x1x16xf32> to vector<16xf32>
      %parallel_loop3A_909 = arith.addf %parallel_loop3A_902, %parallel_loop3A_908 : vector<16xf32>
      %parallel_loop3A_910 = arith.index_cast %parallel_loop3A_850 : i32 to index
      %parallel_loop3A_911 = arith.constant 48 : index
      %parallel_loop3A_912 = tpu.vector_load %arg17[%parallel_loop3A_910, %parallel_loop3A_911] {strides = array<i32>} : memref<100x64xf32, #tpu.memory_space<vmem>>, vector<1x16xf32>,
      %parallel_loop3A_913 = vector.shape_cast %parallel_loop3A_912 : vector<1x16xf32> to vector<16xf32>
      %parallel_loop3A_914 = vector.shape_cast %parallel_loop3A_909 : vector<16xf32> to vector<1x16xf32>
      tpu.vector_store %arg17[%parallel_loop3A_910, %parallel_loop3A_911], %parallel_loop3A_914 {strides = array<i32>} : memref<100x64xf32, #tpu.memory_space<vmem>>, vector<1x16xf32>,
    } {sc.loop_unroll_factor = 4 : i64, sc.parallel_access}
    %add3A_654 = arith.constant 255 : i32
    %add3A_655 = arith.addi %mul3A_2, %add3A_654 : i32
    %jit3A_656 = arith.constant 2 : i32
    %div3A_657 = arith.divsi %add3A_655, %jit3A_656 : i32
    %sign3A_658 = arith.constant 0 : i32
    %sign3A_659 = arith.cmpi sgt, %add3A_655, %sign3A_658 : i32
    %sign3A_660 = arith.extui %sign3A_659 : i1 to i32
    %sign3A_661 = arith.constant 0 : i32
    %sign3A_662 = arith.cmpi slt, %add3A_655, %sign3A_661 : i32
    %sign3A_663 = arith.extui %sign3A_662 : i1 to i32
    %sign3A_664 = arith.subi %sign3A_660, %sign3A_663 : i32
    %sign3A_665 = arith.constant 0 : i32
    %sign3A_666 = arith.cmpi sgt, %jit3A_656, %sign3A_665 : i32
    %sign3A_667 = arith.extui %sign3A_666 : i1 to i32
    %sign3A_668 = arith.constant 0 : i32
    %sign3A_669 = arith.cmpi slt, %jit3A_656, %sign3A_668 : i32
    %sign3A_670 = arith.extui %sign3A_669 : i1 to i32
    %sign3A_671 = arith.subi %sign3A_667, %sign3A_670 : i32
    %ne3A_672 = arith.cmpi ne, %sign3A_664, %sign3A_671 : i32
    %rem3A_673 = arith.remsi %add3A_655, %jit3A_656 : i32
    %ne3A_674 = arith.constant 0 : i32
    %ne3A_675 = arith.cmpi ne, %rem3A_673, %ne3A_674 : i32
    %and3A_676 = arith.andi %ne3A_672, %ne3A_675 : i1
    %sub3A_677 = arith.constant 1 : i32
    %sub3A_678 = arith.subi %div3A_657, %sub3A_677 : i32
    %select_n3A_679 = arith.select %and3A_676, %sub3A_678, %div3A_657 : i32
    %rem3A_680 = arith.constant 2 : i32
    %rem3A_681 = arith.remsi %add3A_655, %rem3A_680 : i32
    %mul3A_682 = arith.constant 100 : i32
    %mul3A_683 = arith.muli %rem3A_681, %mul3A_682 : i32
    %dma_start3A_684 = arith.constant 0 : i32
    %dma_start3A_685 = tpu.memref_slice %arg5[%select_n3A_679, %mul3A_683, %dma_start3A_684] : memref<4096x200x128xf32, #tpu.memory_space<hbm>> -> memref<1x100x64xf32, #tpu.memory_space<hbm>>
    %dma_start3A_686 = tpu.memref_squeeze %dma_start3A_685 : memref<1x100x64xf32, #tpu.memory_space<hbm>> -> memref<100x64xf32, #tpu.memory_space<hbm>>
    %dma_start3A_687 = arith.constant 0 : i32
    %dma_start3A_688 = tpu.memref_slice %arg5[%select_n3A_679, %mul3A_683, %dma_start3A_687] : memref<4096x200x128xf32, #tpu.memory_space<hbm>> -> memref<1x100x64xf32, #tpu.memory_space<hbm>>
    %dma_start3A_689 = tpu.memref_squeeze %dma_start3A_688 : memref<1x100x64xf32, #tpu.memory_space<hbm>> -> memref<100x64xf32, #tpu.memory_space<hbm>>
    tpu.enqueue_dma source(%arg17 : memref<100x64xf32, #tpu.memory_space<vmem>>) target(%dma_start3A_689 : memref<100x64xf32, #tpu.memory_space<hbm>>) target_semaphore(%arg34 : memref<!tpu.dma_semaphore, #tpu.memory_space<semaphore_mem>>)
    %dma_wait3A_690 = arith.constant 0 : i32
    %dma_wait3A_691 = tpu.memref_slice %arg2[%mul3A_2, %dma_wait3A_690] : memref<8192x100xi32, #tpu.memory_space<hbm>> -> memref<1x100xi32, #tpu.memory_space<hbm>>
    %dma_wait3A_692 = tpu.memref_squeeze %dma_wait3A_691 : memref<1x100xi32, #tpu.memory_space<hbm>> -> memref<100xi32, #tpu.memory_space<hbm>>
    %dma_wait3A_693 = arith.constant 0 : i32
    %dma_wait3A_694 = tpu.memref_slice %arg2[%mul3A_2, %dma_wait3A_693] : memref<8192x100xi32, #tpu.memory_space<hbm>> -> memref<1x100xi32, #tpu.memory_space<hbm>>
    %dma_wait3A_695 = tpu.memref_squeeze %dma_wait3A_694 : memref<1x100xi32, #tpu.memory_space<hbm>> -> memref<100xi32, #tpu.memory_space<hbm>>
    tpu.wait_dma2 semaphore(%arg19 : memref<!tpu.dma_semaphore, #tpu.memory_space<semaphore_mem>>) src(%dma_wait3A_695 : memref<100xi32, #tpu.memory_space<hbm>>) dst(%arg6 : memref<100xi32, #tpu.memory_space<vmem>>)
    %dma_wait3A_696 = arith.constant 0 : i32
    %dma_wait3A_697 = tpu.memref_slice %arg2[%mul3A_2, %dma_wait3A_696] : memref<8192x100xi32, #tpu.memory_space<hbm>> -> memref<1x100xi32, #tpu.memory_space<hbm>>
    %dma_wait3A_698 = tpu.memref_squeeze %dma_wait3A_697 : memref<1x100xi32, #tpu.memory_space<hbm>> -> memref<100xi32, #tpu.memory_space<hbm>>
    %dma_wait3A_699 = arith.constant 0 : i32
    %dma_wait3A_700 = tpu.memref_slice %arg2[%mul3A_2, %dma_wait3A_699] : memref<8192x100xi32, #tpu.memory_space<hbm>> -> memref<1x100xi32, #tpu.memory_space<hbm>>
    %dma_wait3A_701 = tpu.memref_squeeze %dma_wait3A_700 : memref<1x100xi32, #tpu.memory_space<hbm>> -> memref<100xi32, #tpu.memory_space<hbm>>
    tpu.wait_dma2 semaphore(%arg20 : memref<!tpu.dma_semaphore, #tpu.memory_space<semaphore_mem>>) src(%dma_wait3A_701 : memref<100xi32, #tpu.memory_space<hbm>>) dst(%arg7 : memref<100xi32, #tpu.memory_space<vmem>>)
    %dma_wait3A_702 = arith.constant 0 : i32
    %dma_wait3A_703 = tpu.memref_slice %arg2[%mul3A_2, %dma_wait3A_702] : memref<8192x100xi32, #tpu.memory_space<hbm>> -> memref<1x100xi32, #tpu.memory_space<hbm>>
    %dma_wait3A_704 = tpu.memref_squeeze %dma_wait3A_703 : memref<1x100xi32, #tpu.memory_space<hbm>> -> memref<100xi32, #tpu.memory_space<hbm>>
    %dma_wait3A_705 = arith.constant 0 : i32
    %dma_wait3A_706 = tpu.memref_slice %arg2[%mul3A_2, %dma_wait3A_705] : memref<8192x100xi32, #tpu.memory_space<hbm>> -> memref<1x100xi32, #tpu.memory_space<hbm>>
    %dma_wait3A_707 = tpu.memref_squeeze %dma_wait3A_706 : memref<1x100xi32, #tpu.memory_space<hbm>> -> memref<100xi32, #tpu.memory_space<hbm>>
    tpu.wait_dma2 semaphore(%arg21 : memref<!tpu.dma_semaphore, #tpu.memory_space<semaphore_mem>>) src(%dma_wait3A_707 : memref<100xi32, #tpu.memory_space<hbm>>) dst(%arg8 : memref<100xi32, #tpu.memory_space<vmem>>)
    %dma_wait3A_708 = arith.constant 0 : i32
    %dma_wait3A_709 = tpu.memref_slice %arg2[%mul3A_2, %dma_wait3A_708] : memref<8192x100xi32, #tpu.memory_space<hbm>> -> memref<1x100xi32, #tpu.memory_space<hbm>>
    %dma_wait3A_710 = tpu.memref_squeeze %dma_wait3A_709 : memref<1x100xi32, #tpu.memory_space<hbm>> -> memref<100xi32, #tpu.memory_space<hbm>>
    %dma_wait3A_711 = arith.constant 0 : i32
    %dma_wait3A_712 = tpu.memref_slice %arg2[%mul3A_2, %dma_wait3A_711] : memref<8192x100xi32, #tpu.memory_space<hbm>> -> memref<1x100xi32, #tpu.memory_space<hbm>>
    %dma_wait3A_713 = tpu.memref_squeeze %dma_wait3A_712 : memref<1x100xi32, #tpu.memory_space<hbm>> -> memref<100xi32, #tpu.memory_space<hbm>>
    tpu.wait_dma2 semaphore(%arg22 : memref<!tpu.dma_semaphore, #tpu.memory_space<semaphore_mem>>) src(%dma_wait3A_713 : memref<100xi32, #tpu.memory_space<hbm>>) dst(%arg9 : memref<100xi32, #tpu.memory_space<vmem>>)
    %jit3A_714 = arith.constant 2 : i32
    %div3A_715 = arith.divsi %mul3A_2, %jit3A_714 : i32
    %sign3A_716 = arith.constant 0 : i32
    %sign3A_717 = arith.cmpi sgt, %mul3A_2, %sign3A_716 : i32
    %sign3A_718 = arith.extui %sign3A_717 : i1 to i32
    %sign3A_719 = arith.constant 0 : i32
    %sign3A_720 = arith.cmpi slt, %mul3A_2, %sign3A_719 : i32
    %sign3A_721 = arith.extui %sign3A_720 : i1 to i32
    %sign3A_722 = arith.subi %sign3A_718, %sign3A_721 : i32
    %sign3A_723 = arith.constant 0 : i32
    %sign3A_724 = arith.cmpi sgt, %jit3A_714, %sign3A_723 : i32
    %sign3A_725 = arith.extui %sign3A_724 : i1 to i32
    %sign3A_726 = arith.constant 0 : i32
    %sign3A_727 = arith.cmpi slt, %jit3A_714, %sign3A_726 : i32
    %sign3A_728 = arith.extui %sign3A_727 : i1 to i32
    %sign3A_729 = arith.subi %sign3A_725, %sign3A_728 : i32
    %ne3A_730 = arith.cmpi ne, %sign3A_722, %sign3A_729 : i32
    %rem3A_731 = arith.remsi %mul3A_2, %jit3A_714 : i32
    %ne3A_732 = arith.constant 0 : i32
    %ne3A_733 = arith.cmpi ne, %rem3A_731, %ne3A_732 : i32
    %and3A_734 = arith.andi %ne3A_730, %ne3A_733 : i1
    %sub3A_735 = arith.constant 1 : i32
    %sub3A_736 = arith.subi %div3A_715, %sub3A_735 : i32
    %select_n3A_737 = arith.select %and3A_734, %sub3A_736, %div3A_715 : i32
    %rem3A_738 = arith.constant 2 : i32
    %rem3A_739 = arith.remsi %mul3A_2, %rem3A_738 : i32
    %mul3A_740 = arith.constant 100 : i32
    %mul3A_741 = arith.muli %rem3A_739, %mul3A_740 : i32
    %dma_wait3A_742 = arith.constant 0 : i32
    %dma_wait3A_743 = tpu.memref_slice %arg5[%select_n3A_737, %mul3A_741, %dma_wait3A_742] : memref<4096x200x128xf32, #tpu.memory_space<hbm>> -> memref<1x100x64xf32, #tpu.memory_space<hbm>>
    %dma_wait3A_744 = tpu.memref_squeeze %dma_wait3A_743 : memref<1x100x64xf32, #tpu.memory_space<hbm>> -> memref<100x64xf32, #tpu.memory_space<hbm>>
    %dma_wait3A_745 = arith.constant 0 : i32
    %dma_wait3A_746 = tpu.memref_slice %arg5[%select_n3A_737, %mul3A_741, %dma_wait3A_745] : memref<4096x200x128xf32, #tpu.memory_space<hbm>> -> memref<1x100x64xf32, #tpu.memory_space<hbm>>
    %dma_wait3A_747 = tpu.memref_squeeze %dma_wait3A_746 : memref<1x100x64xf32, #tpu.memory_space<hbm>> -> memref<100x64xf32, #tpu.memory_space<hbm>>
    tpu.wait_dma2 semaphore(%arg31 : memref<!tpu.dma_semaphore, #tpu.memory_space<semaphore_mem>>) src(%arg14 : memref<100x64xf32, #tpu.memory_space<vmem>>) dst(%dma_wait3A_747 : memref<100x64xf32, #tpu.memory_space<hbm>>)
    %jit3A_748 = arith.constant 2 : i32
    %div3A_749 = arith.divsi %mul3A_2, %jit3A_748 : i32
    %sign3A_750 = arith.constant 0 : i32
    %sign3A_751 = arith.cmpi sgt, %mul3A_2, %sign3A_750 : i32
    %sign3A_752 = arith.extui %sign3A_751 : i1 to i32
    %sign3A_753 = arith.constant 0 : i32
    %sign3A_754 = arith.cmpi slt, %mul3A_2, %sign3A_753 : i32
    %sign3A_755 = arith.extui %sign3A_754 : i1 to i32
    %sign3A_756 = arith.subi %sign3A_752, %sign3A_755 : i32
    %sign3A_757 = arith.constant 0 : i32
    %sign3A_758 = arith.cmpi sgt, %jit3A_748, %sign3A_757 : i32
    %sign3A_759 = arith.extui %sign3A_758 : i1 to i32
    %sign3A_760 = arith.constant 0 : i32
    %sign3A_761 = arith.cmpi slt, %jit3A_748, %sign3A_760 : i32
    %sign3A_762 = arith.extui %sign3A_761 : i1 to i32
    %sign3A_763 = arith.subi %sign3A_759, %sign3A_762 : i32
    %ne3A_764 = arith.cmpi ne, %sign3A_756, %sign3A_763 : i32
    %rem3A_765 = arith.remsi %mul3A_2, %jit3A_748 : i32
    %ne3A_766 = arith.constant 0 : i32
    %ne3A_767 = arith.cmpi ne, %rem3A_765, %ne3A_766 : i32
    %and3A_768 = arith.andi %ne3A_764, %ne3A_767 : i1
    %sub3A_769 = arith.constant 1 : i32
    %sub3A_770 = arith.subi %div3A_749, %sub3A_769 : i32
    %select_n3A_771 = arith.select %and3A_768, %sub3A_770, %div3A_749 : i32
    %rem3A_772 = arith.constant 2 : i32
    %rem3A_773 = arith.remsi %mul3A_2, %rem3A_772 : i32
    %mul3A_774 = arith.constant 100 : i32
    %mul3A_775 = arith.muli %rem3A_773, %mul3A_774 : i32
    %dma_wait3A_776 = arith.constant 0 : i32
    %dma_wait3A_777 = tpu.memref_slice %arg5[%select_n3A_771, %mul3A_775, %dma_wait3A_776] : memref<4096x200x128xf32, #tpu.memory_space<hbm>> -> memref<1x100x64xf32, #tpu.memory_space<hbm>>
    %dma_wait3A_778 = tpu.memref_squeeze %dma_wait3A_777 : memref<1x100x64xf32, #tpu.memory_space<hbm>> -> memref<100x64xf32, #tpu.memory_space<hbm>>
    %dma_wait3A_779 = arith.constant 0 : i32
    %dma_wait3A_780 = tpu.memref_slice %arg5[%select_n3A_771, %mul3A_775, %dma_wait3A_779] : memref<4096x200x128xf32, #tpu.memory_space<hbm>> -> memref<1x100x64xf32, #tpu.memory_space<hbm>>
    %dma_wait3A_781 = tpu.memref_squeeze %dma_wait3A_780 : memref<1x100x64xf32, #tpu.memory_space<hbm>> -> memref<100x64xf32, #tpu.memory_space<hbm>>
    tpu.wait_dma2 semaphore(%arg32 : memref<!tpu.dma_semaphore, #tpu.memory_space<semaphore_mem>>) src(%arg15 : memref<100x64xf32, #tpu.memory_space<vmem>>) dst(%dma_wait3A_781 : memref<100x64xf32, #tpu.memory_space<hbm>>)
    %jit3A_782 = arith.constant 2 : i32
    %div3A_783 = arith.divsi %mul3A_2, %jit3A_782 : i32
    %sign3A_784 = arith.constant 0 : i32
    %sign3A_785 = arith.cmpi sgt, %mul3A_2, %sign3A_784 : i32
    %sign3A_786 = arith.extui %sign3A_785 : i1 to i32
    %sign3A_787 = arith.constant 0 : i32
    %sign3A_788 = arith.cmpi slt, %mul3A_2, %sign3A_787 : i32
    %sign3A_789 = arith.extui %sign3A_788 : i1 to i32
    %sign3A_790 = arith.subi %sign3A_786, %sign3A_789 : i32
    %sign3A_791 = arith.constant 0 : i32
    %sign3A_792 = arith.cmpi sgt, %jit3A_782, %sign3A_791 : i32
    %sign3A_793 = arith.extui %sign3A_792 : i1 to i32
    %sign3A_794 = arith.constant 0 : i32
    %sign3A_795 = arith.cmpi slt, %jit3A_782, %sign3A_794 : i32
    %sign3A_796 = arith.extui %sign3A_795 : i1 to i32
    %sign3A_797 = arith.subi %sign3A_793, %sign3A_796 : i32
    %ne3A_798 = arith.cmpi ne, %sign3A_790, %sign3A_797 : i32
    %rem3A_799 = arith.remsi %mul3A_2, %jit3A_782 : i32
    %ne3A_800 = arith.constant 0 : i32
    %ne3A_801 = arith.cmpi ne, %rem3A_799, %ne3A_800 : i32
    %and3A_802 = arith.andi %ne3A_798, %ne3A_801 : i1
    %sub3A_803 = arith.constant 1 : i32
    %sub3A_804 = arith.subi %div3A_783, %sub3A_803 : i32
    %select_n3A_805 = arith.select %and3A_802, %sub3A_804, %div3A_783 : i32
    %rem3A_806 = arith.constant 2 : i32
    %rem3A_807 = arith.remsi %mul3A_2, %rem3A_806 : i32
    %mul3A_808 = arith.constant 100 : i32
    %mul3A_809 = arith.muli %rem3A_807, %mul3A_808 : i32
    %dma_wait3A_810 = arith.constant 0 : i32
    %dma_wait3A_811 = tpu.memref_slice %arg5[%select_n3A_805, %mul3A_809, %dma_wait3A_810] : memref<4096x200x128xf32, #tpu.memory_space<hbm>> -> memref<1x100x64xf32, #tpu.memory_space<hbm>>
    %dma_wait3A_812 = tpu.memref_squeeze %dma_wait3A_811 : memref<1x100x64xf32, #tpu.memory_space<hbm>> -> memref<100x64xf32, #tpu.memory_space<hbm>>
    %dma_wait3A_813 = arith.constant 0 : i32
    %dma_wait3A_814 = tpu.memref_slice %arg5[%select_n3A_805, %mul3A_809, %dma_wait3A_813] : memref<4096x200x128xf32, #tpu.memory_space<hbm>> -> memref<1x100x64xf32, #tpu.memory_space<hbm>>
    %dma_wait3A_815 = tpu.memref_squeeze %dma_wait3A_814 : memref<1x100x64xf32, #tpu.memory_space<hbm>> -> memref<100x64xf32, #tpu.memory_space<hbm>>
    tpu.wait_dma2 semaphore(%arg33 : memref<!tpu.dma_semaphore, #tpu.memory_space<semaphore_mem>>) src(%arg16 : memref<100x64xf32, #tpu.memory_space<vmem>>) dst(%dma_wait3A_815 : memref<100x64xf32, #tpu.memory_space<hbm>>)
    %jit3A_816 = arith.constant 2 : i32
    %div3A_817 = arith.divsi %mul3A_2, %jit3A_816 : i32
    %sign3A_818 = arith.constant 0 : i32
    %sign3A_819 = arith.cmpi sgt, %mul3A_2, %sign3A_818 : i32
    %sign3A_820 = arith.extui %sign3A_819 : i1 to i32
    %sign3A_821 = arith.constant 0 : i32
    %sign3A_822 = arith.cmpi slt, %mul3A_2, %sign3A_821 : i32
    %sign3A_823 = arith.extui %sign3A_822 : i1 to i32
    %sign3A_824 = arith.subi %sign3A_820, %sign3A_823 : i32
    %sign3A_825 = arith.constant 0 : i32
    %sign3A_826 = arith.cmpi sgt, %jit3A_816, %sign3A_825 : i32
    %sign3A_827 = arith.extui %sign3A_826 : i1 to i32
    %sign3A_828 = arith.constant 0 : i32
    %sign3A_829 = arith.cmpi slt, %jit3A_816, %sign3A_828 : i32
    %sign3A_830 = arith.extui %sign3A_829 : i1 to i32
    %sign3A_831 = arith.subi %sign3A_827, %sign3A_830 : i32
    %ne3A_832 = arith.cmpi ne, %sign3A_824, %sign3A_831 : i32
    %rem3A_833 = arith.remsi %mul3A_2, %jit3A_816 : i32
    %ne3A_834 = arith.constant 0 : i32
    %ne3A_835 = arith.cmpi ne, %rem3A_833, %ne3A_834 : i32
    %and3A_836 = arith.andi %ne3A_832, %ne3A_835 : i1
    %sub3A_837 = arith.constant 1 : i32
    %sub3A_838 = arith.subi %div3A_817, %sub3A_837 : i32
    %select_n3A_839 = arith.select %and3A_836, %sub3A_838, %div3A_817 : i32
    %rem3A_840 = arith.constant 2 : i32
    %rem3A_841 = arith.remsi %mul3A_2, %rem3A_840 : i32
    %mul3A_842 = arith.constant 100 : i32
    %mul3A_843 = arith.muli %rem3A_841, %mul3A_842 : i32
    %dma_wait3A_844 = arith.constant 0 : i32
    %dma_wait3A_845 = tpu.memref_slice %arg5[%select_n3A_839, %mul3A_843, %dma_wait3A_844] : memref<4096x200x128xf32, #tpu.memory_space<hbm>> -> memref<1x100x64xf32, #tpu.memory_space<hbm>>
    %dma_wait3A_846 = tpu.memref_squeeze %dma_wait3A_845 : memref<1x100x64xf32, #tpu.memory_space<hbm>> -> memref<100x64xf32, #tpu.memory_space<hbm>>
    %dma_wait3A_847 = arith.constant 0 : i32
    %dma_wait3A_848 = tpu.memref_slice %arg5[%select_n3A_839, %mul3A_843, %dma_wait3A_847] : memref<4096x200x128xf32, #tpu.memory_space<hbm>> -> memref<1x100x64xf32, #tpu.memory_space<hbm>>
    %dma_wait3A_849 = tpu.memref_squeeze %dma_wait3A_848 : memref<1x100x64xf32, #tpu.memory_space<hbm>> -> memref<100x64xf32, #tpu.memory_space<hbm>>
    tpu.wait_dma2 semaphore(%arg34 : memref<!tpu.dma_semaphore, #tpu.memory_space<semaphore_mem>>) src(%arg17 : memref<100x64xf32, #tpu.memory_space<vmem>>) dst(%dma_wait3A_849 : memref<100x64xf32, #tpu.memory_space<hbm>>)
    return
  }
}

</mosaic_0001>

<sc_bundles>
// kernel: kernel.3.cloned.1.call-start
scs
__scs_entry_jumppad:
0x0: {  	(pc) =	sbr.rel $0x88, $3  }
0x1: {  	(tag) =	ssettag $0x0;
	lr =	simm.s32 $0x1  }
0x2: {  	[smem:$0x3F9E] =	sst lr;
	_ =	strace $0xD0000000  }
0x3: {  	_ = 	snop  }
0x4: {  	_ = 	snop  }
0x5: {  	_ = 	snop  }
0x6: {  	_ = 	snop  }
0x7: {  	_ = 	snop  }
__scs_overlays_trampoline_lowered:
0x8: {  	[smem:$0x3FAD] =	sst s0  }
0x9: {  	[smem:$0x3FAE] =	sst s1  }
0xa: {  	[smem:$0x3FAF] =	sst s2  }
0xb: {  	[smem:$0x3FB0] =	sst s3  }
0xc: {  	[smem:$0x3FB1] =	sst s4  }
0xd: {  	[smem:$0x3FB2] =	sst s5  }
0xe: {  	[smem:$0x3FB3] =	sst s6  }
0xf: {  	[smem:$0x3FB4] =	sst s7  }
0x10: {  	[smem:$0x3FB5] =	sst s8  }
0x11: {  	[smem:$0x3FB6] =	sst s9;
	s0 =	simm.s32 @!p0 $0x0  }
0x12: {  	s1 =	sld [smem:$0x3F9C];
	s0 =	simm.s32 @p0 $0x1  }
0x13: {  	[smem:$0x3FB7] =	sst s0;
	s0 =	simm.s32 @!p1 $0x0  }
0x14: {  	s2 =	sld [smem:$0x3F9B];
	s0 =	simm.s32 @p1 $0x1  }
0x15: {  	[smem:$0x3FB8] =	sst s0;
	s0 =	simm.s32 @!p2 $0x0  }
0x16: {  	s3 =	sld [smem:$0x3FDB];
	s0 =	simm.s32 @p2 $0x1  }
0x17: {  	s4 =	simm.s32 $0x1BF5;
	[smem:$0x3FBA] =	sst s0  }
0x18: {  	s0 =	sld [smem:$0x3F9D];
	_ =	swait.ge [sflag:s4], $0x0  }
0x19: {  	s7 =	sld [smem:$0x3F9E]  }
0x1a: {  	s8 =	sadd.s32 $0xFFFFE003, lr  }
0x1b: {  	s9 =	sadd.s32 $0xFFFFFEF7, lr;
	s5 =	simm.s32 $0xFFFFFFFF;
	p2 =	slt.u32 s8, $0xFFFFF086  }
0x1c: {  	p1 =	slt.u32 s9, $0xF7A;
	s5 =	simm.s32 @!p2 $0x0  }
0x1d: {  	s5 =	simm.s32 @p1 $0x1;
	p0 =	seq.s32 s7, s2  }
0x1e: {  	s7 =	smul.u32 @!p0 $0xF7A, s2;
	p2 =	seq.s32 @!p0 s5, $0x0  }
0x1f: {  	s9 =	smul.u32 $0xF7A, s1;
	s8 =	simm.s32 @!p0 $0x1BF5;
	p2 =	por !p2, p0  }
0x20: {  	[sflag:s8] =	ssyncset.s32 @!p0 $0xFFFFF086;
	s6 =	sadd.s32 @!p0 s3, s7;
	s7 =	simm.s32 @!p0 $0x108  }
0x21: {  	s3 =	sadd.s32 s3, s9;
	s6 =	sadd.s32 @!p0 $0x88, s6;
	s7 =	simm.s32 @p2 $0x1082  }
0x22: {  	[simem:s7], [sflag:s8] =	dma.local @!p0 [hbm:s6], $0xF7A  }
0x23: {  	s9 =	sor.u32 $0xD0000000, s2;
	s6 =	simm.s32 $0x108;
	_ =	swait.ge @!p0 [sflag:s8], $0x0  }
0x24: {  	s3 =	sadd.s32 $0x88, s3;
	s6 =	simm.s32 @!p1 $0x1082;
	[sflag:s4] =	ssyncset.s32 $0xFFFFF086  }
0x25: {  	[simem:s6], [sflag:s4] =	dma.local [hbm:s3], $0xF7A  }
0x26: {  	[smem:$0x3F9E] =	sst s1;
	(tag) =	ssettag s2;
	_ =	strace s9  }
0x27: {  	s1 =	sld [smem:$0x3FAE]  }
0x28: {  	s2 =	sld [smem:$0x3FAF]  }
0x29: {  	s4 =	sld [smem:$0x3FB1]  }
0x2a: {  	p0 =	seq.s32 s5, $0x0;
	s5 =	sld [smem:$0x3FB2]  }
0x2b: {  	s6 =	sld [smem:$0x3FB3]  }
0x2c: {  	s7 =	sld [smem:$0x3FB4]  }
0x2d: {  	s3 =	simm.s32 $0x108;
	s8 =	sld [smem:$0x3FB5]  }
0x2e: {  	s3 =	simm.s32 @!p0 $0x1082;
	s9 =	sld [smem:$0x3FB6]  }
0x2f: {  	lr =	sadd.s32 s0, s3;
	s0 =	sld [smem:$0x3FAD]  }
0x30: {  	s3 =	sld [smem:$0x3FB0]  }
0x31: {  	[smem:$0x3FB9] =	sst s10  }
0x32: {  	s10 =	sld [smem:$0x3FB7];
	_ =	sdelay $0x3  }
0x33: {  	p0 =	seq.s32 s10, $0x1;
	s10 =	sld [smem:$0x3FB9];
	_ =	sdelay $0x3  }
0x34: {  	[smem:$0x3FB9] =	sst s10  }
0x35: {  	s10 =	sld [smem:$0x3FB8];
	_ =	sdelay $0x3  }
0x36: {  	p1 =	seq.s32 s10, $0x1;
	s10 =	sld [smem:$0x3FB9];
	_ =	sdelay $0x3  }
0x37: {  	[smem:$0x3FB9] =	sst s10  }
0x38: {  	s10 =	sld [smem:$0x3FBA]  }
0x39: {  	_ = 	snop;
	(pc) =	sbr.ind lr, $3  }
0x3a: {  	_ = 	snop  }
0x3b: {  	_ = 	snop  }
0x3c: {  	p2 =	seq.s32 s10, $0x1;
	s10 =	sld [smem:$0x3FB9]  }
0x3d: {  	_ =	shalt  }
0x3e: {  	_ =	shalt  }
0x3f: {  	_ =	shalt  }
0x40: {  	_ =	shalt  }
0x41: {  	_ =	shalt  }
0x42: {  	_ =	shalt  }
0x43: {  	_ =	shalt  }
0x44: {  	_ =	shalt  }
0x45: {  	_ =	shalt  }
0x46: {  	_ =	shalt  }
0x47: {  	_ =	shalt  }
0x48: {  	_ =	shalt  }
0x49: {  	_ =	shalt  }
0x4a: {  	_ =	shalt  }
0x4b: {  	_ =	shalt  }
0x4c: {  	_ =	shalt  }
0x4d: {  	_ =	shalt  }
0x4e: {  	_ =	shalt  }
0x4f: {  	_ =	shalt  }
0x50: {  	_ =	shalt  }
0x51: {  	_ =	shalt  }
0x52: {  	_ =	shalt  }
0x53: {  	_ =	shalt  }
0x54: {  	_ =	shalt  }
0x55: {  	_ =	shalt  }
0x56: {  	_ =	shalt  }
0x57: {  	_ =	shalt  }
0x58: {  	_ =	shalt  }
0x59: {  	_ =	shalt  }
0x5a: {  	_ =	shalt  }
0x5b: {  	_ =	shalt  }
0x5c: {  	_ =	shalt  }
0x5d: {  	_ =	shalt  }
0x5e: {  	_ =	shalt  }
0x5f: {  	_ =	shalt  }
0x60: {  	_ =	shalt  }
0x61: {  	_ =	shalt  }
0x62: {  	_ =	shalt  }
0x63: {  	_ =	shalt  }
0x64: {  	_ =	shalt  }
0x65: {  	_ =	shalt  }
0x66: {  	_ =	shalt  }
0x67: {  	_ =	shalt  }
0x68: {  	_ =	shalt  }
0x69: {  	_ =	shalt  }
0x6a: {  	_ =	shalt  }
0x6b: {  	_ =	shalt  }
0x6c: {  	_ =	shalt  }
0x6d: {  	_ =	shalt  }
0x6e: {  	_ =	shalt  }
0x6f: {  	_ =	shalt  }
0x70: {  	_ =	shalt  }
0x71: {  	_ =	shalt  }
0x72: {  	_ =	shalt  }
0x73: {  	_ =	shalt  }
0x74: {  	_ =	shalt  }
0x75: {  	_ =	shalt  }
0x76: {  	_ =	shalt  }
0x77: {  	_ =	shalt  }
0x78: {  	_ =	shalt  }
0x79: {  	_ =	shalt  }
0x7a: {  	_ =	shalt  }
0x7b: {  	_ =	shalt  }
0x7c: {  	_ =	shalt  }
0x7d: {  	_ =	shalt  }
0x7e: {  	_ =	shalt  }
0x7f: {  	_ =	shalt  }
0x80: {  	_ =	shalt  }
0x81: {  	_ =	shalt  }
0x82: {  	_ =	shalt  }
0x83: {  	_ =	shalt  }
0x84: {  	_ =	shalt  }
0x85: {  	_ =	shalt  }
0x86: {  	_ =	shalt  }
0x87: {  	_ =	shalt  }
.Lfunc_end0:
.L_simem_size_0:
called_computation.2_lowered:
.L_overlay_start_0:
0x88: {  	s2 =	sld [smem:$0x3FD9]  }
0x89: {  	s3 =	sld [smem:$0x3FFE];
	_ =	sdelay $0x1  }
0x8a: {  	s1 =	srdreg.scid  }
0x8b: {  	s0 =	sand.u32 $0x1, s1  }
0x8c: {  	s17 =	sshll.u32 s0, $0xA;
	s2 =	sadd.s32 s3, s2  }
0x8d: {  	s2 =	sadd.s32 s2, s17  }
0x8e: {  	[smem:$0x3FC5] =	sst s2  }
0x8f: {  	_ = 	snop  }
0x90: {  	s2 =	sld [smem:$0x3FD0];
	(tm) =	ssettm $0x1  }
0x91: {  	s18 =	sld [smem:$0x3FFB];
	_ =	sdelay $0x3  }
0x92: {  	_ =	strace s18  }
0x93: {  	s3 =	sld [smem:$0x3FFC];
	_ =	sdelay $0x3  }
0x94: {  	_ =	strace s3  }
0x95: {  	s3 =	sld [smem:$0x3FFD];
	_ =	sdelay $0x3  }
0x96: {  	_ =	strace s3  }
0x97: {  	_ =	strace $0x8FFFFFFF  }
0x98: {  	s19 =	sld [smem:$0x3FDB];
	_ =	sdelay $0x1  }
0x99: {  	s4 =	simm.s32 $_scs_section_size  }
0x9a: {  	s5 =	simm.s32 $_size__tile_overlayer_lowered;
	s6 =	simm.s32 $_tile_overlayer_lowered  }
0x9b: {  	s22 =	simm.s32 $0x1BFF;
	s21 =	sshll.u32 s6, $0x1;
	s3 =	sadd.s32 s4, s19  }
0x9c: {  	s7 =	simm.s32 $0x0;
	s20 =	sshll.u32 s5, $0x1;
	s5 =	sadd.s32 s21, s3  }
0x9d: {  	[timem:s7], [sflag:s22] =	dma.local [hbm:s5], s20  }
0x9e: {  	_ =	swait.ge [sflag:s22], s20  }
0x9f: {  	s4 =	ssub.s32 $0x0, s20;
	[sflag:s22] =	ssyncset.done $0x0  }
0xa0: {  	[sflag:s22] =	ssyncadd.s32 s4;
	_ =	sdelay $0x1  }
0xa1: {  	s23 =	simm.s32 $0x1B8B  }
0xa2: {  	_ =	swait.ge [sflag:s23], $0x1  }
0xa3: {  	[sflag:s23] =	ssyncset.done $0x0  }
0xa4: {  	s25 =	simm.s32 $0x1B8E;
	s24 =	sld [smem:$0x3FFE];
	[sflag:s23] =	ssyncadd.s32 $0xFFFFFFFF  }
0xa5: {  	s26 =	simm.s32 $execute0_lowered;
	[smem:$0x3FD2] =	sst s25  }
0xa6: {  	s5 =	sshll.u32 s26, $0x1;
	_ =	strace $0x80000049;
	[dreg:$0x1] =	wrdreg $0xFFFFFFFF  }
0xa7: {  	s28 =	simm.s32 $_size_execute0_lowered;
	s3 =	sadd.s32 s3, s5;
	[dreg:$0x0] =	wrdreg $0x0  }
0xa8: {  	s5 =	sshll.u32 s28, $0x1;
	[dreg:$0x2] =	wrdreg s3  }
0xa9: {  	[dreg:$0x3] =	wrdreg s5  }
0xaa: {  	[dreg:$0x4] =	wrdreg $0xC0  }
0xab: {  	_ =	task [dreg:s7], $0x5FFFF  }
0xac: {  	[dreg:$0x1] =	wrdreg $0xFFFFFFFF  }
0xad: {  	[dreg:$0x0] =	wrdreg $0x60  }
0xae: {  	[dreg:$0x2] =	wrdreg s2  }
0xaf: {  	[dreg:$0x3] =	wrdreg s24  }
0xb0: {  	[dreg:$0x4] =	wrdreg $0x9  }
0xb1: {  	_ =	task.clear_ibuf [dreg:s7], $0x5FFFF;
	_ =	strace $0x90000049  }
0xb2: {  	s29 =	simm.s32 $0x9;
	_ =	strace $0x8000004B  }
0xb3: {  	_ =	swait.ge [sflag:s29], $0x1  }
0xb4: {  	[sflag:s29] =	ssyncadd.s32 $0xFFFFFFFF  }
0xb5: {  	_ =	strace $0x9000004B  }
0xb6: {  	_ =	sfence  }
0xb7: {  	s30 =	sld [smem:$0x0];
	_ =	sdelay $0x2  }
0xb8: {  	s31 =	sshll.u32 s1, $0xD;
	s1 =	sshrl.u32 s1, $0x2  }
0xb9: {  	s3 =	sand.u32 $0x4000, s31;
	s1 =	sadd.s32 s1, s30  }
0xba: {  	s0 =	sor.u32 s3, s0;
	s1 =	sshll.u32 s1, $0x11  }
0xbb: {  	s0 =	sor.u32 s1, s0  }
0xbc: {  	s0 =	sadd.s32 $0x8F2B, s0  }
0xbd: {  	[sflag:s0] =	ssyncadd.remote.s32 $0x1  }
0xbe: {  	_ =	sfence.sel $0xFFFF  }
0xbf: {  	[dreg:$0x0] =	wrdreg $0xFFFFFFFF;
	(pc) =	sbr.abs _section_cstart, $3  }
0xc0: {  	[dreg:$0x1] =	wrdreg $0xFFFFFFFF  }
0xc1: {  	_ =	task.clear_ibuf [dreg:s7], $0x2FFFF;
	_ =	strace $0x9FFFFFFF  }
0xc2: {  	(tm) =	ssettm $0x7FFFFFFF  }
0xc3: {  	_ =	shalt  }
tec
execute0_lowered:
.L_overlay_start_1:
0x0: {  	(tag) =	ssettag $0x1  }
0x1: {  	s1 =	rddreg [dreg:$0x0]  }
0x2: {  	s0 =	rddreg [dreg:$0x1]  }
0x3: {  	s2 =	simm.s32 $0x0;
	s3 =	srdreg.scid;
	s5 =	stileid.u32  }
0x4: {  	s28 =	simm.s32 $0xA;
	s29 =	simm.s32 $0x4;
	s30 =	simm.s32 $0x4E40  }
0x5: {  	[smem:$0x7FF] =	sst s2;
	s4 =	sadd.s32 $0xF43C00, s0;
	s3 =	sand.u32 $0x1, s3  }
0x6: {  	s6 =	sadd.s32 $0xF43400, s0;
	s5 =	sshll.u32 s5, $0x9;
	s7 =	sshll.u32 s3, $0x8  }
0x7: {  	s26 =	sadd.s32 $0x1640, s0;
	_ =	strace $0x8000004A;
	s13 =	sor.u32 s7, s5  }
0x8: {  	[dreg:$0x3] =	wrdreg s6;
	s7 =	smul.u32 $0xD, s13;
	s8 =	sor.u32 $0x2, s13  }
0x9: {  	s6 =	sadd.s32 $0x1000, s0;
	s9 =	sor.u32 $0x3, s13;
	s20 =	smul.u32 $0xD, s8  }
0xa: {  	s3 =	ssub.s32 $0x2, s3;
	s10 =	sor.u32 $0x4, s13;
	s21 =	smul.u32 $0xD, s9  }
0xb: {  	s19 =	sshrl.u32 s3, $0x1;
	s11 =	sor.u32 $0x5, s13;
	s22 =	smul.u32 $0xD, s10  }
0xc: {  	s3 =	ssub.s32 s3, s19;
	s12 =	sshrl.u32 s13, $0x1;
	s23 =	smul.u32 $0xD, s11  }
0xd: {  	[dreg:$0x4] =	wrdreg s13;
	s13 =	sor.u32 $0x6, s13;
	s24 =	smul.u32 $0xC80, s12  }
0xe: {  	s25 =	smul.u32 $0xD, s13;
	s8 =	sshrl.u32 s8, $0x1;
	s9 =	sshrl.u32 s9, $0x1  }
0xf: {  	s10 =	sshrl.u32 s10, $0x1;
	s11 =	sshrl.u32 s11, $0x1;
	s12 =	smul.u32 $0x6400, s12  }
0x10: {  	s13 =	sshrl.u32 s13, $0x1;
	s3 =	smax.u32 s3, $0x1;
	s8 =	smul.u32 $0xC80, s8  }
0x11: {  	s15 =	sadd.s32 s1, s7;
	s9 =	smul.u32 $0x6400, s9;
	[dreg:$0x13] =	wrdreg s3  }
0x12: {  	s31 =	smul.u32 $0xC80, s10;
	s5 =	sadd.s32 s1, s20;
	[dreg:$0x5] =	wrdreg s15  }
0x13: {  	s16 =	smul.u32 $0xC80, s13;
	s7 =	sadd.s32 s1, s21;
	[dreg:$0x6] =	wrdreg s5  }
0x14: {  	s13 =	simm.s32 $0x340;
	s14 =	sadd.s32 s6, s24;
	[dreg:$0x7] =	wrdreg s7  }
0x15: {  	s3 =	simm.s32 $0xD;
	s20 =	sadd.s32 $0x1C80, s0;
	[dreg:$0xa] =	wrdreg s14  }
0x16: {  	s21 =	sadd.s32 $0x2900, s0;
	s0 =	sadd.s32 $0x3580, s0;
	[dreg:$0x14] =	wrdreg s20  }
0x17: {  	s5 =	sadd.s32 s1, s22;
	s7 =	sadd.s32 s1, s23;
	[dreg:$0x15] =	wrdreg s21  }
0x18: {  	s10 =	sadd.s32 s6, s8;
	s9 =	sshrl.u32 s9, $0x3;
	[dreg:$0x16] =	wrdreg s0  }
0x19: {  	s8 =	sshrl.u32 s12, $0x3;
	s19 =	sadd.s32 s6, s16;
	[dreg:$0x8] =	wrdreg s5  }
0x1a: {  	s22 =	sadd.s32 $0xD, s15;
	s23 =	sadd.s32 $0x5B, s15;
	[dreg:$0x9] =	wrdreg s7  }
0x1b: {  	s12 =	simm.s32 $0x64;
	s16 =	simm.s32 $0x1C40;
	[dreg:$0xd] =	wrdreg s10  }
0x1c: {  	s20 =	simm.s32 $0x80;
	s21 =	simm.s32 $0x3;
	[dreg:$0x11] =	wrdreg s19  }
0x1d: {  	s0 =	simm.s32 $0xB;
	s14 =	simm.s32 $0xF;
	[dreg:$0x17] =	wrdreg s22  }
0x1e: {  	s7 =	sadd.s32 s1, s25;
	s5 =	sadd.s32 s24, s26;
	[dreg:$0x18] =	wrdreg s23  }
0x1f: {  	s9 =	sadd.s32 s9, s26;
	s18 =	sadd.s32 s6, s8;
	[dreg:$0xb] =	wrdreg s7  }
0x20: {  	s24 =	sadd.s32 $0x68, s15;
	s25 =	sadd.s32 $0x75, s15;
	[dreg:$0xc] =	wrdreg s5  }
0x21: {  	s19 =	simm.s32 $0x40;
	s22 =	simm.s32 $0x3540;
	[dreg:$0xe] =	wrdreg s9  }
0x22: {  	s8 =	simm.s32 $0x0;
	s7 =	smul.u32 $0xC80, s11;
	[dreg:$0x19] =	wrdreg s24  }
0x23: {  	s5 =	sadd.s32 s6, s31;
	[dreg:$0x1a] =	wrdreg s25;
	s31 =	sadd.s32 $0x8F, s15  }
0x24: {  	s25 =	simm.s32 $0x138;
	s11 =	simm.s32 $0x1;
	[dreg:$0xf] =	wrdreg s5  }
0x25: {  	s24 =	simm.s32 $0xE;
	s5 =	sadd.s32 $0x639C0, s18;
	[dreg:$0x1c] =	wrdreg s31  }
0x26: {  	s18 =	simm.s32 $0x9;
	s17 =	sadd.s32 s7, s26;
	[dreg:$0x12] =	wrdreg s5  }
0x27: {  	s26 =	sadd.s32 $0x82, s15;
	s15 =	simm.s32 $0x2;
	[dreg:$0x10] =	wrdreg s17  }
0x28: {  	s7 =	simm.s32 $0xC;
	[dreg:$0x1b] =	wrdreg s26;
	s26 =	simm.s32 $0x10  }
.LBB2_1:
0x29: {  	[dreg:$0x1d] =	wrdreg s8  }
0x2a: {  	s5 =	rddreg [dreg:$0x3];
	s31 =	simm.s32 $0x6740;
	s9 =	simm.s32 $0x11  }
0x2b: {  	[tilespmem:s31], [sflag:$0x11] =	stream.linear.gather [hbm4b:s5+s2], $0x3200, $0x38;
	[tilespmem:$0x9940] =	vst v63  }
0x2c: {  	_ =	swait.ge [sflag:s9], $0x3200  }
0x2d: {  	[sflag:s9] =	ssyncset.done $0x0  }
0x2e: {  	s10 =	rddreg [dreg:$0x5];
	[sflag:s9] =	ssyncadd.s32 $0xFFFFCE00  }
0x2f: {  	[tilespmem:s2], [sflag:$0x1] =	stream.linear.gather [hbm4b:s10+s2], $0x68, $0x38;
	[tilespmem:$0x9940] =	vst v63  }
0x30: {  	s23 =	simm.s32 $0x68;
	s17 =	rddreg [dreg:$0x17]  }
0x31: {  	[tilespmem:s23], [sflag:$0x2] =	stream.linear.gather [hbm4b:s17+s2], $0x68, $0x38;
	[tilespmem:$0x9940] =	vst v63  }
0x32: {  	s31 =	rddreg [dreg:$0x6];
	s9 =	simm.s32 $0xD0  }
0x33: {  	[tilespmem:s9], [sflag:$0x3] =	stream.linear.gather [hbm4b:s31+s2], $0x68, $0x38;
	[tilespmem:$0x9940] =	vst v63  }
0x34: {  	s9 =	rddreg [dreg:$0x7]  }
0x35: {  	[tilespmem:s25], [sflag:$0x4] =	stream.linear.gather [hbm4b:s9+s2], $0x68, $0x38;
	[tilespmem:$0x9940] =	vst v63  }
0x36: {  	_ =	swait.ge [sflag:s11], $0x68  }
0x37: {  	[sflag:s11] =	ssyncset.done $0x0  }
0x38: {  	[sflag:s11] =	ssyncadd.s32 $0xFFFFFF98  }
0x39: {  	[tilespmem:s13], [sflag:$0x9] =	stream.indirect.gather [hbm4b:s4+s12], $0x40, s2, s12, $0xb8;
	[tilespmem:$0x9940] =	vst v63  }
0x3a: {  	s17 =	simm.s32 $0x1A0;
	s10 =	rddreg [dreg:$0x8]  }
0x3b: {  	[tilespmem:s17], [sflag:$0x5] =	stream.linear.gather [hbm4b:s10+s2], $0x68, $0x38;
	[tilespmem:$0x9940] =	vst v63  }
0x3c: {  	_ =	swait.ge [sflag:s15], $0x68  }
0x3d: {  	[sflag:s15] =	ssyncset.done $0x0  }
0x3e: {  	[sflag:s15] =	ssyncadd.s32 $0xFFFFFF98  }
0x3f: {  	[tilespmem:s16], [sflag:$0xA] =	stream.indirect.gather [hbm4b:s4+s12], $0x40, s23, s12, $0xb8;
	[tilespmem:$0x9940] =	vst v63  }
0x40: {  	s31 =	simm.s32 $0x208;
	s23 =	rddreg [dreg:$0x9]  }
0x41: {  	[tilespmem:s31], [sflag:$0x6] =	stream.linear.gather [hbm4b:s23+s2], $0x68, $0x38;
	[tilespmem:$0x9940] =	vst v63  }
0x42: {  	_ =	swait.ge [sflag:s18], $0x1900  }
0x43: {  	[sflag:s18] =	ssyncset.done $0x0  }
0x44: {  	s5 =	simm.s32 $0x3C0;
	[sflag:s18] =	ssyncadd.s32 $0xFFFFE700  }
0x45: {  	s8 =	simm.s32 $0x67C0;
	v0 =	vld [tilespmem:s5+$0x40]  }
0x46: {  	v1 =	vld [tilespmem:s8+$0x40]  }
0x47: {  	v2 =	vld [tilespmem:s5+$0xFFFFFFC0]  }
0x48: {  	v3 =	vld [tilespmem:s8+$0xFFFFFFC0]  }
0x49: {  	v4 =	vld [tilespmem:s5+$0x0]  }
0x4a: {  	v5 =	vld [tilespmem:s8+$0x0]  }
0x4b: {  	v6 =	vld [tilespmem:s5+$0xFFFFFF80];
	v0 =	vadd.f32 v1, v0  }
0x4c: {  	v1 =	vld [tilespmem:s8+$0xFFFFFF80]  }
0x4d: {  	[tilespmem:s5+$0x40] =	vst v0;
	v0 =	vld [tilespmem:s5+$0x50]  }
0x4e: {  	v2 =	vadd.f32 v3, v2;
	v3 =	vld [tilespmem:s8+$0x50]  }
0x4f: {  	v7 =	vld [tilespmem:s5+$0xFFFFFF90]  }
0x50: {  	[tilespmem:s5+$0xFFFFFFC0] =	vst v2;
	v2 =	vadd.f32 v5, v4;
	v4 =	vld [tilespmem:s5+$0xFFFFFFD0]  }
0x51: {  	v5 =	vld [tilespmem:s8+$0xFFFFFFD0];
	v1 =	vadd.f32 v1, v6  }
0x52: {  	[tilespmem:s5+$0x0] =	vst v2;
	v2 =	vld [tilespmem:s5+$0x10]  }
0x53: {  	v6 =	vld [tilespmem:s8+$0x10];
	[tilespmem:s5+$0xFFFFFF80] =	vst v1;
	v0 =	vadd.f32 v3, v0  }
0x54: {  	v1 =	vld [tilespmem:s8+$0xFFFFFF90]  }
0x55: {  	[tilespmem:s5+$0x50] =	vst v0;
	v0 =	vld [tilespmem:s5+$0x60]  }
0x56: {  	v3 =	vadd.f32 v5, v4;
	v4 =	vld [tilespmem:s8+$0x60]  }
0x57: {  	v5 =	vld [tilespmem:s5+$0xFFFFFFA0]  }
0x58: {  	[tilespmem:s5+$0xFFFFFFD0] =	vst v3;
	v2 =	vadd.f32 v6, v2;
	v3 =	vld [tilespmem:s5+$0xFFFFFFE0]  }
0x59: {  	v6 =	vld [tilespmem:s8+$0xFFFFFFE0];
	v1 =	vadd.f32 v1, v7  }
0x5a: {  	[tilespmem:s5+$0x10] =	vst v2;
	v2 =	vld [tilespmem:s5+$0x20]  }
0x5b: {  	v7 =	vld [tilespmem:s8+$0x20];
	[tilespmem:s5+$0xFFFFFF90] =	vst v1;
	v0 =	vadd.f32 v4, v0  }
0x5c: {  	v4 =	vld [tilespmem:s8+$0xFFFFFFA0]  }
0x5d: {  	v8 =	vld [tilespmem:s5+$0x70];
	[tilespmem:s5+$0x60] =	vst v0  }
0x5e: {  	v1 =	vadd.f32 v6, v3;
	v6 =	vld [tilespmem:s8+$0x70]  }
0x5f: {  	v0 =	vld [tilespmem:s5+$0xFFFFFFB0]  }
0x60: {  	[tilespmem:s5+$0xFFFFFFE0] =	vst v1;
	v2 =	vadd.f32 v7, v2;
	v1 =	vld [tilespmem:s5+$0xFFFFFFF0]  }
0x61: {  	v3 =	vld [tilespmem:s8+$0xFFFFFFF0];
	v4 =	vadd.f32 v4, v5  }
0x62: {  	[tilespmem:s5+$0x20] =	vst v2;
	v2 =	vld [tilespmem:s5+$0x30]  }
0x63: {  	[tilespmem:s5+$0xFFFFFFA0] =	vst v4;
	v4 =	vld [tilespmem:s8+$0x30];
	v6 =	vadd.f32 v6, v8  }
0x64: {  	s9 =	simm.s32 $0x0;
	s10 =	simm.s32 $0x4C0;
	v5 =	vld [tilespmem:s8+$0xFFFFFFB0]  }
.LBB2_2:
0x65: {  	v7 =	vld [tilespmem:s10+$0x40];
	[tilespmem:s5+$0x70] =	vst v6;
	s8 =	sadd.s32 $0x100, s8  }
0x66: {  	s9 =	sadd.s32 $0x4, s9;
	v6 =	vld [tilespmem:s8+$0x40];
	v1 =	vadd.f32 v3, v1  }
0x67: {  	p0 =	slt.u32 s9, $0x60;
	v3 =	vld [tilespmem:s8+$0xFFFFFF80]  }
0x68: {  	v8 =	vld [tilespmem:s10+$0xFFFFFFC0];
	[tilespmem:s5+$0xFFFFFFF0] =	vst v1;
	v1 =	vadd.f32 v4, v2  }
0x69: {  	v2 =	vld [tilespmem:s8+$0xFFFFFFC0];
	v0 =	vadd.f32 v5, v0  }
0x6a: {  	v4 =	vld [tilespmem:s10+$0x0];
	[tilespmem:s5+$0x30] =	vst v1  }
0x6b: {  	v1 =	vld [tilespmem:s8+$0x0];
	v5 =	vadd.f32 v6, v7;
	[tilespmem:s5+$0xFFFFFFB0] =	vst v0;
	s5 =	smov.u32 s10  }
0x6c: {  	v0 =	vld [tilespmem:s10+$0xFFFFFF80]  }
0x6d: {  	[tilespmem:s10+$0x40] =	vst v5;
	v5 =	vld [tilespmem:s10+$0x50]  }
0x6e: {  	v2 =	vadd.f32 v2, v8;
	v6 =	vld [tilespmem:s8+$0x50]  }
0x6f: {  	v7 =	vld [tilespmem:s10+$0xFFFFFF90]  }
0x70: {  	[tilespmem:s10+$0xFFFFFFC0] =	vst v2;
	v2 =	vld [tilespmem:s10+$0xFFFFFFD0];
	v1 =	vadd.f32 v1, v4  }
0x71: {  	v0 =	vadd.f32 v3, v0;
	v3 =	vld [tilespmem:s8+$0xFFFFFFD0]  }
0x72: {  	[tilespmem:s10+$0x0] =	vst v1;
	v1 =	vld [tilespmem:s10+$0x10]  }
0x73: {  	[tilespmem:s10+$0xFFFFFF80] =	vst v0;
	v0 =	vld [tilespmem:s8+$0x10];
	v4 =	vadd.f32 v6, v5  }
0x74: {  	v5 =	vld [tilespmem:s8+$0xFFFFFF90]  }
0x75: {  	[tilespmem:s10+$0x50] =	vst v4;
	v4 =	vld [tilespmem:s10+$0x60]  }
0x76: {  	v2 =	vadd.f32 v3, v2;
	v3 =	vld [tilespmem:s8+$0x60]  }
0x77: {  	v6 =	vld [tilespmem:s10+$0xFFFFFFA0]  }
0x78: {  	[tilespmem:s10+$0xFFFFFFD0] =	vst v2;
	v2 =	vld [tilespmem:s10+$0xFFFFFFE0];
	v0 =	vadd.f32 v0, v1  }
0x79: {  	v1 =	vadd.f32 v5, v7;
	v5 =	vld [tilespmem:s8+$0xFFFFFFE0]  }
0x7a: {  	[tilespmem:s10+$0x10] =	vst v0;
	v7 =	vld [tilespmem:s10+$0x20]  }
0x7b: {  	[tilespmem:s10+$0xFFFFFF90] =	vst v1;
	v8 =	vld [tilespmem:s8+$0x20];
	v0 =	vadd.f32 v3, v4  }
0x7c: {  	v3 =	vld [tilespmem:s8+$0xFFFFFFA0]  }
0x7d: {  	[tilespmem:s10+$0x60] =	vst v0;
	v9 =	vld [tilespmem:s10+$0x70]  }
0x7e: {  	v1 =	vadd.f32 v5, v2;
	v5 =	vld [tilespmem:s8+$0x70]  }
0x7f: {  	v0 =	vld [tilespmem:s10+$0xFFFFFFB0]  }
.Ltmp0:
0x80: {  	[tilespmem:s10+$0xFFFFFFE0] =	vst v1;
	v1 =	vld [tilespmem:s10+$0xFFFFFFF0];
	v2 =	vadd.f32 v8, v7;
	(pc) =	sbr.rel @p0 .LBB2_2-.Ltmp0, $4  }
0x81: {  	v4 =	vadd.f32 v3, v6;
	v3 =	vld [tilespmem:s8+$0xFFFFFFF0]  }
0x82: {  	[tilespmem:s10+$0x20] =	vst v2;
	v2 =	vld [tilespmem:s10+$0x30]  }
0x83: {  	[tilespmem:s10+$0xFFFFFFA0] =	vst v4;
	v4 =	vld [tilespmem:s8+$0x30];
	v6 =	vadd.f32 v5, v9  }
0x84: {  	s10 =	sadd.s32 $0x100, s10;
	v5 =	vld [tilespmem:s8+$0xFFFFFFB0]  }
0x85: {  	_ =	sdelay $0x1  }
0x86: {  	v1 =	vadd.f32 v3, v1  }
0x87: {  	[tilespmem:s5+$0x70] =	vst v6;
	v2 =	vadd.f32 v4, v2  }
0x88: {  	[tilespmem:s5+$0xFFFFFFF0] =	vst v1;
	v0 =	vadd.f32 v5, v0  }
0x89: {  	[tilespmem:s5+$0x30] =	vst v2  }
0x8a: {  	[tilespmem:s5+$0xFFFFFFB0] =	vst v0  }
0x8b: {  	s5 =	rddreg [dreg:$0xa]  }
0x8c: {  	[hbm4b:s5+s19] =	stream.strided.scatter [tilespmem:s13], [sflag:$0xD], $0x1900, s20, s19, $0x38;
	[tilespmem:$0x9940] =	vst v63  }
0x8d: {  	_ =	swait.ge [sflag:s21], $0x68  }
0x8e: {  	[sflag:s21] =	ssyncset.done $0x0  }
0x8f: {  	s23 =	simm.s32 $0xD0;
	[sflag:s21] =	ssyncadd.s32 $0xFFFFFF98  }
0x90: {  	[tilespmem:s22], [sflag:$0xB] =	stream.indirect.gather [hbm4b:s4+s12], $0x40, s23, s12, $0xb8;
	[tilespmem:$0x9940] =	vst v63  }
0x91: {  	s8 =	simm.s32 $0x270;
	s31 =	rddreg [dreg:$0xb]  }
0x92: {  	[tilespmem:s8], [sflag:$0x7] =	stream.linear.gather [hbm4b:s31+s2], $0x68, $0x38;
	[tilespmem:$0x9940] =	vst v63  }
0x93: {  	_ =	swait.ge [sflag:s28], $0x1900  }
0x94: {  	[sflag:s28] =	ssyncset.done $0x0  }
0x95: {  	s5 =	simm.s32 $0x1CC0;
	[sflag:s28] =	ssyncadd.s32 $0xFFFFE700  }
0x96: {  	s8 =	simm.s32 $0x8130;
	v0 =	vld [tilespmem:s5+$0x40]  }
0x97: {  	v1 =	vld [tilespmem:s8+$0xFFFFFFD0]  }
0x98: {  	v2 =	vld [tilespmem:s5+$0xFFFFFFC0]  }
0x99: {  	v3 =	vld [tilespmem:s8+$0xFFFFFF50]  }
0x9a: {  	v4 =	vld [tilespmem:s5+$0x0]  }
0x9b: {  	v5 =	vld [tilespmem:s8+$0xFFFFFF90]  }
0x9c: {  	v6 =	vld [tilespmem:s5+$0xFFFFFF80];
	v0 =	vadd.f32 v1, v0  }
0x9d: {  	v1 =	vld [tilespmem:s8+$0xFFFFFF10]  }
0x9e: {  	[tilespmem:s5+$0x40] =	vst v0;
	v0 =	vld [tilespmem:s5+$0x50]  }
0x9f: {  	v2 =	vadd.f32 v3, v2;
	v3 =	vld [tilespmem:s8+$0xFFFFFFE0]  }
0xa0: {  	v7 =	vld [tilespmem:s5+$0xFFFFFF90]  }
0xa1: {  	[tilespmem:s5+$0xFFFFFFC0] =	vst v2;
	v2 =	vadd.f32 v5, v4;
	v4 =	vld [tilespmem:s5+$0xFFFFFFD0]  }
0xa2: {  	v5 =	vld [tilespmem:s8+$0xFFFFFF60];
	v1 =	vadd.f32 v1, v6  }
0xa3: {  	[tilespmem:s5+$0x0] =	vst v2;
	v2 =	vld [tilespmem:s5+$0x10]  }
0xa4: {  	v6 =	vld [tilespmem:s8+$0xFFFFFFA0];
	[tilespmem:s5+$0xFFFFFF80] =	vst v1;
	v0 =	vadd.f32 v3, v0  }
0xa5: {  	v1 =	vld [tilespmem:s8+$0xFFFFFF20]  }
0xa6: {  	[tilespmem:s5+$0x50] =	vst v0;
	v0 =	vld [tilespmem:s5+$0x60]  }
0xa7: {  	v3 =	vadd.f32 v5, v4;
	v4 =	vld [tilespmem:s8+$0xFFFFFFF0]  }
0xa8: {  	v5 =	vld [tilespmem:s5+$0xFFFFFFA0]  }
0xa9: {  	[tilespmem:s5+$0xFFFFFFD0] =	vst v3;
	v2 =	vadd.f32 v6, v2;
	v3 =	vld [tilespmem:s5+$0xFFFFFFE0]  }
0xaa: {  	v6 =	vld [tilespmem:s8+$0xFFFFFF70];
	v1 =	vadd.f32 v1, v7  }
0xab: {  	[tilespmem:s5+$0x10] =	vst v2;
	v2 =	vld [tilespmem:s5+$0x20]  }
0xac: {  	v7 =	vld [tilespmem:s8+$0xFFFFFFB0];
	[tilespmem:s5+$0xFFFFFF90] =	vst v1;
	v0 =	vadd.f32 v4, v0  }
0xad: {  	v4 =	vld [tilespmem:s8+$0xFFFFFF30]  }
0xae: {  	v8 =	vld [tilespmem:s5+$0x70];
	[tilespmem:s5+$0x60] =	vst v0  }
0xaf: {  	v1 =	vadd.f32 v6, v3;
	v6 =	vld [tilespmem:s8+$0x0]  }
0xb0: {  	v0 =	vld [tilespmem:s5+$0xFFFFFFB0]  }
0xb1: {  	[tilespmem:s5+$0xFFFFFFE0] =	vst v1;
	v2 =	vadd.f32 v7, v2;
	v1 =	vld [tilespmem:s5+$0xFFFFFFF0]  }
0xb2: {  	v3 =	vld [tilespmem:s8+$0xFFFFFF80];
	v4 =	vadd.f32 v4, v5  }
0xb3: {  	[tilespmem:s5+$0x20] =	vst v2;
	v2 =	vld [tilespmem:s5+$0x30]  }
0xb4: {  	[tilespmem:s5+$0xFFFFFFA0] =	vst v4;
	v4 =	vld [tilespmem:s8+$0xFFFFFFC0];
	v6 =	vadd.f32 v6, v8  }
0xb5: {  	s9 =	simm.s32 $0x0;
	s10 =	simm.s32 $0x1DC0;
	v5 =	vld [tilespmem:s8+$0xFFFFFF40]  }
.LBB2_4:
0xb6: {  	v7 =	vld [tilespmem:s10+$0x40];
	[tilespmem:s5+$0x70] =	vst v6;
	s8 =	sadd.s32 $0x100, s8  }
0xb7: {  	s9 =	sadd.s32 $0x4, s9;
	v6 =	vld [tilespmem:s8+$0xFFFFFFD0];
	v1 =	vadd.f32 v3, v1  }
0xb8: {  	p0 =	slt.u32 s9, $0x60;
	v3 =	vld [tilespmem:s8+$0xFFFFFF10]  }
0xb9: {  	v8 =	vld [tilespmem:s10+$0xFFFFFFC0];
	[tilespmem:s5+$0xFFFFFFF0] =	vst v1;
	v1 =	vadd.f32 v4, v2  }
0xba: {  	v2 =	vld [tilespmem:s8+$0xFFFFFF50];
	v0 =	vadd.f32 v5, v0  }
0xbb: {  	v4 =	vld [tilespmem:s10+$0x0];
	[tilespmem:s5+$0x30] =	vst v1  }
0xbc: {  	v1 =	vld [tilespmem:s8+$0xFFFFFF90];
	v5 =	vadd.f32 v6, v7;
	[tilespmem:s5+$0xFFFFFFB0] =	vst v0;
	s5 =	smov.u32 s10  }
0xbd: {  	v0 =	vld [tilespmem:s10+$0xFFFFFF80]  }
0xbe: {  	[tilespmem:s10+$0x40] =	vst v5;
	v5 =	vld [tilespmem:s10+$0x50]  }
0xbf: {  	v2 =	vadd.f32 v2, v8;
	v6 =	vld [tilespmem:s8+$0xFFFFFFE0]  }
0xc0: {  	v7 =	vld [tilespmem:s10+$0xFFFFFF90]  }
0xc1: {  	[tilespmem:s10+$0xFFFFFFC0] =	vst v2;
	v2 =	vld [tilespmem:s10+$0xFFFFFFD0];
	v1 =	vadd.f32 v1, v4  }
0xc2: {  	v0 =	vadd.f32 v3, v0;
	v3 =	vld [tilespmem:s8+$0xFFFFFF60]  }
0xc3: {  	[tilespmem:s10+$0x0] =	vst v1;
	v1 =	vld [tilespmem:s10+$0x10]  }
0xc4: {  	[tilespmem:s10+$0xFFFFFF80] =	vst v0;
	v0 =	vld [tilespmem:s8+$0xFFFFFFA0];
	v4 =	vadd.f32 v6, v5  }
0xc5: {  	v5 =	vld [tilespmem:s8+$0xFFFFFF20]  }
0xc6: {  	[tilespmem:s10+$0x50] =	vst v4;
	v4 =	vld [tilespmem:s10+$0x60]  }
0xc7: {  	v2 =	vadd.f32 v3, v2;
	v3 =	vld [tilespmem:s8+$0xFFFFFFF0]  }
0xc8: {  	v6 =	vld [tilespmem:s10+$0xFFFFFFA0]  }
0xc9: {  	[tilespmem:s10+$0xFFFFFFD0] =	vst v2;
	v2 =	vld [tilespmem:s10+$0xFFFFFFE0];
	v0 =	vadd.f32 v0, v1  }
0xca: {  	v1 =	vadd.f32 v5, v7;
	v5 =	vld [tilespmem:s8+$0xFFFFFF70]  }
0xcb: {  	[tilespmem:s10+$0x10] =	vst v0;
	v7 =	vld [tilespmem:s10+$0x20]  }
0xcc: {  	[tilespmem:s10+$0xFFFFFF90] =	vst v1;
	v8 =	vld [tilespmem:s8+$0xFFFFFFB0];
	v0 =	vadd.f32 v3, v4  }
0xcd: {  	v3 =	vld [tilespmem:s8+$0xFFFFFF30]  }
0xce: {  	[tilespmem:s10+$0x60] =	vst v0;
	v9 =	vld [tilespmem:s10+$0x70]  }
0xcf: {  	v1 =	vadd.f32 v5, v2;
	v5 =	vld [tilespmem:s8+$0x0]  }
0xd0: {  	v0 =	vld [tilespmem:s10+$0xFFFFFFB0]  }
.Ltmp1:
0xd1: {  	[tilespmem:s10+$0xFFFFFFE0] =	vst v1;
	v1 =	vld [tilespmem:s10+$0xFFFFFFF0];
	v2 =	vadd.f32 v8, v7;
	(pc) =	sbr.rel @p0 .LBB2_4-.Ltmp1, $4  }
0xd2: {  	v4 =	vadd.f32 v3, v6;
	v3 =	vld [tilespmem:s8+$0xFFFFFF80]  }
0xd3: {  	[tilespmem:s10+$0x20] =	vst v2;
	v2 =	vld [tilespmem:s10+$0x30]  }
0xd4: {  	[tilespmem:s10+$0xFFFFFFA0] =	vst v4;
	v4 =	vld [tilespmem:s8+$0xFFFFFFC0];
	v6 =	vadd.f32 v5, v9  }
0xd5: {  	s10 =	sadd.s32 $0x100, s10;
	v5 =	vld [tilespmem:s8+$0xFFFFFF40]  }
0xd6: {  	_ =	sdelay $0x1  }
0xd7: {  	v1 =	vadd.f32 v3, v1  }
0xd8: {  	[tilespmem:s5+$0x70] =	vst v6;
	v2 =	vadd.f32 v4, v2  }
0xd9: {  	[tilespmem:s5+$0xFFFFFFF0] =	vst v1;
	v0 =	vadd.f32 v5, v0  }
0xda: {  	[tilespmem:s5+$0x30] =	vst v2  }
0xdb: {  	[tilespmem:s5+$0xFFFFFFB0] =	vst v0  }
0xdc: {  	s5 =	rddreg [dreg:$0xc]  }
0xdd: {  	[hbm4b:s5+s19] =	stream.strided.scatter [tilespmem:s16], [sflag:$0xE], $0x1900, s20, s19, $0x38;
	[tilespmem:$0x9940] =	vst v63  }
0xde: {  	_ =	swait.ge [sflag:s29], $0x68  }
0xdf: {  	[sflag:s29] =	ssyncset.done $0x0  }
0xe0: {  	[sflag:s29] =	ssyncadd.s32 $0xFFFFFF98  }
0xe1: {  	[tilespmem:s30], [sflag:$0xC] =	stream.indirect.gather [hbm4b:s4+s12], $0x40, s25, s12, $0xb8;
	[tilespmem:$0x9940] =	vst v63  }
0xe2: {  	s8 =	simm.s32 $0x2D8;
	s31 =	rddreg [dreg:$0x18]  }
0xe3: {  	[tilespmem:s8], [sflag:$0x8] =	stream.linear.gather [hbm4b:s31+s2], $0x68, $0x38;
	[tilespmem:$0x9940] =	vst v63  }
0xe4: {  	_ =	swait.ge [sflag:s0], $0x1900  }
0xe5: {  	[sflag:s0] =	ssyncset.done $0x0  }
0xe6: {  	s5 =	simm.s32 $0x35C0;
	[sflag:s0] =	ssyncadd.s32 $0xFFFFE700  }
0xe7: {  	s8 =	simm.s32 $0x67C0;
	v0 =	vld [tilespmem:s5+$0x40]  }
0xe8: {  	v1 =	vld [tilespmem:s8+$0x40]  }
0xe9: {  	v2 =	vld [tilespmem:s5+$0xFFFFFFC0]  }
0xea: {  	v3 =	vld [tilespmem:s8+$0xFFFFFFC0]  }
0xeb: {  	v4 =	vld [tilespmem:s5+$0x0]  }
0xec: {  	v5 =	vld [tilespmem:s8+$0x0]  }
0xed: {  	v6 =	vld [tilespmem:s5+$0xFFFFFF80];
	v0 =	vadd.f32 v1, v0  }
0xee: {  	v1 =	vld [tilespmem:s8+$0xFFFFFF80]  }
0xef: {  	[tilespmem:s5+$0x40] =	vst v0;
	v0 =	vld [tilespmem:s5+$0x50]  }
0xf0: {  	v2 =	vadd.f32 v3, v2;
	v3 =	vld [tilespmem:s8+$0x50]  }
0xf1: {  	v7 =	vld [tilespmem:s5+$0xFFFFFF90]  }
0xf2: {  	[tilespmem:s5+$0xFFFFFFC0] =	vst v2;
	v2 =	vadd.f32 v5, v4;
	v4 =	vld [tilespmem:s5+$0xFFFFFFD0]  }
0xf3: {  	v5 =	vld [tilespmem:s8+$0xFFFFFFD0];
	v1 =	vadd.f32 v1, v6  }
0xf4: {  	[tilespmem:s5+$0x0] =	vst v2;
	v2 =	vld [tilespmem:s5+$0x10]  }
0xf5: {  	v6 =	vld [tilespmem:s8+$0x10];
	[tilespmem:s5+$0xFFFFFF80] =	vst v1;
	v0 =	vadd.f32 v3, v0  }
0xf6: {  	v1 =	vld [tilespmem:s8+$0xFFFFFF90]  }
0xf7: {  	[tilespmem:s5+$0x50] =	vst v0;
	v0 =	vld [tilespmem:s5+$0x60]  }
0xf8: {  	v3 =	vadd.f32 v5, v4;
	v4 =	vld [tilespmem:s8+$0x60]  }
0xf9: {  	v5 =	vld [tilespmem:s5+$0xFFFFFFA0]  }
0xfa: {  	[tilespmem:s5+$0xFFFFFFD0] =	vst v3;
	v2 =	vadd.f32 v6, v2;
	v3 =	vld [tilespmem:s5+$0xFFFFFFE0]  }
0xfb: {  	v6 =	vld [tilespmem:s8+$0xFFFFFFE0];
	v1 =	vadd.f32 v1, v7  }
0xfc: {  	[tilespmem:s5+$0x10] =	vst v2;
	v2 =	vld [tilespmem:s5+$0x20]  }
0xfd: {  	v7 =	vld [tilespmem:s8+$0x20];
	[tilespmem:s5+$0xFFFFFF90] =	vst v1;
	v0 =	vadd.f32 v4, v0  }
0xfe: {  	v4 =	vld [tilespmem:s8+$0xFFFFFFA0]  }
0xff: {  	v8 =	vld [tilespmem:s5+$0x70];
	[tilespmem:s5+$0x60] =	vst v0  }
0x100: {  	v1 =	vadd.f32 v6, v3;
	v6 =	vld [tilespmem:s8+$0x70]  }
0x101: {  	v0 =	vld [tilespmem:s5+$0xFFFFFFB0]  }
0x102: {  	[tilespmem:s5+$0xFFFFFFE0] =	vst v1;
	v2 =	vadd.f32 v7, v2;
	v1 =	vld [tilespmem:s5+$0xFFFFFFF0]  }
0x103: {  	v3 =	vld [tilespmem:s8+$0xFFFFFFF0];
	v4 =	vadd.f32 v4, v5  }
0x104: {  	[tilespmem:s5+$0x20] =	vst v2;
	v2 =	vld [tilespmem:s5+$0x30]  }
0x105: {  	[tilespmem:s5+$0xFFFFFFA0] =	vst v4;
	v4 =	vld [tilespmem:s8+$0x30];
	v6 =	vadd.f32 v6, v8  }
0x106: {  	s9 =	simm.s32 $0x0;
	s10 =	simm.s32 $0x36C0;
	v5 =	vld [tilespmem:s8+$0xFFFFFFB0]  }
.LBB2_6:
0x107: {  	v7 =	vld [tilespmem:s10+$0x40];
	[tilespmem:s5+$0x70] =	vst v6;
	s8 =	sadd.s32 $0x100, s8  }
0x108: {  	s9 =	sadd.s32 $0x4, s9;
	v6 =	vld [tilespmem:s8+$0x40];
	v1 =	vadd.f32 v3, v1  }
0x109: {  	p0 =	slt.u32 s9, $0x60;
	v3 =	vld [tilespmem:s8+$0xFFFFFF80]  }
0x10a: {  	v8 =	vld [tilespmem:s10+$0xFFFFFFC0];
	[tilespmem:s5+$0xFFFFFFF0] =	vst v1;
	v1 =	vadd.f32 v4, v2  }
0x10b: {  	v2 =	vld [tilespmem:s8+$0xFFFFFFC0];
	v0 =	vadd.f32 v5, v0  }
0x10c: {  	v4 =	vld [tilespmem:s10+$0x0];
	[tilespmem:s5+$0x30] =	vst v1  }
0x10d: {  	v1 =	vld [tilespmem:s8+$0x0];
	v5 =	vadd.f32 v6, v7;
	[tilespmem:s5+$0xFFFFFFB0] =	vst v0;
	s5 =	smov.u32 s10  }
0x10e: {  	v0 =	vld [tilespmem:s10+$0xFFFFFF80]  }
0x10f: {  	[tilespmem:s10+$0x40] =	vst v5;
	v5 =	vld [tilespmem:s10+$0x50]  }
0x110: {  	v2 =	vadd.f32 v2, v8;
	v6 =	vld [tilespmem:s8+$0x50]  }
0x111: {  	v7 =	vld [tilespmem:s10+$0xFFFFFF90]  }
0x112: {  	[tilespmem:s10+$0xFFFFFFC0] =	vst v2;
	v2 =	vld [tilespmem:s10+$0xFFFFFFD0];
	v1 =	vadd.f32 v1, v4  }
0x113: {  	v0 =	vadd.f32 v3, v0;
	v3 =	vld [tilespmem:s8+$0xFFFFFFD0]  }
0x114: {  	[tilespmem:s10+$0x0] =	vst v1;
	v1 =	vld [tilespmem:s10+$0x10]  }
0x115: {  	[tilespmem:s10+$0xFFFFFF80] =	vst v0;
	v0 =	vld [tilespmem:s8+$0x10];
	v4 =	vadd.f32 v6, v5  }
0x116: {  	v5 =	vld [tilespmem:s8+$0xFFFFFF90]  }
0x117: {  	[tilespmem:s10+$0x50] =	vst v4;
	v4 =	vld [tilespmem:s10+$0x60]  }
0x118: {  	v2 =	vadd.f32 v3, v2;
	v3 =	vld [tilespmem:s8+$0x60]  }
0x119: {  	v6 =	vld [tilespmem:s10+$0xFFFFFFA0]  }
0x11a: {  	[tilespmem:s10+$0xFFFFFFD0] =	vst v2;
	v2 =	vld [tilespmem:s10+$0xFFFFFFE0];
	v0 =	vadd.f32 v0, v1  }
0x11b: {  	v1 =	vadd.f32 v5, v7;
	v5 =	vld [tilespmem:s8+$0xFFFFFFE0]  }
0x11c: {  	[tilespmem:s10+$0x10] =	vst v0;
	v7 =	vld [tilespmem:s10+$0x20]  }
0x11d: {  	[tilespmem:s10+$0xFFFFFF90] =	vst v1;
	v8 =	vld [tilespmem:s8+$0x20];
	v0 =	vadd.f32 v3, v4  }
0x11e: {  	v3 =	vld [tilespmem:s8+$0xFFFFFFA0]  }
0x11f: {  	[tilespmem:s10+$0x60] =	vst v0;
	v9 =	vld [tilespmem:s10+$0x70]  }
0x120: {  	v1 =	vadd.f32 v5, v2;
	v5 =	vld [tilespmem:s8+$0x70]  }
0x121: {  	v0 =	vld [tilespmem:s10+$0xFFFFFFB0]  }
.Ltmp2:
0x122: {  	[tilespmem:s10+$0xFFFFFFE0] =	vst v1;
	v1 =	vld [tilespmem:s10+$0xFFFFFFF0];
	v2 =	vadd.f32 v8, v7;
	(pc) =	sbr.rel @p0 .LBB2_6-.Ltmp2, $4  }
0x123: {  	v4 =	vadd.f32 v3, v6;
	v3 =	vld [tilespmem:s8+$0xFFFFFFF0]  }
0x124: {  	[tilespmem:s10+$0x20] =	vst v2;
	v2 =	vld [tilespmem:s10+$0x30]  }
0x125: {  	[tilespmem:s10+$0xFFFFFFA0] =	vst v4;
	v4 =	vld [tilespmem:s8+$0x30];
	v6 =	vadd.f32 v5, v9  }
0x126: {  	s10 =	sadd.s32 $0x100, s10;
	v5 =	vld [tilespmem:s8+$0xFFFFFFB0]  }
0x127: {  	_ =	sdelay $0x1  }
0x128: {  	v1 =	vadd.f32 v3, v1  }
0x129: {  	[tilespmem:s5+$0x70] =	vst v6;
	v2 =	vadd.f32 v4, v2  }
0x12a: {  	[tilespmem:s5+$0xFFFFFFF0] =	vst v1;
	v0 =	vadd.f32 v5, v0  }
0x12b: {  	[tilespmem:s5+$0x30] =	vst v2  }
0x12c: {  	[tilespmem:s5+$0xFFFFFFB0] =	vst v0  }
0x12d: {  	s17 =	simm.s32 $0x5;
	s5 =	rddreg [dreg:$0xd]  }
0x12e: {  	[hbm4b:s5+s19] =	stream.strided.scatter [tilespmem:s22], [sflag:$0xF], $0x1900, s20, s19, $0x38;
	[tilespmem:$0x9940] =	vst v63  }
0x12f: {  	_ =	swait.ge [sflag:s17], $0x68  }
0x130: {  	[sflag:s17] =	ssyncset.done $0x0  }
0x131: {  	[sflag:s17] =	ssyncadd.s32 $0xFFFFFF98  }
0x132: {  	_ =	swait.ge [sflag:s3], $0x1900  }
0x133: {  	[sflag:s3] =	ssyncset.done $0x0  }
0x134: {  	s23 =	simm.s32 $0x1A0;
	[sflag:s3] =	ssyncadd.s32 $0xFFFFE700  }
0x135: {  	[tilespmem:s13], [sflag:$0x9] =	stream.indirect.gather [hbm4b:s4+s12], $0x40, s23, s12, $0xb8;
	[tilespmem:$0x9940] =	vst v63  }
0x136: {  	s31 =	rddreg [dreg:$0x19]  }
0x137: {  	[tilespmem:s2], [sflag:$0x1] =	stream.linear.gather [hbm4b:s31+s2], $0x68, $0x38;
	[tilespmem:$0x9940] =	vst v63  }
0x138: {  	_ =	swait.ge [sflag:s7], $0x1900  }
0x139: {  	[sflag:s7] =	ssyncset.done $0x0  }
0x13a: {  	s5 =	simm.s32 $0x4EC0;
	[sflag:s7] =	ssyncadd.s32 $0xFFFFE700  }
0x13b: {  	s8 =	simm.s32 $0x8130;
	v0 =	vld [tilespmem:s5+$0x40]  }
0x13c: {  	v1 =	vld [tilespmem:s8+$0xFFFFFFD0]  }
0x13d: {  	v2 =	vld [tilespmem:s5+$0xFFFFFFC0]  }
0x13e: {  	v3 =	vld [tilespmem:s8+$0xFFFFFF50]  }
0x13f: {  	v4 =	vld [tilespmem:s5+$0x0]  }
0x140: {  	v5 =	vld [tilespmem:s8+$0xFFFFFF90]  }
0x141: {  	v6 =	vld [tilespmem:s5+$0xFFFFFF80];
	v0 =	vadd.f32 v1, v0  }
0x142: {  	v1 =	vld [tilespmem:s8+$0xFFFFFF10]  }
0x143: {  	[tilespmem:s5+$0x40] =	vst v0;
	v0 =	vld [tilespmem:s5+$0x50]  }
0x144: {  	v2 =	vadd.f32 v3, v2;
	v3 =	vld [tilespmem:s8+$0xFFFFFFE0]  }
0x145: {  	v7 =	vld [tilespmem:s5+$0xFFFFFF90]  }
0x146: {  	[tilespmem:s5+$0xFFFFFFC0] =	vst v2;
	v2 =	vadd.f32 v5, v4;
	v4 =	vld [tilespmem:s5+$0xFFFFFFD0]  }
0x147: {  	v5 =	vld [tilespmem:s8+$0xFFFFFF60];
	v1 =	vadd.f32 v1, v6  }
0x148: {  	[tilespmem:s5+$0x0] =	vst v2;
	v2 =	vld [tilespmem:s5+$0x10]  }
0x149: {  	v6 =	vld [tilespmem:s8+$0xFFFFFFA0];
	[tilespmem:s5+$0xFFFFFF80] =	vst v1;
	v0 =	vadd.f32 v3, v0  }
0x14a: {  	v1 =	vld [tilespmem:s8+$0xFFFFFF20]  }
0x14b: {  	[tilespmem:s5+$0x50] =	vst v0;
	v0 =	vld [tilespmem:s5+$0x60]  }
0x14c: {  	v3 =	vadd.f32 v5, v4;
	v4 =	vld [tilespmem:s8+$0xFFFFFFF0]  }
0x14d: {  	v5 =	vld [tilespmem:s5+$0xFFFFFFA0]  }
0x14e: {  	[tilespmem:s5+$0xFFFFFFD0] =	vst v3;
	v2 =	vadd.f32 v6, v2;
	v3 =	vld [tilespmem:s5+$0xFFFFFFE0]  }
0x14f: {  	v6 =	vld [tilespmem:s8+$0xFFFFFF70];
	v1 =	vadd.f32 v1, v7  }
0x150: {  	[tilespmem:s5+$0x10] =	vst v2;
	v2 =	vld [tilespmem:s5+$0x20]  }
0x151: {  	v7 =	vld [tilespmem:s8+$0xFFFFFFB0];
	[tilespmem:s5+$0xFFFFFF90] =	vst v1;
	v0 =	vadd.f32 v4, v0  }
0x152: {  	v4 =	vld [tilespmem:s8+$0xFFFFFF30]  }
0x153: {  	v8 =	vld [tilespmem:s5+$0x70];
	[tilespmem:s5+$0x60] =	vst v0  }
0x154: {  	v1 =	vadd.f32 v6, v3;
	v6 =	vld [tilespmem:s8+$0x0]  }
0x155: {  	v0 =	vld [tilespmem:s5+$0xFFFFFFB0]  }
0x156: {  	[tilespmem:s5+$0xFFFFFFE0] =	vst v1;
	v2 =	vadd.f32 v7, v2;
	v1 =	vld [tilespmem:s5+$0xFFFFFFF0]  }
0x157: {  	v3 =	vld [tilespmem:s8+$0xFFFFFF80];
	v4 =	vadd.f32 v4, v5  }
0x158: {  	[tilespmem:s5+$0x20] =	vst v2;
	v2 =	vld [tilespmem:s5+$0x30]  }
0x159: {  	[tilespmem:s5+$0xFFFFFFA0] =	vst v4;
	v4 =	vld [tilespmem:s8+$0xFFFFFFC0];
	v6 =	vadd.f32 v6, v8  }
0x15a: {  	s9 =	simm.s32 $0x0;
	s10 =	simm.s32 $0x4FC0;
	v5 =	vld [tilespmem:s8+$0xFFFFFF40]  }
.LBB2_8:
0x15b: {  	v7 =	vld [tilespmem:s10+$0x40];
	[tilespmem:s5+$0x70] =	vst v6;
	s8 =	sadd.s32 $0x100, s8  }
0x15c: {  	s9 =	sadd.s32 $0x4, s9;
	v6 =	vld [tilespmem:s8+$0xFFFFFFD0];
	v1 =	vadd.f32 v3, v1  }
0x15d: {  	p0 =	slt.u32 s9, $0x60;
	v3 =	vld [tilespmem:s8+$0xFFFFFF10]  }
0x15e: {  	v8 =	vld [tilespmem:s10+$0xFFFFFFC0];
	[tilespmem:s5+$0xFFFFFFF0] =	vst v1;
	v1 =	vadd.f32 v4, v2  }
0x15f: {  	v2 =	vld [tilespmem:s8+$0xFFFFFF50];
	v0 =	vadd.f32 v5, v0  }
0x160: {  	v4 =	vld [tilespmem:s10+$0x0];
	[tilespmem:s5+$0x30] =	vst v1  }
0x161: {  	v1 =	vld [tilespmem:s8+$0xFFFFFF90];
	v5 =	vadd.f32 v6, v7;
	[tilespmem:s5+$0xFFFFFFB0] =	vst v0;
	s5 =	smov.u32 s10  }
0x162: {  	v0 =	vld [tilespmem:s10+$0xFFFFFF80]  }
0x163: {  	[tilespmem:s10+$0x40] =	vst v5;
	v5 =	vld [tilespmem:s10+$0x50]  }
0x164: {  	v2 =	vadd.f32 v2, v8;
	v6 =	vld [tilespmem:s8+$0xFFFFFFE0]  }
0x165: {  	v7 =	vld [tilespmem:s10+$0xFFFFFF90]  }
0x166: {  	[tilespmem:s10+$0xFFFFFFC0] =	vst v2;
	v2 =	vld [tilespmem:s10+$0xFFFFFFD0];
	v1 =	vadd.f32 v1, v4  }
0x167: {  	v0 =	vadd.f32 v3, v0;
	v3 =	vld [tilespmem:s8+$0xFFFFFF60]  }
0x168: {  	[tilespmem:s10+$0x0] =	vst v1;
	v1 =	vld [tilespmem:s10+$0x10]  }
0x169: {  	[tilespmem:s10+$0xFFFFFF80] =	vst v0;
	v0 =	vld [tilespmem:s8+$0xFFFFFFA0];
	v4 =	vadd.f32 v6, v5  }
0x16a: {  	v5 =	vld [tilespmem:s8+$0xFFFFFF20]  }
0x16b: {  	[tilespmem:s10+$0x50] =	vst v4;
	v4 =	vld [tilespmem:s10+$0x60]  }
0x16c: {  	v2 =	vadd.f32 v3, v2;
	v3 =	vld [tilespmem:s8+$0xFFFFFFF0]  }
0x16d: {  	v6 =	vld [tilespmem:s10+$0xFFFFFFA0]  }
0x16e: {  	[tilespmem:s10+$0xFFFFFFD0] =	vst v2;
	v2 =	vld [tilespmem:s10+$0xFFFFFFE0];
	v0 =	vadd.f32 v0, v1  }
0x16f: {  	v1 =	vadd.f32 v5, v7;
	v5 =	vld [tilespmem:s8+$0xFFFFFF70]  }
0x170: {  	[tilespmem:s10+$0x10] =	vst v0;
	v7 =	vld [tilespmem:s10+$0x20]  }
0x171: {  	[tilespmem:s10+$0xFFFFFF90] =	vst v1;
	v8 =	vld [tilespmem:s8+$0xFFFFFFB0];
	v0 =	vadd.f32 v3, v4  }
0x172: {  	v3 =	vld [tilespmem:s8+$0xFFFFFF30]  }
0x173: {  	[tilespmem:s10+$0x60] =	vst v0;
	v9 =	vld [tilespmem:s10+$0x70]  }
0x174: {  	v1 =	vadd.f32 v5, v2;
	v5 =	vld [tilespmem:s8+$0x0]  }
0x175: {  	v0 =	vld [tilespmem:s10+$0xFFFFFFB0]  }
.Ltmp3:
0x176: {  	[tilespmem:s10+$0xFFFFFFE0] =	vst v1;
	v1 =	vld [tilespmem:s10+$0xFFFFFFF0];
	v2 =	vadd.f32 v8, v7;
	(pc) =	sbr.rel @p0 .LBB2_8-.Ltmp3, $4  }
0x177: {  	v4 =	vadd.f32 v3, v6;
	v3 =	vld [tilespmem:s8+$0xFFFFFF80]  }
0x178: {  	[tilespmem:s10+$0x20] =	vst v2;
	v2 =	vld [tilespmem:s10+$0x30]  }
0x179: {  	[tilespmem:s10+$0xFFFFFFA0] =	vst v4;
	v4 =	vld [tilespmem:s8+$0xFFFFFFC0];
	v6 =	vadd.f32 v5, v9  }
0x17a: {  	s10 =	sadd.s32 $0x100, s10;
	v5 =	vld [tilespmem:s8+$0xFFFFFF40]  }
0x17b: {  	_ =	sdelay $0x1  }
0x17c: {  	v1 =	vadd.f32 v3, v1  }
0x17d: {  	[tilespmem:s5+$0x70] =	vst v6;
	v2 =	vadd.f32 v4, v2  }
0x17e: {  	[tilespmem:s5+$0xFFFFFFF0] =	vst v1;
	v0 =	vadd.f32 v5, v0  }
0x17f: {  	[tilespmem:s5+$0x30] =	vst v2  }
0x180: {  	[tilespmem:s5+$0xFFFFFFB0] =	vst v0  }
0x181: {  	s17 =	simm.s32 $0x6;
	s5 =	rddreg [dreg:$0xe]  }
0x182: {  	[hbm4b:s5+s19] =	stream.strided.scatter [tilespmem:s30], [sflag:$0x10], $0x1900, s20, s19, $0x38;
	[tilespmem:$0x9940] =	vst v63  }
0x183: {  	_ =	swait.ge [sflag:s17], $0x68  }
0x184: {  	[sflag:s17] =	ssyncset.done $0x0  }
0x185: {  	[sflag:s17] =	ssyncadd.s32 $0xFFFFFF98  }
0x186: {  	_ =	swait.ge [sflag:s24], $0x1900  }
0x187: {  	[sflag:s24] =	ssyncset.done $0x0  }
0x188: {  	s23 =	simm.s32 $0x208;
	[sflag:s24] =	ssyncadd.s32 $0xFFFFE700  }
0x189: {  	[tilespmem:s16], [sflag:$0xA] =	stream.indirect.gather [hbm4b:s4+s12], $0x40, s23, s12, $0xb8;
	[tilespmem:$0x9940] =	vst v63  }
0x18a: {  	s8 =	simm.s32 $0x68;
	s31 =	rddreg [dreg:$0x1a]  }
0x18b: {  	[tilespmem:s8], [sflag:$0x2] =	stream.linear.gather [hbm4b:s31+s2], $0x68, $0x38;
	[tilespmem:$0x9940] =	vst v63  }
0x18c: {  	_ =	swait.ge [sflag:s18], $0x1900  }
0x18d: {  	[sflag:s18] =	ssyncset.done $0x0  }
0x18e: {  	s5 =	simm.s32 $0x3C0;
	[sflag:s18] =	ssyncadd.s32 $0xFFFFE700  }
0x18f: {  	s8 =	simm.s32 $0x67C0;
	v0 =	vld [tilespmem:s5+$0x40]  }
0x190: {  	v1 =	vld [tilespmem:s8+$0x40]  }
0x191: {  	v2 =	vld [tilespmem:s5+$0xFFFFFFC0]  }
0x192: {  	v3 =	vld [tilespmem:s8+$0xFFFFFFC0]  }
0x193: {  	v4 =	vld [tilespmem:s5+$0x0]  }
0x194: {  	v5 =	vld [tilespmem:s8+$0x0]  }
0x195: {  	v6 =	vld [tilespmem:s5+$0xFFFFFF80];
	v0 =	vadd.f32 v1, v0  }
0x196: {  	v1 =	vld [tilespmem:s8+$0xFFFFFF80]  }
0x197: {  	[tilespmem:s5+$0x40] =	vst v0;
	v0 =	vld [tilespmem:s5+$0x50]  }
0x198: {  	v2 =	vadd.f32 v3, v2;
	v3 =	vld [tilespmem:s8+$0x50]  }
0x199: {  	v7 =	vld [tilespmem:s5+$0xFFFFFF90]  }
0x19a: {  	[tilespmem:s5+$0xFFFFFFC0] =	vst v2;
	v2 =	vadd.f32 v5, v4;
	v4 =	vld [tilespmem:s5+$0xFFFFFFD0]  }
0x19b: {  	v5 =	vld [tilespmem:s8+$0xFFFFFFD0];
	v1 =	vadd.f32 v1, v6  }
0x19c: {  	[tilespmem:s5+$0x0] =	vst v2;
	v2 =	vld [tilespmem:s5+$0x10]  }
0x19d: {  	v6 =	vld [tilespmem:s8+$0x10];
	[tilespmem:s5+$0xFFFFFF80] =	vst v1;
	v0 =	vadd.f32 v3, v0  }
0x19e: {  	v1 =	vld [tilespmem:s8+$0xFFFFFF90]  }
0x19f: {  	[tilespmem:s5+$0x50] =	vst v0;
	v0 =	vld [tilespmem:s5+$0x60]  }
0x1a0: {  	v3 =	vadd.f32 v5, v4;
	v4 =	vld [tilespmem:s8+$0x60]  }
0x1a1: {  	v5 =	vld [tilespmem:s5+$0xFFFFFFA0]  }
0x1a2: {  	[tilespmem:s5+$0xFFFFFFD0] =	vst v3;
	v2 =	vadd.f32 v6, v2;
	v3 =	vld [tilespmem:s5+$0xFFFFFFE0]  }
0x1a3: {  	v6 =	vld [tilespmem:s8+$0xFFFFFFE0];
	v1 =	vadd.f32 v1, v7  }
0x1a4: {  	[tilespmem:s5+$0x10] =	vst v2;
	v2 =	vld [tilespmem:s5+$0x20]  }
0x1a5: {  	v7 =	vld [tilespmem:s8+$0x20];
	[tilespmem:s5+$0xFFFFFF90] =	vst v1;
	v0 =	vadd.f32 v4, v0  }
0x1a6: {  	v4 =	vld [tilespmem:s8+$0xFFFFFFA0]  }
0x1a7: {  	v8 =	vld [tilespmem:s5+$0x70];
	[tilespmem:s5+$0x60] =	vst v0  }
0x1a8: {  	v1 =	vadd.f32 v6, v3;
	v6 =	vld [tilespmem:s8+$0x70]  }
0x1a9: {  	v0 =	vld [tilespmem:s5+$0xFFFFFFB0]  }
0x1aa: {  	[tilespmem:s5+$0xFFFFFFE0] =	vst v1;
	v2 =	vadd.f32 v7, v2;
	v1 =	vld [tilespmem:s5+$0xFFFFFFF0]  }
0x1ab: {  	v3 =	vld [tilespmem:s8+$0xFFFFFFF0];
	v4 =	vadd.f32 v4, v5  }
0x1ac: {  	[tilespmem:s5+$0x20] =	vst v2;
	v2 =	vld [tilespmem:s5+$0x30]  }
0x1ad: {  	[tilespmem:s5+$0xFFFFFFA0] =	vst v4;
	v4 =	vld [tilespmem:s8+$0x30];
	v6 =	vadd.f32 v6, v8  }
0x1ae: {  	s9 =	simm.s32 $0x0;
	s10 =	simm.s32 $0x4C0;
	v5 =	vld [tilespmem:s8+$0xFFFFFFB0]  }
.LBB2_10:
0x1af: {  	v7 =	vld [tilespmem:s10+$0x40];
	[tilespmem:s5+$0x70] =	vst v6;
	s8 =	sadd.s32 $0x100, s8  }
0x1b0: {  	s9 =	sadd.s32 $0x4, s9;
	v6 =	vld [tilespmem:s8+$0x40];
	v1 =	vadd.f32 v3, v1  }
0x1b1: {  	p0 =	slt.u32 s9, $0x60;
	v3 =	vld [tilespmem:s8+$0xFFFFFF80]  }
0x1b2: {  	v8 =	vld [tilespmem:s10+$0xFFFFFFC0];
	[tilespmem:s5+$0xFFFFFFF0] =	vst v1;
	v1 =	vadd.f32 v4, v2  }
0x1b3: {  	v2 =	vld [tilespmem:s8+$0xFFFFFFC0];
	v0 =	vadd.f32 v5, v0  }
0x1b4: {  	v4 =	vld [tilespmem:s10+$0x0];
	[tilespmem:s5+$0x30] =	vst v1  }
0x1b5: {  	v1 =	vld [tilespmem:s8+$0x0];
	v5 =	vadd.f32 v6, v7;
	[tilespmem:s5+$0xFFFFFFB0] =	vst v0;
	s5 =	smov.u32 s10  }
0x1b6: {  	v0 =	vld [tilespmem:s10+$0xFFFFFF80]  }
0x1b7: {  	[tilespmem:s10+$0x40] =	vst v5;
	v5 =	vld [tilespmem:s10+$0x50]  }
0x1b8: {  	v2 =	vadd.f32 v2, v8;
	v6 =	vld [tilespmem:s8+$0x50]  }
0x1b9: {  	v7 =	vld [tilespmem:s10+$0xFFFFFF90]  }
0x1ba: {  	[tilespmem:s10+$0xFFFFFFC0] =	vst v2;
	v2 =	vld [tilespmem:s10+$0xFFFFFFD0];
	v1 =	vadd.f32 v1, v4  }
0x1bb: {  	v0 =	vadd.f32 v3, v0;
	v3 =	vld [tilespmem:s8+$0xFFFFFFD0]  }
0x1bc: {  	[tilespmem:s10+$0x0] =	vst v1;
	v1 =	vld [tilespmem:s10+$0x10]  }
0x1bd: {  	[tilespmem:s10+$0xFFFFFF80] =	vst v0;
	v0 =	vld [tilespmem:s8+$0x10];
	v4 =	vadd.f32 v6, v5  }
0x1be: {  	v5 =	vld [tilespmem:s8+$0xFFFFFF90]  }
0x1bf: {  	[tilespmem:s10+$0x50] =	vst v4;
	v4 =	vld [tilespmem:s10+$0x60]  }
0x1c0: {  	v2 =	vadd.f32 v3, v2;
	v3 =	vld [tilespmem:s8+$0x60]  }
0x1c1: {  	v6 =	vld [tilespmem:s10+$0xFFFFFFA0]  }
0x1c2: {  	[tilespmem:s10+$0xFFFFFFD0] =	vst v2;
	v2 =	vld [tilespmem:s10+$0xFFFFFFE0];
	v0 =	vadd.f32 v0, v1  }
0x1c3: {  	v1 =	vadd.f32 v5, v7;
	v5 =	vld [tilespmem:s8+$0xFFFFFFE0]  }
0x1c4: {  	[tilespmem:s10+$0x10] =	vst v0;
	v7 =	vld [tilespmem:s10+$0x20]  }
0x1c5: {  	[tilespmem:s10+$0xFFFFFF90] =	vst v1;
	v8 =	vld [tilespmem:s8+$0x20];
	v0 =	vadd.f32 v3, v4  }
0x1c6: {  	v3 =	vld [tilespmem:s8+$0xFFFFFFA0]  }
0x1c7: {  	[tilespmem:s10+$0x60] =	vst v0;
	v9 =	vld [tilespmem:s10+$0x70]  }
0x1c8: {  	v1 =	vadd.f32 v5, v2;
	v5 =	vld [tilespmem:s8+$0x70]  }
0x1c9: {  	v0 =	vld [tilespmem:s10+$0xFFFFFFB0]  }
.Ltmp4:
0x1ca: {  	[tilespmem:s10+$0xFFFFFFE0] =	vst v1;
	v1 =	vld [tilespmem:s10+$0xFFFFFFF0];
	v2 =	vadd.f32 v8, v7;
	(pc) =	sbr.rel @p0 .LBB2_10-.Ltmp4, $4  }
0x1cb: {  	v4 =	vadd.f32 v3, v6;
	v3 =	vld [tilespmem:s8+$0xFFFFFFF0]  }
0x1cc: {  	[tilespmem:s10+$0x20] =	vst v2;
	v2 =	vld [tilespmem:s10+$0x30]  }
0x1cd: {  	[tilespmem:s10+$0xFFFFFFA0] =	vst v4;
	v4 =	vld [tilespmem:s8+$0x30];
	v6 =	vadd.f32 v5, v9  }
0x1ce: {  	s10 =	sadd.s32 $0x100, s10;
	v5 =	vld [tilespmem:s8+$0xFFFFFFB0]  }
0x1cf: {  	_ =	sdelay $0x1  }
0x1d0: {  	v1 =	vadd.f32 v3, v1  }
0x1d1: {  	[tilespmem:s5+$0x70] =	vst v6;
	v2 =	vadd.f32 v4, v2  }
0x1d2: {  	[tilespmem:s5+$0xFFFFFFF0] =	vst v1;
	v0 =	vadd.f32 v5, v0  }
0x1d3: {  	[tilespmem:s5+$0x30] =	vst v2  }
0x1d4: {  	[tilespmem:s5+$0xFFFFFFB0] =	vst v0  }
0x1d5: {  	s17 =	simm.s32 $0x7;
	s5 =	rddreg [dreg:$0xf]  }
0x1d6: {  	[hbm4b:s5+s19] =	stream.strided.scatter [tilespmem:s13], [sflag:$0xD], $0x1900, s20, s19, $0x38;
	[tilespmem:$0x9940] =	vst v63  }
0x1d7: {  	_ =	swait.ge [sflag:s17], $0x68  }
0x1d8: {  	[sflag:s17] =	ssyncset.done $0x0  }
0x1d9: {  	[sflag:s17] =	ssyncadd.s32 $0xFFFFFF98  }
0x1da: {  	_ =	swait.ge [sflag:s14], $0x1900  }
0x1db: {  	[sflag:s14] =	ssyncset.done $0x0  }
0x1dc: {  	s23 =	simm.s32 $0x270;
	[sflag:s14] =	ssyncadd.s32 $0xFFFFE700  }
0x1dd: {  	[tilespmem:s22], [sflag:$0xB] =	stream.indirect.gather [hbm4b:s4+s12], $0x40, s23, s12, $0xb8;
	[tilespmem:$0x9940] =	vst v63  }
0x1de: {  	s8 =	simm.s32 $0xD0;
	s31 =	rddreg [dreg:$0x1b]  }
0x1df: {  	[tilespmem:s8], [sflag:$0x3] =	stream.linear.gather [hbm4b:s31+s2], $0x68, $0x38;
	[tilespmem:$0x9940] =	vst v63  }
0x1e0: {  	_ =	swait.ge [sflag:s28], $0x1900  }
0x1e1: {  	[sflag:s28] =	ssyncset.done $0x0  }
0x1e2: {  	s5 =	simm.s32 $0x1CC0;
	[sflag:s28] =	ssyncadd.s32 $0xFFFFE700  }
0x1e3: {  	s8 =	simm.s32 $0x8130;
	v0 =	vld [tilespmem:s5+$0x40]  }
0x1e4: {  	v1 =	vld [tilespmem:s8+$0xFFFFFFD0]  }
0x1e5: {  	v2 =	vld [tilespmem:s5+$0xFFFFFFC0]  }
0x1e6: {  	v3 =	vld [tilespmem:s8+$0xFFFFFF50]  }
0x1e7: {  	v4 =	vld [tilespmem:s5+$0x0]  }
0x1e8: {  	v5 =	vld [tilespmem:s8+$0xFFFFFF90]  }
0x1e9: {  	v6 =	vld [tilespmem:s5+$0xFFFFFF80];
	v0 =	vadd.f32 v1, v0  }
0x1ea: {  	v1 =	vld [tilespmem:s8+$0xFFFFFF10]  }
0x1eb: {  	[tilespmem:s5+$0x40] =	vst v0;
	v0 =	vld [tilespmem:s5+$0x50]  }
0x1ec: {  	v2 =	vadd.f32 v3, v2;
	v3 =	vld [tilespmem:s8+$0xFFFFFFE0]  }
0x1ed: {  	v7 =	vld [tilespmem:s5+$0xFFFFFF90]  }
0x1ee: {  	[tilespmem:s5+$0xFFFFFFC0] =	vst v2;
	v2 =	vadd.f32 v5, v4;
	v4 =	vld [tilespmem:s5+$0xFFFFFFD0]  }
0x1ef: {  	v5 =	vld [tilespmem:s8+$0xFFFFFF60];
	v1 =	vadd.f32 v1, v6  }
0x1f0: {  	[tilespmem:s5+$0x0] =	vst v2;
	v2 =	vld [tilespmem:s5+$0x10]  }
0x1f1: {  	v6 =	vld [tilespmem:s8+$0xFFFFFFA0];
	[tilespmem:s5+$0xFFFFFF80] =	vst v1;
	v0 =	vadd.f32 v3, v0  }
0x1f2: {  	v1 =	vld [tilespmem:s8+$0xFFFFFF20]  }
0x1f3: {  	[tilespmem:s5+$0x50] =	vst v0;
	v0 =	vld [tilespmem:s5+$0x60]  }
0x1f4: {  	v3 =	vadd.f32 v5, v4;
	v4 =	vld [tilespmem:s8+$0xFFFFFFF0]  }
0x1f5: {  	v5 =	vld [tilespmem:s5+$0xFFFFFFA0]  }
0x1f6: {  	[tilespmem:s5+$0xFFFFFFD0] =	vst v3;
	v2 =	vadd.f32 v6, v2;
	v3 =	vld [tilespmem:s5+$0xFFFFFFE0]  }
0x1f7: {  	v6 =	vld [tilespmem:s8+$0xFFFFFF70];
	v1 =	vadd.f32 v1, v7  }
0x1f8: {  	[tilespmem:s5+$0x10] =	vst v2;
	v2 =	vld [tilespmem:s5+$0x20]  }
0x1f9: {  	v7 =	vld [tilespmem:s8+$0xFFFFFFB0];
	[tilespmem:s5+$0xFFFFFF90] =	vst v1;
	v0 =	vadd.f32 v4, v0  }
0x1fa: {  	v4 =	vld [tilespmem:s8+$0xFFFFFF30]  }
0x1fb: {  	v8 =	vld [tilespmem:s5+$0x70];
	[tilespmem:s5+$0x60] =	vst v0  }
0x1fc: {  	v1 =	vadd.f32 v6, v3;
	v6 =	vld [tilespmem:s8+$0x0]  }
0x1fd: {  	v0 =	vld [tilespmem:s5+$0xFFFFFFB0]  }
0x1fe: {  	[tilespmem:s5+$0xFFFFFFE0] =	vst v1;
	v2 =	vadd.f32 v7, v2;
	v1 =	vld [tilespmem:s5+$0xFFFFFFF0]  }
0x1ff: {  	v3 =	vld [tilespmem:s8+$0xFFFFFF80];
	v4 =	vadd.f32 v4, v5  }
0x200: {  	[tilespmem:s5+$0x20] =	vst v2;
	v2 =	vld [tilespmem:s5+$0x30]  }
0x201: {  	[tilespmem:s5+$0xFFFFFFA0] =	vst v4;
	v4 =	vld [tilespmem:s8+$0xFFFFFFC0];
	v6 =	vadd.f32 v6, v8  }
0x202: {  	s9 =	simm.s32 $0x0;
	s10 =	simm.s32 $0x1DC0;
	v5 =	vld [tilespmem:s8+$0xFFFFFF40]  }
.LBB2_12:
0x203: {  	v7 =	vld [tilespmem:s10+$0x40];
	[tilespmem:s5+$0x70] =	vst v6;
	s8 =	sadd.s32 $0x100, s8  }
0x204: {  	s9 =	sadd.s32 $0x4, s9;
	v6 =	vld [tilespmem:s8+$0xFFFFFFD0];
	v1 =	vadd.f32 v3, v1  }
0x205: {  	p0 =	slt.u32 s9, $0x60;
	v3 =	vld [tilespmem:s8+$0xFFFFFF10]  }
0x206: {  	v8 =	vld [tilespmem:s10+$0xFFFFFFC0];
	[tilespmem:s5+$0xFFFFFFF0] =	vst v1;
	v1 =	vadd.f32 v4, v2  }
0x207: {  	v2 =	vld [tilespmem:s8+$0xFFFFFF50];
	v0 =	vadd.f32 v5, v0  }
0x208: {  	v4 =	vld [tilespmem:s10+$0x0];
	[tilespmem:s5+$0x30] =	vst v1  }
0x209: {  	v1 =	vld [tilespmem:s8+$0xFFFFFF90];
	v5 =	vadd.f32 v6, v7;
	[tilespmem:s5+$0xFFFFFFB0] =	vst v0;
	s5 =	smov.u32 s10  }
0x20a: {  	v0 =	vld [tilespmem:s10+$0xFFFFFF80]  }
0x20b: {  	[tilespmem:s10+$0x40] =	vst v5;
	v5 =	vld [tilespmem:s10+$0x50]  }
0x20c: {  	v2 =	vadd.f32 v2, v8;
	v6 =	vld [tilespmem:s8+$0xFFFFFFE0]  }
0x20d: {  	v7 =	vld [tilespmem:s10+$0xFFFFFF90]  }
0x20e: {  	[tilespmem:s10+$0xFFFFFFC0] =	vst v2;
	v2 =	vld [tilespmem:s10+$0xFFFFFFD0];
	v1 =	vadd.f32 v1, v4  }
0x20f: {  	v0 =	vadd.f32 v3, v0;
	v3 =	vld [tilespmem:s8+$0xFFFFFF60]  }
0x210: {  	[tilespmem:s10+$0x0] =	vst v1;
	v1 =	vld [tilespmem:s10+$0x10]  }
0x211: {  	[tilespmem:s10+$0xFFFFFF80] =	vst v0;
	v0 =	vld [tilespmem:s8+$0xFFFFFFA0];
	v4 =	vadd.f32 v6, v5  }
0x212: {  	v5 =	vld [tilespmem:s8+$0xFFFFFF20]  }
0x213: {  	[tilespmem:s10+$0x50] =	vst v4;
	v4 =	vld [tilespmem:s10+$0x60]  }
0x214: {  	v2 =	vadd.f32 v3, v2;
	v3 =	vld [tilespmem:s8+$0xFFFFFFF0]  }
0x215: {  	v6 =	vld [tilespmem:s10+$0xFFFFFFA0]  }
0x216: {  	[tilespmem:s10+$0xFFFFFFD0] =	vst v2;
	v2 =	vld [tilespmem:s10+$0xFFFFFFE0];
	v0 =	vadd.f32 v0, v1  }
0x217: {  	v1 =	vadd.f32 v5, v7;
	v5 =	vld [tilespmem:s8+$0xFFFFFF70]  }
0x218: {  	[tilespmem:s10+$0x10] =	vst v0;
	v7 =	vld [tilespmem:s10+$0x20]  }
0x219: {  	[tilespmem:s10+$0xFFFFFF90] =	vst v1;
	v8 =	vld [tilespmem:s8+$0xFFFFFFB0];
	v0 =	vadd.f32 v3, v4  }
0x21a: {  	v3 =	vld [tilespmem:s8+$0xFFFFFF30]  }
0x21b: {  	[tilespmem:s10+$0x60] =	vst v0;
	v9 =	vld [tilespmem:s10+$0x70]  }
0x21c: {  	v1 =	vadd.f32 v5, v2;
	v5 =	vld [tilespmem:s8+$0x0]  }
0x21d: {  	v0 =	vld [tilespmem:s10+$0xFFFFFFB0]  }
.Ltmp5:
0x21e: {  	[tilespmem:s10+$0xFFFFFFE0] =	vst v1;
	v1 =	vld [tilespmem:s10+$0xFFFFFFF0];
	v2 =	vadd.f32 v8, v7;
	(pc) =	sbr.rel @p0 .LBB2_12-.Ltmp5, $4  }
0x21f: {  	v4 =	vadd.f32 v3, v6;
	v3 =	vld [tilespmem:s8+$0xFFFFFF80]  }
0x220: {  	[tilespmem:s10+$0x20] =	vst v2;
	v2 =	vld [tilespmem:s10+$0x30]  }
0x221: {  	[tilespmem:s10+$0xFFFFFFA0] =	vst v4;
	v4 =	vld [tilespmem:s8+$0xFFFFFFC0];
	v6 =	vadd.f32 v5, v9  }
0x222: {  	s10 =	sadd.s32 $0x100, s10;
	v5 =	vld [tilespmem:s8+$0xFFFFFF40]  }
0x223: {  	_ =	sdelay $0x1  }
0x224: {  	v1 =	vadd.f32 v3, v1  }
0x225: {  	[tilespmem:s5+$0x70] =	vst v6;
	v2 =	vadd.f32 v4, v2  }
0x226: {  	[tilespmem:s5+$0xFFFFFFF0] =	vst v1;
	v0 =	vadd.f32 v5, v0  }
0x227: {  	[tilespmem:s5+$0x30] =	vst v2  }
0x228: {  	[tilespmem:s5+$0xFFFFFFB0] =	vst v0  }
0x229: {  	s17 =	simm.s32 $0x8;
	s5 =	rddreg [dreg:$0x10]  }
0x22a: {  	[hbm4b:s5+s19] =	stream.strided.scatter [tilespmem:s16], [sflag:$0xE], $0x1900, s20, s19, $0x38;
	[tilespmem:$0x9940] =	vst v63  }
0x22b: {  	_ =	swait.ge [sflag:s17], $0x68  }
0x22c: {  	[sflag:s17] =	ssyncset.done $0x0  }
0x22d: {  	[sflag:s17] =	ssyncadd.s32 $0xFFFFFF98  }
0x22e: {  	_ =	swait.ge [sflag:s26], $0x1900  }
0x22f: {  	[sflag:s26] =	ssyncset.done $0x0  }
0x230: {  	s23 =	simm.s32 $0x2D8;
	[sflag:s26] =	ssyncadd.s32 $0xFFFFE700  }
0x231: {  	[tilespmem:s30], [sflag:$0xC] =	stream.indirect.gather [hbm4b:s4+s12], $0x40, s23, s12, $0xb8;
	[tilespmem:$0x9940] =	vst v63  }
0x232: {  	s31 =	rddreg [dreg:$0x1c]  }
0x233: {  	[tilespmem:s25], [sflag:$0x4] =	stream.linear.gather [hbm4b:s31+s2], $0x68, $0x38;
	[tilespmem:$0x9940] =	vst v63  }
0x234: {  	_ =	swait.ge [sflag:s0], $0x1900  }
0x235: {  	[sflag:s0] =	ssyncset.done $0x0  }
0x236: {  	s5 =	simm.s32 $0x35C0;
	[sflag:s0] =	ssyncadd.s32 $0xFFFFE700  }
0x237: {  	s8 =	simm.s32 $0x67C0;
	v0 =	vld [tilespmem:s5+$0x40]  }
0x238: {  	v1 =	vld [tilespmem:s8+$0x40]  }
0x239: {  	v2 =	vld [tilespmem:s5+$0xFFFFFFC0]  }
0x23a: {  	v3 =	vld [tilespmem:s8+$0xFFFFFFC0]  }
0x23b: {  	v4 =	vld [tilespmem:s5+$0x0]  }
0x23c: {  	v5 =	vld [tilespmem:s8+$0x0]  }
0x23d: {  	v6 =	vld [tilespmem:s5+$0xFFFFFF80];
	v0 =	vadd.f32 v1, v0  }
0x23e: {  	v1 =	vld [tilespmem:s8+$0xFFFFFF80]  }
0x23f: {  	[tilespmem:s5+$0x40] =	vst v0;
	v0 =	vld [tilespmem:s5+$0x50]  }
0x240: {  	v2 =	vadd.f32 v3, v2;
	v3 =	vld [tilespmem:s8+$0x50]  }
0x241: {  	v7 =	vld [tilespmem:s5+$0xFFFFFF90]  }
0x242: {  	[tilespmem:s5+$0xFFFFFFC0] =	vst v2;
	v2 =	vadd.f32 v5, v4;
	v4 =	vld [tilespmem:s5+$0xFFFFFFD0]  }
0x243: {  	v5 =	vld [tilespmem:s8+$0xFFFFFFD0];
	v1 =	vadd.f32 v1, v6  }
0x244: {  	[tilespmem:s5+$0x0] =	vst v2;
	v2 =	vld [tilespmem:s5+$0x10]  }
0x245: {  	v6 =	vld [tilespmem:s8+$0x10];
	[tilespmem:s5+$0xFFFFFF80] =	vst v1;
	v0 =	vadd.f32 v3, v0  }
0x246: {  	v1 =	vld [tilespmem:s8+$0xFFFFFF90]  }
0x247: {  	[tilespmem:s5+$0x50] =	vst v0;
	v0 =	vld [tilespmem:s5+$0x60]  }
0x248: {  	v3 =	vadd.f32 v5, v4;
	v4 =	vld [tilespmem:s8+$0x60]  }
0x249: {  	v5 =	vld [tilespmem:s5+$0xFFFFFFA0]  }
0x24a: {  	[tilespmem:s5+$0xFFFFFFD0] =	vst v3;
	v2 =	vadd.f32 v6, v2;
	v3 =	vld [tilespmem:s5+$0xFFFFFFE0]  }
0x24b: {  	v6 =	vld [tilespmem:s8+$0xFFFFFFE0];
	v1 =	vadd.f32 v1, v7  }
0x24c: {  	[tilespmem:s5+$0x10] =	vst v2;
	v2 =	vld [tilespmem:s5+$0x20]  }
0x24d: {  	v7 =	vld [tilespmem:s8+$0x20];
	[tilespmem:s5+$0xFFFFFF90] =	vst v1;
	v0 =	vadd.f32 v4, v0  }
0x24e: {  	v4 =	vld [tilespmem:s8+$0xFFFFFFA0]  }
0x24f: {  	v8 =	vld [tilespmem:s5+$0x70];
	[tilespmem:s5+$0x60] =	vst v0  }
0x250: {  	v1 =	vadd.f32 v6, v3;
	v6 =	vld [tilespmem:s8+$0x70]  }
0x251: {  	v0 =	vld [tilespmem:s5+$0xFFFFFFB0]  }
0x252: {  	[tilespmem:s5+$0xFFFFFFE0] =	vst v1;
	v2 =	vadd.f32 v7, v2;
	v1 =	vld [tilespmem:s5+$0xFFFFFFF0]  }
0x253: {  	v3 =	vld [tilespmem:s8+$0xFFFFFFF0];
	v4 =	vadd.f32 v4, v5  }
0x254: {  	[tilespmem:s5+$0x20] =	vst v2;
	v2 =	vld [tilespmem:s5+$0x30]  }
0x255: {  	[tilespmem:s5+$0xFFFFFFA0] =	vst v4;
	v4 =	vld [tilespmem:s8+$0x30];
	v6 =	vadd.f32 v6, v8  }
0x256: {  	s9 =	simm.s32 $0x0;
	s10 =	simm.s32 $0x36C0;
	v5 =	vld [tilespmem:s8+$0xFFFFFFB0]  }
.LBB2_14:
0x257: {  	v7 =	vld [tilespmem:s10+$0x40];
	[tilespmem:s5+$0x70] =	vst v6;
	s8 =	sadd.s32 $0x100, s8  }
0x258: {  	s9 =	sadd.s32 $0x4, s9;
	v6 =	vld [tilespmem:s8+$0x40];
	v1 =	vadd.f32 v3, v1  }
0x259: {  	p0 =	slt.u32 s9, $0x60;
	v3 =	vld [tilespmem:s8+$0xFFFFFF80]  }
0x25a: {  	v8 =	vld [tilespmem:s10+$0xFFFFFFC0];
	[tilespmem:s5+$0xFFFFFFF0] =	vst v1;
	v1 =	vadd.f32 v4, v2  }
0x25b: {  	v2 =	vld [tilespmem:s8+$0xFFFFFFC0];
	v0 =	vadd.f32 v5, v0  }
0x25c: {  	v4 =	vld [tilespmem:s10+$0x0];
	[tilespmem:s5+$0x30] =	vst v1  }
0x25d: {  	v1 =	vld [tilespmem:s8+$0x0];
	v5 =	vadd.f32 v6, v7;
	[tilespmem:s5+$0xFFFFFFB0] =	vst v0;
	s5 =	smov.u32 s10  }
0x25e: {  	v0 =	vld [tilespmem:s10+$0xFFFFFF80]  }
0x25f: {  	[tilespmem:s10+$0x40] =	vst v5;
	v5 =	vld [tilespmem:s10+$0x50]  }
0x260: {  	v2 =	vadd.f32 v2, v8;
	v6 =	vld [tilespmem:s8+$0x50]  }
0x261: {  	v7 =	vld [tilespmem:s10+$0xFFFFFF90]  }
0x262: {  	[tilespmem:s10+$0xFFFFFFC0] =	vst v2;
	v2 =	vld [tilespmem:s10+$0xFFFFFFD0];
	v1 =	vadd.f32 v1, v4  }
0x263: {  	v0 =	vadd.f32 v3, v0;
	v3 =	vld [tilespmem:s8+$0xFFFFFFD0]  }
0x264: {  	[tilespmem:s10+$0x0] =	vst v1;
	v1 =	vld [tilespmem:s10+$0x10]  }
0x265: {  	[tilespmem:s10+$0xFFFFFF80] =	vst v0;
	v0 =	vld [tilespmem:s8+$0x10];
	v4 =	vadd.f32 v6, v5  }
0x266: {  	v5 =	vld [tilespmem:s8+$0xFFFFFF90]  }
0x267: {  	[tilespmem:s10+$0x50] =	vst v4;
	v4 =	vld [tilespmem:s10+$0x60]  }
0x268: {  	v2 =	vadd.f32 v3, v2;
	v3 =	vld [tilespmem:s8+$0x60]  }
0x269: {  	v6 =	vld [tilespmem:s10+$0xFFFFFFA0]  }
0x26a: {  	[tilespmem:s10+$0xFFFFFFD0] =	vst v2;
	v2 =	vld [tilespmem:s10+$0xFFFFFFE0];
	v0 =	vadd.f32 v0, v1  }
0x26b: {  	v1 =	vadd.f32 v5, v7;
	v5 =	vld [tilespmem:s8+$0xFFFFFFE0]  }
0x26c: {  	[tilespmem:s10+$0x10] =	vst v0;
	v7 =	vld [tilespmem:s10+$0x20]  }
0x26d: {  	[tilespmem:s10+$0xFFFFFF90] =	vst v1;
	v8 =	vld [tilespmem:s8+$0x20];
	v0 =	vadd.f32 v3, v4  }
0x26e: {  	v3 =	vld [tilespmem:s8+$0xFFFFFFA0]  }
0x26f: {  	[tilespmem:s10+$0x60] =	vst v0;
	v9 =	vld [tilespmem:s10+$0x70]  }
0x270: {  	v1 =	vadd.f32 v5, v2;
	v5 =	vld [tilespmem:s8+$0x70]  }
0x271: {  	v0 =	vld [tilespmem:s10+$0xFFFFFFB0]  }
.Ltmp6:
0x272: {  	[tilespmem:s10+$0xFFFFFFE0] =	vst v1;
	v1 =	vld [tilespmem:s10+$0xFFFFFFF0];
	v2 =	vadd.f32 v8, v7;
	(pc) =	sbr.rel @p0 .LBB2_14-.Ltmp6, $4  }
0x273: {  	v4 =	vadd.f32 v3, v6;
	v3 =	vld [tilespmem:s8+$0xFFFFFFF0]  }
0x274: {  	[tilespmem:s10+$0x20] =	vst v2;
	v2 =	vld [tilespmem:s10+$0x30]  }
0x275: {  	[tilespmem:s10+$0xFFFFFFA0] =	vst v4;
	v4 =	vld [tilespmem:s8+$0x30];
	v6 =	vadd.f32 v5, v9  }
0x276: {  	s10 =	sadd.s32 $0x100, s10;
	v5 =	vld [tilespmem:s8+$0xFFFFFFB0]  }
0x277: {  	_ =	sdelay $0x1  }
0x278: {  	v1 =	vadd.f32 v3, v1  }
0x279: {  	[tilespmem:s5+$0x70] =	vst v6;
	v2 =	vadd.f32 v4, v2  }
0x27a: {  	[tilespmem:s5+$0xFFFFFFF0] =	vst v1;
	v0 =	vadd.f32 v5, v0  }
0x27b: {  	[tilespmem:s5+$0x30] =	vst v2  }
0x27c: {  	[tilespmem:s5+$0xFFFFFFB0] =	vst v0  }
0x27d: {  	s31 =	simm.s32 $0x1;
	s5 =	rddreg [dreg:$0x11]  }
0x27e: {  	[hbm4b:s5+s19] =	stream.strided.scatter [tilespmem:s22], [sflag:$0xF], $0x1900, s20, s19, $0x38;
	[tilespmem:$0x9940] =	vst v63  }
.LBB2_16:
0x27f: {  	_ =	swait.ge [sflag:s11], $0x68  }
0x280: {  	[sflag:s11] =	ssyncset.done $0x0  }
0x281: {  	[sflag:s11] =	ssyncadd.s32 $0xFFFFFF98  }
0x282: {  	_ =	swait.ge [sflag:s3], $0x1900  }
0x283: {  	s5 =	sshll.u32 s31, $0x3;
	s8 =	rddreg [dreg:$0x4]  }
0x284: {  	[sflag:s3] =	ssyncset.done $0x0;
	s5 =	sor.u32 s8, s5  }
0x285: {  	[sflag:s3] =	ssyncadd.s32 $0xFFFFE700;
	s8 =	smul.u32 $0x68, s5  }
0x286: {  	[tilespmem:s13], [sflag:$0x9] =	stream.indirect.gather [hbm4b:s4+s12], $0x40, s2, s12, $0xb8;
	[tilespmem:$0x9940] =	vst v63  }
0x287: {  	s9 =	sshrl.u32 s8, $0x3  }
0x288: {  	s10 =	sadd.s32 s1, s9  }
0x289: {  	s25 =	simm.s32 $0x1A0;
	s9 =	sadd.s32 $0x34, s10  }
0x28a: {  	[tilespmem:s25], [sflag:$0x5] =	stream.linear.gather [hbm4b:s9+s2], $0x68, $0x38;
	[tilespmem:$0x9940] =	vst v63  }
0x28b: {  	_ =	swait.ge [sflag:s7], $0x1900  }
0x28c: {  	[sflag:s7] =	ssyncset.done $0x0  }
0x28d: {  	s9 =	simm.s32 $0x4EC0;
	[sflag:s7] =	ssyncadd.s32 $0xFFFFE700  }
0x28e: {  	s23 =	simm.s32 $0x8130;
	v0 =	vld [tilespmem:s9+$0x40]  }
0x28f: {  	v1 =	vld [tilespmem:s23+$0xFFFFFFD0]  }
0x290: {  	v2 =	vld [tilespmem:s9+$0xFFFFFFC0]  }
0x291: {  	v3 =	vld [tilespmem:s23+$0xFFFFFF50]  }
0x292: {  	v4 =	vld [tilespmem:s9+$0x0]  }
0x293: {  	v5 =	vld [tilespmem:s23+$0xFFFFFF90]  }
0x294: {  	v6 =	vld [tilespmem:s9+$0xFFFFFF80];
	v0 =	vadd.f32 v1, v0  }
0x295: {  	v1 =	vld [tilespmem:s23+$0xFFFFFF10]  }
0x296: {  	[tilespmem:s9+$0x40] =	vst v0;
	v0 =	vld [tilespmem:s9+$0x50]  }
0x297: {  	v2 =	vadd.f32 v3, v2;
	v3 =	vld [tilespmem:s23+$0xFFFFFFE0]  }
0x298: {  	v7 =	vld [tilespmem:s9+$0xFFFFFF90]  }
0x299: {  	[tilespmem:s9+$0xFFFFFFC0] =	vst v2;
	v2 =	vadd.f32 v5, v4;
	v4 =	vld [tilespmem:s9+$0xFFFFFFD0]  }
0x29a: {  	v5 =	vld [tilespmem:s23+$0xFFFFFF60];
	v1 =	vadd.f32 v1, v6  }
0x29b: {  	[tilespmem:s9+$0x0] =	vst v2;
	v2 =	vld [tilespmem:s9+$0x10]  }
0x29c: {  	v6 =	vld [tilespmem:s23+$0xFFFFFFA0];
	[tilespmem:s9+$0xFFFFFF80] =	vst v1;
	v0 =	vadd.f32 v3, v0  }
0x29d: {  	v1 =	vld [tilespmem:s23+$0xFFFFFF20]  }
0x29e: {  	[tilespmem:s9+$0x50] =	vst v0;
	v0 =	vld [tilespmem:s9+$0x60]  }
0x29f: {  	v3 =	vadd.f32 v5, v4;
	v4 =	vld [tilespmem:s23+$0xFFFFFFF0]  }
0x2a0: {  	v5 =	vld [tilespmem:s9+$0xFFFFFFA0]  }
0x2a1: {  	[tilespmem:s9+$0xFFFFFFD0] =	vst v3;
	v2 =	vadd.f32 v6, v2;
	v3 =	vld [tilespmem:s9+$0xFFFFFFE0]  }
0x2a2: {  	v6 =	vld [tilespmem:s23+$0xFFFFFF70];
	v1 =	vadd.f32 v1, v7  }
0x2a3: {  	[tilespmem:s9+$0x10] =	vst v2;
	v2 =	vld [tilespmem:s9+$0x20]  }
0x2a4: {  	v7 =	vld [tilespmem:s23+$0xFFFFFFB0];
	[tilespmem:s9+$0xFFFFFF90] =	vst v1;
	v0 =	vadd.f32 v4, v0  }
0x2a5: {  	v4 =	vld [tilespmem:s23+$0xFFFFFF30]  }
0x2a6: {  	v8 =	vld [tilespmem:s9+$0x70];
	[tilespmem:s9+$0x60] =	vst v0  }
0x2a7: {  	v1 =	vadd.f32 v6, v3;
	v6 =	vld [tilespmem:s23+$0x0]  }
0x2a8: {  	v0 =	vld [tilespmem:s9+$0xFFFFFFB0]  }
0x2a9: {  	[tilespmem:s9+$0xFFFFFFE0] =	vst v1;
	v2 =	vadd.f32 v7, v2;
	v1 =	vld [tilespmem:s9+$0xFFFFFFF0]  }
0x2aa: {  	v3 =	vld [tilespmem:s23+$0xFFFFFF80];
	v4 =	vadd.f32 v4, v5  }
0x2ab: {  	[tilespmem:s9+$0x20] =	vst v2;
	v2 =	vld [tilespmem:s9+$0x30]  }
0x2ac: {  	[tilespmem:s9+$0xFFFFFFA0] =	vst v4;
	v4 =	vld [tilespmem:s23+$0xFFFFFFC0];
	v6 =	vadd.f32 v6, v8  }
0x2ad: {  	s17 =	simm.s32 $0x4FC0;
	s25 =	simm.s32 $0x0;
	v5 =	vld [tilespmem:s23+$0xFFFFFF40]  }
.LBB2_17:
0x2ae: {  	v7 =	vld [tilespmem:s17+$0x40];
	[tilespmem:s9+$0x70] =	vst v6;
	s23 =	sadd.s32 $0x100, s23  }
0x2af: {  	s25 =	sadd.s32 $0x4, s25;
	v6 =	vld [tilespmem:s23+$0xFFFFFFD0];
	v1 =	vadd.f32 v3, v1  }
0x2b0: {  	p0 =	slt.u32 s25, $0x60;
	v3 =	vld [tilespmem:s23+$0xFFFFFF10]  }
0x2b1: {  	v8 =	vld [tilespmem:s17+$0xFFFFFFC0];
	[tilespmem:s9+$0xFFFFFFF0] =	vst v1;
	v1 =	vadd.f32 v4, v2  }
0x2b2: {  	v2 =	vld [tilespmem:s23+$0xFFFFFF50];
	v0 =	vadd.f32 v5, v0  }
0x2b3: {  	v4 =	vld [tilespmem:s17+$0x0];
	[tilespmem:s9+$0x30] =	vst v1  }
0x2b4: {  	v1 =	vld [tilespmem:s23+$0xFFFFFF90];
	v5 =	vadd.f32 v6, v7;
	[tilespmem:s9+$0xFFFFFFB0] =	vst v0;
	s9 =	smov.u32 s17  }
0x2b5: {  	v0 =	vld [tilespmem:s17+$0xFFFFFF80]  }
0x2b6: {  	[tilespmem:s17+$0x40] =	vst v5;
	v5 =	vld [tilespmem:s17+$0x50]  }
0x2b7: {  	v2 =	vadd.f32 v2, v8;
	v6 =	vld [tilespmem:s23+$0xFFFFFFE0]  }
0x2b8: {  	v7 =	vld [tilespmem:s17+$0xFFFFFF90]  }
0x2b9: {  	[tilespmem:s17+$0xFFFFFFC0] =	vst v2;
	v2 =	vld [tilespmem:s17+$0xFFFFFFD0];
	v1 =	vadd.f32 v1, v4  }
0x2ba: {  	v0 =	vadd.f32 v3, v0;
	v3 =	vld [tilespmem:s23+$0xFFFFFF60]  }
0x2bb: {  	[tilespmem:s17+$0x0] =	vst v1;
	v1 =	vld [tilespmem:s17+$0x10]  }
0x2bc: {  	[tilespmem:s17+$0xFFFFFF80] =	vst v0;
	v0 =	vld [tilespmem:s23+$0xFFFFFFA0];
	v4 =	vadd.f32 v6, v5  }
0x2bd: {  	v5 =	vld [tilespmem:s23+$0xFFFFFF20]  }
0x2be: {  	[tilespmem:s17+$0x50] =	vst v4;
	v4 =	vld [tilespmem:s17+$0x60]  }
0x2bf: {  	v2 =	vadd.f32 v3, v2;
	v3 =	vld [tilespmem:s23+$0xFFFFFFF0]  }
0x2c0: {  	v6 =	vld [tilespmem:s17+$0xFFFFFFA0]  }
0x2c1: {  	[tilespmem:s17+$0xFFFFFFD0] =	vst v2;
	v2 =	vld [tilespmem:s17+$0xFFFFFFE0];
	v0 =	vadd.f32 v0, v1  }
0x2c2: {  	v1 =	vadd.f32 v5, v7;
	v5 =	vld [tilespmem:s23+$0xFFFFFF70]  }
0x2c3: {  	[tilespmem:s17+$0x10] =	vst v0;
	v7 =	vld [tilespmem:s17+$0x20]  }
0x2c4: {  	[tilespmem:s17+$0xFFFFFF90] =	vst v1;
	v8 =	vld [tilespmem:s23+$0xFFFFFFB0];
	v0 =	vadd.f32 v3, v4  }
0x2c5: {  	v3 =	vld [tilespmem:s23+$0xFFFFFF30]  }
0x2c6: {  	[tilespmem:s17+$0x60] =	vst v0;
	v9 =	vld [tilespmem:s17+$0x70]  }
0x2c7: {  	v1 =	vadd.f32 v5, v2;
	v5 =	vld [tilespmem:s23+$0x0]  }
0x2c8: {  	v0 =	vld [tilespmem:s17+$0xFFFFFFB0]  }
.Ltmp7:
0x2c9: {  	[tilespmem:s17+$0xFFFFFFE0] =	vst v1;
	v1 =	vld [tilespmem:s17+$0xFFFFFFF0];
	v2 =	vadd.f32 v8, v7;
	(pc) =	sbr.rel @p0 .LBB2_17-.Ltmp7, $4  }
0x2ca: {  	v4 =	vadd.f32 v3, v6;
	v3 =	vld [tilespmem:s23+$0xFFFFFF80]  }
0x2cb: {  	[tilespmem:s17+$0x20] =	vst v2;
	v2 =	vld [tilespmem:s17+$0x30]  }
0x2cc: {  	[tilespmem:s17+$0xFFFFFFA0] =	vst v4;
	v4 =	vld [tilespmem:s23+$0xFFFFFFC0];
	v6 =	vadd.f32 v5, v9  }
0x2cd: {  	s17 =	sadd.s32 $0x100, s17;
	v5 =	vld [tilespmem:s23+$0xFFFFFF40]  }
0x2ce: {  	s11 =	sadd.s32 $0xFFFFFFFF, s5  }
0x2cf: {  	s17 =	sshrl.u32 s11, $0x1;
	s11 =	sshra.s32 s11, $0x1F  }
0x2d0: {  	s11 =	sadd.s32 s11, s17  }
0x2d1: {  	v1 =	vadd.f32 v3, v1;
	s11 =	smul.u32 $0x6400, s11  }
0x2d2: {  	[tilespmem:s9+$0x70] =	vst v6;
	v2 =	vadd.f32 v4, v2  }
0x2d3: {  	[tilespmem:s9+$0xFFFFFFF0] =	vst v1;
	v0 =	vadd.f32 v5, v0;
	s11 =	sshrl.u32 s11, $0x3  }
0x2d4: {  	[tilespmem:s9+$0x30] =	vst v2;
	s11 =	sadd.s32 s6, s11  }
0x2d5: {  	[tilespmem:s9+$0xFFFFFFB0] =	vst v0;
	s11 =	sadd.s32 $0x640, s11  }
0x2d6: {  	[hbm4b:s11+s19] =	stream.strided.scatter [tilespmem:s30], [sflag:$0x10], $0x1900, s20, s19, $0x38;
	[tilespmem:$0x9940] =	vst v63  }
0x2d7: {  	_ =	swait.ge [sflag:s15], $0x68  }
0x2d8: {  	[sflag:s15] =	ssyncset.done $0x0  }
0x2d9: {  	[sflag:s15] =	ssyncadd.s32 $0xFFFFFF98  }
0x2da: {  	_ =	swait.ge [sflag:s24], $0x1900  }
0x2db: {  	s23 =	sadd.s32 $0x208, s8;
	[sflag:s24] =	ssyncset.done $0x0  }
0x2dc: {  	s17 =	simm.s32 $0x68;
	s9 =	sshrl.u32 s23, $0x3;
	[sflag:s24] =	ssyncadd.s32 $0xFFFFE700  }
0x2dd: {  	[tilespmem:s16], [sflag:$0xA] =	stream.indirect.gather [hbm4b:s4+s12], $0x40, s17, s12, $0xb8;
	[tilespmem:$0x9940] =	vst v63  }
0x2de: {  	s25 =	simm.s32 $0x208;
	s9 =	sadd.s32 s1, s9  }
0x2df: {  	[tilespmem:s25], [sflag:$0x6] =	stream.linear.gather [hbm4b:s9+s2], $0x68, $0x38;
	[tilespmem:$0x9940] =	vst v63  }
0x2e0: {  	_ =	swait.ge [sflag:s18], $0x1900  }
0x2e1: {  	[sflag:s18] =	ssyncset.done $0x0  }
0x2e2: {  	s25 =	simm.s32 $0x3C0;
	[sflag:s18] =	ssyncadd.s32 $0xFFFFE700  }
0x2e3: {  	s9 =	simm.s32 $0x67C0;
	v0 =	vld [tilespmem:s25+$0x40]  }
0x2e4: {  	v1 =	vld [tilespmem:s9+$0x40]  }
0x2e5: {  	v2 =	vld [tilespmem:s25+$0xFFFFFFC0]  }
0x2e6: {  	v3 =	vld [tilespmem:s9+$0xFFFFFFC0]  }
0x2e7: {  	v4 =	vld [tilespmem:s25+$0x0]  }
0x2e8: {  	v5 =	vld [tilespmem:s9+$0x0]  }
0x2e9: {  	v6 =	vld [tilespmem:s25+$0xFFFFFF80];
	v0 =	vadd.f32 v1, v0  }
0x2ea: {  	v1 =	vld [tilespmem:s9+$0xFFFFFF80]  }
0x2eb: {  	[tilespmem:s25+$0x40] =	vst v0;
	v0 =	vld [tilespmem:s25+$0x50]  }
0x2ec: {  	v2 =	vadd.f32 v3, v2;
	v3 =	vld [tilespmem:s9+$0x50]  }
0x2ed: {  	v7 =	vld [tilespmem:s25+$0xFFFFFF90]  }
0x2ee: {  	[tilespmem:s25+$0xFFFFFFC0] =	vst v2;
	v2 =	vadd.f32 v5, v4;
	v4 =	vld [tilespmem:s25+$0xFFFFFFD0]  }
0x2ef: {  	v5 =	vld [tilespmem:s9+$0xFFFFFFD0];
	v1 =	vadd.f32 v1, v6  }
0x2f0: {  	[tilespmem:s25+$0x0] =	vst v2;
	v2 =	vld [tilespmem:s25+$0x10]  }
0x2f1: {  	v6 =	vld [tilespmem:s9+$0x10];
	[tilespmem:s25+$0xFFFFFF80] =	vst v1;
	v0 =	vadd.f32 v3, v0  }
0x2f2: {  	v1 =	vld [tilespmem:s9+$0xFFFFFF90]  }
0x2f3: {  	[tilespmem:s25+$0x50] =	vst v0;
	v0 =	vld [tilespmem:s25+$0x60]  }
0x2f4: {  	v3 =	vadd.f32 v5, v4;
	v4 =	vld [tilespmem:s9+$0x60]  }
0x2f5: {  	v5 =	vld [tilespmem:s25+$0xFFFFFFA0]  }
0x2f6: {  	[tilespmem:s25+$0xFFFFFFD0] =	vst v3;
	v2 =	vadd.f32 v6, v2;
	v3 =	vld [tilespmem:s25+$0xFFFFFFE0]  }
0x2f7: {  	v6 =	vld [tilespmem:s9+$0xFFFFFFE0];
	v1 =	vadd.f32 v1, v7  }
0x2f8: {  	[tilespmem:s25+$0x10] =	vst v2;
	v2 =	vld [tilespmem:s25+$0x20]  }
0x2f9: {  	v7 =	vld [tilespmem:s9+$0x20];
	[tilespmem:s25+$0xFFFFFF90] =	vst v1;
	v0 =	vadd.f32 v4, v0  }
0x2fa: {  	v4 =	vld [tilespmem:s9+$0xFFFFFFA0]  }
0x2fb: {  	v8 =	vld [tilespmem:s25+$0x70];
	[tilespmem:s25+$0x60] =	vst v0  }
0x2fc: {  	v1 =	vadd.f32 v6, v3;
	v6 =	vld [tilespmem:s9+$0x70]  }
0x2fd: {  	v0 =	vld [tilespmem:s25+$0xFFFFFFB0]  }
0x2fe: {  	[tilespmem:s25+$0xFFFFFFE0] =	vst v1;
	v2 =	vadd.f32 v7, v2;
	v1 =	vld [tilespmem:s25+$0xFFFFFFF0]  }
0x2ff: {  	v3 =	vld [tilespmem:s9+$0xFFFFFFF0];
	v4 =	vadd.f32 v4, v5  }
0x300: {  	[tilespmem:s25+$0x20] =	vst v2;
	v2 =	vld [tilespmem:s25+$0x30]  }
0x301: {  	[tilespmem:s25+$0xFFFFFFA0] =	vst v4;
	v4 =	vld [tilespmem:s9+$0x30];
	v6 =	vadd.f32 v6, v8  }
0x302: {  	s23 =	simm.s32 $0x0;
	s17 =	simm.s32 $0x4C0;
	v5 =	vld [tilespmem:s9+$0xFFFFFFB0]  }
.LBB2_19:
0x303: {  	v7 =	vld [tilespmem:s17+$0x40];
	[tilespmem:s25+$0x70] =	vst v6;
	s9 =	sadd.s32 $0x100, s9  }
0x304: {  	s23 =	sadd.s32 $0x4, s23;
	v6 =	vld [tilespmem:s9+$0x40];
	v1 =	vadd.f32 v3, v1  }
0x305: {  	p0 =	slt.u32 s23, $0x60;
	v3 =	vld [tilespmem:s9+$0xFFFFFF80]  }
0x306: {  	v8 =	vld [tilespmem:s17+$0xFFFFFFC0];
	[tilespmem:s25+$0xFFFFFFF0] =	vst v1;
	v1 =	vadd.f32 v4, v2  }
0x307: {  	v2 =	vld [tilespmem:s9+$0xFFFFFFC0];
	v0 =	vadd.f32 v5, v0  }
0x308: {  	v4 =	vld [tilespmem:s17+$0x0];
	[tilespmem:s25+$0x30] =	vst v1  }
0x309: {  	v1 =	vld [tilespmem:s9+$0x0];
	v5 =	vadd.f32 v6, v7;
	[tilespmem:s25+$0xFFFFFFB0] =	vst v0;
	s25 =	smov.u32 s17  }
0x30a: {  	v0 =	vld [tilespmem:s17+$0xFFFFFF80]  }
0x30b: {  	[tilespmem:s17+$0x40] =	vst v5;
	v5 =	vld [tilespmem:s17+$0x50]  }
0x30c: {  	v2 =	vadd.f32 v2, v8;
	v6 =	vld [tilespmem:s9+$0x50]  }
0x30d: {  	v7 =	vld [tilespmem:s17+$0xFFFFFF90]  }
0x30e: {  	[tilespmem:s17+$0xFFFFFFC0] =	vst v2;
	v2 =	vld [tilespmem:s17+$0xFFFFFFD0];
	v1 =	vadd.f32 v1, v4  }
0x30f: {  	v0 =	vadd.f32 v3, v0;
	v3 =	vld [tilespmem:s9+$0xFFFFFFD0]  }
0x310: {  	[tilespmem:s17+$0x0] =	vst v1;
	v1 =	vld [tilespmem:s17+$0x10]  }
0x311: {  	[tilespmem:s17+$0xFFFFFF80] =	vst v0;
	v0 =	vld [tilespmem:s9+$0x10];
	v4 =	vadd.f32 v6, v5  }
0x312: {  	v5 =	vld [tilespmem:s9+$0xFFFFFF90]  }
0x313: {  	[tilespmem:s17+$0x50] =	vst v4;
	v4 =	vld [tilespmem:s17+$0x60]  }
0x314: {  	v2 =	vadd.f32 v3, v2;
	v3 =	vld [tilespmem:s9+$0x60]  }
0x315: {  	v6 =	vld [tilespmem:s17+$0xFFFFFFA0]  }
0x316: {  	[tilespmem:s17+$0xFFFFFFD0] =	vst v2;
	v2 =	vld [tilespmem:s17+$0xFFFFFFE0];
	v0 =	vadd.f32 v0, v1  }
0x317: {  	v1 =	vadd.f32 v5, v7;
	v5 =	vld [tilespmem:s9+$0xFFFFFFE0]  }
0x318: {  	[tilespmem:s17+$0x10] =	vst v0;
	v7 =	vld [tilespmem:s17+$0x20]  }
0x319: {  	[tilespmem:s17+$0xFFFFFF90] =	vst v1;
	v8 =	vld [tilespmem:s9+$0x20];
	v0 =	vadd.f32 v3, v4  }
0x31a: {  	v3 =	vld [tilespmem:s9+$0xFFFFFFA0]  }
0x31b: {  	[tilespmem:s17+$0x60] =	vst v0;
	v9 =	vld [tilespmem:s17+$0x70]  }
0x31c: {  	v1 =	vadd.f32 v5, v2;
	v5 =	vld [tilespmem:s9+$0x70]  }
0x31d: {  	v0 =	vld [tilespmem:s17+$0xFFFFFFB0]  }
.Ltmp8:
0x31e: {  	[tilespmem:s17+$0xFFFFFFE0] =	vst v1;
	v1 =	vld [tilespmem:s17+$0xFFFFFFF0];
	v2 =	vadd.f32 v8, v7;
	(pc) =	sbr.rel @p0 .LBB2_19-.Ltmp8, $4  }
0x31f: {  	v4 =	vadd.f32 v3, v6;
	v3 =	vld [tilespmem:s9+$0xFFFFFFF0]  }
0x320: {  	[tilespmem:s17+$0x20] =	vst v2;
	v2 =	vld [tilespmem:s17+$0x30]  }
0x321: {  	[tilespmem:s17+$0xFFFFFFA0] =	vst v4;
	v4 =	vld [tilespmem:s9+$0x30];
	v6 =	vadd.f32 v5, v9  }
0x322: {  	s17 =	sadd.s32 $0x100, s17;
	v5 =	vld [tilespmem:s9+$0xFFFFFFB0]  }
0x323: {  	_ =	sdelay $0x1  }
0x324: {  	v1 =	vadd.f32 v3, v1  }
0x325: {  	[tilespmem:s25+$0x70] =	vst v6;
	s23 =	sshrl.u32 s5, $0x1;
	v2 =	vadd.f32 v4, v2  }
0x326: {  	s9 =	smul.u32 $0xC80, s23;
	[tilespmem:s25+$0xFFFFFFF0] =	vst v1;
	v0 =	vadd.f32 v5, v0  }
0x327: {  	[tilespmem:s25+$0x30] =	vst v2  }
0x328: {  	s11 =	sadd.s32 s6, s9;
	[tilespmem:s25+$0xFFFFFFB0] =	vst v0  }
0x329: {  	[hbm4b:s11+s19] =	stream.strided.scatter [tilespmem:s13], [sflag:$0xD], $0x1900, s20, s19, $0x38;
	[tilespmem:$0x9940] =	vst v63  }
0x32a: {  	_ =	swait.ge [sflag:s21], $0x68  }
0x32b: {  	[sflag:s21] =	ssyncset.done $0x0  }
0x32c: {  	[sflag:s21] =	ssyncadd.s32 $0xFFFFFF98  }
0x32d: {  	_ =	swait.ge [sflag:s14], $0x1900  }
0x32e: {  	[sflag:s14] =	ssyncset.done $0x0  }
0x32f: {  	s17 =	simm.s32 $0xD0;
	[sflag:s14] =	ssyncadd.s32 $0xFFFFE700  }
0x330: {  	[tilespmem:s22], [sflag:$0xB] =	stream.indirect.gather [hbm4b:s4+s12], $0x40, s17, s12, $0xb8;
	[tilespmem:$0x9940] =	vst v63  }
0x331: {  	s10 =	sadd.s32 $0x4E, s10;
	s25 =	simm.s32 $0x270  }
0x332: {  	[tilespmem:s25], [sflag:$0x7] =	stream.linear.gather [hbm4b:s10+s2], $0x68, $0x38;
	[tilespmem:$0x9940] =	vst v63  }
0x333: {  	_ =	swait.ge [sflag:s28], $0x1900  }
0x334: {  	[sflag:s28] =	ssyncset.done $0x0  }
0x335: {  	s25 =	simm.s32 $0x1CC0;
	[sflag:s28] =	ssyncadd.s32 $0xFFFFE700  }
0x336: {  	s10 =	simm.s32 $0x8130;
	v0 =	vld [tilespmem:s25+$0x40]  }
0x337: {  	v1 =	vld [tilespmem:s10+$0xFFFFFFD0]  }
0x338: {  	v2 =	vld [tilespmem:s25+$0xFFFFFFC0]  }
0x339: {  	v3 =	vld [tilespmem:s10+$0xFFFFFF50]  }
0x33a: {  	v4 =	vld [tilespmem:s25+$0x0]  }
0x33b: {  	v5 =	vld [tilespmem:s10+$0xFFFFFF90]  }
0x33c: {  	v6 =	vld [tilespmem:s25+$0xFFFFFF80];
	v0 =	vadd.f32 v1, v0  }
0x33d: {  	v1 =	vld [tilespmem:s10+$0xFFFFFF10]  }
0x33e: {  	[tilespmem:s25+$0x40] =	vst v0;
	v0 =	vld [tilespmem:s25+$0x50]  }
0x33f: {  	v2 =	vadd.f32 v3, v2;
	v3 =	vld [tilespmem:s10+$0xFFFFFFE0]  }
0x340: {  	v7 =	vld [tilespmem:s25+$0xFFFFFF90]  }
0x341: {  	[tilespmem:s25+$0xFFFFFFC0] =	vst v2;
	v2 =	vadd.f32 v5, v4;
	v4 =	vld [tilespmem:s25+$0xFFFFFFD0]  }
0x342: {  	v5 =	vld [tilespmem:s10+$0xFFFFFF60];
	v1 =	vadd.f32 v1, v6  }
0x343: {  	[tilespmem:s25+$0x0] =	vst v2;
	v2 =	vld [tilespmem:s25+$0x10]  }
0x344: {  	v6 =	vld [tilespmem:s10+$0xFFFFFFA0];
	[tilespmem:s25+$0xFFFFFF80] =	vst v1;
	v0 =	vadd.f32 v3, v0  }
0x345: {  	v1 =	vld [tilespmem:s10+$0xFFFFFF20]  }
0x346: {  	[tilespmem:s25+$0x50] =	vst v0;
	v0 =	vld [tilespmem:s25+$0x60]  }
0x347: {  	v3 =	vadd.f32 v5, v4;
	v4 =	vld [tilespmem:s10+$0xFFFFFFF0]  }
0x348: {  	v5 =	vld [tilespmem:s25+$0xFFFFFFA0]  }
0x349: {  	[tilespmem:s25+$0xFFFFFFD0] =	vst v3;
	v2 =	vadd.f32 v6, v2;
	v3 =	vld [tilespmem:s25+$0xFFFFFFE0]  }
0x34a: {  	v6 =	vld [tilespmem:s10+$0xFFFFFF70];
	v1 =	vadd.f32 v1, v7  }
0x34b: {  	[tilespmem:s25+$0x10] =	vst v2;
	v2 =	vld [tilespmem:s25+$0x20]  }
0x34c: {  	v7 =	vld [tilespmem:s10+$0xFFFFFFB0];
	[tilespmem:s25+$0xFFFFFF90] =	vst v1;
	v0 =	vadd.f32 v4, v0  }
0x34d: {  	v4 =	vld [tilespmem:s10+$0xFFFFFF30]  }
0x34e: {  	v8 =	vld [tilespmem:s25+$0x70];
	[tilespmem:s25+$0x60] =	vst v0  }
0x34f: {  	v1 =	vadd.f32 v6, v3;
	v6 =	vld [tilespmem:s10+$0x0]  }
0x350: {  	v0 =	vld [tilespmem:s25+$0xFFFFFFB0]  }
0x351: {  	[tilespmem:s25+$0xFFFFFFE0] =	vst v1;
	v2 =	vadd.f32 v7, v2;
	v1 =	vld [tilespmem:s25+$0xFFFFFFF0]  }
0x352: {  	v3 =	vld [tilespmem:s10+$0xFFFFFF80];
	v4 =	vadd.f32 v4, v5  }
0x353: {  	[tilespmem:s25+$0x20] =	vst v2;
	v2 =	vld [tilespmem:s25+$0x30]  }
0x354: {  	[tilespmem:s25+$0xFFFFFFA0] =	vst v4;
	v4 =	vld [tilespmem:s10+$0xFFFFFFC0];
	v6 =	vadd.f32 v6, v8  }
0x355: {  	s11 =	simm.s32 $0x1DC0;
	s17 =	simm.s32 $0x0;
	v5 =	vld [tilespmem:s10+$0xFFFFFF40]  }
.LBB2_21:
0x356: {  	v7 =	vld [tilespmem:s11+$0x40];
	[tilespmem:s25+$0x70] =	vst v6;
	s10 =	sadd.s32 $0x100, s10  }
0x357: {  	s17 =	sadd.s32 $0x4, s17;
	v6 =	vld [tilespmem:s10+$0xFFFFFFD0];
	v1 =	vadd.f32 v3, v1  }
0x358: {  	p0 =	slt.u32 s17, $0x60;
	v3 =	vld [tilespmem:s10+$0xFFFFFF10]  }
0x359: {  	v8 =	vld [tilespmem:s11+$0xFFFFFFC0];
	[tilespmem:s25+$0xFFFFFFF0] =	vst v1;
	v1 =	vadd.f32 v4, v2  }
0x35a: {  	v2 =	vld [tilespmem:s10+$0xFFFFFF50];
	v0 =	vadd.f32 v5, v0  }
0x35b: {  	v4 =	vld [tilespmem:s11+$0x0];
	[tilespmem:s25+$0x30] =	vst v1  }
0x35c: {  	v1 =	vld [tilespmem:s10+$0xFFFFFF90];
	v5 =	vadd.f32 v6, v7;
	[tilespmem:s25+$0xFFFFFFB0] =	vst v0;
	s25 =	smov.u32 s11  }
0x35d: {  	v0 =	vld [tilespmem:s11+$0xFFFFFF80]  }
0x35e: {  	[tilespmem:s11+$0x40] =	vst v5;
	v5 =	vld [tilespmem:s11+$0x50]  }
0x35f: {  	v2 =	vadd.f32 v2, v8;
	v6 =	vld [tilespmem:s10+$0xFFFFFFE0]  }
0x360: {  	v7 =	vld [tilespmem:s11+$0xFFFFFF90]  }
0x361: {  	[tilespmem:s11+$0xFFFFFFC0] =	vst v2;
	v2 =	vld [tilespmem:s11+$0xFFFFFFD0];
	v1 =	vadd.f32 v1, v4  }
0x362: {  	v0 =	vadd.f32 v3, v0;
	v3 =	vld [tilespmem:s10+$0xFFFFFF60]  }
0x363: {  	[tilespmem:s11+$0x0] =	vst v1;
	v1 =	vld [tilespmem:s11+$0x10]  }
0x364: {  	[tilespmem:s11+$0xFFFFFF80] =	vst v0;
	v0 =	vld [tilespmem:s10+$0xFFFFFFA0];
	v4 =	vadd.f32 v6, v5  }
0x365: {  	v5 =	vld [tilespmem:s10+$0xFFFFFF20]  }
0x366: {  	[tilespmem:s11+$0x50] =	vst v4;
	v4 =	vld [tilespmem:s11+$0x60]  }
0x367: {  	v2 =	vadd.f32 v3, v2;
	v3 =	vld [tilespmem:s10+$0xFFFFFFF0]  }
0x368: {  	v6 =	vld [tilespmem:s11+$0xFFFFFFA0]  }
0x369: {  	[tilespmem:s11+$0xFFFFFFD0] =	vst v2;
	v2 =	vld [tilespmem:s11+$0xFFFFFFE0];
	v0 =	vadd.f32 v0, v1  }
0x36a: {  	v1 =	vadd.f32 v5, v7;
	v5 =	vld [tilespmem:s10+$0xFFFFFF70]  }
0x36b: {  	[tilespmem:s11+$0x10] =	vst v0;
	v7 =	vld [tilespmem:s11+$0x20]  }
0x36c: {  	[tilespmem:s11+$0xFFFFFF90] =	vst v1;
	v8 =	vld [tilespmem:s10+$0xFFFFFFB0];
	v0 =	vadd.f32 v3, v4  }
0x36d: {  	v3 =	vld [tilespmem:s10+$0xFFFFFF30]  }
0x36e: {  	[tilespmem:s11+$0x60] =	vst v0;
	v9 =	vld [tilespmem:s11+$0x70]  }
0x36f: {  	v1 =	vadd.f32 v5, v2;
	v5 =	vld [tilespmem:s10+$0x0]  }
0x370: {  	v0 =	vld [tilespmem:s11+$0xFFFFFFB0]  }
.Ltmp9:
0x371: {  	[tilespmem:s11+$0xFFFFFFE0] =	vst v1;
	v1 =	vld [tilespmem:s11+$0xFFFFFFF0];
	v2 =	vadd.f32 v8, v7;
	(pc) =	sbr.rel @p0 .LBB2_21-.Ltmp9, $4  }
0x372: {  	v4 =	vadd.f32 v3, v6;
	v3 =	vld [tilespmem:s10+$0xFFFFFF80]  }
0x373: {  	[tilespmem:s11+$0x20] =	vst v2;
	v2 =	vld [tilespmem:s11+$0x30]  }
0x374: {  	[tilespmem:s11+$0xFFFFFFA0] =	vst v4;
	v4 =	vld [tilespmem:s10+$0xFFFFFFC0];
	v6 =	vadd.f32 v5, v9  }
0x375: {  	s11 =	sadd.s32 $0x100, s11;
	v5 =	vld [tilespmem:s10+$0xFFFFFF40]  }
0x376: {  	_ =	sdelay $0x1  }
0x377: {  	s10 =	smul.u32 $0x6400, s23;
	v1 =	vadd.f32 v3, v1  }
0x378: {  	[tilespmem:s25+$0x70] =	vst v6;
	v2 =	vadd.f32 v4, v2  }
0x379: {  	s10 =	sshrl.u32 s10, $0x3;
	[tilespmem:s25+$0xFFFFFFF0] =	vst v1;
	v0 =	vadd.f32 v5, v0  }
0x37a: {  	s10 =	sadd.s32 s6, s10;
	[tilespmem:s25+$0x30] =	vst v2  }
0x37b: {  	s11 =	sadd.s32 $0x640, s10;
	[tilespmem:s25+$0xFFFFFFB0] =	vst v0  }
0x37c: {  	[hbm4b:s11+s19] =	stream.strided.scatter [tilespmem:s16], [sflag:$0xE], $0x1900, s20, s19, $0x38;
	[tilespmem:$0x9940] =	vst v63  }
0x37d: {  	_ =	swait.ge [sflag:s29], $0x68  }
0x37e: {  	[sflag:s29] =	ssyncset.done $0x0  }
0x37f: {  	[sflag:s29] =	ssyncadd.s32 $0xFFFFFF98  }
0x380: {  	_ =	swait.ge [sflag:s26], $0x1900  }
0x381: {  	s8 =	sadd.s32 $0x2D8, s8;
	[sflag:s26] =	ssyncset.done $0x0  }
0x382: {  	s8 =	sshrl.u32 s8, $0x3;
	s25 =	simm.s32 $0x138;
	[sflag:s26] =	ssyncadd.s32 $0xFFFFE700  }
0x383: {  	[tilespmem:s30], [sflag:$0xC] =	stream.indirect.gather [hbm4b:s4+s12], $0x40, s25, s12, $0xb8;
	[tilespmem:$0x9940] =	vst v63  }
0x384: {  	s23 =	simm.s32 $0x2D8;
	s8 =	sadd.s32 s1, s8  }
0x385: {  	[tilespmem:s23], [sflag:$0x8] =	stream.linear.gather [hbm4b:s8+s2], $0x68, $0x38;
	[tilespmem:$0x9940] =	vst v63  }
0x386: {  	_ =	swait.ge [sflag:s0], $0x1900  }
0x387: {  	[sflag:s0] =	ssyncset.done $0x0  }
0x388: {  	s8 =	simm.s32 $0x35C0;
	[sflag:s0] =	ssyncadd.s32 $0xFFFFE700  }
0x389: {  	s23 =	simm.s32 $0x67C0;
	v0 =	vld [tilespmem:s8+$0x40]  }
0x38a: {  	v1 =	vld [tilespmem:s23+$0x40]  }
0x38b: {  	v2 =	vld [tilespmem:s8+$0xFFFFFFC0]  }
0x38c: {  	v3 =	vld [tilespmem:s23+$0xFFFFFFC0]  }
0x38d: {  	v4 =	vld [tilespmem:s8+$0x0]  }
0x38e: {  	v5 =	vld [tilespmem:s23+$0x0]  }
0x38f: {  	v6 =	vld [tilespmem:s8+$0xFFFFFF80];
	v0 =	vadd.f32 v1, v0  }
0x390: {  	v1 =	vld [tilespmem:s23+$0xFFFFFF80]  }
0x391: {  	[tilespmem:s8+$0x40] =	vst v0;
	v0 =	vld [tilespmem:s8+$0x50]  }
0x392: {  	v2 =	vadd.f32 v3, v2;
	v3 =	vld [tilespmem:s23+$0x50]  }
0x393: {  	v7 =	vld [tilespmem:s8+$0xFFFFFF90]  }
0x394: {  	[tilespmem:s8+$0xFFFFFFC0] =	vst v2;
	v2 =	vadd.f32 v5, v4;
	v4 =	vld [tilespmem:s8+$0xFFFFFFD0]  }
0x395: {  	v5 =	vld [tilespmem:s23+$0xFFFFFFD0];
	v1 =	vadd.f32 v1, v6  }
0x396: {  	[tilespmem:s8+$0x0] =	vst v2;
	v2 =	vld [tilespmem:s8+$0x10]  }
0x397: {  	v6 =	vld [tilespmem:s23+$0x10];
	[tilespmem:s8+$0xFFFFFF80] =	vst v1;
	v0 =	vadd.f32 v3, v0  }
0x398: {  	v1 =	vld [tilespmem:s23+$0xFFFFFF90]  }
0x399: {  	[tilespmem:s8+$0x50] =	vst v0;
	v0 =	vld [tilespmem:s8+$0x60]  }
0x39a: {  	v3 =	vadd.f32 v5, v4;
	v4 =	vld [tilespmem:s23+$0x60]  }
0x39b: {  	v5 =	vld [tilespmem:s8+$0xFFFFFFA0]  }
0x39c: {  	[tilespmem:s8+$0xFFFFFFD0] =	vst v3;
	v2 =	vadd.f32 v6, v2;
	v3 =	vld [tilespmem:s8+$0xFFFFFFE0]  }
0x39d: {  	v6 =	vld [tilespmem:s23+$0xFFFFFFE0];
	v1 =	vadd.f32 v1, v7  }
0x39e: {  	[tilespmem:s8+$0x10] =	vst v2;
	v2 =	vld [tilespmem:s8+$0x20]  }
0x39f: {  	v7 =	vld [tilespmem:s23+$0x20];
	[tilespmem:s8+$0xFFFFFF90] =	vst v1;
	v0 =	vadd.f32 v4, v0  }
0x3a0: {  	v4 =	vld [tilespmem:s23+$0xFFFFFFA0]  }
0x3a1: {  	v8 =	vld [tilespmem:s8+$0x70];
	[tilespmem:s8+$0x60] =	vst v0  }
0x3a2: {  	v1 =	vadd.f32 v6, v3;
	v6 =	vld [tilespmem:s23+$0x70]  }
0x3a3: {  	v0 =	vld [tilespmem:s8+$0xFFFFFFB0]  }
0x3a4: {  	[tilespmem:s8+$0xFFFFFFE0] =	vst v1;
	v2 =	vadd.f32 v7, v2;
	v1 =	vld [tilespmem:s8+$0xFFFFFFF0]  }
0x3a5: {  	v3 =	vld [tilespmem:s23+$0xFFFFFFF0];
	v4 =	vadd.f32 v4, v5  }
0x3a6: {  	[tilespmem:s8+$0x20] =	vst v2;
	v2 =	vld [tilespmem:s8+$0x30]  }
0x3a7: {  	[tilespmem:s8+$0xFFFFFFA0] =	vst v4;
	v4 =	vld [tilespmem:s23+$0x30];
	v6 =	vadd.f32 v6, v8  }
0x3a8: {  	s17 =	simm.s32 $0x0;
	s11 =	simm.s32 $0x36C0;
	v5 =	vld [tilespmem:s23+$0xFFFFFFB0]  }
.LBB2_23:
0x3a9: {  	v7 =	vld [tilespmem:s11+$0x40];
	[tilespmem:s8+$0x70] =	vst v6;
	s23 =	sadd.s32 $0x100, s23  }
0x3aa: {  	s17 =	sadd.s32 $0x4, s17;
	v6 =	vld [tilespmem:s23+$0x40];
	v1 =	vadd.f32 v3, v1  }
0x3ab: {  	p0 =	slt.u32 s17, $0x60;
	v3 =	vld [tilespmem:s23+$0xFFFFFF80]  }
0x3ac: {  	v8 =	vld [tilespmem:s11+$0xFFFFFFC0];
	[tilespmem:s8+$0xFFFFFFF0] =	vst v1;
	v1 =	vadd.f32 v4, v2  }
0x3ad: {  	v2 =	vld [tilespmem:s23+$0xFFFFFFC0];
	v0 =	vadd.f32 v5, v0  }
0x3ae: {  	v4 =	vld [tilespmem:s11+$0x0];
	[tilespmem:s8+$0x30] =	vst v1  }
0x3af: {  	v1 =	vld [tilespmem:s23+$0x0];
	v5 =	vadd.f32 v6, v7;
	[tilespmem:s8+$0xFFFFFFB0] =	vst v0;
	s8 =	smov.u32 s11  }
0x3b0: {  	v0 =	vld [tilespmem:s11+$0xFFFFFF80]  }
0x3b1: {  	[tilespmem:s11+$0x40] =	vst v5;
	v5 =	vld [tilespmem:s11+$0x50]  }
0x3b2: {  	v2 =	vadd.f32 v2, v8;
	v6 =	vld [tilespmem:s23+$0x50]  }
0x3b3: {  	v7 =	vld [tilespmem:s11+$0xFFFFFF90]  }
0x3b4: {  	[tilespmem:s11+$0xFFFFFFC0] =	vst v2;
	v2 =	vld [tilespmem:s11+$0xFFFFFFD0];
	v1 =	vadd.f32 v1, v4  }
0x3b5: {  	v0 =	vadd.f32 v3, v0;
	v3 =	vld [tilespmem:s23+$0xFFFFFFD0]  }
0x3b6: {  	[tilespmem:s11+$0x0] =	vst v1;
	v1 =	vld [tilespmem:s11+$0x10]  }
0x3b7: {  	[tilespmem:s11+$0xFFFFFF80] =	vst v0;
	v0 =	vld [tilespmem:s23+$0x10];
	v4 =	vadd.f32 v6, v5  }
0x3b8: {  	v5 =	vld [tilespmem:s23+$0xFFFFFF90]  }
0x3b9: {  	[tilespmem:s11+$0x50] =	vst v4;
	v4 =	vld [tilespmem:s11+$0x60]  }
0x3ba: {  	v2 =	vadd.f32 v3, v2;
	v3 =	vld [tilespmem:s23+$0x60]  }
0x3bb: {  	v6 =	vld [tilespmem:s11+$0xFFFFFFA0]  }
0x3bc: {  	[tilespmem:s11+$0xFFFFFFD0] =	vst v2;
	v2 =	vld [tilespmem:s11+$0xFFFFFFE0];
	v0 =	vadd.f32 v0, v1  }
0x3bd: {  	v1 =	vadd.f32 v5, v7;
	v5 =	vld [tilespmem:s23+$0xFFFFFFE0]  }
0x3be: {  	[tilespmem:s11+$0x10] =	vst v0;
	v7 =	vld [tilespmem:s11+$0x20]  }
0x3bf: {  	[tilespmem:s11+$0xFFFFFF90] =	vst v1;
	v8 =	vld [tilespmem:s23+$0x20];
	v0 =	vadd.f32 v3, v4  }
0x3c0: {  	v3 =	vld [tilespmem:s23+$0xFFFFFFA0]  }
0x3c1: {  	[tilespmem:s11+$0x60] =	vst v0;
	v9 =	vld [tilespmem:s11+$0x70]  }
0x3c2: {  	v1 =	vadd.f32 v5, v2;
	v5 =	vld [tilespmem:s23+$0x70]  }
0x3c3: {  	v0 =	vld [tilespmem:s11+$0xFFFFFFB0]  }
.Ltmp10:
0x3c4: {  	[tilespmem:s11+$0xFFFFFFE0] =	vst v1;
	v1 =	vld [tilespmem:s11+$0xFFFFFFF0];
	v2 =	vadd.f32 v8, v7;
	(pc) =	sbr.rel @p0 .LBB2_23-.Ltmp10, $4  }
0x3c5: {  	v4 =	vadd.f32 v3, v6;
	v3 =	vld [tilespmem:s23+$0xFFFFFFF0]  }
0x3c6: {  	[tilespmem:s11+$0x20] =	vst v2;
	v2 =	vld [tilespmem:s11+$0x30]  }
0x3c7: {  	[tilespmem:s11+$0xFFFFFFA0] =	vst v4;
	v4 =	vld [tilespmem:s23+$0x30];
	v6 =	vadd.f32 v5, v9  }
0x3c8: {  	s11 =	sadd.s32 $0x100, s11;
	v5 =	vld [tilespmem:s23+$0xFFFFFFB0]  }
0x3c9: {  	_ =	sdelay $0x1  }
0x3ca: {  	v1 =	vadd.f32 v3, v1  }
0x3cb: {  	[tilespmem:s8+$0x70] =	vst v6;
	v2 =	vadd.f32 v4, v2  }
0x3cc: {  	[tilespmem:s8+$0xFFFFFFF0] =	vst v1;
	v0 =	vadd.f32 v5, v0  }
0x3cd: {  	[tilespmem:s8+$0x30] =	vst v2  }
0x3ce: {  	[tilespmem:s8+$0xFFFFFFB0] =	vst v0  }
0x3cf: {  	s8 =	rddreg [dreg:$0x14]  }
0x3d0: {  	s17 =	simm.s32 $0x5;
	s8 =	sadd.s32 s8, s9  }
0x3d1: {  	[hbm4b:s8+s19] =	stream.strided.scatter [tilespmem:s22], [sflag:$0xF], $0x1900, s20, s19, $0x38;
	[tilespmem:$0x9940] =	vst v63  }
0x3d2: {  	s23 =	sor.u32 $0x4, s5;
	_ =	swait.ge [sflag:s17], $0x68  }
0x3d3: {  	s8 =	smin.u32 s23, $0x1FFB;
	[sflag:s17] =	ssyncset.done $0x0  }
0x3d4: {  	s8 =	smul.u32 $0x68, s8;
	[sflag:s17] =	ssyncadd.s32 $0xFFFFFF98  }
0x3d5: {  	_ =	swait.ge [sflag:s3], $0x1900  }
0x3d6: {  	s8 =	sshrl.u32 s8, $0x3;
	[sflag:s3] =	ssyncset.done $0x0  }
0x3d7: {  	s11 =	simm.s32 $0x1A0;
	s8 =	sadd.s32 s1, s8;
	[sflag:s3] =	ssyncadd.s32 $0xFFFFE700  }
0x3d8: {  	[tilespmem:s13], [sflag:$0x9] =	stream.indirect.gather [hbm4b:s4+s12], $0x40, s11, s12, $0xb8;
	[tilespmem:$0x9940] =	vst v63  }
0x3d9: {  	s8 =	sadd.s32 $0x34, s8  }
0x3da: {  	[tilespmem:s2], [sflag:$0x1] =	stream.linear.gather [hbm4b:s8+s2], $0x68, $0x38;
	[tilespmem:$0x9940] =	vst v63  }
0x3db: {  	_ =	swait.ge [sflag:s7], $0x1900  }
0x3dc: {  	[sflag:s7] =	ssyncset.done $0x0  }
0x3dd: {  	s8 =	simm.s32 $0x4EC0;
	[sflag:s7] =	ssyncadd.s32 $0xFFFFE700  }
0x3de: {  	s23 =	simm.s32 $0x8130;
	v0 =	vld [tilespmem:s8+$0x40]  }
0x3df: {  	v1 =	vld [tilespmem:s23+$0xFFFFFFD0]  }
0x3e0: {  	v2 =	vld [tilespmem:s8+$0xFFFFFFC0]  }
0x3e1: {  	v3 =	vld [tilespmem:s23+$0xFFFFFF50]  }
0x3e2: {  	v4 =	vld [tilespmem:s8+$0x0]  }
0x3e3: {  	v5 =	vld [tilespmem:s23+$0xFFFFFF90]  }
0x3e4: {  	v6 =	vld [tilespmem:s8+$0xFFFFFF80];
	v0 =	vadd.f32 v1, v0  }
0x3e5: {  	v1 =	vld [tilespmem:s23+$0xFFFFFF10]  }
0x3e6: {  	[tilespmem:s8+$0x40] =	vst v0;
	v0 =	vld [tilespmem:s8+$0x50]  }
0x3e7: {  	v2 =	vadd.f32 v3, v2;
	v3 =	vld [tilespmem:s23+$0xFFFFFFE0]  }
0x3e8: {  	v7 =	vld [tilespmem:s8+$0xFFFFFF90]  }
0x3e9: {  	[tilespmem:s8+$0xFFFFFFC0] =	vst v2;
	v2 =	vadd.f32 v5, v4;
	v4 =	vld [tilespmem:s8+$0xFFFFFFD0]  }
0x3ea: {  	v5 =	vld [tilespmem:s23+$0xFFFFFF60];
	v1 =	vadd.f32 v1, v6  }
0x3eb: {  	[tilespmem:s8+$0x0] =	vst v2;
	v2 =	vld [tilespmem:s8+$0x10]  }
0x3ec: {  	v6 =	vld [tilespmem:s23+$0xFFFFFFA0];
	[tilespmem:s8+$0xFFFFFF80] =	vst v1;
	v0 =	vadd.f32 v3, v0  }
0x3ed: {  	v1 =	vld [tilespmem:s23+$0xFFFFFF20]  }
0x3ee: {  	[tilespmem:s8+$0x50] =	vst v0;
	v0 =	vld [tilespmem:s8+$0x60]  }
0x3ef: {  	v3 =	vadd.f32 v5, v4;
	v4 =	vld [tilespmem:s23+$0xFFFFFFF0]  }
0x3f0: {  	v5 =	vld [tilespmem:s8+$0xFFFFFFA0]  }
0x3f1: {  	[tilespmem:s8+$0xFFFFFFD0] =	vst v3;
	v2 =	vadd.f32 v6, v2;
	v3 =	vld [tilespmem:s8+$0xFFFFFFE0]  }
0x3f2: {  	v6 =	vld [tilespmem:s23+$0xFFFFFF70];
	v1 =	vadd.f32 v1, v7  }
0x3f3: {  	[tilespmem:s8+$0x10] =	vst v2;
	v2 =	vld [tilespmem:s8+$0x20]  }
0x3f4: {  	v7 =	vld [tilespmem:s23+$0xFFFFFFB0];
	[tilespmem:s8+$0xFFFFFF90] =	vst v1;
	v0 =	vadd.f32 v4, v0  }
0x3f5: {  	v4 =	vld [tilespmem:s23+$0xFFFFFF30]  }
0x3f6: {  	v8 =	vld [tilespmem:s8+$0x70];
	[tilespmem:s8+$0x60] =	vst v0  }
0x3f7: {  	v1 =	vadd.f32 v6, v3;
	v6 =	vld [tilespmem:s23+$0x0]  }
0x3f8: {  	v0 =	vld [tilespmem:s8+$0xFFFFFFB0]  }
0x3f9: {  	[tilespmem:s8+$0xFFFFFFE0] =	vst v1;
	v2 =	vadd.f32 v7, v2;
	v1 =	vld [tilespmem:s8+$0xFFFFFFF0]  }
0x3fa: {  	v3 =	vld [tilespmem:s23+$0xFFFFFF80];
	v4 =	vadd.f32 v4, v5  }
0x3fb: {  	[tilespmem:s8+$0x20] =	vst v2;
	v2 =	vld [tilespmem:s8+$0x30]  }
0x3fc: {  	[tilespmem:s8+$0xFFFFFFA0] =	vst v4;
	v4 =	vld [tilespmem:s23+$0xFFFFFFC0];
	v6 =	vadd.f32 v6, v8  }
0x3fd: {  	s17 =	simm.s32 $0x0;
	s11 =	simm.s32 $0x4FC0;
	v5 =	vld [tilespmem:s23+$0xFFFFFF40]  }
.LBB2_25:
0x3fe: {  	v7 =	vld [tilespmem:s11+$0x40];
	[tilespmem:s8+$0x70] =	vst v6;
	s23 =	sadd.s32 $0x100, s23  }
0x3ff: {  	s17 =	sadd.s32 $0x4, s17;
	v6 =	vld [tilespmem:s23+$0xFFFFFFD0];
	v1 =	vadd.f32 v3, v1  }
0x400: {  	p0 =	slt.u32 s17, $0x60;
	v3 =	vld [tilespmem:s23+$0xFFFFFF10]  }
0x401: {  	v8 =	vld [tilespmem:s11+$0xFFFFFFC0];
	[tilespmem:s8+$0xFFFFFFF0] =	vst v1;
	v1 =	vadd.f32 v4, v2  }
0x402: {  	v2 =	vld [tilespmem:s23+$0xFFFFFF50];
	v0 =	vadd.f32 v5, v0  }
0x403: {  	v4 =	vld [tilespmem:s11+$0x0];
	[tilespmem:s8+$0x30] =	vst v1  }
0x404: {  	v1 =	vld [tilespmem:s23+$0xFFFFFF90];
	v5 =	vadd.f32 v6, v7;
	[tilespmem:s8+$0xFFFFFFB0] =	vst v0;
	s8 =	smov.u32 s11  }
0x405: {  	v0 =	vld [tilespmem:s11+$0xFFFFFF80]  }
0x406: {  	[tilespmem:s11+$0x40] =	vst v5;
	v5 =	vld [tilespmem:s11+$0x50]  }
0x407: {  	v2 =	vadd.f32 v2, v8;
	v6 =	vld [tilespmem:s23+$0xFFFFFFE0]  }
0x408: {  	v7 =	vld [tilespmem:s11+$0xFFFFFF90]  }
0x409: {  	[tilespmem:s11+$0xFFFFFFC0] =	vst v2;
	v2 =	vld [tilespmem:s11+$0xFFFFFFD0];
	v1 =	vadd.f32 v1, v4  }
0x40a: {  	v0 =	vadd.f32 v3, v0;
	v3 =	vld [tilespmem:s23+$0xFFFFFF60]  }
0x40b: {  	[tilespmem:s11+$0x0] =	vst v1;
	v1 =	vld [tilespmem:s11+$0x10]  }
0x40c: {  	[tilespmem:s11+$0xFFFFFF80] =	vst v0;
	v0 =	vld [tilespmem:s23+$0xFFFFFFA0];
	v4 =	vadd.f32 v6, v5  }
0x40d: {  	v5 =	vld [tilespmem:s23+$0xFFFFFF20]  }
0x40e: {  	[tilespmem:s11+$0x50] =	vst v4;
	v4 =	vld [tilespmem:s11+$0x60]  }
0x40f: {  	v2 =	vadd.f32 v3, v2;
	v3 =	vld [tilespmem:s23+$0xFFFFFFF0]  }
0x410: {  	v6 =	vld [tilespmem:s11+$0xFFFFFFA0]  }
0x411: {  	[tilespmem:s11+$0xFFFFFFD0] =	vst v2;
	v2 =	vld [tilespmem:s11+$0xFFFFFFE0];
	v0 =	vadd.f32 v0, v1  }
0x412: {  	v1 =	vadd.f32 v5, v7;
	v5 =	vld [tilespmem:s23+$0xFFFFFF70]  }
0x413: {  	[tilespmem:s11+$0x10] =	vst v0;
	v7 =	vld [tilespmem:s11+$0x20]  }
0x414: {  	[tilespmem:s11+$0xFFFFFF90] =	vst v1;
	v8 =	vld [tilespmem:s23+$0xFFFFFFB0];
	v0 =	vadd.f32 v3, v4  }
0x415: {  	v3 =	vld [tilespmem:s23+$0xFFFFFF30]  }
0x416: {  	[tilespmem:s11+$0x60] =	vst v0;
	v9 =	vld [tilespmem:s11+$0x70]  }
0x417: {  	v1 =	vadd.f32 v5, v2;
	v5 =	vld [tilespmem:s23+$0x0]  }
0x418: {  	v0 =	vld [tilespmem:s11+$0xFFFFFFB0]  }
.Ltmp11:
0x419: {  	[tilespmem:s11+$0xFFFFFFE0] =	vst v1;
	v1 =	vld [tilespmem:s11+$0xFFFFFFF0];
	v2 =	vadd.f32 v8, v7;
	(pc) =	sbr.rel @p0 .LBB2_25-.Ltmp11, $4  }
0x41a: {  	v4 =	vadd.f32 v3, v6;
	v3 =	vld [tilespmem:s23+$0xFFFFFF80]  }
0x41b: {  	[tilespmem:s11+$0x20] =	vst v2;
	v2 =	vld [tilespmem:s11+$0x30]  }
0x41c: {  	[tilespmem:s11+$0xFFFFFFA0] =	vst v4;
	v4 =	vld [tilespmem:s23+$0xFFFFFFC0];
	v6 =	vadd.f32 v5, v9  }
0x41d: {  	s11 =	sadd.s32 $0x100, s11;
	v5 =	vld [tilespmem:s23+$0xFFFFFF40]  }
0x41e: {  	_ =	sdelay $0x1  }
0x41f: {  	v1 =	vadd.f32 v3, v1  }
0x420: {  	[tilespmem:s8+$0x70] =	vst v6;
	v2 =	vadd.f32 v4, v2  }
0x421: {  	[tilespmem:s8+$0xFFFFFFF0] =	vst v1;
	v0 =	vadd.f32 v5, v0  }
0x422: {  	[tilespmem:s8+$0x30] =	vst v2  }
0x423: {  	s23 =	sadd.s32 $0x12C0, s10;
	s11 =	simm.s32 $0x6;
	[tilespmem:s8+$0xFFFFFFB0] =	vst v0  }
0x424: {  	[hbm4b:s23+s19] =	stream.strided.scatter [tilespmem:s30], [sflag:$0x10], $0x1900, s20, s19, $0x38;
	[tilespmem:$0x9940] =	vst v63  }
0x425: {  	s17 =	sor.u32 $0x5, s5;
	_ =	swait.ge [sflag:s11], $0x68  }
0x426: {  	s8 =	smin.u32 s17, $0x1FFB;
	[sflag:s11] =	ssyncset.done $0x0  }
0x427: {  	s8 =	smul.u32 $0x68, s8;
	[sflag:s11] =	ssyncadd.s32 $0xFFFFFF98  }
0x428: {  	_ =	swait.ge [sflag:s24], $0x1900  }
0x429: {  	s8 =	sshrl.u32 s8, $0x3;
	[sflag:s24] =	ssyncset.done $0x0  }
0x42a: {  	s11 =	simm.s32 $0x208;
	s8 =	sadd.s32 s1, s8;
	[sflag:s24] =	ssyncadd.s32 $0xFFFFE700  }
0x42b: {  	[tilespmem:s16], [sflag:$0xA] =	stream.indirect.gather [hbm4b:s4+s12], $0x40, s11, s12, $0xb8;
	[tilespmem:$0x9940] =	vst v63  }
0x42c: {  	s23 =	simm.s32 $0x68;
	s8 =	sadd.s32 $0x34, s8  }
0x42d: {  	[tilespmem:s23], [sflag:$0x2] =	stream.linear.gather [hbm4b:s8+s2], $0x68, $0x38;
	[tilespmem:$0x9940] =	vst v63  }
0x42e: {  	_ =	swait.ge [sflag:s18], $0x1900  }
0x42f: {  	[sflag:s18] =	ssyncset.done $0x0  }
0x430: {  	s8 =	simm.s32 $0x3C0;
	[sflag:s18] =	ssyncadd.s32 $0xFFFFE700  }
0x431: {  	s23 =	simm.s32 $0x67C0;
	v0 =	vld [tilespmem:s8+$0x40]  }
0x432: {  	v1 =	vld [tilespmem:s23+$0x40]  }
0x433: {  	v2 =	vld [tilespmem:s8+$0xFFFFFFC0]  }
0x434: {  	v3 =	vld [tilespmem:s23+$0xFFFFFFC0]  }
0x435: {  	v4 =	vld [tilespmem:s8+$0x0]  }
0x436: {  	v5 =	vld [tilespmem:s23+$0x0]  }
0x437: {  	v6 =	vld [tilespmem:s8+$0xFFFFFF80];
	v0 =	vadd.f32 v1, v0  }
0x438: {  	v1 =	vld [tilespmem:s23+$0xFFFFFF80]  }
0x439: {  	[tilespmem:s8+$0x40] =	vst v0;
	v0 =	vld [tilespmem:s8+$0x50]  }
0x43a: {  	v2 =	vadd.f32 v3, v2;
	v3 =	vld [tilespmem:s23+$0x50]  }
0x43b: {  	v7 =	vld [tilespmem:s8+$0xFFFFFF90]  }
0x43c: {  	[tilespmem:s8+$0xFFFFFFC0] =	vst v2;
	v2 =	vadd.f32 v5, v4;
	v4 =	vld [tilespmem:s8+$0xFFFFFFD0]  }
0x43d: {  	v5 =	vld [tilespmem:s23+$0xFFFFFFD0];
	v1 =	vadd.f32 v1, v6  }
0x43e: {  	[tilespmem:s8+$0x0] =	vst v2;
	v2 =	vld [tilespmem:s8+$0x10]  }
0x43f: {  	v6 =	vld [tilespmem:s23+$0x10];
	[tilespmem:s8+$0xFFFFFF80] =	vst v1;
	v0 =	vadd.f32 v3, v0  }
0x440: {  	v1 =	vld [tilespmem:s23+$0xFFFFFF90]  }
0x441: {  	[tilespmem:s8+$0x50] =	vst v0;
	v0 =	vld [tilespmem:s8+$0x60]  }
0x442: {  	v3 =	vadd.f32 v5, v4;
	v4 =	vld [tilespmem:s23+$0x60]  }
0x443: {  	v5 =	vld [tilespmem:s8+$0xFFFFFFA0]  }
0x444: {  	[tilespmem:s8+$0xFFFFFFD0] =	vst v3;
	v2 =	vadd.f32 v6, v2;
	v3 =	vld [tilespmem:s8+$0xFFFFFFE0]  }
0x445: {  	v6 =	vld [tilespmem:s23+$0xFFFFFFE0];
	v1 =	vadd.f32 v1, v7  }
0x446: {  	[tilespmem:s8+$0x10] =	vst v2;
	v2 =	vld [tilespmem:s8+$0x20]  }
0x447: {  	v7 =	vld [tilespmem:s23+$0x20];
	[tilespmem:s8+$0xFFFFFF90] =	vst v1;
	v0 =	vadd.f32 v4, v0  }
0x448: {  	v4 =	vld [tilespmem:s23+$0xFFFFFFA0]  }
0x449: {  	v8 =	vld [tilespmem:s8+$0x70];
	[tilespmem:s8+$0x60] =	vst v0  }
0x44a: {  	v1 =	vadd.f32 v6, v3;
	v6 =	vld [tilespmem:s23+$0x70]  }
0x44b: {  	v0 =	vld [tilespmem:s8+$0xFFFFFFB0]  }
0x44c: {  	[tilespmem:s8+$0xFFFFFFE0] =	vst v1;
	v2 =	vadd.f32 v7, v2;
	v1 =	vld [tilespmem:s8+$0xFFFFFFF0]  }
0x44d: {  	v3 =	vld [tilespmem:s23+$0xFFFFFFF0];
	v4 =	vadd.f32 v4, v5  }
0x44e: {  	[tilespmem:s8+$0x20] =	vst v2;
	v2 =	vld [tilespmem:s8+$0x30]  }
0x44f: {  	[tilespmem:s8+$0xFFFFFFA0] =	vst v4;
	v4 =	vld [tilespmem:s23+$0x30];
	v6 =	vadd.f32 v6, v8  }
0x450: {  	s17 =	simm.s32 $0x0;
	s11 =	simm.s32 $0x4C0;
	v5 =	vld [tilespmem:s23+$0xFFFFFFB0]  }
.LBB2_27:
0x451: {  	v7 =	vld [tilespmem:s11+$0x40];
	[tilespmem:s8+$0x70] =	vst v6;
	s23 =	sadd.s32 $0x100, s23  }
0x452: {  	s17 =	sadd.s32 $0x4, s17;
	v6 =	vld [tilespmem:s23+$0x40];
	v1 =	vadd.f32 v3, v1  }
0x453: {  	p0 =	slt.u32 s17, $0x60;
	v3 =	vld [tilespmem:s23+$0xFFFFFF80]  }
0x454: {  	v8 =	vld [tilespmem:s11+$0xFFFFFFC0];
	[tilespmem:s8+$0xFFFFFFF0] =	vst v1;
	v1 =	vadd.f32 v4, v2  }
0x455: {  	v2 =	vld [tilespmem:s23+$0xFFFFFFC0];
	v0 =	vadd.f32 v5, v0  }
0x456: {  	v4 =	vld [tilespmem:s11+$0x0];
	[tilespmem:s8+$0x30] =	vst v1  }
0x457: {  	v1 =	vld [tilespmem:s23+$0x0];
	v5 =	vadd.f32 v6, v7;
	[tilespmem:s8+$0xFFFFFFB0] =	vst v0;
	s8 =	smov.u32 s11  }
0x458: {  	v0 =	vld [tilespmem:s11+$0xFFFFFF80]  }
0x459: {  	[tilespmem:s11+$0x40] =	vst v5;
	v5 =	vld [tilespmem:s11+$0x50]  }
0x45a: {  	v2 =	vadd.f32 v2, v8;
	v6 =	vld [tilespmem:s23+$0x50]  }
0x45b: {  	v7 =	vld [tilespmem:s11+$0xFFFFFF90]  }
0x45c: {  	[tilespmem:s11+$0xFFFFFFC0] =	vst v2;
	v2 =	vld [tilespmem:s11+$0xFFFFFFD0];
	v1 =	vadd.f32 v1, v4  }
0x45d: {  	v0 =	vadd.f32 v3, v0;
	v3 =	vld [tilespmem:s23+$0xFFFFFFD0]  }
0x45e: {  	[tilespmem:s11+$0x0] =	vst v1;
	v1 =	vld [tilespmem:s11+$0x10]  }
0x45f: {  	[tilespmem:s11+$0xFFFFFF80] =	vst v0;
	v0 =	vld [tilespmem:s23+$0x10];
	v4 =	vadd.f32 v6, v5  }
0x460: {  	v5 =	vld [tilespmem:s23+$0xFFFFFF90]  }
0x461: {  	[tilespmem:s11+$0x50] =	vst v4;
	v4 =	vld [tilespmem:s11+$0x60]  }
0x462: {  	v2 =	vadd.f32 v3, v2;
	v3 =	vld [tilespmem:s23+$0x60]  }
0x463: {  	v6 =	vld [tilespmem:s11+$0xFFFFFFA0]  }
0x464: {  	[tilespmem:s11+$0xFFFFFFD0] =	vst v2;
	v2 =	vld [tilespmem:s11+$0xFFFFFFE0];
	v0 =	vadd.f32 v0, v1  }
0x465: {  	v1 =	vadd.f32 v5, v7;
	v5 =	vld [tilespmem:s23+$0xFFFFFFE0]  }
0x466: {  	[tilespmem:s11+$0x10] =	vst v0;
	v7 =	vld [tilespmem:s11+$0x20]  }
0x467: {  	[tilespmem:s11+$0xFFFFFF90] =	vst v1;
	v8 =	vld [tilespmem:s23+$0x20];
	v0 =	vadd.f32 v3, v4  }
0x468: {  	v3 =	vld [tilespmem:s23+$0xFFFFFFA0]  }
0x469: {  	[tilespmem:s11+$0x60] =	vst v0;
	v9 =	vld [tilespmem:s11+$0x70]  }
0x46a: {  	v1 =	vadd.f32 v5, v2;
	v5 =	vld [tilespmem:s23+$0x70]  }
0x46b: {  	v0 =	vld [tilespmem:s11+$0xFFFFFFB0]  }
.Ltmp12:
0x46c: {  	[tilespmem:s11+$0xFFFFFFE0] =	vst v1;
	v1 =	vld [tilespmem:s11+$0xFFFFFFF0];
	v2 =	vadd.f32 v8, v7;
	(pc) =	sbr.rel @p0 .LBB2_27-.Ltmp12, $4  }
0x46d: {  	v4 =	vadd.f32 v3, v6;
	v3 =	vld [tilespmem:s23+$0xFFFFFFF0]  }
0x46e: {  	[tilespmem:s11+$0x20] =	vst v2;
	v2 =	vld [tilespmem:s11+$0x30]  }
0x46f: {  	[tilespmem:s11+$0xFFFFFFA0] =	vst v4;
	v4 =	vld [tilespmem:s23+$0x30];
	v6 =	vadd.f32 v5, v9  }
0x470: {  	s11 =	sadd.s32 $0x100, s11;
	v5 =	vld [tilespmem:s23+$0xFFFFFFB0]  }
0x471: {  	_ =	sdelay $0x1  }
0x472: {  	v1 =	vadd.f32 v3, v1  }
0x473: {  	[tilespmem:s8+$0x70] =	vst v6;
	v2 =	vadd.f32 v4, v2  }
0x474: {  	[tilespmem:s8+$0xFFFFFFF0] =	vst v1;
	v0 =	vadd.f32 v5, v0  }
0x475: {  	[tilespmem:s8+$0x30] =	vst v2  }
0x476: {  	[tilespmem:s8+$0xFFFFFFB0] =	vst v0  }
0x477: {  	s8 =	rddreg [dreg:$0x15]  }
0x478: {  	s11 =	simm.s32 $0x7;
	s8 =	sadd.s32 s8, s9  }
0x479: {  	[hbm4b:s8+s19] =	stream.strided.scatter [tilespmem:s13], [sflag:$0xD], $0x1900, s20, s19, $0x38;
	[tilespmem:$0x9940] =	vst v63  }
0x47a: {  	s17 =	sor.u32 $0x6, s5;
	_ =	swait.ge [sflag:s11], $0x68  }
0x47b: {  	s8 =	smin.u32 s17, $0x1FFB;
	[sflag:s11] =	ssyncset.done $0x0  }
0x47c: {  	s8 =	smul.u32 $0x68, s8;
	[sflag:s11] =	ssyncadd.s32 $0xFFFFFF98  }
0x47d: {  	_ =	swait.ge [sflag:s14], $0x1900  }
0x47e: {  	s8 =	sshrl.u32 s8, $0x3;
	[sflag:s14] =	ssyncset.done $0x0  }
0x47f: {  	s11 =	simm.s32 $0x270;
	s8 =	sadd.s32 s1, s8;
	[sflag:s14] =	ssyncadd.s32 $0xFFFFE700  }
0x480: {  	[tilespmem:s22], [sflag:$0xB] =	stream.indirect.gather [hbm4b:s4+s12], $0x40, s11, s12, $0xb8;
	[tilespmem:$0x9940] =	vst v63  }
0x481: {  	s23 =	simm.s32 $0xD0;
	s8 =	sadd.s32 $0x34, s8  }
0x482: {  	[tilespmem:s23], [sflag:$0x3] =	stream.linear.gather [hbm4b:s8+s2], $0x68, $0x38;
	[tilespmem:$0x9940] =	vst v63  }
0x483: {  	_ =	swait.ge [sflag:s28], $0x1900  }
0x484: {  	[sflag:s28] =	ssyncset.done $0x0  }
0x485: {  	s8 =	simm.s32 $0x1CC0;
	[sflag:s28] =	ssyncadd.s32 $0xFFFFE700  }
0x486: {  	s23 =	simm.s32 $0x8130;
	v0 =	vld [tilespmem:s8+$0x40]  }
0x487: {  	v1 =	vld [tilespmem:s23+$0xFFFFFFD0]  }
0x488: {  	v2 =	vld [tilespmem:s8+$0xFFFFFFC0]  }
0x489: {  	v3 =	vld [tilespmem:s23+$0xFFFFFF50]  }
0x48a: {  	v4 =	vld [tilespmem:s8+$0x0]  }
0x48b: {  	v5 =	vld [tilespmem:s23+$0xFFFFFF90]  }
0x48c: {  	v6 =	vld [tilespmem:s8+$0xFFFFFF80];
	v0 =	vadd.f32 v1, v0  }
0x48d: {  	v1 =	vld [tilespmem:s23+$0xFFFFFF10]  }
0x48e: {  	[tilespmem:s8+$0x40] =	vst v0;
	v0 =	vld [tilespmem:s8+$0x50]  }
0x48f: {  	v2 =	vadd.f32 v3, v2;
	v3 =	vld [tilespmem:s23+$0xFFFFFFE0]  }
0x490: {  	v7 =	vld [tilespmem:s8+$0xFFFFFF90]  }
0x491: {  	[tilespmem:s8+$0xFFFFFFC0] =	vst v2;
	v2 =	vadd.f32 v5, v4;
	v4 =	vld [tilespmem:s8+$0xFFFFFFD0]  }
0x492: {  	v5 =	vld [tilespmem:s23+$0xFFFFFF60];
	v1 =	vadd.f32 v1, v6  }
0x493: {  	[tilespmem:s8+$0x0] =	vst v2;
	v2 =	vld [tilespmem:s8+$0x10]  }
0x494: {  	v6 =	vld [tilespmem:s23+$0xFFFFFFA0];
	[tilespmem:s8+$0xFFFFFF80] =	vst v1;
	v0 =	vadd.f32 v3, v0  }
0x495: {  	v1 =	vld [tilespmem:s23+$0xFFFFFF20]  }
0x496: {  	[tilespmem:s8+$0x50] =	vst v0;
	v0 =	vld [tilespmem:s8+$0x60]  }
0x497: {  	v3 =	vadd.f32 v5, v4;
	v4 =	vld [tilespmem:s23+$0xFFFFFFF0]  }
0x498: {  	v5 =	vld [tilespmem:s8+$0xFFFFFFA0]  }
0x499: {  	[tilespmem:s8+$0xFFFFFFD0] =	vst v3;
	v2 =	vadd.f32 v6, v2;
	v3 =	vld [tilespmem:s8+$0xFFFFFFE0]  }
0x49a: {  	v6 =	vld [tilespmem:s23+$0xFFFFFF70];
	v1 =	vadd.f32 v1, v7  }
0x49b: {  	[tilespmem:s8+$0x10] =	vst v2;
	v2 =	vld [tilespmem:s8+$0x20]  }
0x49c: {  	v7 =	vld [tilespmem:s23+$0xFFFFFFB0];
	[tilespmem:s8+$0xFFFFFF90] =	vst v1;
	v0 =	vadd.f32 v4, v0  }
0x49d: {  	v4 =	vld [tilespmem:s23+$0xFFFFFF30]  }
0x49e: {  	v8 =	vld [tilespmem:s8+$0x70];
	[tilespmem:s8+$0x60] =	vst v0  }
0x49f: {  	v1 =	vadd.f32 v6, v3;
	v6 =	vld [tilespmem:s23+$0x0]  }
0x4a0: {  	v0 =	vld [tilespmem:s8+$0xFFFFFFB0]  }
0x4a1: {  	[tilespmem:s8+$0xFFFFFFE0] =	vst v1;
	v2 =	vadd.f32 v7, v2;
	v1 =	vld [tilespmem:s8+$0xFFFFFFF0]  }
0x4a2: {  	v3 =	vld [tilespmem:s23+$0xFFFFFF80];
	v4 =	vadd.f32 v4, v5  }
0x4a3: {  	[tilespmem:s8+$0x20] =	vst v2;
	v2 =	vld [tilespmem:s8+$0x30]  }
0x4a4: {  	[tilespmem:s8+$0xFFFFFFA0] =	vst v4;
	v4 =	vld [tilespmem:s23+$0xFFFFFFC0];
	v6 =	vadd.f32 v6, v8  }
0x4a5: {  	s17 =	simm.s32 $0x0;
	s11 =	simm.s32 $0x1DC0;
	v5 =	vld [tilespmem:s23+$0xFFFFFF40]  }
.LBB2_29:
0x4a6: {  	v7 =	vld [tilespmem:s11+$0x40];
	[tilespmem:s8+$0x70] =	vst v6;
	s23 =	sadd.s32 $0x100, s23  }
0x4a7: {  	s17 =	sadd.s32 $0x4, s17;
	v6 =	vld [tilespmem:s23+$0xFFFFFFD0];
	v1 =	vadd.f32 v3, v1  }
0x4a8: {  	p0 =	slt.u32 s17, $0x60;
	v3 =	vld [tilespmem:s23+$0xFFFFFF10]  }
0x4a9: {  	v8 =	vld [tilespmem:s11+$0xFFFFFFC0];
	[tilespmem:s8+$0xFFFFFFF0] =	vst v1;
	v1 =	vadd.f32 v4, v2  }
0x4aa: {  	v2 =	vld [tilespmem:s23+$0xFFFFFF50];
	v0 =	vadd.f32 v5, v0  }
0x4ab: {  	v4 =	vld [tilespmem:s11+$0x0];
	[tilespmem:s8+$0x30] =	vst v1  }
0x4ac: {  	v1 =	vld [tilespmem:s23+$0xFFFFFF90];
	v5 =	vadd.f32 v6, v7;
	[tilespmem:s8+$0xFFFFFFB0] =	vst v0;
	s8 =	smov.u32 s11  }
0x4ad: {  	v0 =	vld [tilespmem:s11+$0xFFFFFF80]  }
0x4ae: {  	[tilespmem:s11+$0x40] =	vst v5;
	v5 =	vld [tilespmem:s11+$0x50]  }
0x4af: {  	v2 =	vadd.f32 v2, v8;
	v6 =	vld [tilespmem:s23+$0xFFFFFFE0]  }
0x4b0: {  	v7 =	vld [tilespmem:s11+$0xFFFFFF90]  }
0x4b1: {  	[tilespmem:s11+$0xFFFFFFC0] =	vst v2;
	v2 =	vld [tilespmem:s11+$0xFFFFFFD0];
	v1 =	vadd.f32 v1, v4  }
0x4b2: {  	v0 =	vadd.f32 v3, v0;
	v3 =	vld [tilespmem:s23+$0xFFFFFF60]  }
0x4b3: {  	[tilespmem:s11+$0x0] =	vst v1;
	v1 =	vld [tilespmem:s11+$0x10]  }
0x4b4: {  	[tilespmem:s11+$0xFFFFFF80] =	vst v0;
	v0 =	vld [tilespmem:s23+$0xFFFFFFA0];
	v4 =	vadd.f32 v6, v5  }
0x4b5: {  	v5 =	vld [tilespmem:s23+$0xFFFFFF20]  }
0x4b6: {  	[tilespmem:s11+$0x50] =	vst v4;
	v4 =	vld [tilespmem:s11+$0x60]  }
0x4b7: {  	v2 =	vadd.f32 v3, v2;
	v3 =	vld [tilespmem:s23+$0xFFFFFFF0]  }
0x4b8: {  	v6 =	vld [tilespmem:s11+$0xFFFFFFA0]  }
0x4b9: {  	[tilespmem:s11+$0xFFFFFFD0] =	vst v2;
	v2 =	vld [tilespmem:s11+$0xFFFFFFE0];
	v0 =	vadd.f32 v0, v1  }
0x4ba: {  	v1 =	vadd.f32 v5, v7;
	v5 =	vld [tilespmem:s23+$0xFFFFFF70]  }
0x4bb: {  	[tilespmem:s11+$0x10] =	vst v0;
	v7 =	vld [tilespmem:s11+$0x20]  }
0x4bc: {  	[tilespmem:s11+$0xFFFFFF90] =	vst v1;
	v8 =	vld [tilespmem:s23+$0xFFFFFFB0];
	v0 =	vadd.f32 v3, v4  }
0x4bd: {  	v3 =	vld [tilespmem:s23+$0xFFFFFF30]  }
0x4be: {  	[tilespmem:s11+$0x60] =	vst v0;
	v9 =	vld [tilespmem:s11+$0x70]  }
0x4bf: {  	v1 =	vadd.f32 v5, v2;
	v5 =	vld [tilespmem:s23+$0x0]  }
0x4c0: {  	v0 =	vld [tilespmem:s11+$0xFFFFFFB0]  }
.Ltmp13:
0x4c1: {  	[tilespmem:s11+$0xFFFFFFE0] =	vst v1;
	v1 =	vld [tilespmem:s11+$0xFFFFFFF0];
	v2 =	vadd.f32 v8, v7;
	(pc) =	sbr.rel @p0 .LBB2_29-.Ltmp13, $4  }
0x4c2: {  	v4 =	vadd.f32 v3, v6;
	v3 =	vld [tilespmem:s23+$0xFFFFFF80]  }
0x4c3: {  	[tilespmem:s11+$0x20] =	vst v2;
	v2 =	vld [tilespmem:s11+$0x30]  }
0x4c4: {  	[tilespmem:s11+$0xFFFFFFA0] =	vst v4;
	v4 =	vld [tilespmem:s23+$0xFFFFFFC0];
	v6 =	vadd.f32 v5, v9  }
0x4c5: {  	s11 =	sadd.s32 $0x100, s11;
	v5 =	vld [tilespmem:s23+$0xFFFFFF40]  }
0x4c6: {  	_ =	sdelay $0x1  }
0x4c7: {  	v1 =	vadd.f32 v3, v1  }
0x4c8: {  	[tilespmem:s8+$0x70] =	vst v6;
	v2 =	vadd.f32 v4, v2  }
0x4c9: {  	[tilespmem:s8+$0xFFFFFFF0] =	vst v1;
	v0 =	vadd.f32 v5, v0  }
0x4ca: {  	[tilespmem:s8+$0x30] =	vst v2  }
0x4cb: {  	s11 =	sadd.s32 $0x1F40, s10;
	s17 =	simm.s32 $0x8;
	[tilespmem:s8+$0xFFFFFFB0] =	vst v0  }
0x4cc: {  	[hbm4b:s11+s19] =	stream.strided.scatter [tilespmem:s16], [sflag:$0xE], $0x1900, s20, s19, $0x38;
	[tilespmem:$0x9940] =	vst v63  }
0x4cd: {  	s5 =	sor.u32 $0x7, s5;
	_ =	swait.ge [sflag:s17], $0x68  }
0x4ce: {  	s5 =	smin.u32 s5, $0x1FFB;
	[sflag:s17] =	ssyncset.done $0x0  }
0x4cf: {  	s5 =	smul.u32 $0x68, s5;
	[sflag:s17] =	ssyncadd.s32 $0xFFFFFF98  }
0x4d0: {  	_ =	swait.ge [sflag:s26], $0x1900  }
0x4d1: {  	s5 =	sshrl.u32 s5, $0x3;
	[sflag:s26] =	ssyncset.done $0x0  }
0x4d2: {  	s23 =	simm.s32 $0x2D8;
	s5 =	sadd.s32 s1, s5;
	[sflag:s26] =	ssyncadd.s32 $0xFFFFE700  }
0x4d3: {  	[tilespmem:s30], [sflag:$0xC] =	stream.indirect.gather [hbm4b:s4+s12], $0x40, s23, s12, $0xb8;
	[tilespmem:$0x9940] =	vst v63  }
0x4d4: {  	s5 =	sadd.s32 $0x34, s5  }
0x4d5: {  	[tilespmem:s25], [sflag:$0x4] =	stream.linear.gather [hbm4b:s5+s2], $0x68, $0x38;
	[tilespmem:$0x9940] =	vst v63  }
0x4d6: {  	_ =	swait.ge [sflag:s0], $0x1900  }
0x4d7: {  	[sflag:s0] =	ssyncset.done $0x0  }
0x4d8: {  	s5 =	simm.s32 $0x35C0;
	[sflag:s0] =	ssyncadd.s32 $0xFFFFE700  }
0x4d9: {  	s8 =	simm.s32 $0x67C0;
	v0 =	vld [tilespmem:s5+$0x40]  }
0x4da: {  	v1 =	vld [tilespmem:s8+$0x40]  }
0x4db: {  	v2 =	vld [tilespmem:s5+$0xFFFFFFC0]  }
0x4dc: {  	v3 =	vld [tilespmem:s8+$0xFFFFFFC0]  }
0x4dd: {  	v4 =	vld [tilespmem:s5+$0x0]  }
0x4de: {  	v5 =	vld [tilespmem:s8+$0x0]  }
0x4df: {  	v6 =	vld [tilespmem:s5+$0xFFFFFF80];
	v0 =	vadd.f32 v1, v0  }
0x4e0: {  	v1 =	vld [tilespmem:s8+$0xFFFFFF80]  }
0x4e1: {  	[tilespmem:s5+$0x40] =	vst v0;
	v0 =	vld [tilespmem:s5+$0x50]  }
0x4e2: {  	v2 =	vadd.f32 v3, v2;
	v3 =	vld [tilespmem:s8+$0x50]  }
0x4e3: {  	v7 =	vld [tilespmem:s5+$0xFFFFFF90]  }
0x4e4: {  	[tilespmem:s5+$0xFFFFFFC0] =	vst v2;
	v2 =	vadd.f32 v5, v4;
	v4 =	vld [tilespmem:s5+$0xFFFFFFD0]  }
0x4e5: {  	v5 =	vld [tilespmem:s8+$0xFFFFFFD0];
	v1 =	vadd.f32 v1, v6  }
0x4e6: {  	[tilespmem:s5+$0x0] =	vst v2;
	v2 =	vld [tilespmem:s5+$0x10]  }
0x4e7: {  	v6 =	vld [tilespmem:s8+$0x10];
	[tilespmem:s5+$0xFFFFFF80] =	vst v1;
	v0 =	vadd.f32 v3, v0  }
0x4e8: {  	v1 =	vld [tilespmem:s8+$0xFFFFFF90]  }
0x4e9: {  	[tilespmem:s5+$0x50] =	vst v0;
	v0 =	vld [tilespmem:s5+$0x60]  }
0x4ea: {  	v3 =	vadd.f32 v5, v4;
	v4 =	vld [tilespmem:s8+$0x60]  }
0x4eb: {  	v5 =	vld [tilespmem:s5+$0xFFFFFFA0]  }
0x4ec: {  	[tilespmem:s5+$0xFFFFFFD0] =	vst v3;
	v2 =	vadd.f32 v6, v2;
	v3 =	vld [tilespmem:s5+$0xFFFFFFE0]  }
0x4ed: {  	v6 =	vld [tilespmem:s8+$0xFFFFFFE0];
	v1 =	vadd.f32 v1, v7  }
0x4ee: {  	[tilespmem:s5+$0x10] =	vst v2;
	v2 =	vld [tilespmem:s5+$0x20]  }
0x4ef: {  	v7 =	vld [tilespmem:s8+$0x20];
	[tilespmem:s5+$0xFFFFFF90] =	vst v1;
	v0 =	vadd.f32 v4, v0  }
0x4f0: {  	v4 =	vld [tilespmem:s8+$0xFFFFFFA0]  }
0x4f1: {  	v8 =	vld [tilespmem:s5+$0x70];
	[tilespmem:s5+$0x60] =	vst v0  }
0x4f2: {  	v1 =	vadd.f32 v6, v3;
	v6 =	vld [tilespmem:s8+$0x70]  }
0x4f3: {  	v0 =	vld [tilespmem:s5+$0xFFFFFFB0]  }
0x4f4: {  	[tilespmem:s5+$0xFFFFFFE0] =	vst v1;
	v2 =	vadd.f32 v7, v2;
	v1 =	vld [tilespmem:s5+$0xFFFFFFF0]  }
0x4f5: {  	v3 =	vld [tilespmem:s8+$0xFFFFFFF0];
	v4 =	vadd.f32 v4, v5  }
0x4f6: {  	[tilespmem:s5+$0x20] =	vst v2;
	v2 =	vld [tilespmem:s5+$0x30]  }
0x4f7: {  	[tilespmem:s5+$0xFFFFFFA0] =	vst v4;
	v4 =	vld [tilespmem:s8+$0x30];
	v6 =	vadd.f32 v6, v8  }
0x4f8: {  	s10 =	simm.s32 $0x0;
	s11 =	simm.s32 $0x36C0;
	v5 =	vld [tilespmem:s8+$0xFFFFFFB0]  }
.LBB2_31:
0x4f9: {  	v7 =	vld [tilespmem:s11+$0x40];
	[tilespmem:s5+$0x70] =	vst v6;
	s8 =	sadd.s32 $0x100, s8  }
0x4fa: {  	s10 =	sadd.s32 $0x4, s10;
	v6 =	vld [tilespmem:s8+$0x40];
	v1 =	vadd.f32 v3, v1  }
0x4fb: {  	p0 =	slt.u32 s10, $0x60;
	v3 =	vld [tilespmem:s8+$0xFFFFFF80]  }
0x4fc: {  	v8 =	vld [tilespmem:s11+$0xFFFFFFC0];
	[tilespmem:s5+$0xFFFFFFF0] =	vst v1;
	v1 =	vadd.f32 v4, v2  }
0x4fd: {  	v2 =	vld [tilespmem:s8+$0xFFFFFFC0];
	v0 =	vadd.f32 v5, v0  }
0x4fe: {  	v4 =	vld [tilespmem:s11+$0x0];
	[tilespmem:s5+$0x30] =	vst v1  }
0x4ff: {  	v1 =	vld [tilespmem:s8+$0x0];
	v5 =	vadd.f32 v6, v7;
	[tilespmem:s5+$0xFFFFFFB0] =	vst v0;
	s5 =	smov.u32 s11  }
0x500: {  	v0 =	vld [tilespmem:s11+$0xFFFFFF80]  }
0x501: {  	[tilespmem:s11+$0x40] =	vst v5;
	v5 =	vld [tilespmem:s11+$0x50]  }
0x502: {  	v2 =	vadd.f32 v2, v8;
	v6 =	vld [tilespmem:s8+$0x50]  }
0x503: {  	v7 =	vld [tilespmem:s11+$0xFFFFFF90]  }
0x504: {  	[tilespmem:s11+$0xFFFFFFC0] =	vst v2;
	v2 =	vld [tilespmem:s11+$0xFFFFFFD0];
	v1 =	vadd.f32 v1, v4  }
0x505: {  	v0 =	vadd.f32 v3, v0;
	v3 =	vld [tilespmem:s8+$0xFFFFFFD0]  }
0x506: {  	[tilespmem:s11+$0x0] =	vst v1;
	v1 =	vld [tilespmem:s11+$0x10]  }
0x507: {  	[tilespmem:s11+$0xFFFFFF80] =	vst v0;
	v0 =	vld [tilespmem:s8+$0x10];
	v4 =	vadd.f32 v6, v5  }
0x508: {  	v5 =	vld [tilespmem:s8+$0xFFFFFF90]  }
0x509: {  	[tilespmem:s11+$0x50] =	vst v4;
	v4 =	vld [tilespmem:s11+$0x60]  }
0x50a: {  	v2 =	vadd.f32 v3, v2;
	v3 =	vld [tilespmem:s8+$0x60]  }
0x50b: {  	v6 =	vld [tilespmem:s11+$0xFFFFFFA0]  }
0x50c: {  	[tilespmem:s11+$0xFFFFFFD0] =	vst v2;
	v2 =	vld [tilespmem:s11+$0xFFFFFFE0];
	v0 =	vadd.f32 v0, v1  }
0x50d: {  	v1 =	vadd.f32 v5, v7;
	v5 =	vld [tilespmem:s8+$0xFFFFFFE0]  }
0x50e: {  	[tilespmem:s11+$0x10] =	vst v0;
	v7 =	vld [tilespmem:s11+$0x20]  }
0x50f: {  	[tilespmem:s11+$0xFFFFFF90] =	vst v1;
	v8 =	vld [tilespmem:s8+$0x20];
	v0 =	vadd.f32 v3, v4  }
0x510: {  	v3 =	vld [tilespmem:s8+$0xFFFFFFA0]  }
0x511: {  	[tilespmem:s11+$0x60] =	vst v0;
	v9 =	vld [tilespmem:s11+$0x70]  }
0x512: {  	v1 =	vadd.f32 v5, v2;
	v5 =	vld [tilespmem:s8+$0x70]  }
0x513: {  	v0 =	vld [tilespmem:s11+$0xFFFFFFB0]  }
.Ltmp14:
0x514: {  	[tilespmem:s11+$0xFFFFFFE0] =	vst v1;
	v1 =	vld [tilespmem:s11+$0xFFFFFFF0];
	v2 =	vadd.f32 v8, v7;
	(pc) =	sbr.rel @p0 .LBB2_31-.Ltmp14, $4  }
0x515: {  	v4 =	vadd.f32 v3, v6;
	v3 =	vld [tilespmem:s8+$0xFFFFFFF0]  }
0x516: {  	[tilespmem:s11+$0x20] =	vst v2;
	v2 =	vld [tilespmem:s11+$0x30]  }
0x517: {  	[tilespmem:s11+$0xFFFFFFA0] =	vst v4;
	v4 =	vld [tilespmem:s8+$0x30];
	v6 =	vadd.f32 v5, v9  }
0x518: {  	s11 =	sadd.s32 $0x100, s11;
	v5 =	vld [tilespmem:s8+$0xFFFFFFB0]  }
0x519: {  	_ =	sdelay $0x1  }
0x51a: {  	v1 =	vadd.f32 v3, v1  }
0x51b: {  	[tilespmem:s5+$0x70] =	vst v6;
	s31 =	sadd.s32 $0x1, s31;
	v2 =	vadd.f32 v4, v2  }
0x51c: {  	p0 =	sne.s32 s31, $0x20;
	[tilespmem:s5+$0xFFFFFFF0] =	vst v1;
	v0 =	vadd.f32 v5, v0  }
.Ltmp15:
0x51d: {  	[tilespmem:s5+$0x30] =	vst v2;
	(pc) =	sbr.rel @p0 .LBB2_16-.Ltmp15, $4  }
0x51e: {  	[tilespmem:s5+$0xFFFFFFB0] =	vst v0  }
0x51f: {  	s5 =	rddreg [dreg:$0x16]  }
0x520: {  	s11 =	simm.s32 $0x1;
	s5 =	sadd.s32 s5, s9  }
0x521: {  	[hbm4b:s5+s19] =	stream.strided.scatter [tilespmem:s22], [sflag:$0xF], $0x1900, s20, s19, $0x38;
	[tilespmem:$0x9940] =	vst v63  }
0x522: {  	_ =	swait.ge [sflag:s7], $0x1900  }
0x523: {  	[sflag:s7] =	ssyncset.done $0x0  }
0x524: {  	s5 =	simm.s32 $0x4EC0;
	[sflag:s7] =	ssyncadd.s32 $0xFFFFE700  }
0x525: {  	s8 =	simm.s32 $0x8130;
	v0 =	vld [tilespmem:s5+$0x40]  }
0x526: {  	v1 =	vld [tilespmem:s8+$0xFFFFFFD0]  }
0x527: {  	v2 =	vld [tilespmem:s5+$0xFFFFFFC0]  }
0x528: {  	v3 =	vld [tilespmem:s8+$0xFFFFFF50]  }
0x529: {  	v4 =	vld [tilespmem:s5+$0x0]  }
0x52a: {  	v5 =	vld [tilespmem:s8+$0xFFFFFF90]  }
0x52b: {  	v6 =	vld [tilespmem:s5+$0xFFFFFF80];
	v0 =	vadd.f32 v1, v0  }
0x52c: {  	v1 =	vld [tilespmem:s8+$0xFFFFFF10]  }
0x52d: {  	[tilespmem:s5+$0x40] =	vst v0;
	v0 =	vld [tilespmem:s5+$0x50]  }
0x52e: {  	v2 =	vadd.f32 v3, v2;
	v3 =	vld [tilespmem:s8+$0xFFFFFFE0]  }
0x52f: {  	v7 =	vld [tilespmem:s5+$0xFFFFFF90]  }
0x530: {  	[tilespmem:s5+$0xFFFFFFC0] =	vst v2;
	v2 =	vadd.f32 v5, v4;
	v4 =	vld [tilespmem:s5+$0xFFFFFFD0]  }
0x531: {  	v5 =	vld [tilespmem:s8+$0xFFFFFF60];
	v1 =	vadd.f32 v1, v6  }
0x532: {  	[tilespmem:s5+$0x0] =	vst v2;
	v2 =	vld [tilespmem:s5+$0x10]  }
0x533: {  	v6 =	vld [tilespmem:s8+$0xFFFFFFA0];
	[tilespmem:s5+$0xFFFFFF80] =	vst v1;
	v0 =	vadd.f32 v3, v0  }
0x534: {  	v1 =	vld [tilespmem:s8+$0xFFFFFF20]  }
0x535: {  	[tilespmem:s5+$0x50] =	vst v0;
	v0 =	vld [tilespmem:s5+$0x60]  }
0x536: {  	v3 =	vadd.f32 v5, v4;
	v4 =	vld [tilespmem:s8+$0xFFFFFFF0]  }
0x537: {  	v5 =	vld [tilespmem:s5+$0xFFFFFFA0]  }
0x538: {  	[tilespmem:s5+$0xFFFFFFD0] =	vst v3;
	v2 =	vadd.f32 v6, v2;
	v3 =	vld [tilespmem:s5+$0xFFFFFFE0]  }
0x539: {  	v6 =	vld [tilespmem:s8+$0xFFFFFF70];
	v1 =	vadd.f32 v1, v7  }
0x53a: {  	[tilespmem:s5+$0x10] =	vst v2;
	v2 =	vld [tilespmem:s5+$0x20]  }
0x53b: {  	v7 =	vld [tilespmem:s8+$0xFFFFFFB0];
	[tilespmem:s5+$0xFFFFFF90] =	vst v1;
	v0 =	vadd.f32 v4, v0  }
0x53c: {  	v4 =	vld [tilespmem:s8+$0xFFFFFF30]  }
0x53d: {  	v8 =	vld [tilespmem:s5+$0x70];
	[tilespmem:s5+$0x60] =	vst v0  }
0x53e: {  	v1 =	vadd.f32 v6, v3;
	v6 =	vld [tilespmem:s8+$0x0]  }
0x53f: {  	v0 =	vld [tilespmem:s5+$0xFFFFFFB0]  }
0x540: {  	[tilespmem:s5+$0xFFFFFFE0] =	vst v1;
	v2 =	vadd.f32 v7, v2;
	v1 =	vld [tilespmem:s5+$0xFFFFFFF0]  }
0x541: {  	v3 =	vld [tilespmem:s8+$0xFFFFFF80];
	v4 =	vadd.f32 v4, v5  }
0x542: {  	[tilespmem:s5+$0x20] =	vst v2;
	v2 =	vld [tilespmem:s5+$0x30]  }
0x543: {  	[tilespmem:s5+$0xFFFFFFA0] =	vst v4;
	v4 =	vld [tilespmem:s8+$0xFFFFFFC0];
	v6 =	vadd.f32 v6, v8  }
0x544: {  	s9 =	simm.s32 $0x0;
	s10 =	simm.s32 $0x4FC0;
	v5 =	vld [tilespmem:s8+$0xFFFFFF40]  }
.LBB2_34:
0x545: {  	v7 =	vld [tilespmem:s10+$0x40];
	[tilespmem:s5+$0x70] =	vst v6;
	s8 =	sadd.s32 $0x100, s8  }
0x546: {  	s9 =	sadd.s32 $0x4, s9;
	v6 =	vld [tilespmem:s8+$0xFFFFFFD0];
	v1 =	vadd.f32 v3, v1  }
0x547: {  	p0 =	slt.u32 s9, $0x60;
	v3 =	vld [tilespmem:s8+$0xFFFFFF10]  }
0x548: {  	v8 =	vld [tilespmem:s10+$0xFFFFFFC0];
	[tilespmem:s5+$0xFFFFFFF0] =	vst v1;
	v1 =	vadd.f32 v4, v2  }
0x549: {  	v2 =	vld [tilespmem:s8+$0xFFFFFF50];
	v0 =	vadd.f32 v5, v0  }
0x54a: {  	v4 =	vld [tilespmem:s10+$0x0];
	[tilespmem:s5+$0x30] =	vst v1  }
0x54b: {  	v1 =	vld [tilespmem:s8+$0xFFFFFF90];
	v5 =	vadd.f32 v6, v7;
	[tilespmem:s5+$0xFFFFFFB0] =	vst v0;
	s5 =	smov.u32 s10  }
0x54c: {  	v0 =	vld [tilespmem:s10+$0xFFFFFF80]  }
0x54d: {  	[tilespmem:s10+$0x40] =	vst v5;
	v5 =	vld [tilespmem:s10+$0x50]  }
0x54e: {  	v2 =	vadd.f32 v2, v8;
	v6 =	vld [tilespmem:s8+$0xFFFFFFE0]  }
0x54f: {  	v7 =	vld [tilespmem:s10+$0xFFFFFF90]  }
0x550: {  	[tilespmem:s10+$0xFFFFFFC0] =	vst v2;
	v2 =	vld [tilespmem:s10+$0xFFFFFFD0];
	v1 =	vadd.f32 v1, v4  }
0x551: {  	v0 =	vadd.f32 v3, v0;
	v3 =	vld [tilespmem:s8+$0xFFFFFF60]  }
0x552: {  	[tilespmem:s10+$0x0] =	vst v1;
	v1 =	vld [tilespmem:s10+$0x10]  }
0x553: {  	[tilespmem:s10+$0xFFFFFF80] =	vst v0;
	v0 =	vld [tilespmem:s8+$0xFFFFFFA0];
	v4 =	vadd.f32 v6, v5  }
0x554: {  	v5 =	vld [tilespmem:s8+$0xFFFFFF20]  }
0x555: {  	[tilespmem:s10+$0x50] =	vst v4;
	v4 =	vld [tilespmem:s10+$0x60]  }
0x556: {  	v2 =	vadd.f32 v3, v2;
	v3 =	vld [tilespmem:s8+$0xFFFFFFF0]  }
0x557: {  	v6 =	vld [tilespmem:s10+$0xFFFFFFA0]  }
0x558: {  	[tilespmem:s10+$0xFFFFFFD0] =	vst v2;
	v2 =	vld [tilespmem:s10+$0xFFFFFFE0];
	v0 =	vadd.f32 v0, v1  }
0x559: {  	v1 =	vadd.f32 v5, v7;
	v5 =	vld [tilespmem:s8+$0xFFFFFF70]  }
0x55a: {  	[tilespmem:s10+$0x10] =	vst v0;
	v7 =	vld [tilespmem:s10+$0x20]  }
0x55b: {  	[tilespmem:s10+$0xFFFFFF90] =	vst v1;
	v8 =	vld [tilespmem:s8+$0xFFFFFFB0];
	v0 =	vadd.f32 v3, v4  }
0x55c: {  	v3 =	vld [tilespmem:s8+$0xFFFFFF30]  }
0x55d: {  	[tilespmem:s10+$0x60] =	vst v0;
	v9 =	vld [tilespmem:s10+$0x70]  }
0x55e: {  	v1 =	vadd.f32 v5, v2;
	v5 =	vld [tilespmem:s8+$0x0]  }
0x55f: {  	v0 =	vld [tilespmem:s10+$0xFFFFFFB0]  }
.Ltmp16:
0x560: {  	[tilespmem:s10+$0xFFFFFFE0] =	vst v1;
	v1 =	vld [tilespmem:s10+$0xFFFFFFF0];
	v2 =	vadd.f32 v8, v7;
	(pc) =	sbr.rel @p0 .LBB2_34-.Ltmp16, $4  }
0x561: {  	v4 =	vadd.f32 v3, v6;
	v3 =	vld [tilespmem:s8+$0xFFFFFF80]  }
0x562: {  	[tilespmem:s10+$0x20] =	vst v2;
	v2 =	vld [tilespmem:s10+$0x30]  }
0x563: {  	[tilespmem:s10+$0xFFFFFFA0] =	vst v4;
	v4 =	vld [tilespmem:s8+$0xFFFFFFC0];
	v6 =	vadd.f32 v5, v9  }
0x564: {  	s10 =	sadd.s32 $0x100, s10;
	v5 =	vld [tilespmem:s8+$0xFFFFFF40]  }
0x565: {  	_ =	sdelay $0x1  }
0x566: {  	v1 =	vadd.f32 v3, v1  }
0x567: {  	[tilespmem:s5+$0x70] =	vst v6;
	v2 =	vadd.f32 v4, v2  }
0x568: {  	[tilespmem:s5+$0xFFFFFFF0] =	vst v1;
	v0 =	vadd.f32 v5, v0  }
0x569: {  	[tilespmem:s5+$0x30] =	vst v2  }
0x56a: {  	[tilespmem:s5+$0xFFFFFFB0] =	vst v0  }
0x56b: {  	s5 =	rddreg [dreg:$0x12]  }
0x56c: {  	[hbm4b:s5+s19] =	stream.strided.scatter [tilespmem:s30], [sflag:$0x10], $0x1900, s20, s19, $0x38;
	[tilespmem:$0x9940] =	vst v63  }
0x56d: {  	_ =	swait.ge [sflag:s11], $0x68  }
0x56e: {  	[sflag:s11] =	ssyncset.done $0x0  }
0x56f: {  	[sflag:s11] =	ssyncadd.s32 $0xFFFFFF98  }
0x570: {  	_ =	swait.ge [sflag:s15], $0x68  }
0x571: {  	[sflag:s15] =	ssyncset.done $0x0  }
0x572: {  	[sflag:s15] =	ssyncadd.s32 $0xFFFFFF98  }
0x573: {  	_ =	swait.ge [sflag:s21], $0x68  }
0x574: {  	[sflag:s21] =	ssyncset.done $0x0  }
0x575: {  	[sflag:s21] =	ssyncadd.s32 $0xFFFFFF98  }
0x576: {  	_ =	swait.ge [sflag:s29], $0x68  }
0x577: {  	[sflag:s29] =	ssyncset.done $0x0  }
0x578: {  	[sflag:s29] =	ssyncadd.s32 $0xFFFFFF98  }
0x579: {  	_ =	swait.ge [sflag:s3], $0x1900  }
0x57a: {  	[sflag:s3] =	ssyncset.done $0x0  }
0x57b: {  	[sflag:s3] =	ssyncadd.s32 $0xFFFFE700  }
0x57c: {  	_ =	swait.ge [sflag:s24], $0x1900  }
0x57d: {  	[sflag:s24] =	ssyncset.done $0x0  }
0x57e: {  	[sflag:s24] =	ssyncadd.s32 $0xFFFFE700  }
0x57f: {  	_ =	swait.ge [sflag:s14], $0x1900  }
0x580: {  	[sflag:s14] =	ssyncset.done $0x0  }
0x581: {  	[sflag:s14] =	ssyncadd.s32 $0xFFFFE700  }
0x582: {  	_ =	swait.ge [sflag:s26], $0x1900  }
0x583: {  	s8 =	rddreg [dreg:$0x1d]  }
0x584: {  	s31 =	rddreg [dreg:$0x13];
	s8 =	sadd.s32 $0x1, s8  }
0x585: {  	p0 =	sne.s32 s8, s31  }
.Ltmp17:
0x586: {  	_ = 	snop;
	(pc) =	sbr.rel @p0 .LBB2_1-.Ltmp17, $3  }
0x587: {  	_ =	sdelay $0x1  }
0x588: {  	[sflag:s26] =	ssyncset.done $0x0  }
0x589: {  	[sflag:s26] =	ssyncadd.s32 $0xFFFFE700  }
0x58a: {  	_ =	sfence.sel $0x180000  }
0x58b: {  	[bflag:$0x0] =	sbarrier.arrive $0xFFFF  }
0x58c: {  	_ =	strace $0x9000004A  }
0x58d: {  	s0 =	stileid.u32;
	[bflag:$0x2] =	sbarrier.arrive $0xFFFF  }
0x58e: {  	p0 =	sne.s32 s0, $0x0;
	s0 =	rddreg [dreg:$0x2]  }
0x58f: {  	s0 =	sadd.s32 @!p0 $0x100000, s0  }
0x590: {  	[sflag:s0] =	ssyncadd.tile.s32 @!p0 $0x1;
	_ =	shalt  }
.Lfunc_end2:
_tile_overlayer_lowered:
.L_overlay_start_2:
0x591: {  	(tag) =	ssettag $0x2  }
0x592: {  	s0 =	rddreg [dreg:$0x0];
	s2 =	stileid.u32  }
0x593: {  	s1 =	rddreg [dreg:$0x1];
	p0 =	sne.s32 s2, $0x0  }
0x594: {  	s3 =	rddreg [dreg:$0x2];
	[bflag:$0x3] =	sbarrier.arrive $0xFFFF;
	s2 =	simm.s32 @!p0 $0x1C11  }
0x595: {  	[timem:s3], [sflag:s2] =	dma.local @!p0 [hbm:s0], s1  }
0x596: {  	s0 =	simm.s32 @!p0 $0x11  }
0x597: {  	_ =	swait.ge @!p0 [sflag:s0], s1  }
0x598: {  	s1 =	ssub.s32 @!p0 $0x0, s1;
	[sflag:s0] =	ssyncset.done @!p0 $0x0  }
0x599: {  	[sflag:s0] =	ssyncadd.s32 @!p0 s1  }
0x59a: {  	[bflag:$0x3] =	sbarrier.arrive $0xFFFF  }
0x59b: {  	_ =	shalt  }

// kernel: sparse-core-data-format-call.1.cloned.1.call-start
scs
called_computation.1_lowered:
.L_overlay_start_0:
0x0: {  	s2 =	sld [smem:$0x3FD9]  }
0x1: {  	s3 =	sld [smem:$0x3FFE];
	_ =	sdelay $0x1  }
0x2: {  	s1 =	srdreg.scid  }
0x3: {  	s0 =	sand.u32 $0x1, s1  }
0x4: {  	s18 =	sshll.u32 s0, $0xA;
	s2 =	sadd.s32 s3, s2  }
0x5: {  	s2 =	sadd.s32 s2, s18  }
0x6: {  	[smem:$0x3FC5] =	sst s2  }
0x7: {  	_ = 	snop  }
0x8: {  	s2 =	sld [smem:$0x3FC8];
	(tm) =	ssettm $0x1  }
0x9: {  	s19 =	sld [smem:$0x3FFB];
	_ =	sdelay $0x3  }
0xa: {  	_ =	strace s19  }
0xb: {  	s3 =	sld [smem:$0x3FFC];
	_ =	sdelay $0x3  }
0xc: {  	_ =	strace s3  }
0xd: {  	s3 =	sld [smem:$0x3FFD];
	_ =	sdelay $0x3  }
0xe: {  	_ =	strace s3  }
0xf: {  	_ =	strace $0x8FFFFFFF  }
0x10: {  	s20 =	sld [smem:$0x3FDB];
	_ =	sdelay $0x1  }
0x11: {  	s4 =	simm.s32 $_scs_section_size  }
0x12: {  	s5 =	simm.s32 $_size__tile_overlayer_lowered;
	s6 =	simm.s32 $_tile_overlayer_lowered  }
0x13: {  	s23 =	simm.s32 $0x1BFF;
	s22 =	sshll.u32 s6, $0x1;
	s3 =	sadd.s32 s4, s20  }
0x14: {  	s7 =	simm.s32 $0x0;
	s21 =	sshll.u32 s5, $0x1;
	s5 =	sadd.s32 s22, s3  }
0x15: {  	[timem:s7], [sflag:s23] =	dma.local [hbm:s5], s21  }
0x16: {  	_ =	swait.ge [sflag:s23], s21  }
0x17: {  	s4 =	ssub.s32 $0x0, s21;
	[sflag:s23] =	ssyncset.done $0x0  }
0x18: {  	[sflag:s23] =	ssyncadd.s32 s4;
	_ =	sdelay $0x1  }
0x19: {  	s24 =	simm.s32 $0x1B8B  }
0x1a: {  	_ =	swait.ge [sflag:s24], $0x1  }
0x1b: {  	[sflag:s24] =	ssyncset.done $0x0  }
0x1c: {  	s26 =	simm.s32 $0x1B8E;
	s25 =	sld [smem:$0x3FFE];
	[sflag:s24] =	ssyncadd.s32 $0xFFFFFFFF  }
0x1d: {  	s27 =	simm.s32 $execute0_lowered;
	[smem:$0x3FD2] =	sst s26  }
0x1e: {  	s5 =	sshll.u32 s27, $0x1;
	_ =	strace $0x80000046;
	[dreg:$0x1] =	wrdreg $0xFFFFFFFF  }
0x1f: {  	s28 =	simm.s32 $_size_execute0_lowered;
	s3 =	sadd.s32 s3, s5;
	[dreg:$0x0] =	wrdreg $0x0  }
0x20: {  	s5 =	sshll.u32 s28, $0x1;
	[dreg:$0x2] =	wrdreg s3  }
0x21: {  	[dreg:$0x3] =	wrdreg s5  }
0x22: {  	[dreg:$0x4] =	wrdreg $0xC0  }
0x23: {  	_ =	task [dreg:s7], $0x5FFFF  }
0x24: {  	[dreg:$0x1] =	wrdreg $0xFFFFFFFF  }
0x25: {  	[dreg:$0x0] =	wrdreg $0x60  }
0x26: {  	[dreg:$0x2] =	wrdreg s2  }
0x27: {  	[dreg:$0x3] =	wrdreg s25  }
0x28: {  	[dreg:$0x4] =	wrdreg $0x9  }
0x29: {  	_ =	task.clear_ibuf [dreg:s7], $0x5FFFF;
	_ =	strace $0x90000046  }
0x2a: {  	s29 =	simm.s32 $0x9;
	_ =	strace $0x80000048  }
0x2b: {  	_ =	swait.ge [sflag:s29], $0x1  }
0x2c: {  	[sflag:s29] =	ssyncadd.s32 $0xFFFFFFFF  }
0x2d: {  	_ =	strace $0x90000048  }
0x2e: {  	_ =	sfence  }
0x2f: {  	s30 =	sld [smem:$0x0];
	_ =	sdelay $0x2  }
0x30: {  	s31 =	sshll.u32 s1, $0xD;
	s1 =	sshrl.u32 s1, $0x2  }
0x31: {  	s3 =	sand.u32 $0x4000, s31;
	s1 =	sadd.s32 s1, s30  }
0x32: {  	s0 =	sor.u32 s3, s0;
	s1 =	sshll.u32 s1, $0x11  }
0x33: {  	s0 =	sor.u32 s1, s0  }
0x34: {  	s0 =	sadd.s32 $0x8F2B, s0  }
0x35: {  	[sflag:s0] =	ssyncadd.remote.s32 $0x1  }
0x36: {  	_ =	sfence.sel $0xFFFF  }
0x37: {  	[dreg:$0x0] =	wrdreg $0xFFFFFFFF;
	(pc) =	sbr.abs _section_cstart, $3  }
0x38: {  	[dreg:$0x1] =	wrdreg $0xFFFFFFFF  }
0x39: {  	_ =	task.clear_ibuf [dreg:s7], $0x2FFFF;
	_ =	strace $0x9FFFFFFF  }
0x3a: {  	(tm) =	ssettm $0x7FFFFFFF  }
0x3b: {  	_ =	shalt  }
tec
execute0_lowered:
.L_overlay_start_1:
0x0: {  	(tag) =	ssettag $0x1  }
0x1: {  	s0 =	srdreg.scid;
	s2 =	rddreg [dreg:$0x0]  }
0x2: {  	s5 =	rddreg [dreg:$0x1];
	s1 =	stileid.u32  }
0x3: {  	s4 =	simm.s32 $0x1;
	s6 =	simm.s32 $0x2;
	s15 =	simm.s32 $0x0  }
0x4: {  	p0 =	por $0x0, $0x0;
	s8 =	simm.s32 $0x80;
	s0 =	sshll.u32 s0, $0x4  }
0x5: {  	s14 =	simm.s32 $0x0;
	s9 =	simm.s32 $0x0;
	s3 =	sand.u32 $0x10, s0  }
.Ltmp0:
0x6: {  	s10 =	simm.s32 $0x0;
	s3 =	sor.u32 s1, s3;
	(pc) =	sbr.rel .LBB1_1-.Ltmp0, $4  }
0x7: {  	s0 =	rddreg [dreg:$0x2];
	_ =	strace $0x80000047;
	s3 =	sshll.u32 s3, $0x7  }
0x8: {  	s12 =	simm.s32 $0x0;
	[sflag:s4] =	ssyncpa.u1 $0x0;
	s7 =	ssub.s32 $0xF4200, s3  }
0x9: {  	s13 =	simm.s32 $0x0;
	[sflag:s6] =	ssyncpa.u1 $0x0;
	s6 =	sshrl.u32 s7, $0xC  }
0xa: {  	s5 =	sadd.s32 $0x1000, s5;
	s11 =	smov.u32 s3;
	s7 =	sadd.s32 $0x2, s6  }
.LBB1_5:
0xb: {  	p1 =	slt.u32 s13, $0x2  }
0xc: {  	s17 =	smov.u32 s15;
	p2 =	sgt.s32 @!p1 s15, $0xF41C0;
	s16 =	sshra.s32 @!p1 s15, $0x1F  }
0xd: {  	p3 =	sgt.s32 @!p1 s14, $0x40;
	s18 =	sshra.s32 @!p1 s14, $0x1F;
	p2 =	por !p2, p1  }
0xe: {  	s15 =	sand.u32 @!p1 s16, s15;
	p3 =	por !p3, p1;
	s16 =	smov.u32 s14  }
0xf: {  	s14 =	sand.u32 @!p1 s18, s14;
	s17 =	simm.s32 @p2 $0xF41C0;
	s16 =	simm.s32 @p3 $0x40  }
0x10: {  	s15 =	ssub.s32 @!p1 s17, s15;
	s14 =	ssub.s32 @!p1 s16, s14  }
0x11: {  	s18 =	smov.u32 s12;
	s16 =	sadd.s32 @!p1 $0xFFF0BE40, s15;
	s17 =	sadd.s32 @!p1 $0xFFFFFFC0, s14  }
0x12: {  	s15 =	ssub.s32 @!p1 $0xF4240, s15;
	p2 =	sgt.s32 @!p1 s16, $0x7F;
	p3 =	sgt.s32 @!p1 s17, $0x3F  }
0x13: {  	s14 =	ssub.s32 @!p1 $0x80, s14;
	p2 =	por !p2, p1;
	p3 =	por !p3, p1  }
0x14: {  	s16 =	sadd.s32 $0x1000, s11;
	s15 =	simm.s32 @!p2 $0x0;
	s14 =	simm.s32 @!p3 $0x0  }
0x15: {  	p2 =	sgt.s32 s16, $0xF423F;
	s14 =	smul.u32 @!p1 s14, s15;
	s15 =	sadd.s32 $0x40, s12  }
0x16: {  	s18 =	smov.u32 @p2 s15  }
0x17: {  	s16 =	smov.u32 @p2 s3;
	p2 =	sgt.s32 s18, $0x3F  }
0x18: {  	s18 =	simm.s32 @p2 $0x0;
	p2 =	sne.s32 s13, s7  }
.Ltmp1:
0x19: {  	p0 =	por !p0, !p0;
	s17 =	simm.s32 @!p1 $0x2;
	(pc) =	sbr.rel @!p2 .LBB1_6-.Ltmp1, $4  }
0x1a: {  	s15 =	smov.u32 s9;
	s9 =	smov.u32 s11;
	s14 =	sand.u32 @!p1 $0x3FFFFFFF, s14  }
0x1b: {  	s11 =	smov.u32 s16;
	_ =	swait.ge @!p1 [sflag:s17], s14;
	s19 =	ssub.s32 @!p1 $0x0, s14  }
0x1c: {  	s14 =	smov.u32 s10;
	s13 =	sadd.s32 $0x1, s13;
	[sflag:s17] =	ssyncset.done @!p1 $0x0  }
0x1d: {  	s10 =	smov.u32 s12;
	s12 =	smov.u32 s18;
	[sflag:s17] =	ssyncadd.s32 @!p1 s19  }
.LBB1_1:
0x1e: {  	p1 =	sgt.u32 s13, s6  }
0x1f: {  	s16 =	sshrl.u32 @!p1 s12, $0x3  }
0x20: {  	s17 =	sshll.u32 @!p1 s11, $0x3;
	s16 =	smul.u32 @!p1 $0x7A1400, s16  }
0x21: {  	s18 =	sshll.u32 @!p1 s12, $0x7;
	s17 =	sand.u32 @!p1 $0xFFFFFC00, s17  }
0x22: {  	s16 =	sadd.s32 @!p1 s16, s17;
	s17 =	sand.u32 @!p1 $0x380, s18  }
0x23: {  	s18 =	sand.u32 @!p1 $0x7F, s11;
	s16 =	sor.u32 @!p1 s17, s16  }
0x24: {  	s17 =	sor.u32 @!p1 s18, s16  }
0x25: {  	s18 =	smulhi.u32 @!p1 $0x218D6287, s17;
	_ =	sdelay $0x1  }
0x26: {  	s16 =	smulhi.u32 @!p1 $0x218D6287, s16;
	s18 =	sshrl.u32 @!p1 s18, $0x11  }
0x27: {  	s18 =	smul.u32 @!p1 $0xF4280, s18  }
0x28: {  	s19 =	sxor.u32 @!p1 $0xFFFFFFFF, s13;
	s16 =	sshrl.u32 @!p1 s16, $0x11  }
0x29: {  	s19 =	sshll.u32 @!p1 s19, $0xD;
	s16 =	sand.u32 @!p1 $0x3F, s16;
	s17 =	ssub.s32 @!p1 s17, s18  }
0x2a: {  	s16 =	smul.u32 @!p1 $0x1E850, s16;
	s18 =	sshrl.u32 @!p1 s17, $0x3;
	s17 =	sand.u32 @!p1 $0x7, s17  }
0x2b: {  	s19 =	sand.u32 @!p1 $0x2000, s19;
	s18 =	sadd.s32 @!p1 s2, s18;
	s17 =	sshll.u32 @!p1 s17, $0x12  }
0x2c: {  	s16 =	sadd.s32 @!p1 s16, s18;
	s17 =	sor.u32 @!p1 $0x400, s17;
	s18 =	simm.s32 @!p1 $0x7A1400  }
0x2d: {  	[tilespmem:s19], [sflag:$0x1] =	stream.strided.gather @!p1 [hbm4b:s16+s17], $0x2000, s18, s17, $0x38;
	[tilespmem:$0x8100] =	vst v63  }
0x2e: {  	p1 =	seq.s32 s13, $0x0  }
0x2f: {  	p2 =	sge.u32 @!p1 s13, s7  }
0x30: {  	p1 =	por p1, p2  }
.Ltmp2:
0x31: {  	_ = 	snop;
	(pc) =	sbr.rel @p1 .LBB1_5-.Ltmp2, $1  }
0x32: {  	_ =	sdelay $0x3  }
0x33: {  	s16 =	simm.s32 $0x1  }
0x34: {  	_ =	swait.ge [sflag:s4], $0x2000;
	s16 =	simm.s32 @!p0 $0x0  }
0x35: {  	[sflag:s4] =	ssyncset.done $0x0;
	s17 =	sshll.u32 s16, $0xD  }
0x36: {  	[sflag:s4] =	ssyncadd.s32 $0xFFFFE000;
	s17 =	sor.u32 $0x40, s17  }
0x37: {  	s16 =	smul.u32 $0x8200, s16;
	v0 =	vld [tilespmem:s17+$0x30]  }
0x38: {  	v1 =	vld [tilespmem:s17+$0xFFFFFFD0]  }
0x39: {  	s16 =	sshrl.u32 s16, $0x2;
	v5 =	vld [tilespmem:s17+$0xFFFFFFE0]  }
0x3a: {  	v6 =	vld [tilespmem:s17+$0xFFFFFFF0];
	s19 =	sor.u32 $0x4000, s16  }
0x3b: {  	s31 =	sand.u32 $0x1, s13;
	v4 =	vld [tilespmem:s17+$0x0];
	s18 =	sadd.s32 $0x0, s19  }
0x3c: {  	v3 =	vld [tilespmem:s17+$0x10];
	s16 =	smul.u32 $0x8200, s31;
	[tilespmem:s18+$0x1C70 ss:$0x41] =	vst.msk $0xffff, v0  }
0x3d: {  	v2 =	vld [tilespmem:s17+$0x20];
	[tilespmem:s18+$0x410 ss:$0x41] =	vst.msk $0xffff, v1  }
0x3e: {  	s16 =	sshrl.u32 s16, $0x2;
	v1 =	vld [tilespmem:s17+$0xFFFFFFC0];
	[tilespmem:s18+$0x820 ss:$0x41] =	vst.msk $0xffff, v5;
	s17 =	sadd.s32 $0x80, s17  }
0x3f: {  	s20 =	simm.s32 $0x4;
	s21 =	simm.s32 $0x8;
	s16 =	sor.u32 $0x4000, s16;
	[tilespmem:s18+$0xC30 ss:$0x41] =	vst.msk $0xffff, v6;
	v0 =	vld [tilespmem:s17+$0x30]  }
.LBB1_3:
0x40: {  	p1 =	sne.s32 s21, $0xFC;
	v5 =	vld [tilespmem:s17+$0xFFFFFFD0];
	[tilespmem:s18+$0x1040 ss:$0x41] =	vst.msk $0xffff, v4  }
0x41: {  	v6 =	vld [tilespmem:s17+$0xFFFFFFE0];
	[tilespmem:s18+$0x1450 ss:$0x41] =	vst.msk $0xffff, v3  }
0x42: {  	s22 =	sshra.s32 s20, $0x2;
	s20 =	smov.u32 s21;
	v7 =	vld [tilespmem:s17+$0xFFFFFFF0];
	[tilespmem:s18+$0x1860 ss:$0x41] =	vst.msk $0xffff, v2  }
.Ltmp3:
0x43: {  	v4 =	vld [tilespmem:s17+$0x0];
	[tilespmem:s18+$0x0 ss:$0x41] =	vst.msk $0xffff, v1;
	s18 =	sadd.s32 s22, s19;
	(pc) =	sbr.rel @p1 .LBB1_3-.Ltmp3, $4  }
0x44: {  	v3 =	vld [tilespmem:s17+$0x10];
	[tilespmem:s18+$0x1C70 ss:$0x41] =	vst.msk $0xffff, v0  }
0x45: {  	[tilespmem:s18+$0x410 ss:$0x41] =	vst.msk $0xffff, v5;
	v2 =	vld [tilespmem:s17+$0x20]  }
0x46: {  	v1 =	vld [tilespmem:s17+$0xFFFFFFC0];
	[tilespmem:s18+$0x820 ss:$0x41] =	vst.msk $0xffff, v6;
	s17 =	sadd.s32 $0x80, s17  }
0x47: {  	s21 =	sadd.s32 $0x4, s21;
	v0 =	vld [tilespmem:s17+$0x30];
	[tilespmem:s18+$0xC30 ss:$0x41] =	vst.msk $0xffff, v7  }
0x48: {  	s21 =	sshll.u32 s9, $0x7;
	s22 =	sshll.u32 s10, $0x3;
	s20 =	sshra.s32 s20, $0x2  }
0x49: {  	p1 =	sgt.s32 s9, $0xF41C0;
	s30 =	sshra.s32 s9, $0x1F;
	s25 =	sshra.s32 s10, $0x1F  }
0x4a: {  	v5 =	vld [tilespmem:s17+$0xFFFFFFD0];
	s28 =	sshrl.u32 s10, $0x3;
	s23 =	sand.u32 $0xFFFFFC00, s21;
	s22 =	sand.u32 $0xFFFFFC00, s22  }
0x4b: {  	[tilespmem:s18+$0x1040 ss:$0x41] =	vst.msk $0xffff, v4;
	v58 =	vld [tilespmem:s17+$0xFFFFFFE0];
	s21 =	sand.u32 $0x380, s21;
	s19 =	sadd.s32 s20, s19;
	s22 =	sadd.s32 s22, s23  }
0x4c: {  	v59 =	vld [tilespmem:s17+$0xFFFFFFF0];
	[tilespmem:s18+$0x1450 ss:$0x41] =	vst.msk $0xffff, v3;
	s29 =	sor.u32 s21, s22;
	s21 =	smov.u32 s9;
	s22 =	sand.u32 s30, s9  }
0x4d: {  	v60 =	vld [tilespmem:s17+$0x0];
	[tilespmem:s18+$0x1860 ss:$0x41] =	vst.msk $0xffff, v2;
	s30 =	sand.u32 $0x7, s10;
	s20 =	sshrl.u32 s29, $0x7;
	s21 =	simm.s32 @!p1 $0xF41C0  }
0x4e: {  	v61 =	vld [tilespmem:s17+$0x10];
	[tilespmem:s18+$0x0 ss:$0x41] =	vst.msk $0xffff, v1;
	p1 =	sgt.s32 s10, $0x40;
	s24 =	ssub.s32 s21, s22;
	s21 =	smov.u32 s10  }
0x4f: {  	v62 =	vld [tilespmem:s17+$0x20];
	[tilespmem:s19+$0x1C70 ss:$0x41] =	vst.msk $0xffff, v0;
	s31 =	smulhi.u32 $0x218DEF5, s20;
	s22 =	sand.u32 s25, s10;
	s21 =	simm.s32 @!p1 $0x40  }
0x50: {  	v63 =	vld [tilespmem:s17+$0xFFFFFFC0];
	[tilespmem:s19+$0x410 ss:$0x41] =	vst.msk $0xffff, v5;
	s26 =	sadd.s32 $0xFFF0BE40, s24;
	s17 =	ssub.s32 $0xF4240, s24;
	s21 =	ssub.s32 s21, s22  }
0x51: {  	[tilespmem:s19+$0x820 ss:$0x41] =	vst.msk $0xffff, v58;
	s23 =	sshrl.u32 s31, $0xD;
	p1 =	sgt.s32 s26, $0x7F;
	s27 =	sadd.s32 $0xFFFFFFC0, s21  }
0x52: {  	[tilespmem:s19+$0xC30 ss:$0x41] =	vst.msk $0xffff, v59;
	s23 =	smul.u32 $0xF4240, s23;
	s18 =	ssub.s32 $0x80, s21;
	p2 =	sgt.s32 s27, $0x3F  }
.Ltmp4:
0x53: {  	[tilespmem:s19+$0x1040 ss:$0x41] =	vst.msk $0xffff, v60;
	s17 =	simm.s32 @p1 $0x0;
	s18 =	simm.s32 @p2 $0x0;
	(pc) =	sbr.rel .LBB1_5-.Ltmp4, $4  }
0x54: {  	s29 =	sand.u32 $0xF, s28;
	[tilespmem:s19+$0x1450 ss:$0x41] =	vst.msk $0xffff, v61;
	s20 =	ssub.s32 s20, s23;
	s17 =	smul.u32 s18, s17  }
0x55: {  	[tilespmem:s19+$0x1860 ss:$0x41] =	vst.msk $0xffff, v62;
	s21 =	sshll.u32 s30, $0x12;
	s20 =	sshll.u32 s20, $0x4;
	s18 =	sadd.s32 s5, s29  }
0x56: {  	[tilespmem:s19+$0x0 ss:$0x41] =	vst.msk $0xffff, v63;
	s31 =	sor.u32 $0x40, s21;
	s18 =	sadd.s32 s20, s18;
	s17 =	sand.u32 $0x3FFFFFFF, s17  }
0x57: {  	[hbm4b:s18+s31] =	stream.strided.scatter [tilespmem:s16], [sflag:$0x2], s17, s8, s31, $0x18;
	[tilespmem:$0x8100] =	vst v63  }
.LBB1_6:
0x58: {  	_ =	sfence.sel $0x180000  }
0x59: {  	s2 =	simm.s32 $0x1;
	[bflag:$0x0] =	sbarrier.arrive $0xFFFF  }
0x5a: {  	s31 =	simm.s32 $0x2;
	[sflag:s2] =	ssyncpa.u1 $0x1  }
0x5b: {  	[sflag:s31] =	ssyncpa.u1 $0x1  }
0x5c: {  	p0 =	sne.s32 s1, $0x0;
	_ =	strace $0x90000047  }
0x5d: {  	s0 =	sadd.s32 @!p0 $0x100000, s0;
	[bflag:$0x2] =	sbarrier.arrive $0xFFFF  }
0x5e: {  	[sflag:s0] =	ssyncadd.tile.s32 @!p0 $0x1;
	_ =	shalt  }
.Lfunc_end1:
_tile_overlayer_lowered:
.L_overlay_start_2:
0x5f: {  	(tag) =	ssettag $0x2  }
0x60: {  	s0 =	rddreg [dreg:$0x0];
	s2 =	stileid.u32  }
0x61: {  	s1 =	rddreg [dreg:$0x1];
	p0 =	sne.s32 s2, $0x0  }
0x62: {  	s3 =	rddreg [dreg:$0x2];
	[bflag:$0x3] =	sbarrier.arrive $0xFFFF;
	s2 =	simm.s32 @!p0 $0x1C01  }
0x63: {  	[timem:s3], [sflag:s2] =	dma.local @!p0 [hbm:s0], s1  }
0x64: {  	s0 =	simm.s32 @!p0 $0x1  }
0x65: {  	_ =	swait.ge @!p0 [sflag:s0], s1  }
0x66: {  	s1 =	ssub.s32 @!p0 $0x0, s1;
	[sflag:s0] =	ssyncset.done @!p0 $0x0  }
0x67: {  	[sflag:s0] =	ssyncadd.s32 @!p0 s1  }
0x68: {  	[bflag:$0x3] =	sbarrier.arrive $0xFFFF  }
0x69: {  	_ =	shalt  }

// kernel: sparse-core-data-format-call.cloned.1.call-start
scs
called_computation_lowered:
.L_overlay_start_0:
0x0: {  	s2 =	sld [smem:$0x3FD9]  }
0x1: {  	s3 =	sld [smem:$0x3FFE];
	_ =	sdelay $0x1  }
0x2: {  	s1 =	srdreg.scid  }
0x3: {  	s0 =	sand.u32 $0x1, s1  }
0x4: {  	s18 =	sshll.u32 s0, $0xA;
	s2 =	sadd.s32 s3, s2  }
0x5: {  	s2 =	sadd.s32 s2, s18  }
0x6: {  	[smem:$0x3FC5] =	sst s2  }
0x7: {  	_ = 	snop  }
0x8: {  	s2 =	sld [smem:$0x3FD0];
	(tm) =	ssettm $0x1  }
0x9: {  	s19 =	sld [smem:$0x3FFB];
	_ =	sdelay $0x3  }
0xa: {  	_ =	strace s19  }
0xb: {  	s3 =	sld [smem:$0x3FFC];
	_ =	sdelay $0x3  }
0xc: {  	_ =	strace s3  }
0xd: {  	s3 =	sld [smem:$0x3FFD];
	_ =	sdelay $0x3  }
0xe: {  	_ =	strace s3  }
0xf: {  	_ =	strace $0x8FFFFFFF  }
0x10: {  	s20 =	sld [smem:$0x3FDB];
	_ =	sdelay $0x1  }
0x11: {  	s4 =	simm.s32 $_scs_section_size  }
0x12: {  	s5 =	simm.s32 $_size__tile_overlayer_lowered;
	s6 =	simm.s32 $_tile_overlayer_lowered  }
0x13: {  	s23 =	simm.s32 $0x1BFF;
	s22 =	sshll.u32 s6, $0x1;
	s3 =	sadd.s32 s4, s20  }
0x14: {  	s7 =	simm.s32 $0x0;
	s21 =	sshll.u32 s5, $0x1;
	s5 =	sadd.s32 s22, s3  }
0x15: {  	[timem:s7], [sflag:s23] =	dma.local [hbm:s5], s21  }
0x16: {  	_ =	swait.ge [sflag:s23], s21  }
0x17: {  	s4 =	ssub.s32 $0x0, s21;
	[sflag:s23] =	ssyncset.done $0x0  }
0x18: {  	[sflag:s23] =	ssyncadd.s32 s4;
	_ =	sdelay $0x1  }
0x19: {  	s24 =	simm.s32 $0x1B8B  }
0x1a: {  	_ =	swait.ge [sflag:s24], $0x1  }
0x1b: {  	[sflag:s24] =	ssyncset.done $0x0  }
0x1c: {  	s26 =	simm.s32 $0x1B8E;
	s25 =	sld [smem:$0x3FFE];
	[sflag:s24] =	ssyncadd.s32 $0xFFFFFFFF  }
0x1d: {  	s27 =	simm.s32 $execute0_lowered;
	[smem:$0x3FD2] =	sst s26  }
0x1e: {  	s5 =	sshll.u32 s27, $0x1;
	_ =	strace $0x8000004C;
	[dreg:$0x1] =	wrdreg $0xFFFFFFFF  }
0x1f: {  	s28 =	simm.s32 $_size_execute0_lowered;
	s3 =	sadd.s32 s3, s5;
	[dreg:$0x0] =	wrdreg $0x0  }
0x20: {  	s5 =	sshll.u32 s28, $0x1;
	[dreg:$0x2] =	wrdreg s3  }
0x21: {  	[dreg:$0x3] =	wrdreg s5  }
0x22: {  	[dreg:$0x4] =	wrdreg $0xC0  }
0x23: {  	_ =	task [dreg:s7], $0x5FFFF  }
0x24: {  	[dreg:$0x1] =	wrdreg $0xFFFFFFFF  }
0x25: {  	[dreg:$0x0] =	wrdreg $0x60  }
0x26: {  	[dreg:$0x2] =	wrdreg s25  }
0x27: {  	[dreg:$0x3] =	wrdreg s2  }
0x28: {  	[dreg:$0x4] =	wrdreg $0x9  }
0x29: {  	_ =	task.clear_ibuf [dreg:s7], $0x5FFFF;
	_ =	strace $0x9000004C  }
0x2a: {  	s29 =	simm.s32 $0x9;
	_ =	strace $0x8000004E  }
0x2b: {  	_ =	swait.ge [sflag:s29], $0x1  }
0x2c: {  	[sflag:s29] =	ssyncadd.s32 $0xFFFFFFFF  }
0x2d: {  	_ =	strace $0x9000004E  }
0x2e: {  	_ =	sfence  }
0x2f: {  	s30 =	sld [smem:$0x0];
	_ =	sdelay $0x2  }
0x30: {  	s31 =	sshll.u32 s1, $0xD;
	s1 =	sshrl.u32 s1, $0x2  }
0x31: {  	s3 =	sand.u32 $0x4000, s31;
	s1 =	sadd.s32 s1, s30  }
0x32: {  	s0 =	sor.u32 s3, s0;
	s1 =	sshll.u32 s1, $0x11  }
0x33: {  	s0 =	sor.u32 s1, s0  }
0x34: {  	s0 =	sadd.s32 $0x8F2B, s0  }
0x35: {  	[sflag:s0] =	ssyncadd.remote.s32 $0x1  }
0x36: {  	_ =	sfence.sel $0xFFFF  }
0x37: {  	[dreg:$0x0] =	wrdreg $0xFFFFFFFF;
	(pc) =	sbr.abs _section_cstart, $3  }
0x38: {  	[dreg:$0x1] =	wrdreg $0xFFFFFFFF  }
0x39: {  	_ =	task.clear_ibuf [dreg:s7], $0x2FFFF;
	_ =	strace $0x9FFFFFFF  }
0x3a: {  	(tm) =	ssettm $0x7FFFFFFF  }
0x3b: {  	_ =	shalt  }
tec
execute0_lowered:
.L_overlay_start_1:
0x0: {  	(tag) =	ssettag $0x1  }
0x1: {  	s0 =	srdreg.scid  }
0x2: {  	s1 =	sshll.u32 s0, $0x4  }
0x3: {  	s0 =	stileid.u32;
	s1 =	sand.u32 $0x10, s1  }
0x4: {  	s1 =	sor.u32 s0, s1  }
0x5: {  	s6 =	rddreg [dreg:$0x0];
	s4 =	simm.s32 $0x1;
	s2 =	sshll.u32 s1, $0x7  }
0x6: {  	s7 =	simm.s32 $0x2;
	s12 =	simm.s32 $0x0;
	s1 =	ssub.s32 $0x1000, s2  }
0x7: {  	s8 =	simm.s32 $0x8000;
	s13 =	simm.s32 $0x0;
	s3 =	sand.u32 $0xF80, s1  }
0x8: {  	s9 =	simm.s32 $0x0;
	s5 =	sshrl.u32 s1, $0xC;
	p0 =	sne.s32 s3, $0x0  }
.Ltmp0:
0x9: {  	s1 =	rddreg [dreg:$0x2];
	s4 =	simm.s32 @!p0 $0x0;
	(pc) =	sbr.rel .LBB1_1-.Ltmp0, $4  }
0xa: {  	s11 =	simm.s32 $0x0;
	s3 =	rddreg [dreg:$0x1];
	s5 =	sadd.s32 s4, s5  }
0xb: {  	_ =	strace $0x8000004D;
	s4 =	simm.s32 $0x1;
	s5 =	smul.u32 $0xC8, s5  }
0xc: {  	s6 =	sadd.s32 $0x1000, s6;
	s10 =	smov.u32 s2;
	[sflag:s4] =	ssyncpa.u1 $0x0  }
0xd: {  	p0 =	por $0x0, $0x0;
	[sflag:s7] =	ssyncpa.u1 $0x0;
	s7 =	sor.u32 $0x1, s5  }
.LBB1_4:
0xe: {  	s16 =	sshll.u32 s13, $0x3;
	s17 =	sand.u32 $0x78, s13  }
0xf: {  	s30 =	sand.u32 $0x7E00, s13;
	s12 =	sshll.u32 s12, $0xF;
	s16 =	sand.u32 $0xC00, s16  }
0x10: {  	[tilespmem:s15+$0x810 ss:$0x81] =	vst.msk $0xffff, v2;
	s31 =	sand.u32 $0x7, s13;
	s16 =	sor.u32 s17, s16;
	s17 =	sadd.s32 s3, s30  }
0x11: {  	[tilespmem:s15+$0x1020 ss:$0x81] =	vst.msk $0xffff, v0;
	s13 =	sshll.u32 s31, $0x12;
	s12 =	sadd.s32 s12, s17;
	s16 =	sshrl.u32 s16, $0x3  }
0x12: {  	[tilespmem:s15+$0x0 ss:$0x81] =	vst.msk $0xffff, v1;
	s13 =	sor.u32 $0x400, s13;
	s12 =	sadd.s32 s16, s12  }
0x13: {  	[hbm4b:s12+s13] =	stream.strided.scatter [tilespmem:s14], [sflag:$0x2], $0x2000, s8, s13, $0x20;
	[tilespmem:$0x8080] =	vst v63  }
.LBB1_5:
0x14: {  	s14 =	sadd.s32 $0x1, s9  }
0x15: {  	s12 =	sadd.s32 $0x1000, s10;
	s16 =	smov.u32 s10;
	p2 =	sgt.s32 s14, $0xC7  }
0x16: {  	s16 =	smov.u32 @p2 s12  }
0x17: {  	s14 =	simm.s32 @p2 $0x0;
	p2 =	sgt.s32 s16, $0xFFF  }
0x18: {  	s16 =	smov.u32 @p2 s2;
	p2 =	sne.s32 s11, s7  }
.Ltmp1:
0x19: {  	p1 =	slt.u32 s11, $0x2;
	(pc) =	sbr.rel @!p2 .LBB1_6-.Ltmp1, $4  }
0x1a: {  	s15 =	simm.s32 @!p1 $0x2  }
0x1b: {  	s13 =	smov.u32 s10;
	p0 =	por !p0, !p0;
	_ =	swait.ge @!p1 [sflag:s15], $0x2000  }
0x1c: {  	s12 =	smov.u32 s9;
	[sflag:s15] =	ssyncset.done @!p1 $0x0;
	s9 =	smov.u32 s14  }
0x1d: {  	s11 =	sadd.s32 $0x1, s11;
	[sflag:s15] =	ssyncadd.s32 @!p1 $0xFFFFE000;
	s10 =	smov.u32 s16  }
.LBB1_1:
0x1e: {  	p1 =	sge.u32 s11, s5  }
0x1f: {  	s14 =	sand.u32 @!p1 $0x1FFFFFF, s9  }
0x20: {  	s15 =	smulhi.u32 @!p1 $0x147AE15, s14;
	_ =	sdelay $0x1  }
0x21: {  	s15 =	smul.u32 @!p1 $0xC8, s15  }
0x22: {  	s16 =	sxor.u32 @!p1 $0xFFFFFFFF, s11;
	s17 =	smul.u32 @!p1 $0xC80, s10  }
0x23: {  	s31 =	sadd.s32 $0xFFFFFFFF, s11;
	s16 =	sshll.u32 @!p1 s16, $0xD;
	s14 =	ssub.s32 @!p1 s14, s15  }
0x24: {  	s15 =	sand.u32 @!p1 $0x2000, s16;
	s16 =	sadd.s32 @!p1 s6, s17;
	s14 =	sshll.u32 @!p1 s14, $0x4  }
0x25: {  	s17 =	simm.s32 @!p1 $0x6400;
	s14 =	sadd.s32 @!p1 s14, s16;
	s16 =	simm.s32 @!p1 $0x40  }
0x26: {  	[tilespmem:s15], [sflag:$0x1] =	stream.strided.gather @!p1 [hbm4b:s14+s16], $0x2000, s17, s16, $0x38;
	[tilespmem:$0x8080] =	vst v63  }
0x27: {  	p1 =	sge.u32 s31, s5  }
.Ltmp2:
0x28: {  	_ = 	snop;
	(pc) =	sbr.rel @p1 .LBB1_5-.Ltmp2, $1  }
0x29: {  	_ =	sdelay $0x3  }
0x2a: {  	s14 =	simm.s32 $0x1  }
0x2b: {  	_ =	swait.ge [sflag:s4], $0x2000;
	s14 =	simm.s32 @!p0 $0x0  }
0x2c: {  	[sflag:s4] =	ssyncset.done $0x0;
	s15 =	sshll.u32 s14, $0xD  }
0x2d: {  	[sflag:s4] =	ssyncadd.s32 $0xFFFFE000;
	s18 =	sor.u32 $0x20, s15  }
0x2e: {  	s14 =	smul.u32 $0x8100, s14;
	v3 =	vld [tilespmem:s18+$0x10]  }
0x2f: {  	s30 =	sand.u32 $0x1, s11;
	v2 =	vld [tilespmem:s18+$0xFFFFFFF0]  }
0x30: {  	s15 =	smul.u32 $0x8100, s30;
	s14 =	sshrl.u32 s14, $0x2;
	v0 =	vld [tilespmem:s18+$0x0]  }
0x31: {  	v1 =	vld [tilespmem:s18+$0xFFFFFFE0];
	s16 =	sor.u32 $0x4000, s14  }
0x32: {  	s31 =	sshrl.u32 s15, $0x2;
	s15 =	sadd.s32 $0x0, s16  }
0x33: {  	s17 =	simm.s32 $0x4;
	s18 =	sadd.s32 $0x40, s18;
	s14 =	sor.u32 $0x4000, s31;
	[tilespmem:s15+$0x1830 ss:$0x81] =	vst.msk $0xffff, v3  }
.LBB1_3:
0x34: {  	v3 =	vld [tilespmem:s18+$0x10];
	p1 =	sne.s32 s17, $0x1FC;
	[tilespmem:s15+$0x810 ss:$0x81] =	vst.msk $0xffff, v2;
	s19 =	smov.u32 s17;
	s17 =	sadd.s32 $0x4, s17  }
.Ltmp3:
0x35: {  	v2 =	vld [tilespmem:s18+$0xFFFFFFF0];
	[tilespmem:s15+$0x1020 ss:$0x81] =	vst.msk $0xffff, v0;
	(pc) =	sbr.rel @p1 .LBB1_3-.Ltmp3, $4  }
0x36: {  	v0 =	vld [tilespmem:s18+$0x0];
	[tilespmem:s15+$0x0 ss:$0x81] =	vst.msk $0xffff, v1  }
0x37: {  	s15 =	sshra.s32 s19, $0x2;
	v1 =	vld [tilespmem:s18+$0xFFFFFFE0]  }
0x38: {  	s15 =	sadd.s32 s15, s16  }
0x39: {  	s18 =	sadd.s32 $0x40, s18;
	[tilespmem:s15+$0x1830 ss:$0x81] =	vst.msk $0xffff, v3  }
.Ltmp4:
0x3a: {  	_ = 	snop;
	(pc) =	sbr.rel .LBB1_4-.Ltmp4, $1  }
0x3b: {  	_ =	sdelay $0x3  }
.LBB1_6:
0x3c: {  	_ =	sfence.sel $0x180000  }
0x3d: {  	s2 =	simm.s32 $0x1;
	[bflag:$0x0] =	sbarrier.arrive $0xFFFF  }
0x3e: {  	s31 =	simm.s32 $0x2;
	[sflag:s2] =	ssyncpa.u1 $0x1  }
0x3f: {  	[sflag:s31] =	ssyncpa.u1 $0x1  }
0x40: {  	p0 =	sne.s32 s0, $0x0;
	_ =	strace $0x9000004D  }
0x41: {  	s0 =	sadd.s32 @!p0 $0x100000, s1;
	[bflag:$0x2] =	sbarrier.arrive $0xFFFF  }
0x42: {  	[sflag:s0] =	ssyncadd.tile.s32 @!p0 $0x1;
	_ =	shalt  }
.Lfunc_end1:
_tile_overlayer_lowered:
.L_overlay_start_2:
0x43: {  	(tag) =	ssettag $0x2  }
0x44: {  	s0 =	rddreg [dreg:$0x0];
	s2 =	stileid.u32  }
0x45: {  	s1 =	rddreg [dreg:$0x1];
	p0 =	sne.s32 s2, $0x0  }
0x46: {  	s3 =	rddreg [dreg:$0x2];
	[bflag:$0x3] =	sbarrier.arrive $0xFFFF;
	s2 =	simm.s32 @!p0 $0x1C01  }
0x47: {  	[timem:s3], [sflag:s2] =	dma.local @!p0 [hbm:s0], s1  }
0x48: {  	s0 =	simm.s32 @!p0 $0x1  }
0x49: {  	_ =	swait.ge @!p0 [sflag:s0], s1  }
0x4a: {  	s1 =	ssub.s32 @!p0 $0x0, s1;
	[sflag:s0] =	ssyncset.done @!p0 $0x0  }
0x4b: {  	[sflag:s0] =	ssyncadd.s32 @!p0 s1  }
0x4c: {  	[bflag:$0x3] =	sbarrier.arrive $0xFFFF  }
0x4d: {  	_ =	shalt  }

</sc_bundles>
